<compile_context>
chip_gen: v7x
topology: tpu7x:2x2x1
jax: 0.10.2.dev20260603
libtpu: 0.0.44.dev20260713+nightly
codegen_flags: <defaults>
</compile_context>

<pallas_src>
import functools
import math

import jax
import jax.numpy as jnp
from jax import lax
from jax.experimental import pallas as pl
from jax.experimental.pallas import tpu as pltpu
from jax.experimental.pallas import tpu_sc as plsc

D_MODEL = 1024
SCALE = math.sqrt(D_MODEL)

NC = 2
NS = 16
NW = NC * NS

LANES = 16
CHUNK = 16
NBUF = 5
AHEAD = 2


def _emb_body(x_hbm, table_hbm, out_hbm, idx_v, b0, b1, b2, b3, b4,
              gs0, gs1, gs2, gs3, gs4, os0, os1, os2, os3, os4):
    n_chunks = x_hbm.shape[1]
    bufs = (b0, b1, b2, b3, b4)
    gsems = (gs0, gs1, gs2, gs3, gs4)
    osems = (os0, os1, os2, os3, os4)

    wid = lax.axis_index("s") * NC + lax.axis_index("c")
    b_per_w = n_chunks * CHUNK
    base_row = wid * b_per_w

    pltpu.sync_copy(x_hbm.at[wid], idx_v)

    for b in range(AHEAD):
        pltpu.async_copy(table_hbm.at[idx_v.at[b]], bufs[b], gsems[b])

    def wait_gather(b):
        pltpu.make_async_copy(
            table_hbm.at[pl.ds(0, CHUNK)], bufs[b], gsems[b]).wait()

    def wait_write(b):
        pltpu.make_async_copy(
            bufs[b], out_hbm.at[pl.ds(0, CHUNK)], osems[b]).wait()

    def scale_chunk(buf):
        def row_body(r, c):
            for j in range(D_MODEL // LANES):
                sl = pl.ds(j * LANES, LANES)
                buf[r, sl] = buf[r, sl] * SCALE
            return c
        lax.fori_loop(0, CHUNK, row_body, 0)

    def slot(g, b):
        nb = (b + AHEAD) % NBUF

        @pl.when(g + AHEAD < n_chunks)
        def _():
            @pl.when(g + AHEAD >= NBUF)
            def _():
                wait_write(nb)
            pltpu.async_copy(
                table_hbm.at[idx_v.at[g + AHEAD]], bufs[nb], gsems[nb])

        @pl.when(g < n_chunks)
        def _():
            wait_gather(b)
            scale_chunk(bufs[b])
            pltpu.async_copy(
                bufs[b], out_hbm.at[pl.ds(base_row + g * CHUNK, CHUNK)],
                osems[b])

    def ring_body(i, carry):
        g0 = i * NBUF
        for k in range(NBUF):
            slot(g0 + k, k)
        return carry

    lax.fori_loop(0, (n_chunks + NBUF - 1) // NBUF, ring_body, 0)

    for g in range(n_chunks - NBUF, n_chunks):
        wait_write(g % NBUF)


def _build(batch_seq):
    n_chunks = batch_seq // (NW * CHUNK)
    mesh = plsc.VectorSubcoreMesh(core_axis_name="c", subcore_axis_name="s")
    buf = pltpu.VMEM((CHUNK, D_MODEL), jnp.float32)
    sem = pltpu.SemaphoreType.DMA
    return functools.partial(
        pl.kernel,
        out_type=jax.ShapeDtypeStruct((batch_seq, D_MODEL), jnp.float32),
        mesh=mesh,
        scratch_types=[
            pltpu.VMEM((n_chunks, CHUNK), jnp.int32),
            buf, buf, buf, buf, buf,
            sem, sem, sem, sem, sem,
            sem, sem, sem, sem, sem,
        ],
    )(_emb_body)


@jax.jit
def kernel(x, table):
    b, s = x.shape
    batch_seq = b * s
    xw = x.reshape(NW, batch_seq // (NW * CHUNK), CHUNK).astype(jnp.int32)
    out = _build(batch_seq)(xw, table)
    return out.reshape(b, s, D_MODEL)

# --- scband reference (transcript-rebuilt; emitter-appended) ---
"""Pipeline reference for scband-input-embeddings-48713519071463 (READ-ONLY COPY).

The authoritative reference and input builder live on the scoring server;
editing this copy changes nothing except your own understanding.
"""

import jax, jax.numpy as jnp
import numpy as np
import math

D_MODEL = 1024
VOCAB = 100000
BATCH = 4
SEQ = 8192

def setup_inputs(seed: int = 0) -> dict:
    key = jax.random.key(seed)
    k1, k2 = jax.random.split(key)
    x = jax.random.randint(k1, (BATCH, SEQ), 0, VOCAB, dtype=jnp.int64 if jax.config.jax_enable_x64 else jnp.int32)
    table = jax.random.normal(k2, (VOCAB, D_MODEL), dtype=jnp.float32) * 0.02
    return {"x": x, "table": table}

def reference(x, table):
    # InputEmbeddings forward (intended behavior): embedding lookup scaled by sqrt(d_model)
    emb = jnp.take(table, x, axis=0)  # [B, S, d_model]
    return emb * math.sqrt(D_MODEL)

if __name__ == "__main__":
    import jax
    _d = setup_inputs()
    print(jax.jit(kernel)(*tuple(_d.values())))

</pallas_src>

<mosaic_0001>
#map = affine_map<(d0, d1) -> (0, 0, 0)>
#map1 = affine_map<(d0, d1) -> (0, 0)>
module attributes {stable_mosaic.version = 14 : i64} {
  func.func @_emb_body(%arg0: i32, %arg1: i32, %arg2: memref<32x64x16xi32, #tpu.memory_space<hbm>>, %arg3: memref<100000x1024xf32, #tpu.memory_space<hbm>>, %arg4: memref<32768x1024xf32, #tpu.memory_space<hbm>>, %arg5: memref<64x16xi32, #tpu.memory_space<vmem>>, %arg6: memref<16x1024xf32, #tpu.memory_space<vmem>>, %arg7: memref<16x1024xf32, #tpu.memory_space<vmem>>, %arg8: memref<16x1024xf32, #tpu.memory_space<vmem>>, %arg9: memref<16x1024xf32, #tpu.memory_space<vmem>>, %arg10: memref<16x1024xf32, #tpu.memory_space<vmem>>, %arg11: memref<!tpu.dma_semaphore, #tpu.memory_space<semaphore_mem>>, %arg12: memref<!tpu.dma_semaphore, #tpu.memory_space<semaphore_mem>>, %arg13: memref<!tpu.dma_semaphore, #tpu.memory_space<semaphore_mem>>, %arg14: memref<!tpu.dma_semaphore, #tpu.memory_space<semaphore_mem>>, %arg15: memref<!tpu.dma_semaphore, #tpu.memory_space<semaphore_mem>>, %arg16: memref<!tpu.dma_semaphore, #tpu.memory_space<semaphore_mem>>, %arg17: memref<!tpu.dma_semaphore, #tpu.memory_space<semaphore_mem>>, %arg18: memref<!tpu.dma_semaphore, #tpu.memory_space<semaphore_mem>>, %arg19: memref<!tpu.dma_semaphore, #tpu.memory_space<semaphore_mem>>, %arg20: memref<!tpu.dma_semaphore, #tpu.memory_space<semaphore_mem>>) attributes {dimension_semantics = [#tpu.dimension_semantics<core_parallel>, #tpu.dimension_semantics<subcore_parallel>], iteration_bounds = array<i64: 2, 16>, scalar_prefetch = 0 : i64, scratch_operands = 16 : i64, tpu.core_type = #tpu.core_type<sc_vector_subcore>, window_params = [{transform_indices = #map}, {transform_indices = #map1}, {transform_indices = #map1}]} {
    %mul3A = arith.constant 2 : i32
    %mul3A_0 = arith.muli %arg1, %mul3A : i32
    %add3A = arith.addi %mul3A_0, %arg0 : i32
    %mul3A_1 = arith.constant 1024 : i32
    %mul3A_2 = arith.muli %add3A, %mul3A_1 : i32
    "tpu.region"() ({
      %run_scoped3A = tpu.sem_alloc : memref<!tpu.dma_semaphore, #tpu.memory_space<semaphore_mem>>
      %dma_start3A_50 = arith.constant 0 : i32
      %dma_start3A_51 = arith.constant 0 : i32
      %dma_start3A_52 = tpu.memref_slice %arg2[%add3A, %dma_start3A_50, %dma_start3A_51] : memref<32x64x16xi32, #tpu.memory_space<hbm>> -> memref<1x64x16xi32, #tpu.memory_space<hbm>>
      %dma_start3A_53 = tpu.memref_squeeze %dma_start3A_52 : memref<1x64x16xi32, #tpu.memory_space<hbm>> -> memref<64x16xi32, #tpu.memory_space<hbm>>
      %dma_start3A_54 = arith.constant 0 : i32
      %dma_start3A_55 = arith.constant 0 : i32
      %dma_start3A_56 = tpu.memref_slice %arg2[%add3A, %dma_start3A_54, %dma_start3A_55] : memref<32x64x16xi32, #tpu.memory_space<hbm>> -> memref<1x64x16xi32, #tpu.memory_space<hbm>>
      %dma_start3A_57 = tpu.memref_squeeze %dma_start3A_56 : memref<1x64x16xi32, #tpu.memory_space<hbm>> -> memref<64x16xi32, #tpu.memory_space<hbm>>
      tpu.enqueue_dma source(%dma_start3A_57 : memref<64x16xi32, #tpu.memory_space<hbm>>) target(%arg5 : memref<64x16xi32, #tpu.memory_space<vmem>>) target_semaphore(%run_scoped3A : memref<!tpu.dma_semaphore, #tpu.memory_space<semaphore_mem>>)
      %dma_wait3A_58 = arith.constant 0 : i32
      %dma_wait3A_59 = arith.constant 0 : i32
      %dma_wait3A_60 = tpu.memref_slice %arg2[%add3A, %dma_wait3A_58, %dma_wait3A_59] : memref<32x64x16xi32, #tpu.memory_space<hbm>> -> memref<1x64x16xi32, #tpu.memory_space<hbm>>
      %dma_wait3A_61 = tpu.memref_squeeze %dma_wait3A_60 : memref<1x64x16xi32, #tpu.memory_space<hbm>> -> memref<64x16xi32, #tpu.memory_space<hbm>>
      %dma_wait3A_62 = arith.constant 0 : i32
      %dma_wait3A_63 = arith.constant 0 : i32
      %dma_wait3A_64 = tpu.memref_slice %arg2[%add3A, %dma_wait3A_62, %dma_wait3A_63] : memref<32x64x16xi32, #tpu.memory_space<hbm>> -> memref<1x64x16xi32, #tpu.memory_space<hbm>>
      %dma_wait3A_65 = tpu.memref_squeeze %dma_wait3A_64 : memref<1x64x16xi32, #tpu.memory_space<hbm>> -> memref<64x16xi32, #tpu.memory_space<hbm>>
      tpu.wait_dma2 semaphore(%run_scoped3A : memref<!tpu.dma_semaphore, #tpu.memory_space<semaphore_mem>>) src(%dma_wait3A_65 : memref<64x16xi32, #tpu.memory_space<hbm>>) dst(%arg5 : memref<64x16xi32, #tpu.memory_space<vmem>>)
      tpu.yield
    }) : () -> ()
    %dma_start3A = arith.constant 0 : i32
    %dma_start3A_3 = arith.constant 0 : i32
    %dma_start3A_4 = tpu.memref_slice %arg5[%dma_start3A, %dma_start3A_3] : memref<64x16xi32, #tpu.memory_space<vmem>> -> memref<1x16xi32, #tpu.memory_space<vmem>>
    %dma_start3A_5 = tpu.memref_squeeze %dma_start3A_4 : memref<1x16xi32, #tpu.memory_space<vmem>> -> memref<16xi32, #tpu.memory_space<vmem>>
    %dma_start3A_6 = arith.constant 0 : i32
    %dma_start3A_7 = arith.constant 0 : i32
    %dma_start3A_8 = tpu.memref_slice %arg3[%dma_start3A_6, %dma_start3A_7] : memref<100000x1024xf32, #tpu.memory_space<hbm>> -> memref<100000x1024xf32, #tpu.memory_space<hbm>>
    tpu.enqueue_indirect_dma source(%dma_start3A_8 : memref<100000x1024xf32, #tpu.memory_space<hbm>>) target(%arg6 : memref<16x1024xf32, #tpu.memory_space<vmem>>) offsets(%dma_start3A_5 : memref<16xi32, #tpu.memory_space<vmem>>) semaphore(%arg11 : memref<!tpu.dma_semaphore, #tpu.memory_space<semaphore_mem>>)
    %dma_start3A_9 = arith.constant 1 : i32
    %dma_start3A_10 = arith.constant 0 : i32
    %dma_start3A_11 = tpu.memref_slice %arg5[%dma_start3A_9, %dma_start3A_10] : memref<64x16xi32, #tpu.memory_space<vmem>> -> memref<1x16xi32, #tpu.memory_space<vmem>>
    %dma_start3A_12 = tpu.memref_squeeze %dma_start3A_11 : memref<1x16xi32, #tpu.memory_space<vmem>> -> memref<16xi32, #tpu.memory_space<vmem>>
    %dma_start3A_13 = arith.constant 0 : i32
    %dma_start3A_14 = arith.constant 0 : i32
    %dma_start3A_15 = tpu.memref_slice %arg3[%dma_start3A_13, %dma_start3A_14] : memref<100000x1024xf32, #tpu.memory_space<hbm>> -> memref<100000x1024xf32, #tpu.memory_space<hbm>>
    tpu.enqueue_indirect_dma source(%dma_start3A_15 : memref<100000x1024xf32, #tpu.memory_space<hbm>>) target(%arg7 : memref<16x1024xf32, #tpu.memory_space<vmem>>) offsets(%dma_start3A_12 : memref<16xi32, #tpu.memory_space<vmem>>) semaphore(%arg12 : memref<!tpu.dma_semaphore, #tpu.memory_space<semaphore_mem>>)
    %scan3A = arith.constant 0 : i32
    %scan3A_16 = arith.constant 0 : i32
    %scan3A_17 = arith.constant 13 : i32
    %scan3A_18 = arith.addi %scan3A_16, %scan3A_17 : i32
    %scan3A_19 = arith.constant 1 : i32
    scf.for %scan3A_50 = %scan3A_16 to %scan3A_18 step %scan3A_19  : i32 {
      %mul3A_51 = arith.constant 5 : i32
      %mul3A_52 = arith.muli %scan3A_50, %mul3A_51 : i32
      %add3A_53 = arith.constant 0 : i32
      %add3A_54 = arith.addi %mul3A_52, %add3A_53 : i32
      %add3A_55 = arith.constant 2 : i32
      %add3A_56 = arith.addi %add3A_54, %add3A_55 : i32
      %lt3A = arith.constant 64 : i32
      %lt3A_57 = arith.cmpi slt, %add3A_56, %lt3A : i32
      %convert_element_type3A = arith.extui %lt3A_57 : i1 to i32
      %cond3A = arith.constant 0 : i32
      %cond3A_58 = arith.cmpi ne, %convert_element_type3A, %cond3A : i32
      scf.if %cond3A_58 {
        %add3A_120 = arith.constant 2 : i32
        %add3A_121 = arith.addi %add3A_54, %add3A_120 : i32
        %ge3A = arith.constant 5 : i32
        %ge3A_122 = arith.cmpi sge, %add3A_121, %ge3A : i32
        %convert_element_type3A_123 = arith.extui %ge3A_122 : i1 to i32
        %cond3A_124 = arith.constant 0 : i32
        %cond3A_125 = arith.cmpi ne, %convert_element_type3A_123, %cond3A_124 : i32
        scf.if %cond3A_125 {
          %dma_wait3A_134 = arith.constant 0 : i32
          %dma_wait3A_135 = arith.constant 0 : i32
          %dma_wait3A_136 = tpu.memref_slice %arg4[%dma_wait3A_134, %dma_wait3A_135] : memref<32768x1024xf32, #tpu.memory_space<hbm>> -> memref<16x1024xf32, #tpu.memory_space<hbm>>
          %dma_wait3A_137 = arith.constant 0 : i32
          %dma_wait3A_138 = arith.constant 0 : i32
          %dma_wait3A_139 = tpu.memref_slice %arg4[%dma_wait3A_137, %dma_wait3A_138] : memref<32768x1024xf32, #tpu.memory_space<hbm>> -> memref<16x1024xf32, #tpu.memory_space<hbm>>
          tpu.wait_dma2 semaphore(%arg18 : memref<!tpu.dma_semaphore, #tpu.memory_space<semaphore_mem>>) src(%arg8 : memref<16x1024xf32, #tpu.memory_space<vmem>>) dst(%dma_wait3A_139 : memref<16x1024xf32, #tpu.memory_space<hbm>>)
        } else {
        }
        %add3A_126 = arith.constant 2 : i32
        %add3A_127 = arith.addi %add3A_54, %add3A_126 : i32
        %dma_start3A_128 = arith.constant 0 : i32
        %dma_start3A_129 = tpu.memref_slice %arg5[%add3A_127, %dma_start3A_128] : memref<64x16xi32, #tpu.memory_space<vmem>> -> memref<1x16xi32, #tpu.memory_space<vmem>>
        %dma_start3A_130 = tpu.memref_squeeze %dma_start3A_129 : memref<1x16xi32, #tpu.memory_space<vmem>> -> memref<16xi32, #tpu.memory_space<vmem>>
        %dma_start3A_131 = arith.constant 0 : i32
        %dma_start3A_132 = arith.constant 0 : i32
        %dma_start3A_133 = tpu.memref_slice %arg3[%dma_start3A_131, %dma_start3A_132] : memref<100000x1024xf32, #tpu.memory_space<hbm>> -> memref<100000x1024xf32, #tpu.memory_space<hbm>>
        tpu.enqueue_indirect_dma source(%dma_start3A_133 : memref<100000x1024xf32, #tpu.memory_space<hbm>>) target(%arg8 : memref<16x1024xf32, #tpu.memory_space<vmem>>) offsets(%dma_start3A_130 : memref<16xi32, #tpu.memory_space<vmem>>) semaphore(%arg13 : memref<!tpu.dma_semaphore, #tpu.memory_space<semaphore_mem>>)
      } else {
      }
      %lt3A_59 = arith.constant 64 : i32
      %lt3A_60 = arith.cmpi slt, %add3A_54, %lt3A_59 : i32
      %convert_element_type3A_61 = arith.extui %lt3A_60 : i1 to i32
      %cond3A_62 = arith.constant 0 : i32
      %cond3A_63 = arith.cmpi ne, %convert_element_type3A_61, %cond3A_62 : i32
      scf.if %cond3A_63 {
        %dma_wait3A_120 = arith.constant 0 : i32
        %dma_wait3A_121 = arith.constant 0 : i32
        %dma_wait3A_122 = tpu.memref_slice %arg3[%dma_wait3A_120, %dma_wait3A_121] : memref<100000x1024xf32, #tpu.memory_space<hbm>> -> memref<16x1024xf32, #tpu.memory_space<hbm>>
        %dma_wait3A_123 = arith.constant 0 : i32
        %dma_wait3A_124 = arith.constant 0 : i32
        %dma_wait3A_125 = tpu.memref_slice %arg3[%dma_wait3A_123, %dma_wait3A_124] : memref<100000x1024xf32, #tpu.memory_space<hbm>> -> memref<16x1024xf32, #tpu.memory_space<hbm>>
        tpu.wait_dma2 semaphore(%arg11 : memref<!tpu.dma_semaphore, #tpu.memory_space<semaphore_mem>>) src(%dma_wait3A_125 : memref<16x1024xf32, #tpu.memory_space<hbm>>) dst(%arg6 : memref<16x1024xf32, #tpu.memory_space<vmem>>)
        %scan3A_126 = arith.constant 0 : i32
        %scan3A_127 = arith.constant 0 : i32
        %scan3A_128 = arith.constant 16 : i32
        %scan3A_129 = arith.addi %scan3A_127, %scan3A_128 : i32
        %scan3A_130 = arith.constant 1 : i32
        scf.for %scan3A_139 = %scan3A_127 to %scan3A_129 step %scan3A_130  : i32 {
          %get3A = arith.index_cast %scan3A_139 : i32 to index
          %get3A_140 = arith.constant 0 : index
          %get3A_141 = tpu.vector_load %arg6[%get3A, %get3A_140] {strides = array<i32>} : memref<16x1024xf32, #tpu.memory_space<vmem>>, vector<1x16xf32>,
          %get3A_142 = vector.shape_cast %get3A_141 : vector<1x16xf32> to vector<16xf32>
          %mul3A_143 = arith.constant 3.200000e+01 : f32
          %mul3A_144 = vector.broadcast %mul3A_143 : f32 to vector<16xf32>
          %mul3A_145 = arith.mulf %get3A_142, %mul3A_144 : vector<16xf32>
          %swap3A = arith.index_cast %scan3A_139 : i32 to index
          %swap3A_146 = arith.constant 0 : index
          %swap3A_147 = tpu.vector_load %arg6[%swap3A, %swap3A_146] {strides = array<i32>} : memref<16x1024xf32, #tpu.memory_space<vmem>>, vector<1x16xf32>,
          %swap3A_148 = vector.shape_cast %swap3A_147 : vector<1x16xf32> to vector<16xf32>
          %swap3A_149 = vector.shape_cast %mul3A_145 : vector<16xf32> to vector<1x16xf32>
          tpu.vector_store %arg6[%swap3A, %swap3A_146], %swap3A_149 {strides = array<i32>} : memref<16x1024xf32, #tpu.memory_space<vmem>>, vector<1x16xf32>,
          %get3A_150 = arith.index_cast %scan3A_139 : i32 to index
          %get3A_151 = arith.constant 16 : index
          %get3A_152 = tpu.vector_load %arg6[%get3A_150, %get3A_151] {strides = array<i32>} : memref<16x1024xf32, #tpu.memory_space<vmem>>, vector<1x16xf32>,
          %get3A_153 = vector.shape_cast %get3A_152 : vector<1x16xf32> to vector<16xf32>
          %mul3A_154 = arith.constant 3.200000e+01 : f32
          %mul3A_155 = vector.broadcast %mul3A_154 : f32 to vector<16xf32>
          %mul3A_156 = arith.mulf %get3A_153, %mul3A_155 : vector<16xf32>
          %swap3A_157 = arith.index_cast %scan3A_139 : i32 to index
          %swap3A_158 = arith.constant 16 : index
          %swap3A_159 = tpu.vector_load %arg6[%swap3A_157, %swap3A_158] {strides = array<i32>} : memref<16x1024xf32, #tpu.memory_space<vmem>>, vector<1x16xf32>,
          %swap3A_160 = vector.shape_cast %swap3A_159 : vector<1x16xf32> to vector<16xf32>
          %swap3A_161 = vector.shape_cast %mul3A_156 : vector<16xf32> to vector<1x16xf32>
          tpu.vector_store %arg6[%swap3A_157, %swap3A_158], %swap3A_161 {strides = array<i32>} : memref<16x1024xf32, #tpu.memory_space<vmem>>, vector<1x16xf32>,
          %get3A_162 = arith.index_cast %scan3A_139 : i32 to index
          %get3A_163 = arith.constant 32 : index
          %get3A_164 = tpu.vector_load %arg6[%get3A_162, %get3A_163] {strides = array<i32>} : memref<16x1024xf32, #tpu.memory_space<vmem>>, vector<1x16xf32>,
          %get3A_165 = vector.shape_cast %get3A_164 : vector<1x16xf32> to vector<16xf32>
          %mul3A_166 = arith.constant 3.200000e+01 : f32
          %mul3A_167 = vector.broadcast %mul3A_166 : f32 to vector<16xf32>
          %mul3A_168 = arith.mulf %get3A_165, %mul3A_167 : vector<16xf32>
          %swap3A_169 = arith.index_cast %scan3A_139 : i32 to index
          %swap3A_170 = arith.constant 32 : index
          %swap3A_171 = tpu.vector_load %arg6[%swap3A_169, %swap3A_170] {strides = array<i32>} : memref<16x1024xf32, #tpu.memory_space<vmem>>, vector<1x16xf32>,
          %swap3A_172 = vector.shape_cast %swap3A_171 : vector<1x16xf32> to vector<16xf32>
          %swap3A_173 = vector.shape_cast %mul3A_168 : vector<16xf32> to vector<1x16xf32>
          tpu.vector_store %arg6[%swap3A_169, %swap3A_170], %swap3A_173 {strides = array<i32>} : memref<16x1024xf32, #tpu.memory_space<vmem>>, vector<1x16xf32>,
          %get3A_174 = arith.index_cast %scan3A_139 : i32 to index
          %get3A_175 = arith.constant 48 : index
          %get3A_176 = tpu.vector_load %arg6[%get3A_174, %get3A_175] {strides = array<i32>} : memref<16x1024xf32, #tpu.memory_space<vmem>>, vector<1x16xf32>,
          %get3A_177 = vector.shape_cast %get3A_176 : vector<1x16xf32> to vector<16xf32>
          %mul3A_178 = arith.constant 3.200000e+01 : f32
          %mul3A_179 = vector.broadcast %mul3A_178 : f32 to vector<16xf32>
          %mul3A_180 = arith.mulf %get3A_177, %mul3A_179 : vector<16xf32>
          %swap3A_181 = arith.index_cast %scan3A_139 : i32 to index
          %swap3A_182 = arith.constant 48 : index
          %swap3A_183 = tpu.vector_load %arg6[%swap3A_181, %swap3A_182] {strides = array<i32>} : memref<16x1024xf32, #tpu.memory_space<vmem>>, vector<1x16xf32>,
          %swap3A_184 = vector.shape_cast %swap3A_183 : vector<1x16xf32> to vector<16xf32>
          %swap3A_185 = vector.shape_cast %mul3A_180 : vector<16xf32> to vector<1x16xf32>
          tpu.vector_store %arg6[%swap3A_181, %swap3A_182], %swap3A_185 {strides = array<i32>} : memref<16x1024xf32, #tpu.memory_space<vmem>>, vector<1x16xf32>,
          %get3A_186 = arith.index_cast %scan3A_139 : i32 to index
          %get3A_187 = arith.constant 64 : index
          %get3A_188 = tpu.vector_load %arg6[%get3A_186, %get3A_187] {strides = array<i32>} : memref<16x1024xf32, #tpu.memory_space<vmem>>, vector<1x16xf32>,
          %get3A_189 = vector.shape_cast %get3A_188 : vector<1x16xf32> to vector<16xf32>
          %mul3A_190 = arith.constant 3.200000e+01 : f32
          %mul3A_191 = vector.broadcast %mul3A_190 : f32 to vector<16xf32>
          %mul3A_192 = arith.mulf %get3A_189, %mul3A_191 : vector<16xf32>
          %swap3A_193 = arith.index_cast %scan3A_139 : i32 to index
          %swap3A_194 = arith.constant 64 : index
          %swap3A_195 = tpu.vector_load %arg6[%swap3A_193, %swap3A_194] {strides = array<i32>} : memref<16x1024xf32, #tpu.memory_space<vmem>>, vector<1x16xf32>,
          %swap3A_196 = vector.shape_cast %swap3A_195 : vector<1x16xf32> to vector<16xf32>
          %swap3A_197 = vector.shape_cast %mul3A_192 : vector<16xf32> to vector<1x16xf32>
          tpu.vector_store %arg6[%swap3A_193, %swap3A_194], %swap3A_197 {strides = array<i32>} : memref<16x1024xf32, #tpu.memory_space<vmem>>, vector<1x16xf32>,
          %get3A_198 = arith.index_cast %scan3A_139 : i32 to index
          %get3A_199 = arith.constant 80 : index
          %get3A_200 = tpu.vector_load %arg6[%get3A_198, %get3A_199] {strides = array<i32>} : memref<16x1024xf32, #tpu.memory_space<vmem>>, vector<1x16xf32>,
          %get3A_201 = vector.shape_cast %get3A_200 : vector<1x16xf32> to vector<16xf32>
          %mul3A_202 = arith.constant 3.200000e+01 : f32
          %mul3A_203 = vector.broadcast %mul3A_202 : f32 to vector<16xf32>
          %mul3A_204 = arith.mulf %get3A_201, %mul3A_203 : vector<16xf32>
          %swap3A_205 = arith.index_cast %scan3A_139 : i32 to index
          %swap3A_206 = arith.constant 80 : index
          %swap3A_207 = tpu.vector_load %arg6[%swap3A_205, %swap3A_206] {strides = array<i32>} : memref<16x1024xf32, #tpu.memory_space<vmem>>, vector<1x16xf32>,
          %swap3A_208 = vector.shape_cast %swap3A_207 : vector<1x16xf32> to vector<16xf32>
          %swap3A_209 = vector.shape_cast %mul3A_204 : vector<16xf32> to vector<1x16xf32>
          tpu.vector_store %arg6[%swap3A_205, %swap3A_206], %swap3A_209 {strides = array<i32>} : memref<16x1024xf32, #tpu.memory_space<vmem>>, vector<1x16xf32>,
          %get3A_210 = arith.index_cast %scan3A_139 : i32 to index
          %get3A_211 = arith.constant 96 : index
          %get3A_212 = tpu.vector_load %arg6[%get3A_210, %get3A_211] {strides = array<i32>} : memref<16x1024xf32, #tpu.memory_space<vmem>>, vector<1x16xf32>,
          %get3A_213 = vector.shape_cast %get3A_212 : vector<1x16xf32> to vector<16xf32>
          %mul3A_214 = arith.constant 3.200000e+01 : f32
          %mul3A_215 = vector.broadcast %mul3A_214 : f32 to vector<16xf32>
          %mul3A_216 = arith.mulf %get3A_213, %mul3A_215 : vector<16xf32>
          %swap3A_217 = arith.index_cast %scan3A_139 : i32 to index
          %swap3A_218 = arith.constant 96 : index
          %swap3A_219 = tpu.vector_load %arg6[%swap3A_217, %swap3A_218] {strides = array<i32>} : memref<16x1024xf32, #tpu.memory_space<vmem>>, vector<1x16xf32>,
          %swap3A_220 = vector.shape_cast %swap3A_219 : vector<1x16xf32> to vector<16xf32>
          %swap3A_221 = vector.shape_cast %mul3A_216 : vector<16xf32> to vector<1x16xf32>
          tpu.vector_store %arg6[%swap3A_217, %swap3A_218], %swap3A_221 {strides = array<i32>} : memref<16x1024xf32, #tpu.memory_space<vmem>>, vector<1x16xf32>,
          %get3A_222 = arith.index_cast %scan3A_139 : i32 to index
          %get3A_223 = arith.constant 112 : index
          %get3A_224 = tpu.vector_load %arg6[%get3A_222, %get3A_223] {strides = array<i32>} : memref<16x1024xf32, #tpu.memory_space<vmem>>, vector<1x16xf32>,
          %get3A_225 = vector.shape_cast %get3A_224 : vector<1x16xf32> to vector<16xf32>
          %mul3A_226 = arith.constant 3.200000e+01 : f32
          %mul3A_227 = vector.broadcast %mul3A_226 : f32 to vector<16xf32>
          %mul3A_228 = arith.mulf %get3A_225, %mul3A_227 : vector<16xf32>
          %swap3A_229 = arith.index_cast %scan3A_139 : i32 to index
          %swap3A_230 = arith.constant 112 : index
          %swap3A_231 = tpu.vector_load %arg6[%swap3A_229, %swap3A_230] {strides = array<i32>} : memref<16x1024xf32, #tpu.memory_space<vmem>>, vector<1x16xf32>,
          %swap3A_232 = vector.shape_cast %swap3A_231 : vector<1x16xf32> to vector<16xf32>
          %swap3A_233 = vector.shape_cast %mul3A_228 : vector<16xf32> to vector<1x16xf32>
          tpu.vector_store %arg6[%swap3A_229, %swap3A_230], %swap3A_233 {strides = array<i32>} : memref<16x1024xf32, #tpu.memory_space<vmem>>, vector<1x16xf32>,
          %get3A_234 = arith.index_cast %scan3A_139 : i32 to index
          %get3A_235 = arith.constant 128 : index
          %get3A_236 = tpu.vector_load %arg6[%get3A_234, %get3A_235] {strides = array<i32>} : memref<16x1024xf32, #tpu.memory_space<vmem>>, vector<1x16xf32>,
          %get3A_237 = vector.shape_cast %get3A_236 : vector<1x16xf32> to vector<16xf32>
          %mul3A_238 = arith.constant 3.200000e+01 : f32
          %mul3A_239 = vector.broadcast %mul3A_238 : f32 to vector<16xf32>
          %mul3A_240 = arith.mulf %get3A_237, %mul3A_239 : vector<16xf32>
          %swap3A_241 = arith.index_cast %scan3A_139 : i32 to index
          %swap3A_242 = arith.constant 128 : index
          %swap3A_243 = tpu.vector_load %arg6[%swap3A_241, %swap3A_242] {strides = array<i32>} : memref<16x1024xf32, #tpu.memory_space<vmem>>, vector<1x16xf32>,
          %swap3A_244 = vector.shape_cast %swap3A_243 : vector<1x16xf32> to vector<16xf32>
          %swap3A_245 = vector.shape_cast %mul3A_240 : vector<16xf32> to vector<1x16xf32>
          tpu.vector_store %arg6[%swap3A_241, %swap3A_242], %swap3A_245 {strides = array<i32>} : memref<16x1024xf32, #tpu.memory_space<vmem>>, vector<1x16xf32>,
          %get3A_246 = arith.index_cast %scan3A_139 : i32 to index
          %get3A_247 = arith.constant 144 : index
          %get3A_248 = tpu.vector_load %arg6[%get3A_246, %get3A_247] {strides = array<i32>} : memref<16x1024xf32, #tpu.memory_space<vmem>>, vector<1x16xf32>,
          %get3A_249 = vector.shape_cast %get3A_248 : vector<1x16xf32> to vector<16xf32>
          %mul3A_250 = arith.constant 3.200000e+01 : f32
          %mul3A_251 = vector.broadcast %mul3A_250 : f32 to vector<16xf32>
          %mul3A_252 = arith.mulf %get3A_249, %mul3A_251 : vector<16xf32>
          %swap3A_253 = arith.index_cast %scan3A_139 : i32 to index
          %swap3A_254 = arith.constant 144 : index
          %swap3A_255 = tpu.vector_load %arg6[%swap3A_253, %swap3A_254] {strides = array<i32>} : memref<16x1024xf32, #tpu.memory_space<vmem>>, vector<1x16xf32>,
          %swap3A_256 = vector.shape_cast %swap3A_255 : vector<1x16xf32> to vector<16xf32>
          %swap3A_257 = vector.shape_cast %mul3A_252 : vector<16xf32> to vector<1x16xf32>
          tpu.vector_store %arg6[%swap3A_253, %swap3A_254], %swap3A_257 {strides = array<i32>} : memref<16x1024xf32, #tpu.memory_space<vmem>>, vector<1x16xf32>,
          %get3A_258 = arith.index_cast %scan3A_139 : i32 to index
          %get3A_259 = arith.constant 160 : index
          %get3A_260 = tpu.vector_load %arg6[%get3A_258, %get3A_259] {strides = array<i32>} : memref<16x1024xf32, #tpu.memory_space<vmem>>, vector<1x16xf32>,
          %get3A_261 = vector.shape_cast %get3A_260 : vector<1x16xf32> to vector<16xf32>
          %mul3A_262 = arith.constant 3.200000e+01 : f32
          %mul3A_263 = vector.broadcast %mul3A_262 : f32 to vector<16xf32>
          %mul3A_264 = arith.mulf %get3A_261, %mul3A_263 : vector<16xf32>
          %swap3A_265 = arith.index_cast %scan3A_139 : i32 to index
          %swap3A_266 = arith.constant 160 : index
          %swap3A_267 = tpu.vector_load %arg6[%swap3A_265, %swap3A_266] {strides = array<i32>} : memref<16x1024xf32, #tpu.memory_space<vmem>>, vector<1x16xf32>,
          %swap3A_268 = vector.shape_cast %swap3A_267 : vector<1x16xf32> to vector<16xf32>
          %swap3A_269 = vector.shape_cast %mul3A_264 : vector<16xf32> to vector<1x16xf32>
          tpu.vector_store %arg6[%swap3A_265, %swap3A_266], %swap3A_269 {strides = array<i32>} : memref<16x1024xf32, #tpu.memory_space<vmem>>, vector<1x16xf32>,
          %get3A_270 = arith.index_cast %scan3A_139 : i32 to index
          %get3A_271 = arith.constant 176 : index
          %get3A_272 = tpu.vector_load %arg6[%get3A_270, %get3A_271] {strides = array<i32>} : memref<16x1024xf32, #tpu.memory_space<vmem>>, vector<1x16xf32>,
          %get3A_273 = vector.shape_cast %get3A_272 : vector<1x16xf32> to vector<16xf32>
          %mul3A_274 = arith.constant 3.200000e+01 : f32
          %mul3A_275 = vector.broadcast %mul3A_274 : f32 to vector<16xf32>
          %mul3A_276 = arith.mulf %get3A_273, %mul3A_275 : vector<16xf32>
          %swap3A_277 = arith.index_cast %scan3A_139 : i32 to index
          %swap3A_278 = arith.constant 176 : index
          %swap3A_279 = tpu.vector_load %arg6[%swap3A_277, %swap3A_278] {strides = array<i32>} : memref<16x1024xf32, #tpu.memory_space<vmem>>, vector<1x16xf32>,
          %swap3A_280 = vector.shape_cast %swap3A_279 : vector<1x16xf32> to vector<16xf32>
          %swap3A_281 = vector.shape_cast %mul3A_276 : vector<16xf32> to vector<1x16xf32>
          tpu.vector_store %arg6[%swap3A_277, %swap3A_278], %swap3A_281 {strides = array<i32>} : memref<16x1024xf32, #tpu.memory_space<vmem>>, vector<1x16xf32>,
          %get3A_282 = arith.index_cast %scan3A_139 : i32 to index
          %get3A_283 = arith.constant 192 : index
          %get3A_284 = tpu.vector_load %arg6[%get3A_282, %get3A_283] {strides = array<i32>} : memref<16x1024xf32, #tpu.memory_space<vmem>>, vector<1x16xf32>,
          %get3A_285 = vector.shape_cast %get3A_284 : vector<1x16xf32> to vector<16xf32>
          %mul3A_286 = arith.constant 3.200000e+01 : f32
          %mul3A_287 = vector.broadcast %mul3A_286 : f32 to vector<16xf32>
          %mul3A_288 = arith.mulf %get3A_285, %mul3A_287 : vector<16xf32>
          %swap3A_289 = arith.index_cast %scan3A_139 : i32 to index
          %swap3A_290 = arith.constant 192 : index
          %swap3A_291 = tpu.vector_load %arg6[%swap3A_289, %swap3A_290] {strides = array<i32>} : memref<16x1024xf32, #tpu.memory_space<vmem>>, vector<1x16xf32>,
          %swap3A_292 = vector.shape_cast %swap3A_291 : vector<1x16xf32> to vector<16xf32>
          %swap3A_293 = vector.shape_cast %mul3A_288 : vector<16xf32> to vector<1x16xf32>
          tpu.vector_store %arg6[%swap3A_289, %swap3A_290], %swap3A_293 {strides = array<i32>} : memref<16x1024xf32, #tpu.memory_space<vmem>>, vector<1x16xf32>,
          %get3A_294 = arith.index_cast %scan3A_139 : i32 to index
          %get3A_295 = arith.constant 208 : index
          %get3A_296 = tpu.vector_load %arg6[%get3A_294, %get3A_295] {strides = array<i32>} : memref<16x1024xf32, #tpu.memory_space<vmem>>, vector<1x16xf32>,
          %get3A_297 = vector.shape_cast %get3A_296 : vector<1x16xf32> to vector<16xf32>
          %mul3A_298 = arith.constant 3.200000e+01 : f32
          %mul3A_299 = vector.broadcast %mul3A_298 : f32 to vector<16xf32>
          %mul3A_300 = arith.mulf %get3A_297, %mul3A_299 : vector<16xf32>
          %swap3A_301 = arith.index_cast %scan3A_139 : i32 to index
          %swap3A_302 = arith.constant 208 : index
          %swap3A_303 = tpu.vector_load %arg6[%swap3A_301, %swap3A_302] {strides = array<i32>} : memref<16x1024xf32, #tpu.memory_space<vmem>>, vector<1x16xf32>,
          %swap3A_304 = vector.shape_cast %swap3A_303 : vector<1x16xf32> to vector<16xf32>
          %swap3A_305 = vector.shape_cast %mul3A_300 : vector<16xf32> to vector<1x16xf32>
          tpu.vector_store %arg6[%swap3A_301, %swap3A_302], %swap3A_305 {strides = array<i32>} : memref<16x1024xf32, #tpu.memory_space<vmem>>, vector<1x16xf32>,
          %get3A_306 = arith.index_cast %scan3A_139 : i32 to index
          %get3A_307 = arith.constant 224 : index
          %get3A_308 = tpu.vector_load %arg6[%get3A_306, %get3A_307] {strides = array<i32>} : memref<16x1024xf32, #tpu.memory_space<vmem>>, vector<1x16xf32>,
          %get3A_309 = vector.shape_cast %get3A_308 : vector<1x16xf32> to vector<16xf32>
          %mul3A_310 = arith.constant 3.200000e+01 : f32
          %mul3A_311 = vector.broadcast %mul3A_310 : f32 to vector<16xf32>
          %mul3A_312 = arith.mulf %get3A_309, %mul3A_311 : vector<16xf32>
          %swap3A_313 = arith.index_cast %scan3A_139 : i32 to index
          %swap3A_314 = arith.constant 224 : index
          %swap3A_315 = tpu.vector_load %arg6[%swap3A_313, %swap3A_314] {strides = array<i32>} : memref<16x1024xf32, #tpu.memory_space<vmem>>, vector<1x16xf32>,
          %swap3A_316 = vector.shape_cast %swap3A_315 : vector<1x16xf32> to vector<16xf32>
          %swap3A_317 = vector.shape_cast %mul3A_312 : vector<16xf32> to vector<1x16xf32>
          tpu.vector_store %arg6[%swap3A_313, %swap3A_314], %swap3A_317 {strides = array<i32>} : memref<16x1024xf32, #tpu.memory_space<vmem>>, vector<1x16xf32>,
          %get3A_318 = arith.index_cast %scan3A_139 : i32 to index
          %get3A_319 = arith.constant 240 : index
          %get3A_320 = tpu.vector_load %arg6[%get3A_318, %get3A_319] {strides = array<i32>} : memref<16x1024xf32, #tpu.memory_space<vmem>>, vector<1x16xf32>,
          %get3A_321 = vector.shape_cast %get3A_320 : vector<1x16xf32> to vector<16xf32>
          %mul3A_322 = arith.constant 3.200000e+01 : f32
          %mul3A_323 = vector.broadcast %mul3A_322 : f32 to vector<16xf32>
          %mul3A_324 = arith.mulf %get3A_321, %mul3A_323 : vector<16xf32>
          %swap3A_325 = arith.index_cast %scan3A_139 : i32 to index
          %swap3A_326 = arith.constant 240 : index
          %swap3A_327 = tpu.vector_load %arg6[%swap3A_325, %swap3A_326] {strides = array<i32>} : memref<16x1024xf32, #tpu.memory_space<vmem>>, vector<1x16xf32>,
          %swap3A_328 = vector.shape_cast %swap3A_327 : vector<1x16xf32> to vector<16xf32>
          %swap3A_329 = vector.shape_cast %mul3A_324 : vector<16xf32> to vector<1x16xf32>
          tpu.vector_store %arg6[%swap3A_325, %swap3A_326], %swap3A_329 {strides = array<i32>} : memref<16x1024xf32, #tpu.memory_space<vmem>>, vector<1x16xf32>,
          %get3A_330 = arith.index_cast %scan3A_139 : i32 to index
          %get3A_331 = arith.constant 256 : index
          %get3A_332 = tpu.vector_load %arg6[%get3A_330, %get3A_331] {strides = array<i32>} : memref<16x1024xf32, #tpu.memory_space<vmem>>, vector<1x16xf32>,
          %get3A_333 = vector.shape_cast %get3A_332 : vector<1x16xf32> to vector<16xf32>
          %mul3A_334 = arith.constant 3.200000e+01 : f32
          %mul3A_335 = vector.broadcast %mul3A_334 : f32 to vector<16xf32>
          %mul3A_336 = arith.mulf %get3A_333, %mul3A_335 : vector<16xf32>
          %swap3A_337 = arith.index_cast %scan3A_139 : i32 to index
          %swap3A_338 = arith.constant 256 : index
          %swap3A_339 = tpu.vector_load %arg6[%swap3A_337, %swap3A_338] {strides = array<i32>} : memref<16x1024xf32, #tpu.memory_space<vmem>>, vector<1x16xf32>,
          %swap3A_340 = vector.shape_cast %swap3A_339 : vector<1x16xf32> to vector<16xf32>
          %swap3A_341 = vector.shape_cast %mul3A_336 : vector<16xf32> to vector<1x16xf32>
          tpu.vector_store %arg6[%swap3A_337, %swap3A_338], %swap3A_341 {strides = array<i32>} : memref<16x1024xf32, #tpu.memory_space<vmem>>, vector<1x16xf32>,
          %get3A_342 = arith.index_cast %scan3A_139 : i32 to index
          %get3A_343 = arith.constant 272 : index
          %get3A_344 = tpu.vector_load %arg6[%get3A_342, %get3A_343] {strides = array<i32>} : memref<16x1024xf32, #tpu.memory_space<vmem>>, vector<1x16xf32>,
          %get3A_345 = vector.shape_cast %get3A_344 : vector<1x16xf32> to vector<16xf32>
          %mul3A_346 = arith.constant 3.200000e+01 : f32
          %mul3A_347 = vector.broadcast %mul3A_346 : f32 to vector<16xf32>
          %mul3A_348 = arith.mulf %get3A_345, %mul3A_347 : vector<16xf32>
          %swap3A_349 = arith.index_cast %scan3A_139 : i32 to index
          %swap3A_350 = arith.constant 272 : index
          %swap3A_351 = tpu.vector_load %arg6[%swap3A_349, %swap3A_350] {strides = array<i32>} : memref<16x1024xf32, #tpu.memory_space<vmem>>, vector<1x16xf32>,
          %swap3A_352 = vector.shape_cast %swap3A_351 : vector<1x16xf32> to vector<16xf32>
          %swap3A_353 = vector.shape_cast %mul3A_348 : vector<16xf32> to vector<1x16xf32>
          tpu.vector_store %arg6[%swap3A_349, %swap3A_350], %swap3A_353 {strides = array<i32>} : memref<16x1024xf32, #tpu.memory_space<vmem>>, vector<1x16xf32>,
          %get3A_354 = arith.index_cast %scan3A_139 : i32 to index
          %get3A_355 = arith.constant 288 : index
          %get3A_356 = tpu.vector_load %arg6[%get3A_354, %get3A_355] {strides = array<i32>} : memref<16x1024xf32, #tpu.memory_space<vmem>>, vector<1x16xf32>,
          %get3A_357 = vector.shape_cast %get3A_356 : vector<1x16xf32> to vector<16xf32>
          %mul3A_358 = arith.constant 3.200000e+01 : f32
          %mul3A_359 = vector.broadcast %mul3A_358 : f32 to vector<16xf32>
          %mul3A_360 = arith.mulf %get3A_357, %mul3A_359 : vector<16xf32>
          %swap3A_361 = arith.index_cast %scan3A_139 : i32 to index
          %swap3A_362 = arith.constant 288 : index
          %swap3A_363 = tpu.vector_load %arg6[%swap3A_361, %swap3A_362] {strides = array<i32>} : memref<16x1024xf32, #tpu.memory_space<vmem>>, vector<1x16xf32>,
          %swap3A_364 = vector.shape_cast %swap3A_363 : vector<1x16xf32> to vector<16xf32>
          %swap3A_365 = vector.shape_cast %mul3A_360 : vector<16xf32> to vector<1x16xf32>
          tpu.vector_store %arg6[%swap3A_361, %swap3A_362], %swap3A_365 {strides = array<i32>} : memref<16x1024xf32, #tpu.memory_space<vmem>>, vector<1x16xf32>,
          %get3A_366 = arith.index_cast %scan3A_139 : i32 to index
          %get3A_367 = arith.constant 304 : index
          %get3A_368 = tpu.vector_load %arg6[%get3A_366, %get3A_367] {strides = array<i32>} : memref<16x1024xf32, #tpu.memory_space<vmem>>, vector<1x16xf32>,
          %get3A_369 = vector.shape_cast %get3A_368 : vector<1x16xf32> to vector<16xf32>
          %mul3A_370 = arith.constant 3.200000e+01 : f32
          %mul3A_371 = vector.broadcast %mul3A_370 : f32 to vector<16xf32>
          %mul3A_372 = arith.mulf %get3A_369, %mul3A_371 : vector<16xf32>
          %swap3A_373 = arith.index_cast %scan3A_139 : i32 to index
          %swap3A_374 = arith.constant 304 : index
          %swap3A_375 = tpu.vector_load %arg6[%swap3A_373, %swap3A_374] {strides = array<i32>} : memref<16x1024xf32, #tpu.memory_space<vmem>>, vector<1x16xf32>,
          %swap3A_376 = vector.shape_cast %swap3A_375 : vector<1x16xf32> to vector<16xf32>
          %swap3A_377 = vector.shape_cast %mul3A_372 : vector<16xf32> to vector<1x16xf32>
          tpu.vector_store %arg6[%swap3A_373, %swap3A_374], %swap3A_377 {strides = array<i32>} : memref<16x1024xf32, #tpu.memory_space<vmem>>, vector<1x16xf32>,
          %get3A_378 = arith.index_cast %scan3A_139 : i32 to index
          %get3A_379 = arith.constant 320 : index
          %get3A_380 = tpu.vector_load %arg6[%get3A_378, %get3A_379] {strides = array<i32>} : memref<16x1024xf32, #tpu.memory_space<vmem>>, vector<1x16xf32>,
          %get3A_381 = vector.shape_cast %get3A_380 : vector<1x16xf32> to vector<16xf32>
          %mul3A_382 = arith.constant 3.200000e+01 : f32
          %mul3A_383 = vector.broadcast %mul3A_382 : f32 to vector<16xf32>
          %mul3A_384 = arith.mulf %get3A_381, %mul3A_383 : vector<16xf32>
          %swap3A_385 = arith.index_cast %scan3A_139 : i32 to index
          %swap3A_386 = arith.constant 320 : index
          %swap3A_387 = tpu.vector_load %arg6[%swap3A_385, %swap3A_386] {strides = array<i32>} : memref<16x1024xf32, #tpu.memory_space<vmem>>, vector<1x16xf32>,
          %swap3A_388 = vector.shape_cast %swap3A_387 : vector<1x16xf32> to vector<16xf32>
          %swap3A_389 = vector.shape_cast %mul3A_384 : vector<16xf32> to vector<1x16xf32>
          tpu.vector_store %arg6[%swap3A_385, %swap3A_386], %swap3A_389 {strides = array<i32>} : memref<16x1024xf32, #tpu.memory_space<vmem>>, vector<1x16xf32>,
          %get3A_390 = arith.index_cast %scan3A_139 : i32 to index
          %get3A_391 = arith.constant 336 : index
          %get3A_392 = tpu.vector_load %arg6[%get3A_390, %get3A_391] {strides = array<i32>} : memref<16x1024xf32, #tpu.memory_space<vmem>>, vector<1x16xf32>,
          %get3A_393 = vector.shape_cast %get3A_392 : vector<1x16xf32> to vector<16xf32>
          %mul3A_394 = arith.constant 3.200000e+01 : f32
          %mul3A_395 = vector.broadcast %mul3A_394 : f32 to vector<16xf32>
          %mul3A_396 = arith.mulf %get3A_393, %mul3A_395 : vector<16xf32>
          %swap3A_397 = arith.index_cast %scan3A_139 : i32 to index
          %swap3A_398 = arith.constant 336 : index
          %swap3A_399 = tpu.vector_load %arg6[%swap3A_397, %swap3A_398] {strides = array<i32>} : memref<16x1024xf32, #tpu.memory_space<vmem>>, vector<1x16xf32>,
          %swap3A_400 = vector.shape_cast %swap3A_399 : vector<1x16xf32> to vector<16xf32>
          %swap3A_401 = vector.shape_cast %mul3A_396 : vector<16xf32> to vector<1x16xf32>
          tpu.vector_store %arg6[%swap3A_397, %swap3A_398], %swap3A_401 {strides = array<i32>} : memref<16x1024xf32, #tpu.memory_space<vmem>>, vector<1x16xf32>,
          %get3A_402 = arith.index_cast %scan3A_139 : i32 to index
          %get3A_403 = arith.constant 352 : index
          %get3A_404 = tpu.vector_load %arg6[%get3A_402, %get3A_403] {strides = array<i32>} : memref<16x1024xf32, #tpu.memory_space<vmem>>, vector<1x16xf32>,
          %get3A_405 = vector.shape_cast %get3A_404 : vector<1x16xf32> to vector<16xf32>
          %mul3A_406 = arith.constant 3.200000e+01 : f32
          %mul3A_407 = vector.broadcast %mul3A_406 : f32 to vector<16xf32>
          %mul3A_408 = arith.mulf %get3A_405, %mul3A_407 : vector<16xf32>
          %swap3A_409 = arith.index_cast %scan3A_139 : i32 to index
          %swap3A_410 = arith.constant 352 : index
          %swap3A_411 = tpu.vector_load %arg6[%swap3A_409, %swap3A_410] {strides = array<i32>} : memref<16x1024xf32, #tpu.memory_space<vmem>>, vector<1x16xf32>,
          %swap3A_412 = vector.shape_cast %swap3A_411 : vector<1x16xf32> to vector<16xf32>
          %swap3A_413 = vector.shape_cast %mul3A_408 : vector<16xf32> to vector<1x16xf32>
          tpu.vector_store %arg6[%swap3A_409, %swap3A_410], %swap3A_413 {strides = array<i32>} : memref<16x1024xf32, #tpu.memory_space<vmem>>, vector<1x16xf32>,
          %get3A_414 = arith.index_cast %scan3A_139 : i32 to index
          %get3A_415 = arith.constant 368 : index
          %get3A_416 = tpu.vector_load %arg6[%get3A_414, %get3A_415] {strides = array<i32>} : memref<16x1024xf32, #tpu.memory_space<vmem>>, vector<1x16xf32>,
          %get3A_417 = vector.shape_cast %get3A_416 : vector<1x16xf32> to vector<16xf32>
          %mul3A_418 = arith.constant 3.200000e+01 : f32
          %mul3A_419 = vector.broadcast %mul3A_418 : f32 to vector<16xf32>
          %mul3A_420 = arith.mulf %get3A_417, %mul3A_419 : vector<16xf32>
          %swap3A_421 = arith.index_cast %scan3A_139 : i32 to index
          %swap3A_422 = arith.constant 368 : index
          %swap3A_423 = tpu.vector_load %arg6[%swap3A_421, %swap3A_422] {strides = array<i32>} : memref<16x1024xf32, #tpu.memory_space<vmem>>, vector<1x16xf32>,
          %swap3A_424 = vector.shape_cast %swap3A_423 : vector<1x16xf32> to vector<16xf32>
          %swap3A_425 = vector.shape_cast %mul3A_420 : vector<16xf32> to vector<1x16xf32>
          tpu.vector_store %arg6[%swap3A_421, %swap3A_422], %swap3A_425 {strides = array<i32>} : memref<16x1024xf32, #tpu.memory_space<vmem>>, vector<1x16xf32>,
          %get3A_426 = arith.index_cast %scan3A_139 : i32 to index
          %get3A_427 = arith.constant 384 : index
          %get3A_428 = tpu.vector_load %arg6[%get3A_426, %get3A_427] {strides = array<i32>} : memref<16x1024xf32, #tpu.memory_space<vmem>>, vector<1x16xf32>,
          %get3A_429 = vector.shape_cast %get3A_428 : vector<1x16xf32> to vector<16xf32>
          %mul3A_430 = arith.constant 3.200000e+01 : f32
          %mul3A_431 = vector.broadcast %mul3A_430 : f32 to vector<16xf32>
          %mul3A_432 = arith.mulf %get3A_429, %mul3A_431 : vector<16xf32>
          %swap3A_433 = arith.index_cast %scan3A_139 : i32 to index
          %swap3A_434 = arith.constant 384 : index
          %swap3A_435 = tpu.vector_load %arg6[%swap3A_433, %swap3A_434] {strides = array<i32>} : memref<16x1024xf32, #tpu.memory_space<vmem>>, vector<1x16xf32>,
          %swap3A_436 = vector.shape_cast %swap3A_435 : vector<1x16xf32> to vector<16xf32>
          %swap3A_437 = vector.shape_cast %mul3A_432 : vector<16xf32> to vector<1x16xf32>
          tpu.vector_store %arg6[%swap3A_433, %swap3A_434], %swap3A_437 {strides = array<i32>} : memref<16x1024xf32, #tpu.memory_space<vmem>>, vector<1x16xf32>,
          %get3A_438 = arith.index_cast %scan3A_139 : i32 to index
          %get3A_439 = arith.constant 400 : index
          %get3A_440 = tpu.vector_load %arg6[%get3A_438, %get3A_439] {strides = array<i32>} : memref<16x1024xf32, #tpu.memory_space<vmem>>, vector<1x16xf32>,
          %get3A_441 = vector.shape_cast %get3A_440 : vector<1x16xf32> to vector<16xf32>
          %mul3A_442 = arith.constant 3.200000e+01 : f32
          %mul3A_443 = vector.broadcast %mul3A_442 : f32 to vector<16xf32>
          %mul3A_444 = arith.mulf %get3A_441, %mul3A_443 : vector<16xf32>
          %swap3A_445 = arith.index_cast %scan3A_139 : i32 to index
          %swap3A_446 = arith.constant 400 : index
          %swap3A_447 = tpu.vector_load %arg6[%swap3A_445, %swap3A_446] {strides = array<i32>} : memref<16x1024xf32, #tpu.memory_space<vmem>>, vector<1x16xf32>,
          %swap3A_448 = vector.shape_cast %swap3A_447 : vector<1x16xf32> to vector<16xf32>
          %swap3A_449 = vector.shape_cast %mul3A_444 : vector<16xf32> to vector<1x16xf32>
          tpu.vector_store %arg6[%swap3A_445, %swap3A_446], %swap3A_449 {strides = array<i32>} : memref<16x1024xf32, #tpu.memory_space<vmem>>, vector<1x16xf32>,
          %get3A_450 = arith.index_cast %scan3A_139 : i32 to index
          %get3A_451 = arith.constant 416 : index
          %get3A_452 = tpu.vector_load %arg6[%get3A_450, %get3A_451] {strides = array<i32>} : memref<16x1024xf32, #tpu.memory_space<vmem>>, vector<1x16xf32>,
          %get3A_453 = vector.shape_cast %get3A_452 : vector<1x16xf32> to vector<16xf32>
          %mul3A_454 = arith.constant 3.200000e+01 : f32
          %mul3A_455 = vector.broadcast %mul3A_454 : f32 to vector<16xf32>
          %mul3A_456 = arith.mulf %get3A_453, %mul3A_455 : vector<16xf32>
          %swap3A_457 = arith.index_cast %scan3A_139 : i32 to index
          %swap3A_458 = arith.constant 416 : index
          %swap3A_459 = tpu.vector_load %arg6[%swap3A_457, %swap3A_458] {strides = array<i32>} : memref<16x1024xf32, #tpu.memory_space<vmem>>, vector<1x16xf32>,
          %swap3A_460 = vector.shape_cast %swap3A_459 : vector<1x16xf32> to vector<16xf32>
          %swap3A_461 = vector.shape_cast %mul3A_456 : vector<16xf32> to vector<1x16xf32>
          tpu.vector_store %arg6[%swap3A_457, %swap3A_458], %swap3A_461 {strides = array<i32>} : memref<16x1024xf32, #tpu.memory_space<vmem>>, vector<1x16xf32>,
          %get3A_462 = arith.index_cast %scan3A_139 : i32 to index
          %get3A_463 = arith.constant 432 : index
          %get3A_464 = tpu.vector_load %arg6[%get3A_462, %get3A_463] {strides = array<i32>} : memref<16x1024xf32, #tpu.memory_space<vmem>>, vector<1x16xf32>,
          %get3A_465 = vector.shape_cast %get3A_464 : vector<1x16xf32> to vector<16xf32>
          %mul3A_466 = arith.constant 3.200000e+01 : f32
          %mul3A_467 = vector.broadcast %mul3A_466 : f32 to vector<16xf32>
          %mul3A_468 = arith.mulf %get3A_465, %mul3A_467 : vector<16xf32>
          %swap3A_469 = arith.index_cast %scan3A_139 : i32 to index
          %swap3A_470 = arith.constant 432 : index
          %swap3A_471 = tpu.vector_load %arg6[%swap3A_469, %swap3A_470] {strides = array<i32>} : memref<16x1024xf32, #tpu.memory_space<vmem>>, vector<1x16xf32>,
          %swap3A_472 = vector.shape_cast %swap3A_471 : vector<1x16xf32> to vector<16xf32>
          %swap3A_473 = vector.shape_cast %mul3A_468 : vector<16xf32> to vector<1x16xf32>
          tpu.vector_store %arg6[%swap3A_469, %swap3A_470], %swap3A_473 {strides = array<i32>} : memref<16x1024xf32, #tpu.memory_space<vmem>>, vector<1x16xf32>,
          %get3A_474 = arith.index_cast %scan3A_139 : i32 to index
          %get3A_475 = arith.constant 448 : index
          %get3A_476 = tpu.vector_load %arg6[%get3A_474, %get3A_475] {strides = array<i32>} : memref<16x1024xf32, #tpu.memory_space<vmem>>, vector<1x16xf32>,
          %get3A_477 = vector.shape_cast %get3A_476 : vector<1x16xf32> to vector<16xf32>
          %mul3A_478 = arith.constant 3.200000e+01 : f32
          %mul3A_479 = vector.broadcast %mul3A_478 : f32 to vector<16xf32>
          %mul3A_480 = arith.mulf %get3A_477, %mul3A_479 : vector<16xf32>
          %swap3A_481 = arith.index_cast %scan3A_139 : i32 to index
          %swap3A_482 = arith.constant 448 : index
          %swap3A_483 = tpu.vector_load %arg6[%swap3A_481, %swap3A_482] {strides = array<i32>} : memref<16x1024xf32, #tpu.memory_space<vmem>>, vector<1x16xf32>,
          %swap3A_484 = vector.shape_cast %swap3A_483 : vector<1x16xf32> to vector<16xf32>
          %swap3A_485 = vector.shape_cast %mul3A_480 : vector<16xf32> to vector<1x16xf32>
          tpu.vector_store %arg6[%swap3A_481, %swap3A_482], %swap3A_485 {strides = array<i32>} : memref<16x1024xf32, #tpu.memory_space<vmem>>, vector<1x16xf32>,
          %get3A_486 = arith.index_cast %scan3A_139 : i32 to index
          %get3A_487 = arith.constant 464 : index
          %get3A_488 = tpu.vector_load %arg6[%get3A_486, %get3A_487] {strides = array<i32>} : memref<16x1024xf32, #tpu.memory_space<vmem>>, vector<1x16xf32>,
          %get3A_489 = vector.shape_cast %get3A_488 : vector<1x16xf32> to vector<16xf32>
          %mul3A_490 = arith.constant 3.200000e+01 : f32
          %mul3A_491 = vector.broadcast %mul3A_490 : f32 to vector<16xf32>
          %mul3A_492 = arith.mulf %get3A_489, %mul3A_491 : vector<16xf32>
          %swap3A_493 = arith.index_cast %scan3A_139 : i32 to index
          %swap3A_494 = arith.constant 464 : index
          %swap3A_495 = tpu.vector_load %arg6[%swap3A_493, %swap3A_494] {strides = array<i32>} : memref<16x1024xf32, #tpu.memory_space<vmem>>, vector<1x16xf32>,
          %swap3A_496 = vector.shape_cast %swap3A_495 : vector<1x16xf32> to vector<16xf32>
          %swap3A_497 = vector.shape_cast %mul3A_492 : vector<16xf32> to vector<1x16xf32>
          tpu.vector_store %arg6[%swap3A_493, %swap3A_494], %swap3A_497 {strides = array<i32>} : memref<16x1024xf32, #tpu.memory_space<vmem>>, vector<1x16xf32>,
          %get3A_498 = arith.index_cast %scan3A_139 : i32 to index
          %get3A_499 = arith.constant 480 : index
          %get3A_500 = tpu.vector_load %arg6[%get3A_498, %get3A_499] {strides = array<i32>} : memref<16x1024xf32, #tpu.memory_space<vmem>>, vector<1x16xf32>,
          %get3A_501 = vector.shape_cast %get3A_500 : vector<1x16xf32> to vector<16xf32>
          %mul3A_502 = arith.constant 3.200000e+01 : f32
          %mul3A_503 = vector.broadcast %mul3A_502 : f32 to vector<16xf32>
          %mul3A_504 = arith.mulf %get3A_501, %mul3A_503 : vector<16xf32>
          %swap3A_505 = arith.index_cast %scan3A_139 : i32 to index
          %swap3A_506 = arith.constant 480 : index
          %swap3A_507 = tpu.vector_load %arg6[%swap3A_505, %swap3A_506] {strides = array<i32>} : memref<16x1024xf32, #tpu.memory_space<vmem>>, vector<1x16xf32>,
          %swap3A_508 = vector.shape_cast %swap3A_507 : vector<1x16xf32> to vector<16xf32>
          %swap3A_509 = vector.shape_cast %mul3A_504 : vector<16xf32> to vector<1x16xf32>
          tpu.vector_store %arg6[%swap3A_505, %swap3A_506], %swap3A_509 {strides = array<i32>} : memref<16x1024xf32, #tpu.memory_space<vmem>>, vector<1x16xf32>,
          %get3A_510 = arith.index_cast %scan3A_139 : i32 to index
          %get3A_511 = arith.constant 496 : index
          %get3A_512 = tpu.vector_load %arg6[%get3A_510, %get3A_511] {strides = array<i32>} : memref<16x1024xf32, #tpu.memory_space<vmem>>, vector<1x16xf32>,
          %get3A_513 = vector.shape_cast %get3A_512 : vector<1x16xf32> to vector<16xf32>
          %mul3A_514 = arith.constant 3.200000e+01 : f32
          %mul3A_515 = vector.broadcast %mul3A_514 : f32 to vector<16xf32>
          %mul3A_516 = arith.mulf %get3A_513, %mul3A_515 : vector<16xf32>
          %swap3A_517 = arith.index_cast %scan3A_139 : i32 to index
          %swap3A_518 = arith.constant 496 : index
          %swap3A_519 = tpu.vector_load %arg6[%swap3A_517, %swap3A_518] {strides = array<i32>} : memref<16x1024xf32, #tpu.memory_space<vmem>>, vector<1x16xf32>,
          %swap3A_520 = vector.shape_cast %swap3A_519 : vector<1x16xf32> to vector<16xf32>
          %swap3A_521 = vector.shape_cast %mul3A_516 : vector<16xf32> to vector<1x16xf32>
          tpu.vector_store %arg6[%swap3A_517, %swap3A_518], %swap3A_521 {strides = array<i32>} : memref<16x1024xf32, #tpu.memory_space<vmem>>, vector<1x16xf32>,
          %get3A_522 = arith.index_cast %scan3A_139 : i32 to index
          %get3A_523 = arith.constant 512 : index
          %get3A_524 = tpu.vector_load %arg6[%get3A_522, %get3A_523] {strides = array<i32>} : memref<16x1024xf32, #tpu.memory_space<vmem>>, vector<1x16xf32>,
          %get3A_525 = vector.shape_cast %get3A_524 : vector<1x16xf32> to vector<16xf32>
          %mul3A_526 = arith.constant 3.200000e+01 : f32
          %mul3A_527 = vector.broadcast %mul3A_526 : f32 to vector<16xf32>
          %mul3A_528 = arith.mulf %get3A_525, %mul3A_527 : vector<16xf32>
          %swap3A_529 = arith.index_cast %scan3A_139 : i32 to index
          %swap3A_530 = arith.constant 512 : index
          %swap3A_531 = tpu.vector_load %arg6[%swap3A_529, %swap3A_530] {strides = array<i32>} : memref<16x1024xf32, #tpu.memory_space<vmem>>, vector<1x16xf32>,
          %swap3A_532 = vector.shape_cast %swap3A_531 : vector<1x16xf32> to vector<16xf32>
          %swap3A_533 = vector.shape_cast %mul3A_528 : vector<16xf32> to vector<1x16xf32>
          tpu.vector_store %arg6[%swap3A_529, %swap3A_530], %swap3A_533 {strides = array<i32>} : memref<16x1024xf32, #tpu.memory_space<vmem>>, vector<1x16xf32>,
          %get3A_534 = arith.index_cast %scan3A_139 : i32 to index
          %get3A_535 = arith.constant 528 : index
          %get3A_536 = tpu.vector_load %arg6[%get3A_534, %get3A_535] {strides = array<i32>} : memref<16x1024xf32, #tpu.memory_space<vmem>>, vector<1x16xf32>,
          %get3A_537 = vector.shape_cast %get3A_536 : vector<1x16xf32> to vector<16xf32>
          %mul3A_538 = arith.constant 3.200000e+01 : f32
          %mul3A_539 = vector.broadcast %mul3A_538 : f32 to vector<16xf32>
          %mul3A_540 = arith.mulf %get3A_537, %mul3A_539 : vector<16xf32>
          %swap3A_541 = arith.index_cast %scan3A_139 : i32 to index
          %swap3A_542 = arith.constant 528 : index
          %swap3A_543 = tpu.vector_load %arg6[%swap3A_541, %swap3A_542] {strides = array<i32>} : memref<16x1024xf32, #tpu.memory_space<vmem>>, vector<1x16xf32>,
          %swap3A_544 = vector.shape_cast %swap3A_543 : vector<1x16xf32> to vector<16xf32>
          %swap3A_545 = vector.shape_cast %mul3A_540 : vector<16xf32> to vector<1x16xf32>
          tpu.vector_store %arg6[%swap3A_541, %swap3A_542], %swap3A_545 {strides = array<i32>} : memref<16x1024xf32, #tpu.memory_space<vmem>>, vector<1x16xf32>,
          %get3A_546 = arith.index_cast %scan3A_139 : i32 to index
          %get3A_547 = arith.constant 544 : index
          %get3A_548 = tpu.vector_load %arg6[%get3A_546, %get3A_547] {strides = array<i32>} : memref<16x1024xf32, #tpu.memory_space<vmem>>, vector<1x16xf32>,
          %get3A_549 = vector.shape_cast %get3A_548 : vector<1x16xf32> to vector<16xf32>
          %mul3A_550 = arith.constant 3.200000e+01 : f32
          %mul3A_551 = vector.broadcast %mul3A_550 : f32 to vector<16xf32>
          %mul3A_552 = arith.mulf %get3A_549, %mul3A_551 : vector<16xf32>
          %swap3A_553 = arith.index_cast %scan3A_139 : i32 to index
          %swap3A_554 = arith.constant 544 : index
          %swap3A_555 = tpu.vector_load %arg6[%swap3A_553, %swap3A_554] {strides = array<i32>} : memref<16x1024xf32, #tpu.memory_space<vmem>>, vector<1x16xf32>,
          %swap3A_556 = vector.shape_cast %swap3A_555 : vector<1x16xf32> to vector<16xf32>
          %swap3A_557 = vector.shape_cast %mul3A_552 : vector<16xf32> to vector<1x16xf32>
          tpu.vector_store %arg6[%swap3A_553, %swap3A_554], %swap3A_557 {strides = array<i32>} : memref<16x1024xf32, #tpu.memory_space<vmem>>, vector<1x16xf32>,
          %get3A_558 = arith.index_cast %scan3A_139 : i32 to index
          %get3A_559 = arith.constant 560 : index
          %get3A_560 = tpu.vector_load %arg6[%get3A_558, %get3A_559] {strides = array<i32>} : memref<16x1024xf32, #tpu.memory_space<vmem>>, vector<1x16xf32>,
          %get3A_561 = vector.shape_cast %get3A_560 : vector<1x16xf32> to vector<16xf32>
          %mul3A_562 = arith.constant 3.200000e+01 : f32
          %mul3A_563 = vector.broadcast %mul3A_562 : f32 to vector<16xf32>
          %mul3A_564 = arith.mulf %get3A_561, %mul3A_563 : vector<16xf32>
          %swap3A_565 = arith.index_cast %scan3A_139 : i32 to index
          %swap3A_566 = arith.constant 560 : index
          %swap3A_567 = tpu.vector_load %arg6[%swap3A_565, %swap3A_566] {strides = array<i32>} : memref<16x1024xf32, #tpu.memory_space<vmem>>, vector<1x16xf32>,
          %swap3A_568 = vector.shape_cast %swap3A_567 : vector<1x16xf32> to vector<16xf32>
          %swap3A_569 = vector.shape_cast %mul3A_564 : vector<16xf32> to vector<1x16xf32>
          tpu.vector_store %arg6[%swap3A_565, %swap3A_566], %swap3A_569 {strides = array<i32>} : memref<16x1024xf32, #tpu.memory_space<vmem>>, vector<1x16xf32>,
          %get3A_570 = arith.index_cast %scan3A_139 : i32 to index
          %get3A_571 = arith.constant 576 : index
          %get3A_572 = tpu.vector_load %arg6[%get3A_570, %get3A_571] {strides = array<i32>} : memref<16x1024xf32, #tpu.memory_space<vmem>>, vector<1x16xf32>,
          %get3A_573 = vector.shape_cast %get3A_572 : vector<1x16xf32> to vector<16xf32>
          %mul3A_574 = arith.constant 3.200000e+01 : f32
          %mul3A_575 = vector.broadcast %mul3A_574 : f32 to vector<16xf32>
          %mul3A_576 = arith.mulf %get3A_573, %mul3A_575 : vector<16xf32>
          %swap3A_577 = arith.index_cast %scan3A_139 : i32 to index
          %swap3A_578 = arith.constant 576 : index
          %swap3A_579 = tpu.vector_load %arg6[%swap3A_577, %swap3A_578] {strides = array<i32>} : memref<16x1024xf32, #tpu.memory_space<vmem>>, vector<1x16xf32>,
          %swap3A_580 = vector.shape_cast %swap3A_579 : vector<1x16xf32> to vector<16xf32>
          %swap3A_581 = vector.shape_cast %mul3A_576 : vector<16xf32> to vector<1x16xf32>
          tpu.vector_store %arg6[%swap3A_577, %swap3A_578], %swap3A_581 {strides = array<i32>} : memref<16x1024xf32, #tpu.memory_space<vmem>>, vector<1x16xf32>,
          %get3A_582 = arith.index_cast %scan3A_139 : i32 to index
          %get3A_583 = arith.constant 592 : index
          %get3A_584 = tpu.vector_load %arg6[%get3A_582, %get3A_583] {strides = array<i32>} : memref<16x1024xf32, #tpu.memory_space<vmem>>, vector<1x16xf32>,
          %get3A_585 = vector.shape_cast %get3A_584 : vector<1x16xf32> to vector<16xf32>
          %mul3A_586 = arith.constant 3.200000e+01 : f32
          %mul3A_587 = vector.broadcast %mul3A_586 : f32 to vector<16xf32>
          %mul3A_588 = arith.mulf %get3A_585, %mul3A_587 : vector<16xf32>
          %swap3A_589 = arith.index_cast %scan3A_139 : i32 to index
          %swap3A_590 = arith.constant 592 : index
          %swap3A_591 = tpu.vector_load %arg6[%swap3A_589, %swap3A_590] {strides = array<i32>} : memref<16x1024xf32, #tpu.memory_space<vmem>>, vector<1x16xf32>,
          %swap3A_592 = vector.shape_cast %swap3A_591 : vector<1x16xf32> to vector<16xf32>
          %swap3A_593 = vector.shape_cast %mul3A_588 : vector<16xf32> to vector<1x16xf32>
          tpu.vector_store %arg6[%swap3A_589, %swap3A_590], %swap3A_593 {strides = array<i32>} : memref<16x1024xf32, #tpu.memory_space<vmem>>, vector<1x16xf32>,
          %get3A_594 = arith.index_cast %scan3A_139 : i32 to index
          %get3A_595 = arith.constant 608 : index
          %get3A_596 = tpu.vector_load %arg6[%get3A_594, %get3A_595] {strides = array<i32>} : memref<16x1024xf32, #tpu.memory_space<vmem>>, vector<1x16xf32>,
          %get3A_597 = vector.shape_cast %get3A_596 : vector<1x16xf32> to vector<16xf32>
          %mul3A_598 = arith.constant 3.200000e+01 : f32
          %mul3A_599 = vector.broadcast %mul3A_598 : f32 to vector<16xf32>
          %mul3A_600 = arith.mulf %get3A_597, %mul3A_599 : vector<16xf32>
          %swap3A_601 = arith.index_cast %scan3A_139 : i32 to index
          %swap3A_602 = arith.constant 608 : index
          %swap3A_603 = tpu.vector_load %arg6[%swap3A_601, %swap3A_602] {strides = array<i32>} : memref<16x1024xf32, #tpu.memory_space<vmem>>, vector<1x16xf32>,
          %swap3A_604 = vector.shape_cast %swap3A_603 : vector<1x16xf32> to vector<16xf32>
          %swap3A_605 = vector.shape_cast %mul3A_600 : vector<16xf32> to vector<1x16xf32>
          tpu.vector_store %arg6[%swap3A_601, %swap3A_602], %swap3A_605 {strides = array<i32>} : memref<16x1024xf32, #tpu.memory_space<vmem>>, vector<1x16xf32>,
          %get3A_606 = arith.index_cast %scan3A_139 : i32 to index
          %get3A_607 = arith.constant 624 : index
          %get3A_608 = tpu.vector_load %arg6[%get3A_606, %get3A_607] {strides = array<i32>} : memref<16x1024xf32, #tpu.memory_space<vmem>>, vector<1x16xf32>,
          %get3A_609 = vector.shape_cast %get3A_608 : vector<1x16xf32> to vector<16xf32>
          %mul3A_610 = arith.constant 3.200000e+01 : f32
          %mul3A_611 = vector.broadcast %mul3A_610 : f32 to vector<16xf32>
          %mul3A_612 = arith.mulf %get3A_609, %mul3A_611 : vector<16xf32>
          %swap3A_613 = arith.index_cast %scan3A_139 : i32 to index
          %swap3A_614 = arith.constant 624 : index
          %swap3A_615 = tpu.vector_load %arg6[%swap3A_613, %swap3A_614] {strides = array<i32>} : memref<16x1024xf32, #tpu.memory_space<vmem>>, vector<1x16xf32>,
          %swap3A_616 = vector.shape_cast %swap3A_615 : vector<1x16xf32> to vector<16xf32>
          %swap3A_617 = vector.shape_cast %mul3A_612 : vector<16xf32> to vector<1x16xf32>
          tpu.vector_store %arg6[%swap3A_613, %swap3A_614], %swap3A_617 {strides = array<i32>} : memref<16x1024xf32, #tpu.memory_space<vmem>>, vector<1x16xf32>,
          %get3A_618 = arith.index_cast %scan3A_139 : i32 to index
          %get3A_619 = arith.constant 640 : index
          %get3A_620 = tpu.vector_load %arg6[%get3A_618, %get3A_619] {strides = array<i32>} : memref<16x1024xf32, #tpu.memory_space<vmem>>, vector<1x16xf32>,
          %get3A_621 = vector.shape_cast %get3A_620 : vector<1x16xf32> to vector<16xf32>
          %mul3A_622 = arith.constant 3.200000e+01 : f32
          %mul3A_623 = vector.broadcast %mul3A_622 : f32 to vector<16xf32>
          %mul3A_624 = arith.mulf %get3A_621, %mul3A_623 : vector<16xf32>
          %swap3A_625 = arith.index_cast %scan3A_139 : i32 to index
          %swap3A_626 = arith.constant 640 : index
          %swap3A_627 = tpu.vector_load %arg6[%swap3A_625, %swap3A_626] {strides = array<i32>} : memref<16x1024xf32, #tpu.memory_space<vmem>>, vector<1x16xf32>,
          %swap3A_628 = vector.shape_cast %swap3A_627 : vector<1x16xf32> to vector<16xf32>
          %swap3A_629 = vector.shape_cast %mul3A_624 : vector<16xf32> to vector<1x16xf32>
          tpu.vector_store %arg6[%swap3A_625, %swap3A_626], %swap3A_629 {strides = array<i32>} : memref<16x1024xf32, #tpu.memory_space<vmem>>, vector<1x16xf32>,
          %get3A_630 = arith.index_cast %scan3A_139 : i32 to index
          %get3A_631 = arith.constant 656 : index
          %get3A_632 = tpu.vector_load %arg6[%get3A_630, %get3A_631] {strides = array<i32>} : memref<16x1024xf32, #tpu.memory_space<vmem>>, vector<1x16xf32>,
          %get3A_633 = vector.shape_cast %get3A_632 : vector<1x16xf32> to vector<16xf32>
          %mul3A_634 = arith.constant 3.200000e+01 : f32
          %mul3A_635 = vector.broadcast %mul3A_634 : f32 to vector<16xf32>
          %mul3A_636 = arith.mulf %get3A_633, %mul3A_635 : vector<16xf32>
          %swap3A_637 = arith.index_cast %scan3A_139 : i32 to index
          %swap3A_638 = arith.constant 656 : index
          %swap3A_639 = tpu.vector_load %arg6[%swap3A_637, %swap3A_638] {strides = array<i32>} : memref<16x1024xf32, #tpu.memory_space<vmem>>, vector<1x16xf32>,
          %swap3A_640 = vector.shape_cast %swap3A_639 : vector<1x16xf32> to vector<16xf32>
          %swap3A_641 = vector.shape_cast %mul3A_636 : vector<16xf32> to vector<1x16xf32>
          tpu.vector_store %arg6[%swap3A_637, %swap3A_638], %swap3A_641 {strides = array<i32>} : memref<16x1024xf32, #tpu.memory_space<vmem>>, vector<1x16xf32>,
          %get3A_642 = arith.index_cast %scan3A_139 : i32 to index
          %get3A_643 = arith.constant 672 : index
          %get3A_644 = tpu.vector_load %arg6[%get3A_642, %get3A_643] {strides = array<i32>} : memref<16x1024xf32, #tpu.memory_space<vmem>>, vector<1x16xf32>,
          %get3A_645 = vector.shape_cast %get3A_644 : vector<1x16xf32> to vector<16xf32>
          %mul3A_646 = arith.constant 3.200000e+01 : f32
          %mul3A_647 = vector.broadcast %mul3A_646 : f32 to vector<16xf32>
          %mul3A_648 = arith.mulf %get3A_645, %mul3A_647 : vector<16xf32>
          %swap3A_649 = arith.index_cast %scan3A_139 : i32 to index
          %swap3A_650 = arith.constant 672 : index
          %swap3A_651 = tpu.vector_load %arg6[%swap3A_649, %swap3A_650] {strides = array<i32>} : memref<16x1024xf32, #tpu.memory_space<vmem>>, vector<1x16xf32>,
          %swap3A_652 = vector.shape_cast %swap3A_651 : vector<1x16xf32> to vector<16xf32>
          %swap3A_653 = vector.shape_cast %mul3A_648 : vector<16xf32> to vector<1x16xf32>
          tpu.vector_store %arg6[%swap3A_649, %swap3A_650], %swap3A_653 {strides = array<i32>} : memref<16x1024xf32, #tpu.memory_space<vmem>>, vector<1x16xf32>,
          %get3A_654 = arith.index_cast %scan3A_139 : i32 to index
          %get3A_655 = arith.constant 688 : index
          %get3A_656 = tpu.vector_load %arg6[%get3A_654, %get3A_655] {strides = array<i32>} : memref<16x1024xf32, #tpu.memory_space<vmem>>, vector<1x16xf32>,
          %get3A_657 = vector.shape_cast %get3A_656 : vector<1x16xf32> to vector<16xf32>
          %mul3A_658 = arith.constant 3.200000e+01 : f32
          %mul3A_659 = vector.broadcast %mul3A_658 : f32 to vector<16xf32>
          %mul3A_660 = arith.mulf %get3A_657, %mul3A_659 : vector<16xf32>
          %swap3A_661 = arith.index_cast %scan3A_139 : i32 to index
          %swap3A_662 = arith.constant 688 : index
          %swap3A_663 = tpu.vector_load %arg6[%swap3A_661, %swap3A_662] {strides = array<i32>} : memref<16x1024xf32, #tpu.memory_space<vmem>>, vector<1x16xf32>,
          %swap3A_664 = vector.shape_cast %swap3A_663 : vector<1x16xf32> to vector<16xf32>
          %swap3A_665 = vector.shape_cast %mul3A_660 : vector<16xf32> to vector<1x16xf32>
          tpu.vector_store %arg6[%swap3A_661, %swap3A_662], %swap3A_665 {strides = array<i32>} : memref<16x1024xf32, #tpu.memory_space<vmem>>, vector<1x16xf32>,
          %get3A_666 = arith.index_cast %scan3A_139 : i32 to index
          %get3A_667 = arith.constant 704 : index
          %get3A_668 = tpu.vector_load %arg6[%get3A_666, %get3A_667] {strides = array<i32>} : memref<16x1024xf32, #tpu.memory_space<vmem>>, vector<1x16xf32>,
          %get3A_669 = vector.shape_cast %get3A_668 : vector<1x16xf32> to vector<16xf32>
          %mul3A_670 = arith.constant 3.200000e+01 : f32
          %mul3A_671 = vector.broadcast %mul3A_670 : f32 to vector<16xf32>
          %mul3A_672 = arith.mulf %get3A_669, %mul3A_671 : vector<16xf32>
          %swap3A_673 = arith.index_cast %scan3A_139 : i32 to index
          %swap3A_674 = arith.constant 704 : index
          %swap3A_675 = tpu.vector_load %arg6[%swap3A_673, %swap3A_674] {strides = array<i32>} : memref<16x1024xf32, #tpu.memory_space<vmem>>, vector<1x16xf32>,
          %swap3A_676 = vector.shape_cast %swap3A_675 : vector<1x16xf32> to vector<16xf32>
          %swap3A_677 = vector.shape_cast %mul3A_672 : vector<16xf32> to vector<1x16xf32>
          tpu.vector_store %arg6[%swap3A_673, %swap3A_674], %swap3A_677 {strides = array<i32>} : memref<16x1024xf32, #tpu.memory_space<vmem>>, vector<1x16xf32>,
          %get3A_678 = arith.index_cast %scan3A_139 : i32 to index
          %get3A_679 = arith.constant 720 : index
          %get3A_680 = tpu.vector_load %arg6[%get3A_678, %get3A_679] {strides = array<i32>} : memref<16x1024xf32, #tpu.memory_space<vmem>>, vector<1x16xf32>,
          %get3A_681 = vector.shape_cast %get3A_680 : vector<1x16xf32> to vector<16xf32>
          %mul3A_682 = arith.constant 3.200000e+01 : f32
          %mul3A_683 = vector.broadcast %mul3A_682 : f32 to vector<16xf32>
          %mul3A_684 = arith.mulf %get3A_681, %mul3A_683 : vector<16xf32>
          %swap3A_685 = arith.index_cast %scan3A_139 : i32 to index
          %swap3A_686 = arith.constant 720 : index
          %swap3A_687 = tpu.vector_load %arg6[%swap3A_685, %swap3A_686] {strides = array<i32>} : memref<16x1024xf32, #tpu.memory_space<vmem>>, vector<1x16xf32>,
          %swap3A_688 = vector.shape_cast %swap3A_687 : vector<1x16xf32> to vector<16xf32>
          %swap3A_689 = vector.shape_cast %mul3A_684 : vector<16xf32> to vector<1x16xf32>
          tpu.vector_store %arg6[%swap3A_685, %swap3A_686], %swap3A_689 {strides = array<i32>} : memref<16x1024xf32, #tpu.memory_space<vmem>>, vector<1x16xf32>,
          %get3A_690 = arith.index_cast %scan3A_139 : i32 to index
          %get3A_691 = arith.constant 736 : index
          %get3A_692 = tpu.vector_load %arg6[%get3A_690, %get3A_691] {strides = array<i32>} : memref<16x1024xf32, #tpu.memory_space<vmem>>, vector<1x16xf32>,
          %get3A_693 = vector.shape_cast %get3A_692 : vector<1x16xf32> to vector<16xf32>
          %mul3A_694 = arith.constant 3.200000e+01 : f32
          %mul3A_695 = vector.broadcast %mul3A_694 : f32 to vector<16xf32>
          %mul3A_696 = arith.mulf %get3A_693, %mul3A_695 : vector<16xf32>
          %swap3A_697 = arith.index_cast %scan3A_139 : i32 to index
          %swap3A_698 = arith.constant 736 : index
          %swap3A_699 = tpu.vector_load %arg6[%swap3A_697, %swap3A_698] {strides = array<i32>} : memref<16x1024xf32, #tpu.memory_space<vmem>>, vector<1x16xf32>,
          %swap3A_700 = vector.shape_cast %swap3A_699 : vector<1x16xf32> to vector<16xf32>
          %swap3A_701 = vector.shape_cast %mul3A_696 : vector<16xf32> to vector<1x16xf32>
          tpu.vector_store %arg6[%swap3A_697, %swap3A_698], %swap3A_701 {strides = array<i32>} : memref<16x1024xf32, #tpu.memory_space<vmem>>, vector<1x16xf32>,
          %get3A_702 = arith.index_cast %scan3A_139 : i32 to index
          %get3A_703 = arith.constant 752 : index
          %get3A_704 = tpu.vector_load %arg6[%get3A_702, %get3A_703] {strides = array<i32>} : memref<16x1024xf32, #tpu.memory_space<vmem>>, vector<1x16xf32>,
          %get3A_705 = vector.shape_cast %get3A_704 : vector<1x16xf32> to vector<16xf32>
          %mul3A_706 = arith.constant 3.200000e+01 : f32
          %mul3A_707 = vector.broadcast %mul3A_706 : f32 to vector<16xf32>
          %mul3A_708 = arith.mulf %get3A_705, %mul3A_707 : vector<16xf32>
          %swap3A_709 = arith.index_cast %scan3A_139 : i32 to index
          %swap3A_710 = arith.constant 752 : index
          %swap3A_711 = tpu.vector_load %arg6[%swap3A_709, %swap3A_710] {strides = array<i32>} : memref<16x1024xf32, #tpu.memory_space<vmem>>, vector<1x16xf32>,
          %swap3A_712 = vector.shape_cast %swap3A_711 : vector<1x16xf32> to vector<16xf32>
          %swap3A_713 = vector.shape_cast %mul3A_708 : vector<16xf32> to vector<1x16xf32>
          tpu.vector_store %arg6[%swap3A_709, %swap3A_710], %swap3A_713 {strides = array<i32>} : memref<16x1024xf32, #tpu.memory_space<vmem>>, vector<1x16xf32>,
          %get3A_714 = arith.index_cast %scan3A_139 : i32 to index
          %get3A_715 = arith.constant 768 : index
          %get3A_716 = tpu.vector_load %arg6[%get3A_714, %get3A_715] {strides = array<i32>} : memref<16x1024xf32, #tpu.memory_space<vmem>>, vector<1x16xf32>,
          %get3A_717 = vector.shape_cast %get3A_716 : vector<1x16xf32> to vector<16xf32>
          %mul3A_718 = arith.constant 3.200000e+01 : f32
          %mul3A_719 = vector.broadcast %mul3A_718 : f32 to vector<16xf32>
          %mul3A_720 = arith.mulf %get3A_717, %mul3A_719 : vector<16xf32>
          %swap3A_721 = arith.index_cast %scan3A_139 : i32 to index
          %swap3A_722 = arith.constant 768 : index
          %swap3A_723 = tpu.vector_load %arg6[%swap3A_721, %swap3A_722] {strides = array<i32>} : memref<16x1024xf32, #tpu.memory_space<vmem>>, vector<1x16xf32>,
          %swap3A_724 = vector.shape_cast %swap3A_723 : vector<1x16xf32> to vector<16xf32>
          %swap3A_725 = vector.shape_cast %mul3A_720 : vector<16xf32> to vector<1x16xf32>
          tpu.vector_store %arg6[%swap3A_721, %swap3A_722], %swap3A_725 {strides = array<i32>} : memref<16x1024xf32, #tpu.memory_space<vmem>>, vector<1x16xf32>,
          %get3A_726 = arith.index_cast %scan3A_139 : i32 to index
          %get3A_727 = arith.constant 784 : index
          %get3A_728 = tpu.vector_load %arg6[%get3A_726, %get3A_727] {strides = array<i32>} : memref<16x1024xf32, #tpu.memory_space<vmem>>, vector<1x16xf32>,
          %get3A_729 = vector.shape_cast %get3A_728 : vector<1x16xf32> to vector<16xf32>
          %mul3A_730 = arith.constant 3.200000e+01 : f32
          %mul3A_731 = vector.broadcast %mul3A_730 : f32 to vector<16xf32>
          %mul3A_732 = arith.mulf %get3A_729, %mul3A_731 : vector<16xf32>
          %swap3A_733 = arith.index_cast %scan3A_139 : i32 to index
          %swap3A_734 = arith.constant 784 : index
          %swap3A_735 = tpu.vector_load %arg6[%swap3A_733, %swap3A_734] {strides = array<i32>} : memref<16x1024xf32, #tpu.memory_space<vmem>>, vector<1x16xf32>,
          %swap3A_736 = vector.shape_cast %swap3A_735 : vector<1x16xf32> to vector<16xf32>
          %swap3A_737 = vector.shape_cast %mul3A_732 : vector<16xf32> to vector<1x16xf32>
          tpu.vector_store %arg6[%swap3A_733, %swap3A_734], %swap3A_737 {strides = array<i32>} : memref<16x1024xf32, #tpu.memory_space<vmem>>, vector<1x16xf32>,
          %get3A_738 = arith.index_cast %scan3A_139 : i32 to index
          %get3A_739 = arith.constant 800 : index
          %get3A_740 = tpu.vector_load %arg6[%get3A_738, %get3A_739] {strides = array<i32>} : memref<16x1024xf32, #tpu.memory_space<vmem>>, vector<1x16xf32>,
          %get3A_741 = vector.shape_cast %get3A_740 : vector<1x16xf32> to vector<16xf32>
          %mul3A_742 = arith.constant 3.200000e+01 : f32
          %mul3A_743 = vector.broadcast %mul3A_742 : f32 to vector<16xf32>
          %mul3A_744 = arith.mulf %get3A_741, %mul3A_743 : vector<16xf32>
          %swap3A_745 = arith.index_cast %scan3A_139 : i32 to index
          %swap3A_746 = arith.constant 800 : index
          %swap3A_747 = tpu.vector_load %arg6[%swap3A_745, %swap3A_746] {strides = array<i32>} : memref<16x1024xf32, #tpu.memory_space<vmem>>, vector<1x16xf32>,
          %swap3A_748 = vector.shape_cast %swap3A_747 : vector<1x16xf32> to vector<16xf32>
          %swap3A_749 = vector.shape_cast %mul3A_744 : vector<16xf32> to vector<1x16xf32>
          tpu.vector_store %arg6[%swap3A_745, %swap3A_746], %swap3A_749 {strides = array<i32>} : memref<16x1024xf32, #tpu.memory_space<vmem>>, vector<1x16xf32>,
          %get3A_750 = arith.index_cast %scan3A_139 : i32 to index
          %get3A_751 = arith.constant 816 : index
          %get3A_752 = tpu.vector_load %arg6[%get3A_750, %get3A_751] {strides = array<i32>} : memref<16x1024xf32, #tpu.memory_space<vmem>>, vector<1x16xf32>,
          %get3A_753 = vector.shape_cast %get3A_752 : vector<1x16xf32> to vector<16xf32>
          %mul3A_754 = arith.constant 3.200000e+01 : f32
          %mul3A_755 = vector.broadcast %mul3A_754 : f32 to vector<16xf32>
          %mul3A_756 = arith.mulf %get3A_753, %mul3A_755 : vector<16xf32>
          %swap3A_757 = arith.index_cast %scan3A_139 : i32 to index
          %swap3A_758 = arith.constant 816 : index
          %swap3A_759 = tpu.vector_load %arg6[%swap3A_757, %swap3A_758] {strides = array<i32>} : memref<16x1024xf32, #tpu.memory_space<vmem>>, vector<1x16xf32>,
          %swap3A_760 = vector.shape_cast %swap3A_759 : vector<1x16xf32> to vector<16xf32>
          %swap3A_761 = vector.shape_cast %mul3A_756 : vector<16xf32> to vector<1x16xf32>
          tpu.vector_store %arg6[%swap3A_757, %swap3A_758], %swap3A_761 {strides = array<i32>} : memref<16x1024xf32, #tpu.memory_space<vmem>>, vector<1x16xf32>,
          %get3A_762 = arith.index_cast %scan3A_139 : i32 to index
          %get3A_763 = arith.constant 832 : index
          %get3A_764 = tpu.vector_load %arg6[%get3A_762, %get3A_763] {strides = array<i32>} : memref<16x1024xf32, #tpu.memory_space<vmem>>, vector<1x16xf32>,
          %get3A_765 = vector.shape_cast %get3A_764 : vector<1x16xf32> to vector<16xf32>
          %mul3A_766 = arith.constant 3.200000e+01 : f32
          %mul3A_767 = vector.broadcast %mul3A_766 : f32 to vector<16xf32>
          %mul3A_768 = arith.mulf %get3A_765, %mul3A_767 : vector<16xf32>
          %swap3A_769 = arith.index_cast %scan3A_139 : i32 to index
          %swap3A_770 = arith.constant 832 : index
          %swap3A_771 = tpu.vector_load %arg6[%swap3A_769, %swap3A_770] {strides = array<i32>} : memref<16x1024xf32, #tpu.memory_space<vmem>>, vector<1x16xf32>,
          %swap3A_772 = vector.shape_cast %swap3A_771 : vector<1x16xf32> to vector<16xf32>
          %swap3A_773 = vector.shape_cast %mul3A_768 : vector<16xf32> to vector<1x16xf32>
          tpu.vector_store %arg6[%swap3A_769, %swap3A_770], %swap3A_773 {strides = array<i32>} : memref<16x1024xf32, #tpu.memory_space<vmem>>, vector<1x16xf32>,
          %get3A_774 = arith.index_cast %scan3A_139 : i32 to index
          %get3A_775 = arith.constant 848 : index
          %get3A_776 = tpu.vector_load %arg6[%get3A_774, %get3A_775] {strides = array<i32>} : memref<16x1024xf32, #tpu.memory_space<vmem>>, vector<1x16xf32>,
          %get3A_777 = vector.shape_cast %get3A_776 : vector<1x16xf32> to vector<16xf32>
          %mul3A_778 = arith.constant 3.200000e+01 : f32
          %mul3A_779 = vector.broadcast %mul3A_778 : f32 to vector<16xf32>
          %mul3A_780 = arith.mulf %get3A_777, %mul3A_779 : vector<16xf32>
          %swap3A_781 = arith.index_cast %scan3A_139 : i32 to index
          %swap3A_782 = arith.constant 848 : index
          %swap3A_783 = tpu.vector_load %arg6[%swap3A_781, %swap3A_782] {strides = array<i32>} : memref<16x1024xf32, #tpu.memory_space<vmem>>, vector<1x16xf32>,
          %swap3A_784 = vector.shape_cast %swap3A_783 : vector<1x16xf32> to vector<16xf32>
          %swap3A_785 = vector.shape_cast %mul3A_780 : vector<16xf32> to vector<1x16xf32>
          tpu.vector_store %arg6[%swap3A_781, %swap3A_782], %swap3A_785 {strides = array<i32>} : memref<16x1024xf32, #tpu.memory_space<vmem>>, vector<1x16xf32>,
          %get3A_786 = arith.index_cast %scan3A_139 : i32 to index
          %get3A_787 = arith.constant 864 : index
          %get3A_788 = tpu.vector_load %arg6[%get3A_786, %get3A_787] {strides = array<i32>} : memref<16x1024xf32, #tpu.memory_space<vmem>>, vector<1x16xf32>,
          %get3A_789 = vector.shape_cast %get3A_788 : vector<1x16xf32> to vector<16xf32>
          %mul3A_790 = arith.constant 3.200000e+01 : f32
          %mul3A_791 = vector.broadcast %mul3A_790 : f32 to vector<16xf32>
          %mul3A_792 = arith.mulf %get3A_789, %mul3A_791 : vector<16xf32>
          %swap3A_793 = arith.index_cast %scan3A_139 : i32 to index
          %swap3A_794 = arith.constant 864 : index
          %swap3A_795 = tpu.vector_load %arg6[%swap3A_793, %swap3A_794] {strides = array<i32>} : memref<16x1024xf32, #tpu.memory_space<vmem>>, vector<1x16xf32>,
          %swap3A_796 = vector.shape_cast %swap3A_795 : vector<1x16xf32> to vector<16xf32>
          %swap3A_797 = vector.shape_cast %mul3A_792 : vector<16xf32> to vector<1x16xf32>
          tpu.vector_store %arg6[%swap3A_793, %swap3A_794], %swap3A_797 {strides = array<i32>} : memref<16x1024xf32, #tpu.memory_space<vmem>>, vector<1x16xf32>,
          %get3A_798 = arith.index_cast %scan3A_139 : i32 to index
          %get3A_799 = arith.constant 880 : index
          %get3A_800 = tpu.vector_load %arg6[%get3A_798, %get3A_799] {strides = array<i32>} : memref<16x1024xf32, #tpu.memory_space<vmem>>, vector<1x16xf32>,
          %get3A_801 = vector.shape_cast %get3A_800 : vector<1x16xf32> to vector<16xf32>
          %mul3A_802 = arith.constant 3.200000e+01 : f32
          %mul3A_803 = vector.broadcast %mul3A_802 : f32 to vector<16xf32>
          %mul3A_804 = arith.mulf %get3A_801, %mul3A_803 : vector<16xf32>
          %swap3A_805 = arith.index_cast %scan3A_139 : i32 to index
          %swap3A_806 = arith.constant 880 : index
          %swap3A_807 = tpu.vector_load %arg6[%swap3A_805, %swap3A_806] {strides = array<i32>} : memref<16x1024xf32, #tpu.memory_space<vmem>>, vector<1x16xf32>,
          %swap3A_808 = vector.shape_cast %swap3A_807 : vector<1x16xf32> to vector<16xf32>
          %swap3A_809 = vector.shape_cast %mul3A_804 : vector<16xf32> to vector<1x16xf32>
          tpu.vector_store %arg6[%swap3A_805, %swap3A_806], %swap3A_809 {strides = array<i32>} : memref<16x1024xf32, #tpu.memory_space<vmem>>, vector<1x16xf32>,
          %get3A_810 = arith.index_cast %scan3A_139 : i32 to index
          %get3A_811 = arith.constant 896 : index
          %get3A_812 = tpu.vector_load %arg6[%get3A_810, %get3A_811] {strides = array<i32>} : memref<16x1024xf32, #tpu.memory_space<vmem>>, vector<1x16xf32>,
          %get3A_813 = vector.shape_cast %get3A_812 : vector<1x16xf32> to vector<16xf32>
          %mul3A_814 = arith.constant 3.200000e+01 : f32
          %mul3A_815 = vector.broadcast %mul3A_814 : f32 to vector<16xf32>
          %mul3A_816 = arith.mulf %get3A_813, %mul3A_815 : vector<16xf32>
          %swap3A_817 = arith.index_cast %scan3A_139 : i32 to index
          %swap3A_818 = arith.constant 896 : index
          %swap3A_819 = tpu.vector_load %arg6[%swap3A_817, %swap3A_818] {strides = array<i32>} : memref<16x1024xf32, #tpu.memory_space<vmem>>, vector<1x16xf32>,
          %swap3A_820 = vector.shape_cast %swap3A_819 : vector<1x16xf32> to vector<16xf32>
          %swap3A_821 = vector.shape_cast %mul3A_816 : vector<16xf32> to vector<1x16xf32>
          tpu.vector_store %arg6[%swap3A_817, %swap3A_818], %swap3A_821 {strides = array<i32>} : memref<16x1024xf32, #tpu.memory_space<vmem>>, vector<1x16xf32>,
          %get3A_822 = arith.index_cast %scan3A_139 : i32 to index
          %get3A_823 = arith.constant 912 : index
          %get3A_824 = tpu.vector_load %arg6[%get3A_822, %get3A_823] {strides = array<i32>} : memref<16x1024xf32, #tpu.memory_space<vmem>>, vector<1x16xf32>,
          %get3A_825 = vector.shape_cast %get3A_824 : vector<1x16xf32> to vector<16xf32>
          %mul3A_826 = arith.constant 3.200000e+01 : f32
          %mul3A_827 = vector.broadcast %mul3A_826 : f32 to vector<16xf32>
          %mul3A_828 = arith.mulf %get3A_825, %mul3A_827 : vector<16xf32>
          %swap3A_829 = arith.index_cast %scan3A_139 : i32 to index
          %swap3A_830 = arith.constant 912 : index
          %swap3A_831 = tpu.vector_load %arg6[%swap3A_829, %swap3A_830] {strides = array<i32>} : memref<16x1024xf32, #tpu.memory_space<vmem>>, vector<1x16xf32>,
          %swap3A_832 = vector.shape_cast %swap3A_831 : vector<1x16xf32> to vector<16xf32>
          %swap3A_833 = vector.shape_cast %mul3A_828 : vector<16xf32> to vector<1x16xf32>
          tpu.vector_store %arg6[%swap3A_829, %swap3A_830], %swap3A_833 {strides = array<i32>} : memref<16x1024xf32, #tpu.memory_space<vmem>>, vector<1x16xf32>,
          %get3A_834 = arith.index_cast %scan3A_139 : i32 to index
          %get3A_835 = arith.constant 928 : index
          %get3A_836 = tpu.vector_load %arg6[%get3A_834, %get3A_835] {strides = array<i32>} : memref<16x1024xf32, #tpu.memory_space<vmem>>, vector<1x16xf32>,
          %get3A_837 = vector.shape_cast %get3A_836 : vector<1x16xf32> to vector<16xf32>
          %mul3A_838 = arith.constant 3.200000e+01 : f32
          %mul3A_839 = vector.broadcast %mul3A_838 : f32 to vector<16xf32>
          %mul3A_840 = arith.mulf %get3A_837, %mul3A_839 : vector<16xf32>
          %swap3A_841 = arith.index_cast %scan3A_139 : i32 to index
          %swap3A_842 = arith.constant 928 : index
          %swap3A_843 = tpu.vector_load %arg6[%swap3A_841, %swap3A_842] {strides = array<i32>} : memref<16x1024xf32, #tpu.memory_space<vmem>>, vector<1x16xf32>,
          %swap3A_844 = vector.shape_cast %swap3A_843 : vector<1x16xf32> to vector<16xf32>
          %swap3A_845 = vector.shape_cast %mul3A_840 : vector<16xf32> to vector<1x16xf32>
          tpu.vector_store %arg6[%swap3A_841, %swap3A_842], %swap3A_845 {strides = array<i32>} : memref<16x1024xf32, #tpu.memory_space<vmem>>, vector<1x16xf32>,
          %get3A_846 = arith.index_cast %scan3A_139 : i32 to index
          %get3A_847 = arith.constant 944 : index
          %get3A_848 = tpu.vector_load %arg6[%get3A_846, %get3A_847] {strides = array<i32>} : memref<16x1024xf32, #tpu.memory_space<vmem>>, vector<1x16xf32>,
          %get3A_849 = vector.shape_cast %get3A_848 : vector<1x16xf32> to vector<16xf32>
          %mul3A_850 = arith.constant 3.200000e+01 : f32
          %mul3A_851 = vector.broadcast %mul3A_850 : f32 to vector<16xf32>
          %mul3A_852 = arith.mulf %get3A_849, %mul3A_851 : vector<16xf32>
          %swap3A_853 = arith.index_cast %scan3A_139 : i32 to index
          %swap3A_854 = arith.constant 944 : index
          %swap3A_855 = tpu.vector_load %arg6[%swap3A_853, %swap3A_854] {strides = array<i32>} : memref<16x1024xf32, #tpu.memory_space<vmem>>, vector<1x16xf32>,
          %swap3A_856 = vector.shape_cast %swap3A_855 : vector<1x16xf32> to vector<16xf32>
          %swap3A_857 = vector.shape_cast %mul3A_852 : vector<16xf32> to vector<1x16xf32>
          tpu.vector_store %arg6[%swap3A_853, %swap3A_854], %swap3A_857 {strides = array<i32>} : memref<16x1024xf32, #tpu.memory_space<vmem>>, vector<1x16xf32>,
          %get3A_858 = arith.index_cast %scan3A_139 : i32 to index
          %get3A_859 = arith.constant 960 : index
          %get3A_860 = tpu.vector_load %arg6[%get3A_858, %get3A_859] {strides = array<i32>} : memref<16x1024xf32, #tpu.memory_space<vmem>>, vector<1x16xf32>,
          %get3A_861 = vector.shape_cast %get3A_860 : vector<1x16xf32> to vector<16xf32>
          %mul3A_862 = arith.constant 3.200000e+01 : f32
          %mul3A_863 = vector.broadcast %mul3A_862 : f32 to vector<16xf32>
          %mul3A_864 = arith.mulf %get3A_861, %mul3A_863 : vector<16xf32>
          %swap3A_865 = arith.index_cast %scan3A_139 : i32 to index
          %swap3A_866 = arith.constant 960 : index
          %swap3A_867 = tpu.vector_load %arg6[%swap3A_865, %swap3A_866] {strides = array<i32>} : memref<16x1024xf32, #tpu.memory_space<vmem>>, vector<1x16xf32>,
          %swap3A_868 = vector.shape_cast %swap3A_867 : vector<1x16xf32> to vector<16xf32>
          %swap3A_869 = vector.shape_cast %mul3A_864 : vector<16xf32> to vector<1x16xf32>
          tpu.vector_store %arg6[%swap3A_865, %swap3A_866], %swap3A_869 {strides = array<i32>} : memref<16x1024xf32, #tpu.memory_space<vmem>>, vector<1x16xf32>,
          %get3A_870 = arith.index_cast %scan3A_139 : i32 to index
          %get3A_871 = arith.constant 976 : index
          %get3A_872 = tpu.vector_load %arg6[%get3A_870, %get3A_871] {strides = array<i32>} : memref<16x1024xf32, #tpu.memory_space<vmem>>, vector<1x16xf32>,
          %get3A_873 = vector.shape_cast %get3A_872 : vector<1x16xf32> to vector<16xf32>
          %mul3A_874 = arith.constant 3.200000e+01 : f32
          %mul3A_875 = vector.broadcast %mul3A_874 : f32 to vector<16xf32>
          %mul3A_876 = arith.mulf %get3A_873, %mul3A_875 : vector<16xf32>
          %swap3A_877 = arith.index_cast %scan3A_139 : i32 to index
          %swap3A_878 = arith.constant 976 : index
          %swap3A_879 = tpu.vector_load %arg6[%swap3A_877, %swap3A_878] {strides = array<i32>} : memref<16x1024xf32, #tpu.memory_space<vmem>>, vector<1x16xf32>,
          %swap3A_880 = vector.shape_cast %swap3A_879 : vector<1x16xf32> to vector<16xf32>
          %swap3A_881 = vector.shape_cast %mul3A_876 : vector<16xf32> to vector<1x16xf32>
          tpu.vector_store %arg6[%swap3A_877, %swap3A_878], %swap3A_881 {strides = array<i32>} : memref<16x1024xf32, #tpu.memory_space<vmem>>, vector<1x16xf32>,
          %get3A_882 = arith.index_cast %scan3A_139 : i32 to index
          %get3A_883 = arith.constant 992 : index
          %get3A_884 = tpu.vector_load %arg6[%get3A_882, %get3A_883] {strides = array<i32>} : memref<16x1024xf32, #tpu.memory_space<vmem>>, vector<1x16xf32>,
          %get3A_885 = vector.shape_cast %get3A_884 : vector<1x16xf32> to vector<16xf32>
          %mul3A_886 = arith.constant 3.200000e+01 : f32
          %mul3A_887 = vector.broadcast %mul3A_886 : f32 to vector<16xf32>
          %mul3A_888 = arith.mulf %get3A_885, %mul3A_887 : vector<16xf32>
          %swap3A_889 = arith.index_cast %scan3A_139 : i32 to index
          %swap3A_890 = arith.constant 992 : index
          %swap3A_891 = tpu.vector_load %arg6[%swap3A_889, %swap3A_890] {strides = array<i32>} : memref<16x1024xf32, #tpu.memory_space<vmem>>, vector<1x16xf32>,
          %swap3A_892 = vector.shape_cast %swap3A_891 : vector<1x16xf32> to vector<16xf32>
          %swap3A_893 = vector.shape_cast %mul3A_888 : vector<16xf32> to vector<1x16xf32>
          tpu.vector_store %arg6[%swap3A_889, %swap3A_890], %swap3A_893 {strides = array<i32>} : memref<16x1024xf32, #tpu.memory_space<vmem>>, vector<1x16xf32>,
          %get3A_894 = arith.index_cast %scan3A_139 : i32 to index
          %get3A_895 = arith.constant 1008 : index
          %get3A_896 = tpu.vector_load %arg6[%get3A_894, %get3A_895] {strides = array<i32>} : memref<16x1024xf32, #tpu.memory_space<vmem>>, vector<1x16xf32>,
          %get3A_897 = vector.shape_cast %get3A_896 : vector<1x16xf32> to vector<16xf32>
          %mul3A_898 = arith.constant 3.200000e+01 : f32
          %mul3A_899 = vector.broadcast %mul3A_898 : f32 to vector<16xf32>
          %mul3A_900 = arith.mulf %get3A_897, %mul3A_899 : vector<16xf32>
          %swap3A_901 = arith.index_cast %scan3A_139 : i32 to index
          %swap3A_902 = arith.constant 1008 : index
          %swap3A_903 = tpu.vector_load %arg6[%swap3A_901, %swap3A_902] {strides = array<i32>} : memref<16x1024xf32, #tpu.memory_space<vmem>>, vector<1x16xf32>,
          %swap3A_904 = vector.shape_cast %swap3A_903 : vector<1x16xf32> to vector<16xf32>
          %swap3A_905 = vector.shape_cast %mul3A_900 : vector<16xf32> to vector<1x16xf32>
          tpu.vector_store %arg6[%swap3A_901, %swap3A_902], %swap3A_905 {strides = array<i32>} : memref<16x1024xf32, #tpu.memory_space<vmem>>, vector<1x16xf32>,
        }
        %scan3A_131 = arith.constant 16 : i32
        %mul3A_132 = arith.constant 16 : i32
        %mul3A_133 = arith.muli %add3A_54, %mul3A_132 : i32
        %add3A_134 = arith.addi %mul3A_2, %mul3A_133 : i32
        %dma_start3A_135 = arith.constant 0 : i32
        %dma_start3A_136 = tpu.memref_slice %arg4[%add3A_134, %dma_start3A_135] : memref<32768x1024xf32, #tpu.memory_space<hbm>> -> memref<16x1024xf32, #tpu.memory_space<hbm>>
        %dma_start3A_137 = arith.constant 0 : i32
        %dma_start3A_138 = tpu.memref_slice %arg4[%add3A_134, %dma_start3A_137] : memref<32768x1024xf32, #tpu.memory_space<hbm>> -> memref<16x1024xf32, #tpu.memory_space<hbm>>
        tpu.enqueue_dma source(%arg6 : memref<16x1024xf32, #tpu.memory_space<vmem>>) target(%dma_start3A_138 : memref<16x1024xf32, #tpu.memory_space<hbm>>) target_semaphore(%arg16 : memref<!tpu.dma_semaphore, #tpu.memory_space<semaphore_mem>>)
      } else {
      }
      %add3A_64 = arith.constant 1 : i32
      %add3A_65 = arith.addi %mul3A_52, %add3A_64 : i32
      %add3A_66 = arith.constant 2 : i32
      %add3A_67 = arith.addi %add3A_65, %add3A_66 : i32
      %lt3A_68 = arith.constant 64 : i32
      %lt3A_69 = arith.cmpi slt, %add3A_67, %lt3A_68 : i32
      %convert_element_type3A_70 = arith.extui %lt3A_69 : i1 to i32
      %cond3A_71 = arith.constant 0 : i32
      %cond3A_72 = arith.cmpi ne, %convert_element_type3A_70, %cond3A_71 : i32
      scf.if %cond3A_72 {
        %add3A_120 = arith.constant 2 : i32
        %add3A_121 = arith.addi %add3A_65, %add3A_120 : i32
        %ge3A = arith.constant 5 : i32
        %ge3A_122 = arith.cmpi sge, %add3A_121, %ge3A : i32
        %convert_element_type3A_123 = arith.extui %ge3A_122 : i1 to i32
        %cond3A_124 = arith.constant 0 : i32
        %cond3A_125 = arith.cmpi ne, %convert_element_type3A_123, %cond3A_124 : i32
        scf.if %cond3A_125 {
          %dma_wait3A_134 = arith.constant 0 : i32
          %dma_wait3A_135 = arith.constant 0 : i32
          %dma_wait3A_136 = tpu.memref_slice %arg4[%dma_wait3A_134, %dma_wait3A_135] : memref<32768x1024xf32, #tpu.memory_space<hbm>> -> memref<16x1024xf32, #tpu.memory_space<hbm>>
          %dma_wait3A_137 = arith.constant 0 : i32
          %dma_wait3A_138 = arith.constant 0 : i32
          %dma_wait3A_139 = tpu.memref_slice %arg4[%dma_wait3A_137, %dma_wait3A_138] : memref<32768x1024xf32, #tpu.memory_space<hbm>> -> memref<16x1024xf32, #tpu.memory_space<hbm>>
          tpu.wait_dma2 semaphore(%arg19 : memref<!tpu.dma_semaphore, #tpu.memory_space<semaphore_mem>>) src(%arg9 : memref<16x1024xf32, #tpu.memory_space<vmem>>) dst(%dma_wait3A_139 : memref<16x1024xf32, #tpu.memory_space<hbm>>)
        } else {
        }
        %add3A_126 = arith.constant 2 : i32
        %add3A_127 = arith.addi %add3A_65, %add3A_126 : i32
        %dma_start3A_128 = arith.constant 0 : i32
        %dma_start3A_129 = tpu.memref_slice %arg5[%add3A_127, %dma_start3A_128] : memref<64x16xi32, #tpu.memory_space<vmem>> -> memref<1x16xi32, #tpu.memory_space<vmem>>
        %dma_start3A_130 = tpu.memref_squeeze %dma_start3A_129 : memref<1x16xi32, #tpu.memory_space<vmem>> -> memref<16xi32, #tpu.memory_space<vmem>>
        %dma_start3A_131 = arith.constant 0 : i32
        %dma_start3A_132 = arith.constant 0 : i32
        %dma_start3A_133 = tpu.memref_slice %arg3[%dma_start3A_131, %dma_start3A_132] : memref<100000x1024xf32, #tpu.memory_space<hbm>> -> memref<100000x1024xf32, #tpu.memory_space<hbm>>
        tpu.enqueue_indirect_dma source(%dma_start3A_133 : memref<100000x1024xf32, #tpu.memory_space<hbm>>) target(%arg9 : memref<16x1024xf32, #tpu.memory_space<vmem>>) offsets(%dma_start3A_130 : memref<16xi32, #tpu.memory_space<vmem>>) semaphore(%arg14 : memref<!tpu.dma_semaphore, #tpu.memory_space<semaphore_mem>>)
      } else {
      }
      %lt3A_73 = arith.constant 64 : i32
      %lt3A_74 = arith.cmpi slt, %add3A_65, %lt3A_73 : i32
      %convert_element_type3A_75 = arith.extui %lt3A_74 : i1 to i32
      %cond3A_76 = arith.constant 0 : i32
      %cond3A_77 = arith.cmpi ne, %convert_element_type3A_75, %cond3A_76 : i32
      scf.if %cond3A_77 {
        %dma_wait3A_120 = arith.constant 0 : i32
        %dma_wait3A_121 = arith.constant 0 : i32
        %dma_wait3A_122 = tpu.memref_slice %arg3[%dma_wait3A_120, %dma_wait3A_121] : memref<100000x1024xf32, #tpu.memory_space<hbm>> -> memref<16x1024xf32, #tpu.memory_space<hbm>>
        %dma_wait3A_123 = arith.constant 0 : i32
        %dma_wait3A_124 = arith.constant 0 : i32
        %dma_wait3A_125 = tpu.memref_slice %arg3[%dma_wait3A_123, %dma_wait3A_124] : memref<100000x1024xf32, #tpu.memory_space<hbm>> -> memref<16x1024xf32, #tpu.memory_space<hbm>>
        tpu.wait_dma2 semaphore(%arg12 : memref<!tpu.dma_semaphore, #tpu.memory_space<semaphore_mem>>) src(%dma_wait3A_125 : memref<16x1024xf32, #tpu.memory_space<hbm>>) dst(%arg7 : memref<16x1024xf32, #tpu.memory_space<vmem>>)
        %scan3A_126 = arith.constant 0 : i32
        %scan3A_127 = arith.constant 0 : i32
        %scan3A_128 = arith.constant 16 : i32
        %scan3A_129 = arith.addi %scan3A_127, %scan3A_128 : i32
        %scan3A_130 = arith.constant 1 : i32
        scf.for %scan3A_139 = %scan3A_127 to %scan3A_129 step %scan3A_130  : i32 {
          %get3A = arith.index_cast %scan3A_139 : i32 to index
          %get3A_140 = arith.constant 0 : index
          %get3A_141 = tpu.vector_load %arg7[%get3A, %get3A_140] {strides = array<i32>} : memref<16x1024xf32, #tpu.memory_space<vmem>>, vector<1x16xf32>,
          %get3A_142 = vector.shape_cast %get3A_141 : vector<1x16xf32> to vector<16xf32>
          %mul3A_143 = arith.constant 3.200000e+01 : f32
          %mul3A_144 = vector.broadcast %mul3A_143 : f32 to vector<16xf32>
          %mul3A_145 = arith.mulf %get3A_142, %mul3A_144 : vector<16xf32>
          %swap3A = arith.index_cast %scan3A_139 : i32 to index
          %swap3A_146 = arith.constant 0 : index
          %swap3A_147 = tpu.vector_load %arg7[%swap3A, %swap3A_146] {strides = array<i32>} : memref<16x1024xf32, #tpu.memory_space<vmem>>, vector<1x16xf32>,
          %swap3A_148 = vector.shape_cast %swap3A_147 : vector<1x16xf32> to vector<16xf32>
          %swap3A_149 = vector.shape_cast %mul3A_145 : vector<16xf32> to vector<1x16xf32>
          tpu.vector_store %arg7[%swap3A, %swap3A_146], %swap3A_149 {strides = array<i32>} : memref<16x1024xf32, #tpu.memory_space<vmem>>, vector<1x16xf32>,
          %get3A_150 = arith.index_cast %scan3A_139 : i32 to index
          %get3A_151 = arith.constant 16 : index
          %get3A_152 = tpu.vector_load %arg7[%get3A_150, %get3A_151] {strides = array<i32>} : memref<16x1024xf32, #tpu.memory_space<vmem>>, vector<1x16xf32>,
          %get3A_153 = vector.shape_cast %get3A_152 : vector<1x16xf32> to vector<16xf32>
          %mul3A_154 = arith.constant 3.200000e+01 : f32
          %mul3A_155 = vector.broadcast %mul3A_154 : f32 to vector<16xf32>
          %mul3A_156 = arith.mulf %get3A_153, %mul3A_155 : vector<16xf32>
          %swap3A_157 = arith.index_cast %scan3A_139 : i32 to index
          %swap3A_158 = arith.constant 16 : index
          %swap3A_159 = tpu.vector_load %arg7[%swap3A_157, %swap3A_158] {strides = array<i32>} : memref<16x1024xf32, #tpu.memory_space<vmem>>, vector<1x16xf32>,
          %swap3A_160 = vector.shape_cast %swap3A_159 : vector<1x16xf32> to vector<16xf32>
          %swap3A_161 = vector.shape_cast %mul3A_156 : vector<16xf32> to vector<1x16xf32>
          tpu.vector_store %arg7[%swap3A_157, %swap3A_158], %swap3A_161 {strides = array<i32>} : memref<16x1024xf32, #tpu.memory_space<vmem>>, vector<1x16xf32>,
          %get3A_162 = arith.index_cast %scan3A_139 : i32 to index
          %get3A_163 = arith.constant 32 : index
          %get3A_164 = tpu.vector_load %arg7[%get3A_162, %get3A_163] {strides = array<i32>} : memref<16x1024xf32, #tpu.memory_space<vmem>>, vector<1x16xf32>,
          %get3A_165 = vector.shape_cast %get3A_164 : vector<1x16xf32> to vector<16xf32>
          %mul3A_166 = arith.constant 3.200000e+01 : f32
          %mul3A_167 = vector.broadcast %mul3A_166 : f32 to vector<16xf32>
          %mul3A_168 = arith.mulf %get3A_165, %mul3A_167 : vector<16xf32>
          %swap3A_169 = arith.index_cast %scan3A_139 : i32 to index
          %swap3A_170 = arith.constant 32 : index
          %swap3A_171 = tpu.vector_load %arg7[%swap3A_169, %swap3A_170] {strides = array<i32>} : memref<16x1024xf32, #tpu.memory_space<vmem>>, vector<1x16xf32>,
          %swap3A_172 = vector.shape_cast %swap3A_171 : vector<1x16xf32> to vector<16xf32>
          %swap3A_173 = vector.shape_cast %mul3A_168 : vector<16xf32> to vector<1x16xf32>
          tpu.vector_store %arg7[%swap3A_169, %swap3A_170], %swap3A_173 {strides = array<i32>} : memref<16x1024xf32, #tpu.memory_space<vmem>>, vector<1x16xf32>,
          %get3A_174 = arith.index_cast %scan3A_139 : i32 to index
          %get3A_175 = arith.constant 48 : index
          %get3A_176 = tpu.vector_load %arg7[%get3A_174, %get3A_175] {strides = array<i32>} : memref<16x1024xf32, #tpu.memory_space<vmem>>, vector<1x16xf32>,
          %get3A_177 = vector.shape_cast %get3A_176 : vector<1x16xf32> to vector<16xf32>
          %mul3A_178 = arith.constant 3.200000e+01 : f32
          %mul3A_179 = vector.broadcast %mul3A_178 : f32 to vector<16xf32>
          %mul3A_180 = arith.mulf %get3A_177, %mul3A_179 : vector<16xf32>
          %swap3A_181 = arith.index_cast %scan3A_139 : i32 to index
          %swap3A_182 = arith.constant 48 : index
          %swap3A_183 = tpu.vector_load %arg7[%swap3A_181, %swap3A_182] {strides = array<i32>} : memref<16x1024xf32, #tpu.memory_space<vmem>>, vector<1x16xf32>,
          %swap3A_184 = vector.shape_cast %swap3A_183 : vector<1x16xf32> to vector<16xf32>
          %swap3A_185 = vector.shape_cast %mul3A_180 : vector<16xf32> to vector<1x16xf32>
          tpu.vector_store %arg7[%swap3A_181, %swap3A_182], %swap3A_185 {strides = array<i32>} : memref<16x1024xf32, #tpu.memory_space<vmem>>, vector<1x16xf32>,
          %get3A_186 = arith.index_cast %scan3A_139 : i32 to index
          %get3A_187 = arith.constant 64 : index
          %get3A_188 = tpu.vector_load %arg7[%get3A_186, %get3A_187] {strides = array<i32>} : memref<16x1024xf32, #tpu.memory_space<vmem>>, vector<1x16xf32>,
          %get3A_189 = vector.shape_cast %get3A_188 : vector<1x16xf32> to vector<16xf32>
          %mul3A_190 = arith.constant 3.200000e+01 : f32
          %mul3A_191 = vector.broadcast %mul3A_190 : f32 to vector<16xf32>
          %mul3A_192 = arith.mulf %get3A_189, %mul3A_191 : vector<16xf32>
          %swap3A_193 = arith.index_cast %scan3A_139 : i32 to index
          %swap3A_194 = arith.constant 64 : index
          %swap3A_195 = tpu.vector_load %arg7[%swap3A_193, %swap3A_194] {strides = array<i32>} : memref<16x1024xf32, #tpu.memory_space<vmem>>, vector<1x16xf32>,
          %swap3A_196 = vector.shape_cast %swap3A_195 : vector<1x16xf32> to vector<16xf32>
          %swap3A_197 = vector.shape_cast %mul3A_192 : vector<16xf32> to vector<1x16xf32>
          tpu.vector_store %arg7[%swap3A_193, %swap3A_194], %swap3A_197 {strides = array<i32>} : memref<16x1024xf32, #tpu.memory_space<vmem>>, vector<1x16xf32>,
          %get3A_198 = arith.index_cast %scan3A_139 : i32 to index
          %get3A_199 = arith.constant 80 : index
          %get3A_200 = tpu.vector_load %arg7[%get3A_198, %get3A_199] {strides = array<i32>} : memref<16x1024xf32, #tpu.memory_space<vmem>>, vector<1x16xf32>,
          %get3A_201 = vector.shape_cast %get3A_200 : vector<1x16xf32> to vector<16xf32>
          %mul3A_202 = arith.constant 3.200000e+01 : f32
          %mul3A_203 = vector.broadcast %mul3A_202 : f32 to vector<16xf32>
          %mul3A_204 = arith.mulf %get3A_201, %mul3A_203 : vector<16xf32>
          %swap3A_205 = arith.index_cast %scan3A_139 : i32 to index
          %swap3A_206 = arith.constant 80 : index
          %swap3A_207 = tpu.vector_load %arg7[%swap3A_205, %swap3A_206] {strides = array<i32>} : memref<16x1024xf32, #tpu.memory_space<vmem>>, vector<1x16xf32>,
          %swap3A_208 = vector.shape_cast %swap3A_207 : vector<1x16xf32> to vector<16xf32>
          %swap3A_209 = vector.shape_cast %mul3A_204 : vector<16xf32> to vector<1x16xf32>
          tpu.vector_store %arg7[%swap3A_205, %swap3A_206], %swap3A_209 {strides = array<i32>} : memref<16x1024xf32, #tpu.memory_space<vmem>>, vector<1x16xf32>,
          %get3A_210 = arith.index_cast %scan3A_139 : i32 to index
          %get3A_211 = arith.constant 96 : index
          %get3A_212 = tpu.vector_load %arg7[%get3A_210, %get3A_211] {strides = array<i32>} : memref<16x1024xf32, #tpu.memory_space<vmem>>, vector<1x16xf32>,
          %get3A_213 = vector.shape_cast %get3A_212 : vector<1x16xf32> to vector<16xf32>
          %mul3A_214 = arith.constant 3.200000e+01 : f32
          %mul3A_215 = vector.broadcast %mul3A_214 : f32 to vector<16xf32>
          %mul3A_216 = arith.mulf %get3A_213, %mul3A_215 : vector<16xf32>
          %swap3A_217 = arith.index_cast %scan3A_139 : i32 to index
          %swap3A_218 = arith.constant 96 : index
          %swap3A_219 = tpu.vector_load %arg7[%swap3A_217, %swap3A_218] {strides = array<i32>} : memref<16x1024xf32, #tpu.memory_space<vmem>>, vector<1x16xf32>,
          %swap3A_220 = vector.shape_cast %swap3A_219 : vector<1x16xf32> to vector<16xf32>
          %swap3A_221 = vector.shape_cast %mul3A_216 : vector<16xf32> to vector<1x16xf32>
          tpu.vector_store %arg7[%swap3A_217, %swap3A_218], %swap3A_221 {strides = array<i32>} : memref<16x1024xf32, #tpu.memory_space<vmem>>, vector<1x16xf32>,
          %get3A_222 = arith.index_cast %scan3A_139 : i32 to index
          %get3A_223 = arith.constant 112 : index
          %get3A_224 = tpu.vector_load %arg7[%get3A_222, %get3A_223] {strides = array<i32>} : memref<16x1024xf32, #tpu.memory_space<vmem>>, vector<1x16xf32>,
          %get3A_225 = vector.shape_cast %get3A_224 : vector<1x16xf32> to vector<16xf32>
          %mul3A_226 = arith.constant 3.200000e+01 : f32
          %mul3A_227 = vector.broadcast %mul3A_226 : f32 to vector<16xf32>
          %mul3A_228 = arith.mulf %get3A_225, %mul3A_227 : vector<16xf32>
          %swap3A_229 = arith.index_cast %scan3A_139 : i32 to index
          %swap3A_230 = arith.constant 112 : index
          %swap3A_231 = tpu.vector_load %arg7[%swap3A_229, %swap3A_230] {strides = array<i32>} : memref<16x1024xf32, #tpu.memory_space<vmem>>, vector<1x16xf32>,
          %swap3A_232 = vector.shape_cast %swap3A_231 : vector<1x16xf32> to vector<16xf32>
          %swap3A_233 = vector.shape_cast %mul3A_228 : vector<16xf32> to vector<1x16xf32>
          tpu.vector_store %arg7[%swap3A_229, %swap3A_230], %swap3A_233 {strides = array<i32>} : memref<16x1024xf32, #tpu.memory_space<vmem>>, vector<1x16xf32>,
          %get3A_234 = arith.index_cast %scan3A_139 : i32 to index
          %get3A_235 = arith.constant 128 : index
          %get3A_236 = tpu.vector_load %arg7[%get3A_234, %get3A_235] {strides = array<i32>} : memref<16x1024xf32, #tpu.memory_space<vmem>>, vector<1x16xf32>,
          %get3A_237 = vector.shape_cast %get3A_236 : vector<1x16xf32> to vector<16xf32>
          %mul3A_238 = arith.constant 3.200000e+01 : f32
          %mul3A_239 = vector.broadcast %mul3A_238 : f32 to vector<16xf32>
          %mul3A_240 = arith.mulf %get3A_237, %mul3A_239 : vector<16xf32>
          %swap3A_241 = arith.index_cast %scan3A_139 : i32 to index
          %swap3A_242 = arith.constant 128 : index
          %swap3A_243 = tpu.vector_load %arg7[%swap3A_241, %swap3A_242] {strides = array<i32>} : memref<16x1024xf32, #tpu.memory_space<vmem>>, vector<1x16xf32>,
          %swap3A_244 = vector.shape_cast %swap3A_243 : vector<1x16xf32> to vector<16xf32>
          %swap3A_245 = vector.shape_cast %mul3A_240 : vector<16xf32> to vector<1x16xf32>
          tpu.vector_store %arg7[%swap3A_241, %swap3A_242], %swap3A_245 {strides = array<i32>} : memref<16x1024xf32, #tpu.memory_space<vmem>>, vector<1x16xf32>,
          %get3A_246 = arith.index_cast %scan3A_139 : i32 to index
          %get3A_247 = arith.constant 144 : index
          %get3A_248 = tpu.vector_load %arg7[%get3A_246, %get3A_247] {strides = array<i32>} : memref<16x1024xf32, #tpu.memory_space<vmem>>, vector<1x16xf32>,
          %get3A_249 = vector.shape_cast %get3A_248 : vector<1x16xf32> to vector<16xf32>
          %mul3A_250 = arith.constant 3.200000e+01 : f32
          %mul3A_251 = vector.broadcast %mul3A_250 : f32 to vector<16xf32>
          %mul3A_252 = arith.mulf %get3A_249, %mul3A_251 : vector<16xf32>
          %swap3A_253 = arith.index_cast %scan3A_139 : i32 to index
          %swap3A_254 = arith.constant 144 : index
          %swap3A_255 = tpu.vector_load %arg7[%swap3A_253, %swap3A_254] {strides = array<i32>} : memref<16x1024xf32, #tpu.memory_space<vmem>>, vector<1x16xf32>,
          %swap3A_256 = vector.shape_cast %swap3A_255 : vector<1x16xf32> to vector<16xf32>
          %swap3A_257 = vector.shape_cast %mul3A_252 : vector<16xf32> to vector<1x16xf32>
          tpu.vector_store %arg7[%swap3A_253, %swap3A_254], %swap3A_257 {strides = array<i32>} : memref<16x1024xf32, #tpu.memory_space<vmem>>, vector<1x16xf32>,
          %get3A_258 = arith.index_cast %scan3A_139 : i32 to index
          %get3A_259 = arith.constant 160 : index
          %get3A_260 = tpu.vector_load %arg7[%get3A_258, %get3A_259] {strides = array<i32>} : memref<16x1024xf32, #tpu.memory_space<vmem>>, vector<1x16xf32>,
          %get3A_261 = vector.shape_cast %get3A_260 : vector<1x16xf32> to vector<16xf32>
          %mul3A_262 = arith.constant 3.200000e+01 : f32
          %mul3A_263 = vector.broadcast %mul3A_262 : f32 to vector<16xf32>
          %mul3A_264 = arith.mulf %get3A_261, %mul3A_263 : vector<16xf32>
          %swap3A_265 = arith.index_cast %scan3A_139 : i32 to index
          %swap3A_266 = arith.constant 160 : index
          %swap3A_267 = tpu.vector_load %arg7[%swap3A_265, %swap3A_266] {strides = array<i32>} : memref<16x1024xf32, #tpu.memory_space<vmem>>, vector<1x16xf32>,
          %swap3A_268 = vector.shape_cast %swap3A_267 : vector<1x16xf32> to vector<16xf32>
          %swap3A_269 = vector.shape_cast %mul3A_264 : vector<16xf32> to vector<1x16xf32>
          tpu.vector_store %arg7[%swap3A_265, %swap3A_266], %swap3A_269 {strides = array<i32>} : memref<16x1024xf32, #tpu.memory_space<vmem>>, vector<1x16xf32>,
          %get3A_270 = arith.index_cast %scan3A_139 : i32 to index
          %get3A_271 = arith.constant 176 : index
          %get3A_272 = tpu.vector_load %arg7[%get3A_270, %get3A_271] {strides = array<i32>} : memref<16x1024xf32, #tpu.memory_space<vmem>>, vector<1x16xf32>,
          %get3A_273 = vector.shape_cast %get3A_272 : vector<1x16xf32> to vector<16xf32>
          %mul3A_274 = arith.constant 3.200000e+01 : f32
          %mul3A_275 = vector.broadcast %mul3A_274 : f32 to vector<16xf32>
          %mul3A_276 = arith.mulf %get3A_273, %mul3A_275 : vector<16xf32>
          %swap3A_277 = arith.index_cast %scan3A_139 : i32 to index
          %swap3A_278 = arith.constant 176 : index
          %swap3A_279 = tpu.vector_load %arg7[%swap3A_277, %swap3A_278] {strides = array<i32>} : memref<16x1024xf32, #tpu.memory_space<vmem>>, vector<1x16xf32>,
          %swap3A_280 = vector.shape_cast %swap3A_279 : vector<1x16xf32> to vector<16xf32>
          %swap3A_281 = vector.shape_cast %mul3A_276 : vector<16xf32> to vector<1x16xf32>
          tpu.vector_store %arg7[%swap3A_277, %swap3A_278], %swap3A_281 {strides = array<i32>} : memref<16x1024xf32, #tpu.memory_space<vmem>>, vector<1x16xf32>,
          %get3A_282 = arith.index_cast %scan3A_139 : i32 to index
          %get3A_283 = arith.constant 192 : index
          %get3A_284 = tpu.vector_load %arg7[%get3A_282, %get3A_283] {strides = array<i32>} : memref<16x1024xf32, #tpu.memory_space<vmem>>, vector<1x16xf32>,
          %get3A_285 = vector.shape_cast %get3A_284 : vector<1x16xf32> to vector<16xf32>
          %mul3A_286 = arith.constant 3.200000e+01 : f32
          %mul3A_287 = vector.broadcast %mul3A_286 : f32 to vector<16xf32>
          %mul3A_288 = arith.mulf %get3A_285, %mul3A_287 : vector<16xf32>
          %swap3A_289 = arith.index_cast %scan3A_139 : i32 to index
          %swap3A_290 = arith.constant 192 : index
          %swap3A_291 = tpu.vector_load %arg7[%swap3A_289, %swap3A_290] {strides = array<i32>} : memref<16x1024xf32, #tpu.memory_space<vmem>>, vector<1x16xf32>,
          %swap3A_292 = vector.shape_cast %swap3A_291 : vector<1x16xf32> to vector<16xf32>
          %swap3A_293 = vector.shape_cast %mul3A_288 : vector<16xf32> to vector<1x16xf32>
          tpu.vector_store %arg7[%swap3A_289, %swap3A_290], %swap3A_293 {strides = array<i32>} : memref<16x1024xf32, #tpu.memory_space<vmem>>, vector<1x16xf32>,
          %get3A_294 = arith.index_cast %scan3A_139 : i32 to index
          %get3A_295 = arith.constant 208 : index
          %get3A_296 = tpu.vector_load %arg7[%get3A_294, %get3A_295] {strides = array<i32>} : memref<16x1024xf32, #tpu.memory_space<vmem>>, vector<1x16xf32>,
          %get3A_297 = vector.shape_cast %get3A_296 : vector<1x16xf32> to vector<16xf32>
          %mul3A_298 = arith.constant 3.200000e+01 : f32
          %mul3A_299 = vector.broadcast %mul3A_298 : f32 to vector<16xf32>
          %mul3A_300 = arith.mulf %get3A_297, %mul3A_299 : vector<16xf32>
          %swap3A_301 = arith.index_cast %scan3A_139 : i32 to index
          %swap3A_302 = arith.constant 208 : index
          %swap3A_303 = tpu.vector_load %arg7[%swap3A_301, %swap3A_302] {strides = array<i32>} : memref<16x1024xf32, #tpu.memory_space<vmem>>, vector<1x16xf32>,
          %swap3A_304 = vector.shape_cast %swap3A_303 : vector<1x16xf32> to vector<16xf32>
          %swap3A_305 = vector.shape_cast %mul3A_300 : vector<16xf32> to vector<1x16xf32>
          tpu.vector_store %arg7[%swap3A_301, %swap3A_302], %swap3A_305 {strides = array<i32>} : memref<16x1024xf32, #tpu.memory_space<vmem>>, vector<1x16xf32>,
          %get3A_306 = arith.index_cast %scan3A_139 : i32 to index
          %get3A_307 = arith.constant 224 : index
          %get3A_308 = tpu.vector_load %arg7[%get3A_306, %get3A_307] {strides = array<i32>} : memref<16x1024xf32, #tpu.memory_space<vmem>>, vector<1x16xf32>,
          %get3A_309 = vector.shape_cast %get3A_308 : vector<1x16xf32> to vector<16xf32>
          %mul3A_310 = arith.constant 3.200000e+01 : f32
          %mul3A_311 = vector.broadcast %mul3A_310 : f32 to vector<16xf32>
          %mul3A_312 = arith.mulf %get3A_309, %mul3A_311 : vector<16xf32>
          %swap3A_313 = arith.index_cast %scan3A_139 : i32 to index
          %swap3A_314 = arith.constant 224 : index
          %swap3A_315 = tpu.vector_load %arg7[%swap3A_313, %swap3A_314] {strides = array<i32>} : memref<16x1024xf32, #tpu.memory_space<vmem>>, vector<1x16xf32>,
          %swap3A_316 = vector.shape_cast %swap3A_315 : vector<1x16xf32> to vector<16xf32>
          %swap3A_317 = vector.shape_cast %mul3A_312 : vector<16xf32> to vector<1x16xf32>
          tpu.vector_store %arg7[%swap3A_313, %swap3A_314], %swap3A_317 {strides = array<i32>} : memref<16x1024xf32, #tpu.memory_space<vmem>>, vector<1x16xf32>,
          %get3A_318 = arith.index_cast %scan3A_139 : i32 to index
          %get3A_319 = arith.constant 240 : index
          %get3A_320 = tpu.vector_load %arg7[%get3A_318, %get3A_319] {strides = array<i32>} : memref<16x1024xf32, #tpu.memory_space<vmem>>, vector<1x16xf32>,
          %get3A_321 = vector.shape_cast %get3A_320 : vector<1x16xf32> to vector<16xf32>
          %mul3A_322 = arith.constant 3.200000e+01 : f32
          %mul3A_323 = vector.broadcast %mul3A_322 : f32 to vector<16xf32>
          %mul3A_324 = arith.mulf %get3A_321, %mul3A_323 : vector<16xf32>
          %swap3A_325 = arith.index_cast %scan3A_139 : i32 to index
          %swap3A_326 = arith.constant 240 : index
          %swap3A_327 = tpu.vector_load %arg7[%swap3A_325, %swap3A_326] {strides = array<i32>} : memref<16x1024xf32, #tpu.memory_space<vmem>>, vector<1x16xf32>,
          %swap3A_328 = vector.shape_cast %swap3A_327 : vector<1x16xf32> to vector<16xf32>
          %swap3A_329 = vector.shape_cast %mul3A_324 : vector<16xf32> to vector<1x16xf32>
          tpu.vector_store %arg7[%swap3A_325, %swap3A_326], %swap3A_329 {strides = array<i32>} : memref<16x1024xf32, #tpu.memory_space<vmem>>, vector<1x16xf32>,
          %get3A_330 = arith.index_cast %scan3A_139 : i32 to index
          %get3A_331 = arith.constant 256 : index
          %get3A_332 = tpu.vector_load %arg7[%get3A_330, %get3A_331] {strides = array<i32>} : memref<16x1024xf32, #tpu.memory_space<vmem>>, vector<1x16xf32>,
          %get3A_333 = vector.shape_cast %get3A_332 : vector<1x16xf32> to vector<16xf32>
          %mul3A_334 = arith.constant 3.200000e+01 : f32
          %mul3A_335 = vector.broadcast %mul3A_334 : f32 to vector<16xf32>
          %mul3A_336 = arith.mulf %get3A_333, %mul3A_335 : vector<16xf32>
          %swap3A_337 = arith.index_cast %scan3A_139 : i32 to index
          %swap3A_338 = arith.constant 256 : index
          %swap3A_339 = tpu.vector_load %arg7[%swap3A_337, %swap3A_338] {strides = array<i32>} : memref<16x1024xf32, #tpu.memory_space<vmem>>, vector<1x16xf32>,
          %swap3A_340 = vector.shape_cast %swap3A_339 : vector<1x16xf32> to vector<16xf32>
          %swap3A_341 = vector.shape_cast %mul3A_336 : vector<16xf32> to vector<1x16xf32>
          tpu.vector_store %arg7[%swap3A_337, %swap3A_338], %swap3A_341 {strides = array<i32>} : memref<16x1024xf32, #tpu.memory_space<vmem>>, vector<1x16xf32>,
          %get3A_342 = arith.index_cast %scan3A_139 : i32 to index
          %get3A_343 = arith.constant 272 : index
          %get3A_344 = tpu.vector_load %arg7[%get3A_342, %get3A_343] {strides = array<i32>} : memref<16x1024xf32, #tpu.memory_space<vmem>>, vector<1x16xf32>,
          %get3A_345 = vector.shape_cast %get3A_344 : vector<1x16xf32> to vector<16xf32>
          %mul3A_346 = arith.constant 3.200000e+01 : f32
          %mul3A_347 = vector.broadcast %mul3A_346 : f32 to vector<16xf32>
          %mul3A_348 = arith.mulf %get3A_345, %mul3A_347 : vector<16xf32>
          %swap3A_349 = arith.index_cast %scan3A_139 : i32 to index
          %swap3A_350 = arith.constant 272 : index
          %swap3A_351 = tpu.vector_load %arg7[%swap3A_349, %swap3A_350] {strides = array<i32>} : memref<16x1024xf32, #tpu.memory_space<vmem>>, vector<1x16xf32>,
          %swap3A_352 = vector.shape_cast %swap3A_351 : vector<1x16xf32> to vector<16xf32>
          %swap3A_353 = vector.shape_cast %mul3A_348 : vector<16xf32> to vector<1x16xf32>
          tpu.vector_store %arg7[%swap3A_349, %swap3A_350], %swap3A_353 {strides = array<i32>} : memref<16x1024xf32, #tpu.memory_space<vmem>>, vector<1x16xf32>,
          %get3A_354 = arith.index_cast %scan3A_139 : i32 to index
          %get3A_355 = arith.constant 288 : index
          %get3A_356 = tpu.vector_load %arg7[%get3A_354, %get3A_355] {strides = array<i32>} : memref<16x1024xf32, #tpu.memory_space<vmem>>, vector<1x16xf32>,
          %get3A_357 = vector.shape_cast %get3A_356 : vector<1x16xf32> to vector<16xf32>
          %mul3A_358 = arith.constant 3.200000e+01 : f32
          %mul3A_359 = vector.broadcast %mul3A_358 : f32 to vector<16xf32>
          %mul3A_360 = arith.mulf %get3A_357, %mul3A_359 : vector<16xf32>
          %swap3A_361 = arith.index_cast %scan3A_139 : i32 to index
          %swap3A_362 = arith.constant 288 : index
          %swap3A_363 = tpu.vector_load %arg7[%swap3A_361, %swap3A_362] {strides = array<i32>} : memref<16x1024xf32, #tpu.memory_space<vmem>>, vector<1x16xf32>,
          %swap3A_364 = vector.shape_cast %swap3A_363 : vector<1x16xf32> to vector<16xf32>
          %swap3A_365 = vector.shape_cast %mul3A_360 : vector<16xf32> to vector<1x16xf32>
          tpu.vector_store %arg7[%swap3A_361, %swap3A_362], %swap3A_365 {strides = array<i32>} : memref<16x1024xf32, #tpu.memory_space<vmem>>, vector<1x16xf32>,
          %get3A_366 = arith.index_cast %scan3A_139 : i32 to index
          %get3A_367 = arith.constant 304 : index
          %get3A_368 = tpu.vector_load %arg7[%get3A_366, %get3A_367] {strides = array<i32>} : memref<16x1024xf32, #tpu.memory_space<vmem>>, vector<1x16xf32>,
          %get3A_369 = vector.shape_cast %get3A_368 : vector<1x16xf32> to vector<16xf32>
          %mul3A_370 = arith.constant 3.200000e+01 : f32
          %mul3A_371 = vector.broadcast %mul3A_370 : f32 to vector<16xf32>
          %mul3A_372 = arith.mulf %get3A_369, %mul3A_371 : vector<16xf32>
          %swap3A_373 = arith.index_cast %scan3A_139 : i32 to index
          %swap3A_374 = arith.constant 304 : index
          %swap3A_375 = tpu.vector_load %arg7[%swap3A_373, %swap3A_374] {strides = array<i32>} : memref<16x1024xf32, #tpu.memory_space<vmem>>, vector<1x16xf32>,
          %swap3A_376 = vector.shape_cast %swap3A_375 : vector<1x16xf32> to vector<16xf32>
          %swap3A_377 = vector.shape_cast %mul3A_372 : vector<16xf32> to vector<1x16xf32>
          tpu.vector_store %arg7[%swap3A_373, %swap3A_374], %swap3A_377 {strides = array<i32>} : memref<16x1024xf32, #tpu.memory_space<vmem>>, vector<1x16xf32>,
          %get3A_378 = arith.index_cast %scan3A_139 : i32 to index
          %get3A_379 = arith.constant 320 : index
          %get3A_380 = tpu.vector_load %arg7[%get3A_378, %get3A_379] {strides = array<i32>} : memref<16x1024xf32, #tpu.memory_space<vmem>>, vector<1x16xf32>,
          %get3A_381 = vector.shape_cast %get3A_380 : vector<1x16xf32> to vector<16xf32>
          %mul3A_382 = arith.constant 3.200000e+01 : f32
          %mul3A_383 = vector.broadcast %mul3A_382 : f32 to vector<16xf32>
          %mul3A_384 = arith.mulf %get3A_381, %mul3A_383 : vector<16xf32>
          %swap3A_385 = arith.index_cast %scan3A_139 : i32 to index
          %swap3A_386 = arith.constant 320 : index
          %swap3A_387 = tpu.vector_load %arg7[%swap3A_385, %swap3A_386] {strides = array<i32>} : memref<16x1024xf32, #tpu.memory_space<vmem>>, vector<1x16xf32>,
          %swap3A_388 = vector.shape_cast %swap3A_387 : vector<1x16xf32> to vector<16xf32>
          %swap3A_389 = vector.shape_cast %mul3A_384 : vector<16xf32> to vector<1x16xf32>
          tpu.vector_store %arg7[%swap3A_385, %swap3A_386], %swap3A_389 {strides = array<i32>} : memref<16x1024xf32, #tpu.memory_space<vmem>>, vector<1x16xf32>,
          %get3A_390 = arith.index_cast %scan3A_139 : i32 to index
          %get3A_391 = arith.constant 336 : index
          %get3A_392 = tpu.vector_load %arg7[%get3A_390, %get3A_391] {strides = array<i32>} : memref<16x1024xf32, #tpu.memory_space<vmem>>, vector<1x16xf32>,
          %get3A_393 = vector.shape_cast %get3A_392 : vector<1x16xf32> to vector<16xf32>
          %mul3A_394 = arith.constant 3.200000e+01 : f32
          %mul3A_395 = vector.broadcast %mul3A_394 : f32 to vector<16xf32>
          %mul3A_396 = arith.mulf %get3A_393, %mul3A_395 : vector<16xf32>
          %swap3A_397 = arith.index_cast %scan3A_139 : i32 to index
          %swap3A_398 = arith.constant 336 : index
          %swap3A_399 = tpu.vector_load %arg7[%swap3A_397, %swap3A_398] {strides = array<i32>} : memref<16x1024xf32, #tpu.memory_space<vmem>>, vector<1x16xf32>,
          %swap3A_400 = vector.shape_cast %swap3A_399 : vector<1x16xf32> to vector<16xf32>
          %swap3A_401 = vector.shape_cast %mul3A_396 : vector<16xf32> to vector<1x16xf32>
          tpu.vector_store %arg7[%swap3A_397, %swap3A_398], %swap3A_401 {strides = array<i32>} : memref<16x1024xf32, #tpu.memory_space<vmem>>, vector<1x16xf32>,
          %get3A_402 = arith.index_cast %scan3A_139 : i32 to index
          %get3A_403 = arith.constant 352 : index
          %get3A_404 = tpu.vector_load %arg7[%get3A_402, %get3A_403] {strides = array<i32>} : memref<16x1024xf32, #tpu.memory_space<vmem>>, vector<1x16xf32>,
          %get3A_405 = vector.shape_cast %get3A_404 : vector<1x16xf32> to vector<16xf32>
          %mul3A_406 = arith.constant 3.200000e+01 : f32
          %mul3A_407 = vector.broadcast %mul3A_406 : f32 to vector<16xf32>
          %mul3A_408 = arith.mulf %get3A_405, %mul3A_407 : vector<16xf32>
          %swap3A_409 = arith.index_cast %scan3A_139 : i32 to index
          %swap3A_410 = arith.constant 352 : index
          %swap3A_411 = tpu.vector_load %arg7[%swap3A_409, %swap3A_410] {strides = array<i32>} : memref<16x1024xf32, #tpu.memory_space<vmem>>, vector<1x16xf32>,
          %swap3A_412 = vector.shape_cast %swap3A_411 : vector<1x16xf32> to vector<16xf32>
          %swap3A_413 = vector.shape_cast %mul3A_408 : vector<16xf32> to vector<1x16xf32>
          tpu.vector_store %arg7[%swap3A_409, %swap3A_410], %swap3A_413 {strides = array<i32>} : memref<16x1024xf32, #tpu.memory_space<vmem>>, vector<1x16xf32>,
          %get3A_414 = arith.index_cast %scan3A_139 : i32 to index
          %get3A_415 = arith.constant 368 : index
          %get3A_416 = tpu.vector_load %arg7[%get3A_414, %get3A_415] {strides = array<i32>} : memref<16x1024xf32, #tpu.memory_space<vmem>>, vector<1x16xf32>,
          %get3A_417 = vector.shape_cast %get3A_416 : vector<1x16xf32> to vector<16xf32>
          %mul3A_418 = arith.constant 3.200000e+01 : f32
          %mul3A_419 = vector.broadcast %mul3A_418 : f32 to vector<16xf32>
          %mul3A_420 = arith.mulf %get3A_417, %mul3A_419 : vector<16xf32>
          %swap3A_421 = arith.index_cast %scan3A_139 : i32 to index
          %swap3A_422 = arith.constant 368 : index
          %swap3A_423 = tpu.vector_load %arg7[%swap3A_421, %swap3A_422] {strides = array<i32>} : memref<16x1024xf32, #tpu.memory_space<vmem>>, vector<1x16xf32>,
          %swap3A_424 = vector.shape_cast %swap3A_423 : vector<1x16xf32> to vector<16xf32>
          %swap3A_425 = vector.shape_cast %mul3A_420 : vector<16xf32> to vector<1x16xf32>
          tpu.vector_store %arg7[%swap3A_421, %swap3A_422], %swap3A_425 {strides = array<i32>} : memref<16x1024xf32, #tpu.memory_space<vmem>>, vector<1x16xf32>,
          %get3A_426 = arith.index_cast %scan3A_139 : i32 to index
          %get3A_427 = arith.constant 384 : index
          %get3A_428 = tpu.vector_load %arg7[%get3A_426, %get3A_427] {strides = array<i32>} : memref<16x1024xf32, #tpu.memory_space<vmem>>, vector<1x16xf32>,
          %get3A_429 = vector.shape_cast %get3A_428 : vector<1x16xf32> to vector<16xf32>
          %mul3A_430 = arith.constant 3.200000e+01 : f32
          %mul3A_431 = vector.broadcast %mul3A_430 : f32 to vector<16xf32>
          %mul3A_432 = arith.mulf %get3A_429, %mul3A_431 : vector<16xf32>
          %swap3A_433 = arith.index_cast %scan3A_139 : i32 to index
          %swap3A_434 = arith.constant 384 : index
          %swap3A_435 = tpu.vector_load %arg7[%swap3A_433, %swap3A_434] {strides = array<i32>} : memref<16x1024xf32, #tpu.memory_space<vmem>>, vector<1x16xf32>,
          %swap3A_436 = vector.shape_cast %swap3A_435 : vector<1x16xf32> to vector<16xf32>
          %swap3A_437 = vector.shape_cast %mul3A_432 : vector<16xf32> to vector<1x16xf32>
          tpu.vector_store %arg7[%swap3A_433, %swap3A_434], %swap3A_437 {strides = array<i32>} : memref<16x1024xf32, #tpu.memory_space<vmem>>, vector<1x16xf32>,
          %get3A_438 = arith.index_cast %scan3A_139 : i32 to index
          %get3A_439 = arith.constant 400 : index
          %get3A_440 = tpu.vector_load %arg7[%get3A_438, %get3A_439] {strides = array<i32>} : memref<16x1024xf32, #tpu.memory_space<vmem>>, vector<1x16xf32>,
          %get3A_441 = vector.shape_cast %get3A_440 : vector<1x16xf32> to vector<16xf32>
          %mul3A_442 = arith.constant 3.200000e+01 : f32
          %mul3A_443 = vector.broadcast %mul3A_442 : f32 to vector<16xf32>
          %mul3A_444 = arith.mulf %get3A_441, %mul3A_443 : vector<16xf32>
          %swap3A_445 = arith.index_cast %scan3A_139 : i32 to index
          %swap3A_446 = arith.constant 400 : index
          %swap3A_447 = tpu.vector_load %arg7[%swap3A_445, %swap3A_446] {strides = array<i32>} : memref<16x1024xf32, #tpu.memory_space<vmem>>, vector<1x16xf32>,
          %swap3A_448 = vector.shape_cast %swap3A_447 : vector<1x16xf32> to vector<16xf32>
          %swap3A_449 = vector.shape_cast %mul3A_444 : vector<16xf32> to vector<1x16xf32>
          tpu.vector_store %arg7[%swap3A_445, %swap3A_446], %swap3A_449 {strides = array<i32>} : memref<16x1024xf32, #tpu.memory_space<vmem>>, vector<1x16xf32>,
          %get3A_450 = arith.index_cast %scan3A_139 : i32 to index
          %get3A_451 = arith.constant 416 : index
          %get3A_452 = tpu.vector_load %arg7[%get3A_450, %get3A_451] {strides = array<i32>} : memref<16x1024xf32, #tpu.memory_space<vmem>>, vector<1x16xf32>,
          %get3A_453 = vector.shape_cast %get3A_452 : vector<1x16xf32> to vector<16xf32>
          %mul3A_454 = arith.constant 3.200000e+01 : f32
          %mul3A_455 = vector.broadcast %mul3A_454 : f32 to vector<16xf32>
          %mul3A_456 = arith.mulf %get3A_453, %mul3A_455 : vector<16xf32>
          %swap3A_457 = arith.index_cast %scan3A_139 : i32 to index
          %swap3A_458 = arith.constant 416 : index
          %swap3A_459 = tpu.vector_load %arg7[%swap3A_457, %swap3A_458] {strides = array<i32>} : memref<16x1024xf32, #tpu.memory_space<vmem>>, vector<1x16xf32>,
          %swap3A_460 = vector.shape_cast %swap3A_459 : vector<1x16xf32> to vector<16xf32>
          %swap3A_461 = vector.shape_cast %mul3A_456 : vector<16xf32> to vector<1x16xf32>
          tpu.vector_store %arg7[%swap3A_457, %swap3A_458], %swap3A_461 {strides = array<i32>} : memref<16x1024xf32, #tpu.memory_space<vmem>>, vector<1x16xf32>,
          %get3A_462 = arith.index_cast %scan3A_139 : i32 to index
          %get3A_463 = arith.constant 432 : index
          %get3A_464 = tpu.vector_load %arg7[%get3A_462, %get3A_463] {strides = array<i32>} : memref<16x1024xf32, #tpu.memory_space<vmem>>, vector<1x16xf32>,
          %get3A_465 = vector.shape_cast %get3A_464 : vector<1x16xf32> to vector<16xf32>
          %mul3A_466 = arith.constant 3.200000e+01 : f32
          %mul3A_467 = vector.broadcast %mul3A_466 : f32 to vector<16xf32>
          %mul3A_468 = arith.mulf %get3A_465, %mul3A_467 : vector<16xf32>
          %swap3A_469 = arith.index_cast %scan3A_139 : i32 to index
          %swap3A_470 = arith.constant 432 : index
          %swap3A_471 = tpu.vector_load %arg7[%swap3A_469, %swap3A_470] {strides = array<i32>} : memref<16x1024xf32, #tpu.memory_space<vmem>>, vector<1x16xf32>,
          %swap3A_472 = vector.shape_cast %swap3A_471 : vector<1x16xf32> to vector<16xf32>
          %swap3A_473 = vector.shape_cast %mul3A_468 : vector<16xf32> to vector<1x16xf32>
          tpu.vector_store %arg7[%swap3A_469, %swap3A_470], %swap3A_473 {strides = array<i32>} : memref<16x1024xf32, #tpu.memory_space<vmem>>, vector<1x16xf32>,
          %get3A_474 = arith.index_cast %scan3A_139 : i32 to index
          %get3A_475 = arith.constant 448 : index
          %get3A_476 = tpu.vector_load %arg7[%get3A_474, %get3A_475] {strides = array<i32>} : memref<16x1024xf32, #tpu.memory_space<vmem>>, vector<1x16xf32>,
          %get3A_477 = vector.shape_cast %get3A_476 : vector<1x16xf32> to vector<16xf32>
          %mul3A_478 = arith.constant 3.200000e+01 : f32
          %mul3A_479 = vector.broadcast %mul3A_478 : f32 to vector<16xf32>
          %mul3A_480 = arith.mulf %get3A_477, %mul3A_479 : vector<16xf32>
          %swap3A_481 = arith.index_cast %scan3A_139 : i32 to index
          %swap3A_482 = arith.constant 448 : index
          %swap3A_483 = tpu.vector_load %arg7[%swap3A_481, %swap3A_482] {strides = array<i32>} : memref<16x1024xf32, #tpu.memory_space<vmem>>, vector<1x16xf32>,
          %swap3A_484 = vector.shape_cast %swap3A_483 : vector<1x16xf32> to vector<16xf32>
          %swap3A_485 = vector.shape_cast %mul3A_480 : vector<16xf32> to vector<1x16xf32>
          tpu.vector_store %arg7[%swap3A_481, %swap3A_482], %swap3A_485 {strides = array<i32>} : memref<16x1024xf32, #tpu.memory_space<vmem>>, vector<1x16xf32>,
          %get3A_486 = arith.index_cast %scan3A_139 : i32 to index
          %get3A_487 = arith.constant 464 : index
          %get3A_488 = tpu.vector_load %arg7[%get3A_486, %get3A_487] {strides = array<i32>} : memref<16x1024xf32, #tpu.memory_space<vmem>>, vector<1x16xf32>,
          %get3A_489 = vector.shape_cast %get3A_488 : vector<1x16xf32> to vector<16xf32>
          %mul3A_490 = arith.constant 3.200000e+01 : f32
          %mul3A_491 = vector.broadcast %mul3A_490 : f32 to vector<16xf32>
          %mul3A_492 = arith.mulf %get3A_489, %mul3A_491 : vector<16xf32>
          %swap3A_493 = arith.index_cast %scan3A_139 : i32 to index
          %swap3A_494 = arith.constant 464 : index
          %swap3A_495 = tpu.vector_load %arg7[%swap3A_493, %swap3A_494] {strides = array<i32>} : memref<16x1024xf32, #tpu.memory_space<vmem>>, vector<1x16xf32>,
          %swap3A_496 = vector.shape_cast %swap3A_495 : vector<1x16xf32> to vector<16xf32>
          %swap3A_497 = vector.shape_cast %mul3A_492 : vector<16xf32> to vector<1x16xf32>
          tpu.vector_store %arg7[%swap3A_493, %swap3A_494], %swap3A_497 {strides = array<i32>} : memref<16x1024xf32, #tpu.memory_space<vmem>>, vector<1x16xf32>,
          %get3A_498 = arith.index_cast %scan3A_139 : i32 to index
          %get3A_499 = arith.constant 480 : index
          %get3A_500 = tpu.vector_load %arg7[%get3A_498, %get3A_499] {strides = array<i32>} : memref<16x1024xf32, #tpu.memory_space<vmem>>, vector<1x16xf32>,
          %get3A_501 = vector.shape_cast %get3A_500 : vector<1x16xf32> to vector<16xf32>
          %mul3A_502 = arith.constant 3.200000e+01 : f32
          %mul3A_503 = vector.broadcast %mul3A_502 : f32 to vector<16xf32>
          %mul3A_504 = arith.mulf %get3A_501, %mul3A_503 : vector<16xf32>
          %swap3A_505 = arith.index_cast %scan3A_139 : i32 to index
          %swap3A_506 = arith.constant 480 : index
          %swap3A_507 = tpu.vector_load %arg7[%swap3A_505, %swap3A_506] {strides = array<i32>} : memref<16x1024xf32, #tpu.memory_space<vmem>>, vector<1x16xf32>,
          %swap3A_508 = vector.shape_cast %swap3A_507 : vector<1x16xf32> to vector<16xf32>
          %swap3A_509 = vector.shape_cast %mul3A_504 : vector<16xf32> to vector<1x16xf32>
          tpu.vector_store %arg7[%swap3A_505, %swap3A_506], %swap3A_509 {strides = array<i32>} : memref<16x1024xf32, #tpu.memory_space<vmem>>, vector<1x16xf32>,
          %get3A_510 = arith.index_cast %scan3A_139 : i32 to index
          %get3A_511 = arith.constant 496 : index
          %get3A_512 = tpu.vector_load %arg7[%get3A_510, %get3A_511] {strides = array<i32>} : memref<16x1024xf32, #tpu.memory_space<vmem>>, vector<1x16xf32>,
          %get3A_513 = vector.shape_cast %get3A_512 : vector<1x16xf32> to vector<16xf32>
          %mul3A_514 = arith.constant 3.200000e+01 : f32
          %mul3A_515 = vector.broadcast %mul3A_514 : f32 to vector<16xf32>
          %mul3A_516 = arith.mulf %get3A_513, %mul3A_515 : vector<16xf32>
          %swap3A_517 = arith.index_cast %scan3A_139 : i32 to index
          %swap3A_518 = arith.constant 496 : index
          %swap3A_519 = tpu.vector_load %arg7[%swap3A_517, %swap3A_518] {strides = array<i32>} : memref<16x1024xf32, #tpu.memory_space<vmem>>, vector<1x16xf32>,
          %swap3A_520 = vector.shape_cast %swap3A_519 : vector<1x16xf32> to vector<16xf32>
          %swap3A_521 = vector.shape_cast %mul3A_516 : vector<16xf32> to vector<1x16xf32>
          tpu.vector_store %arg7[%swap3A_517, %swap3A_518], %swap3A_521 {strides = array<i32>} : memref<16x1024xf32, #tpu.memory_space<vmem>>, vector<1x16xf32>,
          %get3A_522 = arith.index_cast %scan3A_139 : i32 to index
          %get3A_523 = arith.constant 512 : index
          %get3A_524 = tpu.vector_load %arg7[%get3A_522, %get3A_523] {strides = array<i32>} : memref<16x1024xf32, #tpu.memory_space<vmem>>, vector<1x16xf32>,
          %get3A_525 = vector.shape_cast %get3A_524 : vector<1x16xf32> to vector<16xf32>
          %mul3A_526 = arith.constant 3.200000e+01 : f32
          %mul3A_527 = vector.broadcast %mul3A_526 : f32 to vector<16xf32>
          %mul3A_528 = arith.mulf %get3A_525, %mul3A_527 : vector<16xf32>
          %swap3A_529 = arith.index_cast %scan3A_139 : i32 to index
          %swap3A_530 = arith.constant 512 : index
          %swap3A_531 = tpu.vector_load %arg7[%swap3A_529, %swap3A_530] {strides = array<i32>} : memref<16x1024xf32, #tpu.memory_space<vmem>>, vector<1x16xf32>,
          %swap3A_532 = vector.shape_cast %swap3A_531 : vector<1x16xf32> to vector<16xf32>
          %swap3A_533 = vector.shape_cast %mul3A_528 : vector<16xf32> to vector<1x16xf32>
          tpu.vector_store %arg7[%swap3A_529, %swap3A_530], %swap3A_533 {strides = array<i32>} : memref<16x1024xf32, #tpu.memory_space<vmem>>, vector<1x16xf32>,
          %get3A_534 = arith.index_cast %scan3A_139 : i32 to index
          %get3A_535 = arith.constant 528 : index
          %get3A_536 = tpu.vector_load %arg7[%get3A_534, %get3A_535] {strides = array<i32>} : memref<16x1024xf32, #tpu.memory_space<vmem>>, vector<1x16xf32>,
          %get3A_537 = vector.shape_cast %get3A_536 : vector<1x16xf32> to vector<16xf32>
          %mul3A_538 = arith.constant 3.200000e+01 : f32
          %mul3A_539 = vector.broadcast %mul3A_538 : f32 to vector<16xf32>
          %mul3A_540 = arith.mulf %get3A_537, %mul3A_539 : vector<16xf32>
          %swap3A_541 = arith.index_cast %scan3A_139 : i32 to index
          %swap3A_542 = arith.constant 528 : index
          %swap3A_543 = tpu.vector_load %arg7[%swap3A_541, %swap3A_542] {strides = array<i32>} : memref<16x1024xf32, #tpu.memory_space<vmem>>, vector<1x16xf32>,
          %swap3A_544 = vector.shape_cast %swap3A_543 : vector<1x16xf32> to vector<16xf32>
          %swap3A_545 = vector.shape_cast %mul3A_540 : vector<16xf32> to vector<1x16xf32>
          tpu.vector_store %arg7[%swap3A_541, %swap3A_542], %swap3A_545 {strides = array<i32>} : memref<16x1024xf32, #tpu.memory_space<vmem>>, vector<1x16xf32>,
          %get3A_546 = arith.index_cast %scan3A_139 : i32 to index
          %get3A_547 = arith.constant 544 : index
          %get3A_548 = tpu.vector_load %arg7[%get3A_546, %get3A_547] {strides = array<i32>} : memref<16x1024xf32, #tpu.memory_space<vmem>>, vector<1x16xf32>,
          %get3A_549 = vector.shape_cast %get3A_548 : vector<1x16xf32> to vector<16xf32>
          %mul3A_550 = arith.constant 3.200000e+01 : f32
          %mul3A_551 = vector.broadcast %mul3A_550 : f32 to vector<16xf32>
          %mul3A_552 = arith.mulf %get3A_549, %mul3A_551 : vector<16xf32>
          %swap3A_553 = arith.index_cast %scan3A_139 : i32 to index
          %swap3A_554 = arith.constant 544 : index
          %swap3A_555 = tpu.vector_load %arg7[%swap3A_553, %swap3A_554] {strides = array<i32>} : memref<16x1024xf32, #tpu.memory_space<vmem>>, vector<1x16xf32>,
          %swap3A_556 = vector.shape_cast %swap3A_555 : vector<1x16xf32> to vector<16xf32>
          %swap3A_557 = vector.shape_cast %mul3A_552 : vector<16xf32> to vector<1x16xf32>
          tpu.vector_store %arg7[%swap3A_553, %swap3A_554], %swap3A_557 {strides = array<i32>} : memref<16x1024xf32, #tpu.memory_space<vmem>>, vector<1x16xf32>,
          %get3A_558 = arith.index_cast %scan3A_139 : i32 to index
          %get3A_559 = arith.constant 560 : index
          %get3A_560 = tpu.vector_load %arg7[%get3A_558, %get3A_559] {strides = array<i32>} : memref<16x1024xf32, #tpu.memory_space<vmem>>, vector<1x16xf32>,
          %get3A_561 = vector.shape_cast %get3A_560 : vector<1x16xf32> to vector<16xf32>
          %mul3A_562 = arith.constant 3.200000e+01 : f32
          %mul3A_563 = vector.broadcast %mul3A_562 : f32 to vector<16xf32>
          %mul3A_564 = arith.mulf %get3A_561, %mul3A_563 : vector<16xf32>
          %swap3A_565 = arith.index_cast %scan3A_139 : i32 to index
          %swap3A_566 = arith.constant 560 : index
          %swap3A_567 = tpu.vector_load %arg7[%swap3A_565, %swap3A_566] {strides = array<i32>} : memref<16x1024xf32, #tpu.memory_space<vmem>>, vector<1x16xf32>,
          %swap3A_568 = vector.shape_cast %swap3A_567 : vector<1x16xf32> to vector<16xf32>
          %swap3A_569 = vector.shape_cast %mul3A_564 : vector<16xf32> to vector<1x16xf32>
          tpu.vector_store %arg7[%swap3A_565, %swap3A_566], %swap3A_569 {strides = array<i32>} : memref<16x1024xf32, #tpu.memory_space<vmem>>, vector<1x16xf32>,
          %get3A_570 = arith.index_cast %scan3A_139 : i32 to index
          %get3A_571 = arith.constant 576 : index
          %get3A_572 = tpu.vector_load %arg7[%get3A_570, %get3A_571] {strides = array<i32>} : memref<16x1024xf32, #tpu.memory_space<vmem>>, vector<1x16xf32>,
          %get3A_573 = vector.shape_cast %get3A_572 : vector<1x16xf32> to vector<16xf32>
          %mul3A_574 = arith.constant 3.200000e+01 : f32
          %mul3A_575 = vector.broadcast %mul3A_574 : f32 to vector<16xf32>
          %mul3A_576 = arith.mulf %get3A_573, %mul3A_575 : vector<16xf32>
          %swap3A_577 = arith.index_cast %scan3A_139 : i32 to index
          %swap3A_578 = arith.constant 576 : index
          %swap3A_579 = tpu.vector_load %arg7[%swap3A_577, %swap3A_578] {strides = array<i32>} : memref<16x1024xf32, #tpu.memory_space<vmem>>, vector<1x16xf32>,
          %swap3A_580 = vector.shape_cast %swap3A_579 : vector<1x16xf32> to vector<16xf32>
          %swap3A_581 = vector.shape_cast %mul3A_576 : vector<16xf32> to vector<1x16xf32>
          tpu.vector_store %arg7[%swap3A_577, %swap3A_578], %swap3A_581 {strides = array<i32>} : memref<16x1024xf32, #tpu.memory_space<vmem>>, vector<1x16xf32>,
          %get3A_582 = arith.index_cast %scan3A_139 : i32 to index
          %get3A_583 = arith.constant 592 : index
          %get3A_584 = tpu.vector_load %arg7[%get3A_582, %get3A_583] {strides = array<i32>} : memref<16x1024xf32, #tpu.memory_space<vmem>>, vector<1x16xf32>,
          %get3A_585 = vector.shape_cast %get3A_584 : vector<1x16xf32> to vector<16xf32>
          %mul3A_586 = arith.constant 3.200000e+01 : f32
          %mul3A_587 = vector.broadcast %mul3A_586 : f32 to vector<16xf32>
          %mul3A_588 = arith.mulf %get3A_585, %mul3A_587 : vector<16xf32>
          %swap3A_589 = arith.index_cast %scan3A_139 : i32 to index
          %swap3A_590 = arith.constant 592 : index
          %swap3A_591 = tpu.vector_load %arg7[%swap3A_589, %swap3A_590] {strides = array<i32>} : memref<16x1024xf32, #tpu.memory_space<vmem>>, vector<1x16xf32>,
          %swap3A_592 = vector.shape_cast %swap3A_591 : vector<1x16xf32> to vector<16xf32>
          %swap3A_593 = vector.shape_cast %mul3A_588 : vector<16xf32> to vector<1x16xf32>
          tpu.vector_store %arg7[%swap3A_589, %swap3A_590], %swap3A_593 {strides = array<i32>} : memref<16x1024xf32, #tpu.memory_space<vmem>>, vector<1x16xf32>,
          %get3A_594 = arith.index_cast %scan3A_139 : i32 to index
          %get3A_595 = arith.constant 608 : index
          %get3A_596 = tpu.vector_load %arg7[%get3A_594, %get3A_595] {strides = array<i32>} : memref<16x1024xf32, #tpu.memory_space<vmem>>, vector<1x16xf32>,
          %get3A_597 = vector.shape_cast %get3A_596 : vector<1x16xf32> to vector<16xf32>
          %mul3A_598 = arith.constant 3.200000e+01 : f32
          %mul3A_599 = vector.broadcast %mul3A_598 : f32 to vector<16xf32>
          %mul3A_600 = arith.mulf %get3A_597, %mul3A_599 : vector<16xf32>
          %swap3A_601 = arith.index_cast %scan3A_139 : i32 to index
          %swap3A_602 = arith.constant 608 : index
          %swap3A_603 = tpu.vector_load %arg7[%swap3A_601, %swap3A_602] {strides = array<i32>} : memref<16x1024xf32, #tpu.memory_space<vmem>>, vector<1x16xf32>,
          %swap3A_604 = vector.shape_cast %swap3A_603 : vector<1x16xf32> to vector<16xf32>
          %swap3A_605 = vector.shape_cast %mul3A_600 : vector<16xf32> to vector<1x16xf32>
          tpu.vector_store %arg7[%swap3A_601, %swap3A_602], %swap3A_605 {strides = array<i32>} : memref<16x1024xf32, #tpu.memory_space<vmem>>, vector<1x16xf32>,
          %get3A_606 = arith.index_cast %scan3A_139 : i32 to index
          %get3A_607 = arith.constant 624 : index
          %get3A_608 = tpu.vector_load %arg7[%get3A_606, %get3A_607] {strides = array<i32>} : memref<16x1024xf32, #tpu.memory_space<vmem>>, vector<1x16xf32>,
          %get3A_609 = vector.shape_cast %get3A_608 : vector<1x16xf32> to vector<16xf32>
          %mul3A_610 = arith.constant 3.200000e+01 : f32
          %mul3A_611 = vector.broadcast %mul3A_610 : f32 to vector<16xf32>
          %mul3A_612 = arith.mulf %get3A_609, %mul3A_611 : vector<16xf32>
          %swap3A_613 = arith.index_cast %scan3A_139 : i32 to index
          %swap3A_614 = arith.constant 624 : index
          %swap3A_615 = tpu.vector_load %arg7[%swap3A_613, %swap3A_614] {strides = array<i32>} : memref<16x1024xf32, #tpu.memory_space<vmem>>, vector<1x16xf32>,
          %swap3A_616 = vector.shape_cast %swap3A_615 : vector<1x16xf32> to vector<16xf32>
          %swap3A_617 = vector.shape_cast %mul3A_612 : vector<16xf32> to vector<1x16xf32>
          tpu.vector_store %arg7[%swap3A_613, %swap3A_614], %swap3A_617 {strides = array<i32>} : memref<16x1024xf32, #tpu.memory_space<vmem>>, vector<1x16xf32>,
          %get3A_618 = arith.index_cast %scan3A_139 : i32 to index
          %get3A_619 = arith.constant 640 : index
          %get3A_620 = tpu.vector_load %arg7[%get3A_618, %get3A_619] {strides = array<i32>} : memref<16x1024xf32, #tpu.memory_space<vmem>>, vector<1x16xf32>,
          %get3A_621 = vector.shape_cast %get3A_620 : vector<1x16xf32> to vector<16xf32>
          %mul3A_622 = arith.constant 3.200000e+01 : f32
          %mul3A_623 = vector.broadcast %mul3A_622 : f32 to vector<16xf32>
          %mul3A_624 = arith.mulf %get3A_621, %mul3A_623 : vector<16xf32>
          %swap3A_625 = arith.index_cast %scan3A_139 : i32 to index
          %swap3A_626 = arith.constant 640 : index
          %swap3A_627 = tpu.vector_load %arg7[%swap3A_625, %swap3A_626] {strides = array<i32>} : memref<16x1024xf32, #tpu.memory_space<vmem>>, vector<1x16xf32>,
          %swap3A_628 = vector.shape_cast %swap3A_627 : vector<1x16xf32> to vector<16xf32>
          %swap3A_629 = vector.shape_cast %mul3A_624 : vector<16xf32> to vector<1x16xf32>
          tpu.vector_store %arg7[%swap3A_625, %swap3A_626], %swap3A_629 {strides = array<i32>} : memref<16x1024xf32, #tpu.memory_space<vmem>>, vector<1x16xf32>,
          %get3A_630 = arith.index_cast %scan3A_139 : i32 to index
          %get3A_631 = arith.constant 656 : index
          %get3A_632 = tpu.vector_load %arg7[%get3A_630, %get3A_631] {strides = array<i32>} : memref<16x1024xf32, #tpu.memory_space<vmem>>, vector<1x16xf32>,
          %get3A_633 = vector.shape_cast %get3A_632 : vector<1x16xf32> to vector<16xf32>
          %mul3A_634 = arith.constant 3.200000e+01 : f32
          %mul3A_635 = vector.broadcast %mul3A_634 : f32 to vector<16xf32>
          %mul3A_636 = arith.mulf %get3A_633, %mul3A_635 : vector<16xf32>
          %swap3A_637 = arith.index_cast %scan3A_139 : i32 to index
          %swap3A_638 = arith.constant 656 : index
          %swap3A_639 = tpu.vector_load %arg7[%swap3A_637, %swap3A_638] {strides = array<i32>} : memref<16x1024xf32, #tpu.memory_space<vmem>>, vector<1x16xf32>,
          %swap3A_640 = vector.shape_cast %swap3A_639 : vector<1x16xf32> to vector<16xf32>
          %swap3A_641 = vector.shape_cast %mul3A_636 : vector<16xf32> to vector<1x16xf32>
          tpu.vector_store %arg7[%swap3A_637, %swap3A_638], %swap3A_641 {strides = array<i32>} : memref<16x1024xf32, #tpu.memory_space<vmem>>, vector<1x16xf32>,
          %get3A_642 = arith.index_cast %scan3A_139 : i32 to index
          %get3A_643 = arith.constant 672 : index
          %get3A_644 = tpu.vector_load %arg7[%get3A_642, %get3A_643] {strides = array<i32>} : memref<16x1024xf32, #tpu.memory_space<vmem>>, vector<1x16xf32>,
          %get3A_645 = vector.shape_cast %get3A_644 : vector<1x16xf32> to vector<16xf32>
          %mul3A_646 = arith.constant 3.200000e+01 : f32
          %mul3A_647 = vector.broadcast %mul3A_646 : f32 to vector<16xf32>
          %mul3A_648 = arith.mulf %get3A_645, %mul3A_647 : vector<16xf32>
          %swap3A_649 = arith.index_cast %scan3A_139 : i32 to index
          %swap3A_650 = arith.constant 672 : index
          %swap3A_651 = tpu.vector_load %arg7[%swap3A_649, %swap3A_650] {strides = array<i32>} : memref<16x1024xf32, #tpu.memory_space<vmem>>, vector<1x16xf32>,
          %swap3A_652 = vector.shape_cast %swap3A_651 : vector<1x16xf32> to vector<16xf32>
          %swap3A_653 = vector.shape_cast %mul3A_648 : vector<16xf32> to vector<1x16xf32>
          tpu.vector_store %arg7[%swap3A_649, %swap3A_650], %swap3A_653 {strides = array<i32>} : memref<16x1024xf32, #tpu.memory_space<vmem>>, vector<1x16xf32>,
          %get3A_654 = arith.index_cast %scan3A_139 : i32 to index
          %get3A_655 = arith.constant 688 : index
          %get3A_656 = tpu.vector_load %arg7[%get3A_654, %get3A_655] {strides = array<i32>} : memref<16x1024xf32, #tpu.memory_space<vmem>>, vector<1x16xf32>,
          %get3A_657 = vector.shape_cast %get3A_656 : vector<1x16xf32> to vector<16xf32>
          %mul3A_658 = arith.constant 3.200000e+01 : f32
          %mul3A_659 = vector.broadcast %mul3A_658 : f32 to vector<16xf32>
          %mul3A_660 = arith.mulf %get3A_657, %mul3A_659 : vector<16xf32>
          %swap3A_661 = arith.index_cast %scan3A_139 : i32 to index
          %swap3A_662 = arith.constant 688 : index
          %swap3A_663 = tpu.vector_load %arg7[%swap3A_661, %swap3A_662] {strides = array<i32>} : memref<16x1024xf32, #tpu.memory_space<vmem>>, vector<1x16xf32>,
          %swap3A_664 = vector.shape_cast %swap3A_663 : vector<1x16xf32> to vector<16xf32>
          %swap3A_665 = vector.shape_cast %mul3A_660 : vector<16xf32> to vector<1x16xf32>
          tpu.vector_store %arg7[%swap3A_661, %swap3A_662], %swap3A_665 {strides = array<i32>} : memref<16x1024xf32, #tpu.memory_space<vmem>>, vector<1x16xf32>,
          %get3A_666 = arith.index_cast %scan3A_139 : i32 to index
          %get3A_667 = arith.constant 704 : index
          %get3A_668 = tpu.vector_load %arg7[%get3A_666, %get3A_667] {strides = array<i32>} : memref<16x1024xf32, #tpu.memory_space<vmem>>, vector<1x16xf32>,
          %get3A_669 = vector.shape_cast %get3A_668 : vector<1x16xf32> to vector<16xf32>
          %mul3A_670 = arith.constant 3.200000e+01 : f32
          %mul3A_671 = vector.broadcast %mul3A_670 : f32 to vector<16xf32>
          %mul3A_672 = arith.mulf %get3A_669, %mul3A_671 : vector<16xf32>
          %swap3A_673 = arith.index_cast %scan3A_139 : i32 to index
          %swap3A_674 = arith.constant 704 : index
          %swap3A_675 = tpu.vector_load %arg7[%swap3A_673, %swap3A_674] {strides = array<i32>} : memref<16x1024xf32, #tpu.memory_space<vmem>>, vector<1x16xf32>,
          %swap3A_676 = vector.shape_cast %swap3A_675 : vector<1x16xf32> to vector<16xf32>
          %swap3A_677 = vector.shape_cast %mul3A_672 : vector<16xf32> to vector<1x16xf32>
          tpu.vector_store %arg7[%swap3A_673, %swap3A_674], %swap3A_677 {strides = array<i32>} : memref<16x1024xf32, #tpu.memory_space<vmem>>, vector<1x16xf32>,
          %get3A_678 = arith.index_cast %scan3A_139 : i32 to index
          %get3A_679 = arith.constant 720 : index
          %get3A_680 = tpu.vector_load %arg7[%get3A_678, %get3A_679] {strides = array<i32>} : memref<16x1024xf32, #tpu.memory_space<vmem>>, vector<1x16xf32>,
          %get3A_681 = vector.shape_cast %get3A_680 : vector<1x16xf32> to vector<16xf32>
          %mul3A_682 = arith.constant 3.200000e+01 : f32
          %mul3A_683 = vector.broadcast %mul3A_682 : f32 to vector<16xf32>
          %mul3A_684 = arith.mulf %get3A_681, %mul3A_683 : vector<16xf32>
          %swap3A_685 = arith.index_cast %scan3A_139 : i32 to index
          %swap3A_686 = arith.constant 720 : index
          %swap3A_687 = tpu.vector_load %arg7[%swap3A_685, %swap3A_686] {strides = array<i32>} : memref<16x1024xf32, #tpu.memory_space<vmem>>, vector<1x16xf32>,
          %swap3A_688 = vector.shape_cast %swap3A_687 : vector<1x16xf32> to vector<16xf32>
          %swap3A_689 = vector.shape_cast %mul3A_684 : vector<16xf32> to vector<1x16xf32>
          tpu.vector_store %arg7[%swap3A_685, %swap3A_686], %swap3A_689 {strides = array<i32>} : memref<16x1024xf32, #tpu.memory_space<vmem>>, vector<1x16xf32>,
          %get3A_690 = arith.index_cast %scan3A_139 : i32 to index
          %get3A_691 = arith.constant 736 : index
          %get3A_692 = tpu.vector_load %arg7[%get3A_690, %get3A_691] {strides = array<i32>} : memref<16x1024xf32, #tpu.memory_space<vmem>>, vector<1x16xf32>,
          %get3A_693 = vector.shape_cast %get3A_692 : vector<1x16xf32> to vector<16xf32>
          %mul3A_694 = arith.constant 3.200000e+01 : f32
          %mul3A_695 = vector.broadcast %mul3A_694 : f32 to vector<16xf32>
          %mul3A_696 = arith.mulf %get3A_693, %mul3A_695 : vector<16xf32>
          %swap3A_697 = arith.index_cast %scan3A_139 : i32 to index
          %swap3A_698 = arith.constant 736 : index
          %swap3A_699 = tpu.vector_load %arg7[%swap3A_697, %swap3A_698] {strides = array<i32>} : memref<16x1024xf32, #tpu.memory_space<vmem>>, vector<1x16xf32>,
          %swap3A_700 = vector.shape_cast %swap3A_699 : vector<1x16xf32> to vector<16xf32>
          %swap3A_701 = vector.shape_cast %mul3A_696 : vector<16xf32> to vector<1x16xf32>
          tpu.vector_store %arg7[%swap3A_697, %swap3A_698], %swap3A_701 {strides = array<i32>} : memref<16x1024xf32, #tpu.memory_space<vmem>>, vector<1x16xf32>,
          %get3A_702 = arith.index_cast %scan3A_139 : i32 to index
          %get3A_703 = arith.constant 752 : index
          %get3A_704 = tpu.vector_load %arg7[%get3A_702, %get3A_703] {strides = array<i32>} : memref<16x1024xf32, #tpu.memory_space<vmem>>, vector<1x16xf32>,
          %get3A_705 = vector.shape_cast %get3A_704 : vector<1x16xf32> to vector<16xf32>
          %mul3A_706 = arith.constant 3.200000e+01 : f32
          %mul3A_707 = vector.broadcast %mul3A_706 : f32 to vector<16xf32>
          %mul3A_708 = arith.mulf %get3A_705, %mul3A_707 : vector<16xf32>
          %swap3A_709 = arith.index_cast %scan3A_139 : i32 to index
          %swap3A_710 = arith.constant 752 : index
          %swap3A_711 = tpu.vector_load %arg7[%swap3A_709, %swap3A_710] {strides = array<i32>} : memref<16x1024xf32, #tpu.memory_space<vmem>>, vector<1x16xf32>,
          %swap3A_712 = vector.shape_cast %swap3A_711 : vector<1x16xf32> to vector<16xf32>
          %swap3A_713 = vector.shape_cast %mul3A_708 : vector<16xf32> to vector<1x16xf32>
          tpu.vector_store %arg7[%swap3A_709, %swap3A_710], %swap3A_713 {strides = array<i32>} : memref<16x1024xf32, #tpu.memory_space<vmem>>, vector<1x16xf32>,
          %get3A_714 = arith.index_cast %scan3A_139 : i32 to index
          %get3A_715 = arith.constant 768 : index
          %get3A_716 = tpu.vector_load %arg7[%get3A_714, %get3A_715] {strides = array<i32>} : memref<16x1024xf32, #tpu.memory_space<vmem>>, vector<1x16xf32>,
          %get3A_717 = vector.shape_cast %get3A_716 : vector<1x16xf32> to vector<16xf32>
          %mul3A_718 = arith.constant 3.200000e+01 : f32
          %mul3A_719 = vector.broadcast %mul3A_718 : f32 to vector<16xf32>
          %mul3A_720 = arith.mulf %get3A_717, %mul3A_719 : vector<16xf32>
          %swap3A_721 = arith.index_cast %scan3A_139 : i32 to index
          %swap3A_722 = arith.constant 768 : index
          %swap3A_723 = tpu.vector_load %arg7[%swap3A_721, %swap3A_722] {strides = array<i32>} : memref<16x1024xf32, #tpu.memory_space<vmem>>, vector<1x16xf32>,
          %swap3A_724 = vector.shape_cast %swap3A_723 : vector<1x16xf32> to vector<16xf32>
          %swap3A_725 = vector.shape_cast %mul3A_720 : vector<16xf32> to vector<1x16xf32>
          tpu.vector_store %arg7[%swap3A_721, %swap3A_722], %swap3A_725 {strides = array<i32>} : memref<16x1024xf32, #tpu.memory_space<vmem>>, vector<1x16xf32>,
          %get3A_726 = arith.index_cast %scan3A_139 : i32 to index
          %get3A_727 = arith.constant 784 : index
          %get3A_728 = tpu.vector_load %arg7[%get3A_726, %get3A_727] {strides = array<i32>} : memref<16x1024xf32, #tpu.memory_space<vmem>>, vector<1x16xf32>,
          %get3A_729 = vector.shape_cast %get3A_728 : vector<1x16xf32> to vector<16xf32>
          %mul3A_730 = arith.constant 3.200000e+01 : f32
          %mul3A_731 = vector.broadcast %mul3A_730 : f32 to vector<16xf32>
          %mul3A_732 = arith.mulf %get3A_729, %mul3A_731 : vector<16xf32>
          %swap3A_733 = arith.index_cast %scan3A_139 : i32 to index
          %swap3A_734 = arith.constant 784 : index
          %swap3A_735 = tpu.vector_load %arg7[%swap3A_733, %swap3A_734] {strides = array<i32>} : memref<16x1024xf32, #tpu.memory_space<vmem>>, vector<1x16xf32>,
          %swap3A_736 = vector.shape_cast %swap3A_735 : vector<1x16xf32> to vector<16xf32>
          %swap3A_737 = vector.shape_cast %mul3A_732 : vector<16xf32> to vector<1x16xf32>
          tpu.vector_store %arg7[%swap3A_733, %swap3A_734], %swap3A_737 {strides = array<i32>} : memref<16x1024xf32, #tpu.memory_space<vmem>>, vector<1x16xf32>,
          %get3A_738 = arith.index_cast %scan3A_139 : i32 to index
          %get3A_739 = arith.constant 800 : index
          %get3A_740 = tpu.vector_load %arg7[%get3A_738, %get3A_739] {strides = array<i32>} : memref<16x1024xf32, #tpu.memory_space<vmem>>, vector<1x16xf32>,
          %get3A_741 = vector.shape_cast %get3A_740 : vector<1x16xf32> to vector<16xf32>
          %mul3A_742 = arith.constant 3.200000e+01 : f32
          %mul3A_743 = vector.broadcast %mul3A_742 : f32 to vector<16xf32>
          %mul3A_744 = arith.mulf %get3A_741, %mul3A_743 : vector<16xf32>
          %swap3A_745 = arith.index_cast %scan3A_139 : i32 to index
          %swap3A_746 = arith.constant 800 : index
          %swap3A_747 = tpu.vector_load %arg7[%swap3A_745, %swap3A_746] {strides = array<i32>} : memref<16x1024xf32, #tpu.memory_space<vmem>>, vector<1x16xf32>,
          %swap3A_748 = vector.shape_cast %swap3A_747 : vector<1x16xf32> to vector<16xf32>
          %swap3A_749 = vector.shape_cast %mul3A_744 : vector<16xf32> to vector<1x16xf32>
          tpu.vector_store %arg7[%swap3A_745, %swap3A_746], %swap3A_749 {strides = array<i32>} : memref<16x1024xf32, #tpu.memory_space<vmem>>, vector<1x16xf32>,
          %get3A_750 = arith.index_cast %scan3A_139 : i32 to index
          %get3A_751 = arith.constant 816 : index
          %get3A_752 = tpu.vector_load %arg7[%get3A_750, %get3A_751] {strides = array<i32>} : memref<16x1024xf32, #tpu.memory_space<vmem>>, vector<1x16xf32>,
          %get3A_753 = vector.shape_cast %get3A_752 : vector<1x16xf32> to vector<16xf32>
          %mul3A_754 = arith.constant 3.200000e+01 : f32
          %mul3A_755 = vector.broadcast %mul3A_754 : f32 to vector<16xf32>
          %mul3A_756 = arith.mulf %get3A_753, %mul3A_755 : vector<16xf32>
          %swap3A_757 = arith.index_cast %scan3A_139 : i32 to index
          %swap3A_758 = arith.constant 816 : index
          %swap3A_759 = tpu.vector_load %arg7[%swap3A_757, %swap3A_758] {strides = array<i32>} : memref<16x1024xf32, #tpu.memory_space<vmem>>, vector<1x16xf32>,
          %swap3A_760 = vector.shape_cast %swap3A_759 : vector<1x16xf32> to vector<16xf32>
          %swap3A_761 = vector.shape_cast %mul3A_756 : vector<16xf32> to vector<1x16xf32>
          tpu.vector_store %arg7[%swap3A_757, %swap3A_758], %swap3A_761 {strides = array<i32>} : memref<16x1024xf32, #tpu.memory_space<vmem>>, vector<1x16xf32>,
          %get3A_762 = arith.index_cast %scan3A_139 : i32 to index
          %get3A_763 = arith.constant 832 : index
          %get3A_764 = tpu.vector_load %arg7[%get3A_762, %get3A_763] {strides = array<i32>} : memref<16x1024xf32, #tpu.memory_space<vmem>>, vector<1x16xf32>,
          %get3A_765 = vector.shape_cast %get3A_764 : vector<1x16xf32> to vector<16xf32>
          %mul3A_766 = arith.constant 3.200000e+01 : f32
          %mul3A_767 = vector.broadcast %mul3A_766 : f32 to vector<16xf32>
          %mul3A_768 = arith.mulf %get3A_765, %mul3A_767 : vector<16xf32>
          %swap3A_769 = arith.index_cast %scan3A_139 : i32 to index
          %swap3A_770 = arith.constant 832 : index
          %swap3A_771 = tpu.vector_load %arg7[%swap3A_769, %swap3A_770] {strides = array<i32>} : memref<16x1024xf32, #tpu.memory_space<vmem>>, vector<1x16xf32>,
          %swap3A_772 = vector.shape_cast %swap3A_771 : vector<1x16xf32> to vector<16xf32>
          %swap3A_773 = vector.shape_cast %mul3A_768 : vector<16xf32> to vector<1x16xf32>
          tpu.vector_store %arg7[%swap3A_769, %swap3A_770], %swap3A_773 {strides = array<i32>} : memref<16x1024xf32, #tpu.memory_space<vmem>>, vector<1x16xf32>,
          %get3A_774 = arith.index_cast %scan3A_139 : i32 to index
          %get3A_775 = arith.constant 848 : index
          %get3A_776 = tpu.vector_load %arg7[%get3A_774, %get3A_775] {strides = array<i32>} : memref<16x1024xf32, #tpu.memory_space<vmem>>, vector<1x16xf32>,
          %get3A_777 = vector.shape_cast %get3A_776 : vector<1x16xf32> to vector<16xf32>
          %mul3A_778 = arith.constant 3.200000e+01 : f32
          %mul3A_779 = vector.broadcast %mul3A_778 : f32 to vector<16xf32>
          %mul3A_780 = arith.mulf %get3A_777, %mul3A_779 : vector<16xf32>
          %swap3A_781 = arith.index_cast %scan3A_139 : i32 to index
          %swap3A_782 = arith.constant 848 : index
          %swap3A_783 = tpu.vector_load %arg7[%swap3A_781, %swap3A_782] {strides = array<i32>} : memref<16x1024xf32, #tpu.memory_space<vmem>>, vector<1x16xf32>,
          %swap3A_784 = vector.shape_cast %swap3A_783 : vector<1x16xf32> to vector<16xf32>
          %swap3A_785 = vector.shape_cast %mul3A_780 : vector<16xf32> to vector<1x16xf32>
          tpu.vector_store %arg7[%swap3A_781, %swap3A_782], %swap3A_785 {strides = array<i32>} : memref<16x1024xf32, #tpu.memory_space<vmem>>, vector<1x16xf32>,
          %get3A_786 = arith.index_cast %scan3A_139 : i32 to index
          %get3A_787 = arith.constant 864 : index
          %get3A_788 = tpu.vector_load %arg7[%get3A_786, %get3A_787] {strides = array<i32>} : memref<16x1024xf32, #tpu.memory_space<vmem>>, vector<1x16xf32>,
          %get3A_789 = vector.shape_cast %get3A_788 : vector<1x16xf32> to vector<16xf32>
          %mul3A_790 = arith.constant 3.200000e+01 : f32
          %mul3A_791 = vector.broadcast %mul3A_790 : f32 to vector<16xf32>
          %mul3A_792 = arith.mulf %get3A_789, %mul3A_791 : vector<16xf32>
          %swap3A_793 = arith.index_cast %scan3A_139 : i32 to index
          %swap3A_794 = arith.constant 864 : index
          %swap3A_795 = tpu.vector_load %arg7[%swap3A_793, %swap3A_794] {strides = array<i32>} : memref<16x1024xf32, #tpu.memory_space<vmem>>, vector<1x16xf32>,
          %swap3A_796 = vector.shape_cast %swap3A_795 : vector<1x16xf32> to vector<16xf32>
          %swap3A_797 = vector.shape_cast %mul3A_792 : vector<16xf32> to vector<1x16xf32>
          tpu.vector_store %arg7[%swap3A_793, %swap3A_794], %swap3A_797 {strides = array<i32>} : memref<16x1024xf32, #tpu.memory_space<vmem>>, vector<1x16xf32>,
          %get3A_798 = arith.index_cast %scan3A_139 : i32 to index
          %get3A_799 = arith.constant 880 : index
          %get3A_800 = tpu.vector_load %arg7[%get3A_798, %get3A_799] {strides = array<i32>} : memref<16x1024xf32, #tpu.memory_space<vmem>>, vector<1x16xf32>,
          %get3A_801 = vector.shape_cast %get3A_800 : vector<1x16xf32> to vector<16xf32>
          %mul3A_802 = arith.constant 3.200000e+01 : f32
          %mul3A_803 = vector.broadcast %mul3A_802 : f32 to vector<16xf32>
          %mul3A_804 = arith.mulf %get3A_801, %mul3A_803 : vector<16xf32>
          %swap3A_805 = arith.index_cast %scan3A_139 : i32 to index
          %swap3A_806 = arith.constant 880 : index
          %swap3A_807 = tpu.vector_load %arg7[%swap3A_805, %swap3A_806] {strides = array<i32>} : memref<16x1024xf32, #tpu.memory_space<vmem>>, vector<1x16xf32>,
          %swap3A_808 = vector.shape_cast %swap3A_807 : vector<1x16xf32> to vector<16xf32>
          %swap3A_809 = vector.shape_cast %mul3A_804 : vector<16xf32> to vector<1x16xf32>
          tpu.vector_store %arg7[%swap3A_805, %swap3A_806], %swap3A_809 {strides = array<i32>} : memref<16x1024xf32, #tpu.memory_space<vmem>>, vector<1x16xf32>,
          %get3A_810 = arith.index_cast %scan3A_139 : i32 to index
          %get3A_811 = arith.constant 896 : index
          %get3A_812 = tpu.vector_load %arg7[%get3A_810, %get3A_811] {strides = array<i32>} : memref<16x1024xf32, #tpu.memory_space<vmem>>, vector<1x16xf32>,
          %get3A_813 = vector.shape_cast %get3A_812 : vector<1x16xf32> to vector<16xf32>
          %mul3A_814 = arith.constant 3.200000e+01 : f32
          %mul3A_815 = vector.broadcast %mul3A_814 : f32 to vector<16xf32>
          %mul3A_816 = arith.mulf %get3A_813, %mul3A_815 : vector<16xf32>
          %swap3A_817 = arith.index_cast %scan3A_139 : i32 to index
          %swap3A_818 = arith.constant 896 : index
          %swap3A_819 = tpu.vector_load %arg7[%swap3A_817, %swap3A_818] {strides = array<i32>} : memref<16x1024xf32, #tpu.memory_space<vmem>>, vector<1x16xf32>,
          %swap3A_820 = vector.shape_cast %swap3A_819 : vector<1x16xf32> to vector<16xf32>
          %swap3A_821 = vector.shape_cast %mul3A_816 : vector<16xf32> to vector<1x16xf32>
          tpu.vector_store %arg7[%swap3A_817, %swap3A_818], %swap3A_821 {strides = array<i32>} : memref<16x1024xf32, #tpu.memory_space<vmem>>, vector<1x16xf32>,
          %get3A_822 = arith.index_cast %scan3A_139 : i32 to index
          %get3A_823 = arith.constant 912 : index
          %get3A_824 = tpu.vector_load %arg7[%get3A_822, %get3A_823] {strides = array<i32>} : memref<16x1024xf32, #tpu.memory_space<vmem>>, vector<1x16xf32>,
          %get3A_825 = vector.shape_cast %get3A_824 : vector<1x16xf32> to vector<16xf32>
          %mul3A_826 = arith.constant 3.200000e+01 : f32
          %mul3A_827 = vector.broadcast %mul3A_826 : f32 to vector<16xf32>
          %mul3A_828 = arith.mulf %get3A_825, %mul3A_827 : vector<16xf32>
          %swap3A_829 = arith.index_cast %scan3A_139 : i32 to index
          %swap3A_830 = arith.constant 912 : index
          %swap3A_831 = tpu.vector_load %arg7[%swap3A_829, %swap3A_830] {strides = array<i32>} : memref<16x1024xf32, #tpu.memory_space<vmem>>, vector<1x16xf32>,
          %swap3A_832 = vector.shape_cast %swap3A_831 : vector<1x16xf32> to vector<16xf32>
          %swap3A_833 = vector.shape_cast %mul3A_828 : vector<16xf32> to vector<1x16xf32>
          tpu.vector_store %arg7[%swap3A_829, %swap3A_830], %swap3A_833 {strides = array<i32>} : memref<16x1024xf32, #tpu.memory_space<vmem>>, vector<1x16xf32>,
          %get3A_834 = arith.index_cast %scan3A_139 : i32 to index
          %get3A_835 = arith.constant 928 : index
          %get3A_836 = tpu.vector_load %arg7[%get3A_834, %get3A_835] {strides = array<i32>} : memref<16x1024xf32, #tpu.memory_space<vmem>>, vector<1x16xf32>,
          %get3A_837 = vector.shape_cast %get3A_836 : vector<1x16xf32> to vector<16xf32>
          %mul3A_838 = arith.constant 3.200000e+01 : f32
          %mul3A_839 = vector.broadcast %mul3A_838 : f32 to vector<16xf32>
          %mul3A_840 = arith.mulf %get3A_837, %mul3A_839 : vector<16xf32>
          %swap3A_841 = arith.index_cast %scan3A_139 : i32 to index
          %swap3A_842 = arith.constant 928 : index
          %swap3A_843 = tpu.vector_load %arg7[%swap3A_841, %swap3A_842] {strides = array<i32>} : memref<16x1024xf32, #tpu.memory_space<vmem>>, vector<1x16xf32>,
          %swap3A_844 = vector.shape_cast %swap3A_843 : vector<1x16xf32> to vector<16xf32>
          %swap3A_845 = vector.shape_cast %mul3A_840 : vector<16xf32> to vector<1x16xf32>
          tpu.vector_store %arg7[%swap3A_841, %swap3A_842], %swap3A_845 {strides = array<i32>} : memref<16x1024xf32, #tpu.memory_space<vmem>>, vector<1x16xf32>,
          %get3A_846 = arith.index_cast %scan3A_139 : i32 to index
          %get3A_847 = arith.constant 944 : index
          %get3A_848 = tpu.vector_load %arg7[%get3A_846, %get3A_847] {strides = array<i32>} : memref<16x1024xf32, #tpu.memory_space<vmem>>, vector<1x16xf32>,
          %get3A_849 = vector.shape_cast %get3A_848 : vector<1x16xf32> to vector<16xf32>
          %mul3A_850 = arith.constant 3.200000e+01 : f32
          %mul3A_851 = vector.broadcast %mul3A_850 : f32 to vector<16xf32>
          %mul3A_852 = arith.mulf %get3A_849, %mul3A_851 : vector<16xf32>
          %swap3A_853 = arith.index_cast %scan3A_139 : i32 to index
          %swap3A_854 = arith.constant 944 : index
          %swap3A_855 = tpu.vector_load %arg7[%swap3A_853, %swap3A_854] {strides = array<i32>} : memref<16x1024xf32, #tpu.memory_space<vmem>>, vector<1x16xf32>,
          %swap3A_856 = vector.shape_cast %swap3A_855 : vector<1x16xf32> to vector<16xf32>
          %swap3A_857 = vector.shape_cast %mul3A_852 : vector<16xf32> to vector<1x16xf32>
          tpu.vector_store %arg7[%swap3A_853, %swap3A_854], %swap3A_857 {strides = array<i32>} : memref<16x1024xf32, #tpu.memory_space<vmem>>, vector<1x16xf32>,
          %get3A_858 = arith.index_cast %scan3A_139 : i32 to index
          %get3A_859 = arith.constant 960 : index
          %get3A_860 = tpu.vector_load %arg7[%get3A_858, %get3A_859] {strides = array<i32>} : memref<16x1024xf32, #tpu.memory_space<vmem>>, vector<1x16xf32>,
          %get3A_861 = vector.shape_cast %get3A_860 : vector<1x16xf32> to vector<16xf32>
          %mul3A_862 = arith.constant 3.200000e+01 : f32
          %mul3A_863 = vector.broadcast %mul3A_862 : f32 to vector<16xf32>
          %mul3A_864 = arith.mulf %get3A_861, %mul3A_863 : vector<16xf32>
          %swap3A_865 = arith.index_cast %scan3A_139 : i32 to index
          %swap3A_866 = arith.constant 960 : index
          %swap3A_867 = tpu.vector_load %arg7[%swap3A_865, %swap3A_866] {strides = array<i32>} : memref<16x1024xf32, #tpu.memory_space<vmem>>, vector<1x16xf32>,
          %swap3A_868 = vector.shape_cast %swap3A_867 : vector<1x16xf32> to vector<16xf32>
          %swap3A_869 = vector.shape_cast %mul3A_864 : vector<16xf32> to vector<1x16xf32>
          tpu.vector_store %arg7[%swap3A_865, %swap3A_866], %swap3A_869 {strides = array<i32>} : memref<16x1024xf32, #tpu.memory_space<vmem>>, vector<1x16xf32>,
          %get3A_870 = arith.index_cast %scan3A_139 : i32 to index
          %get3A_871 = arith.constant 976 : index
          %get3A_872 = tpu.vector_load %arg7[%get3A_870, %get3A_871] {strides = array<i32>} : memref<16x1024xf32, #tpu.memory_space<vmem>>, vector<1x16xf32>,
          %get3A_873 = vector.shape_cast %get3A_872 : vector<1x16xf32> to vector<16xf32>
          %mul3A_874 = arith.constant 3.200000e+01 : f32
          %mul3A_875 = vector.broadcast %mul3A_874 : f32 to vector<16xf32>
          %mul3A_876 = arith.mulf %get3A_873, %mul3A_875 : vector<16xf32>
          %swap3A_877 = arith.index_cast %scan3A_139 : i32 to index
          %swap3A_878 = arith.constant 976 : index
          %swap3A_879 = tpu.vector_load %arg7[%swap3A_877, %swap3A_878] {strides = array<i32>} : memref<16x1024xf32, #tpu.memory_space<vmem>>, vector<1x16xf32>,
          %swap3A_880 = vector.shape_cast %swap3A_879 : vector<1x16xf32> to vector<16xf32>
          %swap3A_881 = vector.shape_cast %mul3A_876 : vector<16xf32> to vector<1x16xf32>
          tpu.vector_store %arg7[%swap3A_877, %swap3A_878], %swap3A_881 {strides = array<i32>} : memref<16x1024xf32, #tpu.memory_space<vmem>>, vector<1x16xf32>,
          %get3A_882 = arith.index_cast %scan3A_139 : i32 to index
          %get3A_883 = arith.constant 992 : index
          %get3A_884 = tpu.vector_load %arg7[%get3A_882, %get3A_883] {strides = array<i32>} : memref<16x1024xf32, #tpu.memory_space<vmem>>, vector<1x16xf32>,
          %get3A_885 = vector.shape_cast %get3A_884 : vector<1x16xf32> to vector<16xf32>
          %mul3A_886 = arith.constant 3.200000e+01 : f32
          %mul3A_887 = vector.broadcast %mul3A_886 : f32 to vector<16xf32>
          %mul3A_888 = arith.mulf %get3A_885, %mul3A_887 : vector<16xf32>
          %swap3A_889 = arith.index_cast %scan3A_139 : i32 to index
          %swap3A_890 = arith.constant 992 : index
          %swap3A_891 = tpu.vector_load %arg7[%swap3A_889, %swap3A_890] {strides = array<i32>} : memref<16x1024xf32, #tpu.memory_space<vmem>>, vector<1x16xf32>,
          %swap3A_892 = vector.shape_cast %swap3A_891 : vector<1x16xf32> to vector<16xf32>
          %swap3A_893 = vector.shape_cast %mul3A_888 : vector<16xf32> to vector<1x16xf32>
          tpu.vector_store %arg7[%swap3A_889, %swap3A_890], %swap3A_893 {strides = array<i32>} : memref<16x1024xf32, #tpu.memory_space<vmem>>, vector<1x16xf32>,
          %get3A_894 = arith.index_cast %scan3A_139 : i32 to index
          %get3A_895 = arith.constant 1008 : index
          %get3A_896 = tpu.vector_load %arg7[%get3A_894, %get3A_895] {strides = array<i32>} : memref<16x1024xf32, #tpu.memory_space<vmem>>, vector<1x16xf32>,
          %get3A_897 = vector.shape_cast %get3A_896 : vector<1x16xf32> to vector<16xf32>
          %mul3A_898 = arith.constant 3.200000e+01 : f32
          %mul3A_899 = vector.broadcast %mul3A_898 : f32 to vector<16xf32>
          %mul3A_900 = arith.mulf %get3A_897, %mul3A_899 : vector<16xf32>
          %swap3A_901 = arith.index_cast %scan3A_139 : i32 to index
          %swap3A_902 = arith.constant 1008 : index
          %swap3A_903 = tpu.vector_load %arg7[%swap3A_901, %swap3A_902] {strides = array<i32>} : memref<16x1024xf32, #tpu.memory_space<vmem>>, vector<1x16xf32>,
          %swap3A_904 = vector.shape_cast %swap3A_903 : vector<1x16xf32> to vector<16xf32>
          %swap3A_905 = vector.shape_cast %mul3A_900 : vector<16xf32> to vector<1x16xf32>
          tpu.vector_store %arg7[%swap3A_901, %swap3A_902], %swap3A_905 {strides = array<i32>} : memref<16x1024xf32, #tpu.memory_space<vmem>>, vector<1x16xf32>,
        }
        %scan3A_131 = arith.constant 16 : i32
        %mul3A_132 = arith.constant 16 : i32
        %mul3A_133 = arith.muli %add3A_65, %mul3A_132 : i32
        %add3A_134 = arith.addi %mul3A_2, %mul3A_133 : i32
        %dma_start3A_135 = arith.constant 0 : i32
        %dma_start3A_136 = tpu.memref_slice %arg4[%add3A_134, %dma_start3A_135] : memref<32768x1024xf32, #tpu.memory_space<hbm>> -> memref<16x1024xf32, #tpu.memory_space<hbm>>
        %dma_start3A_137 = arith.constant 0 : i32
        %dma_start3A_138 = tpu.memref_slice %arg4[%add3A_134, %dma_start3A_137] : memref<32768x1024xf32, #tpu.memory_space<hbm>> -> memref<16x1024xf32, #tpu.memory_space<hbm>>
        tpu.enqueue_dma source(%arg7 : memref<16x1024xf32, #tpu.memory_space<vmem>>) target(%dma_start3A_138 : memref<16x1024xf32, #tpu.memory_space<hbm>>) target_semaphore(%arg17 : memref<!tpu.dma_semaphore, #tpu.memory_space<semaphore_mem>>)
      } else {
      }
      %add3A_78 = arith.constant 2 : i32
      %add3A_79 = arith.addi %mul3A_52, %add3A_78 : i32
      %add3A_80 = arith.constant 2 : i32
      %add3A_81 = arith.addi %add3A_79, %add3A_80 : i32
      %lt3A_82 = arith.constant 64 : i32
      %lt3A_83 = arith.cmpi slt, %add3A_81, %lt3A_82 : i32
      %convert_element_type3A_84 = arith.extui %lt3A_83 : i1 to i32
      %cond3A_85 = arith.constant 0 : i32
      %cond3A_86 = arith.cmpi ne, %convert_element_type3A_84, %cond3A_85 : i32
      scf.if %cond3A_86 {
        %add3A_120 = arith.constant 2 : i32
        %add3A_121 = arith.addi %add3A_79, %add3A_120 : i32
        %ge3A = arith.constant 5 : i32
        %ge3A_122 = arith.cmpi sge, %add3A_121, %ge3A : i32
        %convert_element_type3A_123 = arith.extui %ge3A_122 : i1 to i32
        %cond3A_124 = arith.constant 0 : i32
        %cond3A_125 = arith.cmpi ne, %convert_element_type3A_123, %cond3A_124 : i32
        scf.if %cond3A_125 {
          %dma_wait3A_134 = arith.constant 0 : i32
          %dma_wait3A_135 = arith.constant 0 : i32
          %dma_wait3A_136 = tpu.memref_slice %arg4[%dma_wait3A_134, %dma_wait3A_135] : memref<32768x1024xf32, #tpu.memory_space<hbm>> -> memref<16x1024xf32, #tpu.memory_space<hbm>>
          %dma_wait3A_137 = arith.constant 0 : i32
          %dma_wait3A_138 = arith.constant 0 : i32
          %dma_wait3A_139 = tpu.memref_slice %arg4[%dma_wait3A_137, %dma_wait3A_138] : memref<32768x1024xf32, #tpu.memory_space<hbm>> -> memref<16x1024xf32, #tpu.memory_space<hbm>>
          tpu.wait_dma2 semaphore(%arg20 : memref<!tpu.dma_semaphore, #tpu.memory_space<semaphore_mem>>) src(%arg10 : memref<16x1024xf32, #tpu.memory_space<vmem>>) dst(%dma_wait3A_139 : memref<16x1024xf32, #tpu.memory_space<hbm>>)
        } else {
        }
        %add3A_126 = arith.constant 2 : i32
        %add3A_127 = arith.addi %add3A_79, %add3A_126 : i32
        %dma_start3A_128 = arith.constant 0 : i32
        %dma_start3A_129 = tpu.memref_slice %arg5[%add3A_127, %dma_start3A_128] : memref<64x16xi32, #tpu.memory_space<vmem>> -> memref<1x16xi32, #tpu.memory_space<vmem>>
        %dma_start3A_130 = tpu.memref_squeeze %dma_start3A_129 : memref<1x16xi32, #tpu.memory_space<vmem>> -> memref<16xi32, #tpu.memory_space<vmem>>
        %dma_start3A_131 = arith.constant 0 : i32
        %dma_start3A_132 = arith.constant 0 : i32
        %dma_start3A_133 = tpu.memref_slice %arg3[%dma_start3A_131, %dma_start3A_132] : memref<100000x1024xf32, #tpu.memory_space<hbm>> -> memref<100000x1024xf32, #tpu.memory_space<hbm>>
        tpu.enqueue_indirect_dma source(%dma_start3A_133 : memref<100000x1024xf32, #tpu.memory_space<hbm>>) target(%arg10 : memref<16x1024xf32, #tpu.memory_space<vmem>>) offsets(%dma_start3A_130 : memref<16xi32, #tpu.memory_space<vmem>>) semaphore(%arg15 : memref<!tpu.dma_semaphore, #tpu.memory_space<semaphore_mem>>)
      } else {
      }
      %lt3A_87 = arith.constant 64 : i32
      %lt3A_88 = arith.cmpi slt, %add3A_79, %lt3A_87 : i32
      %convert_element_type3A_89 = arith.extui %lt3A_88 : i1 to i32
      %cond3A_90 = arith.constant 0 : i32
      %cond3A_91 = arith.cmpi ne, %convert_element_type3A_89, %cond3A_90 : i32
      scf.if %cond3A_91 {
        %dma_wait3A_120 = arith.constant 0 : i32
        %dma_wait3A_121 = arith.constant 0 : i32
        %dma_wait3A_122 = tpu.memref_slice %arg3[%dma_wait3A_120, %dma_wait3A_121] : memref<100000x1024xf32, #tpu.memory_space<hbm>> -> memref<16x1024xf32, #tpu.memory_space<hbm>>
        %dma_wait3A_123 = arith.constant 0 : i32
        %dma_wait3A_124 = arith.constant 0 : i32
        %dma_wait3A_125 = tpu.memref_slice %arg3[%dma_wait3A_123, %dma_wait3A_124] : memref<100000x1024xf32, #tpu.memory_space<hbm>> -> memref<16x1024xf32, #tpu.memory_space<hbm>>
        tpu.wait_dma2 semaphore(%arg13 : memref<!tpu.dma_semaphore, #tpu.memory_space<semaphore_mem>>) src(%dma_wait3A_125 : memref<16x1024xf32, #tpu.memory_space<hbm>>) dst(%arg8 : memref<16x1024xf32, #tpu.memory_space<vmem>>)
        %scan3A_126 = arith.constant 0 : i32
        %scan3A_127 = arith.constant 0 : i32
        %scan3A_128 = arith.constant 16 : i32
        %scan3A_129 = arith.addi %scan3A_127, %scan3A_128 : i32
        %scan3A_130 = arith.constant 1 : i32
        scf.for %scan3A_139 = %scan3A_127 to %scan3A_129 step %scan3A_130  : i32 {
          %get3A = arith.index_cast %scan3A_139 : i32 to index
          %get3A_140 = arith.constant 0 : index
          %get3A_141 = tpu.vector_load %arg8[%get3A, %get3A_140] {strides = array<i32>} : memref<16x1024xf32, #tpu.memory_space<vmem>>, vector<1x16xf32>,
          %get3A_142 = vector.shape_cast %get3A_141 : vector<1x16xf32> to vector<16xf32>
          %mul3A_143 = arith.constant 3.200000e+01 : f32
          %mul3A_144 = vector.broadcast %mul3A_143 : f32 to vector<16xf32>
          %mul3A_145 = arith.mulf %get3A_142, %mul3A_144 : vector<16xf32>
          %swap3A = arith.index_cast %scan3A_139 : i32 to index
          %swap3A_146 = arith.constant 0 : index
          %swap3A_147 = tpu.vector_load %arg8[%swap3A, %swap3A_146] {strides = array<i32>} : memref<16x1024xf32, #tpu.memory_space<vmem>>, vector<1x16xf32>,
          %swap3A_148 = vector.shape_cast %swap3A_147 : vector<1x16xf32> to vector<16xf32>
          %swap3A_149 = vector.shape_cast %mul3A_145 : vector<16xf32> to vector<1x16xf32>
          tpu.vector_store %arg8[%swap3A, %swap3A_146], %swap3A_149 {strides = array<i32>} : memref<16x1024xf32, #tpu.memory_space<vmem>>, vector<1x16xf32>,
          %get3A_150 = arith.index_cast %scan3A_139 : i32 to index
          %get3A_151 = arith.constant 16 : index
          %get3A_152 = tpu.vector_load %arg8[%get3A_150, %get3A_151] {strides = array<i32>} : memref<16x1024xf32, #tpu.memory_space<vmem>>, vector<1x16xf32>,
          %get3A_153 = vector.shape_cast %get3A_152 : vector<1x16xf32> to vector<16xf32>
          %mul3A_154 = arith.constant 3.200000e+01 : f32
          %mul3A_155 = vector.broadcast %mul3A_154 : f32 to vector<16xf32>
          %mul3A_156 = arith.mulf %get3A_153, %mul3A_155 : vector<16xf32>
          %swap3A_157 = arith.index_cast %scan3A_139 : i32 to index
          %swap3A_158 = arith.constant 16 : index
          %swap3A_159 = tpu.vector_load %arg8[%swap3A_157, %swap3A_158] {strides = array<i32>} : memref<16x1024xf32, #tpu.memory_space<vmem>>, vector<1x16xf32>,
          %swap3A_160 = vector.shape_cast %swap3A_159 : vector<1x16xf32> to vector<16xf32>
          %swap3A_161 = vector.shape_cast %mul3A_156 : vector<16xf32> to vector<1x16xf32>
          tpu.vector_store %arg8[%swap3A_157, %swap3A_158], %swap3A_161 {strides = array<i32>} : memref<16x1024xf32, #tpu.memory_space<vmem>>, vector<1x16xf32>,
          %get3A_162 = arith.index_cast %scan3A_139 : i32 to index
          %get3A_163 = arith.constant 32 : index
          %get3A_164 = tpu.vector_load %arg8[%get3A_162, %get3A_163] {strides = array<i32>} : memref<16x1024xf32, #tpu.memory_space<vmem>>, vector<1x16xf32>,
          %get3A_165 = vector.shape_cast %get3A_164 : vector<1x16xf32> to vector<16xf32>
          %mul3A_166 = arith.constant 3.200000e+01 : f32
          %mul3A_167 = vector.broadcast %mul3A_166 : f32 to vector<16xf32>
          %mul3A_168 = arith.mulf %get3A_165, %mul3A_167 : vector<16xf32>
          %swap3A_169 = arith.index_cast %scan3A_139 : i32 to index
          %swap3A_170 = arith.constant 32 : index
          %swap3A_171 = tpu.vector_load %arg8[%swap3A_169, %swap3A_170] {strides = array<i32>} : memref<16x1024xf32, #tpu.memory_space<vmem>>, vector<1x16xf32>,
          %swap3A_172 = vector.shape_cast %swap3A_171 : vector<1x16xf32> to vector<16xf32>
          %swap3A_173 = vector.shape_cast %mul3A_168 : vector<16xf32> to vector<1x16xf32>
          tpu.vector_store %arg8[%swap3A_169, %swap3A_170], %swap3A_173 {strides = array<i32>} : memref<16x1024xf32, #tpu.memory_space<vmem>>, vector<1x16xf32>,
          %get3A_174 = arith.index_cast %scan3A_139 : i32 to index
          %get3A_175 = arith.constant 48 : index
          %get3A_176 = tpu.vector_load %arg8[%get3A_174, %get3A_175] {strides = array<i32>} : memref<16x1024xf32, #tpu.memory_space<vmem>>, vector<1x16xf32>,
          %get3A_177 = vector.shape_cast %get3A_176 : vector<1x16xf32> to vector<16xf32>
          %mul3A_178 = arith.constant 3.200000e+01 : f32
          %mul3A_179 = vector.broadcast %mul3A_178 : f32 to vector<16xf32>
          %mul3A_180 = arith.mulf %get3A_177, %mul3A_179 : vector<16xf32>
          %swap3A_181 = arith.index_cast %scan3A_139 : i32 to index
          %swap3A_182 = arith.constant 48 : index
          %swap3A_183 = tpu.vector_load %arg8[%swap3A_181, %swap3A_182] {strides = array<i32>} : memref<16x1024xf32, #tpu.memory_space<vmem>>, vector<1x16xf32>,
          %swap3A_184 = vector.shape_cast %swap3A_183 : vector<1x16xf32> to vector<16xf32>
          %swap3A_185 = vector.shape_cast %mul3A_180 : vector<16xf32> to vector<1x16xf32>
          tpu.vector_store %arg8[%swap3A_181, %swap3A_182], %swap3A_185 {strides = array<i32>} : memref<16x1024xf32, #tpu.memory_space<vmem>>, vector<1x16xf32>,
          %get3A_186 = arith.index_cast %scan3A_139 : i32 to index
          %get3A_187 = arith.constant 64 : index
          %get3A_188 = tpu.vector_load %arg8[%get3A_186, %get3A_187] {strides = array<i32>} : memref<16x1024xf32, #tpu.memory_space<vmem>>, vector<1x16xf32>,
          %get3A_189 = vector.shape_cast %get3A_188 : vector<1x16xf32> to vector<16xf32>
          %mul3A_190 = arith.constant 3.200000e+01 : f32
          %mul3A_191 = vector.broadcast %mul3A_190 : f32 to vector<16xf32>
          %mul3A_192 = arith.mulf %get3A_189, %mul3A_191 : vector<16xf32>
          %swap3A_193 = arith.index_cast %scan3A_139 : i32 to index
          %swap3A_194 = arith.constant 64 : index
          %swap3A_195 = tpu.vector_load %arg8[%swap3A_193, %swap3A_194] {strides = array<i32>} : memref<16x1024xf32, #tpu.memory_space<vmem>>, vector<1x16xf32>,
          %swap3A_196 = vector.shape_cast %swap3A_195 : vector<1x16xf32> to vector<16xf32>
          %swap3A_197 = vector.shape_cast %mul3A_192 : vector<16xf32> to vector<1x16xf32>
          tpu.vector_store %arg8[%swap3A_193, %swap3A_194], %swap3A_197 {strides = array<i32>} : memref<16x1024xf32, #tpu.memory_space<vmem>>, vector<1x16xf32>,
          %get3A_198 = arith.index_cast %scan3A_139 : i32 to index
          %get3A_199 = arith.constant 80 : index
          %get3A_200 = tpu.vector_load %arg8[%get3A_198, %get3A_199] {strides = array<i32>} : memref<16x1024xf32, #tpu.memory_space<vmem>>, vector<1x16xf32>,
          %get3A_201 = vector.shape_cast %get3A_200 : vector<1x16xf32> to vector<16xf32>
          %mul3A_202 = arith.constant 3.200000e+01 : f32
          %mul3A_203 = vector.broadcast %mul3A_202 : f32 to vector<16xf32>
          %mul3A_204 = arith.mulf %get3A_201, %mul3A_203 : vector<16xf32>
          %swap3A_205 = arith.index_cast %scan3A_139 : i32 to index
          %swap3A_206 = arith.constant 80 : index
          %swap3A_207 = tpu.vector_load %arg8[%swap3A_205, %swap3A_206] {strides = array<i32>} : memref<16x1024xf32, #tpu.memory_space<vmem>>, vector<1x16xf32>,
          %swap3A_208 = vector.shape_cast %swap3A_207 : vector<1x16xf32> to vector<16xf32>
          %swap3A_209 = vector.shape_cast %mul3A_204 : vector<16xf32> to vector<1x16xf32>
          tpu.vector_store %arg8[%swap3A_205, %swap3A_206], %swap3A_209 {strides = array<i32>} : memref<16x1024xf32, #tpu.memory_space<vmem>>, vector<1x16xf32>,
          %get3A_210 = arith.index_cast %scan3A_139 : i32 to index
          %get3A_211 = arith.constant 96 : index
          %get3A_212 = tpu.vector_load %arg8[%get3A_210, %get3A_211] {strides = array<i32>} : memref<16x1024xf32, #tpu.memory_space<vmem>>, vector<1x16xf32>,
          %get3A_213 = vector.shape_cast %get3A_212 : vector<1x16xf32> to vector<16xf32>
          %mul3A_214 = arith.constant 3.200000e+01 : f32
          %mul3A_215 = vector.broadcast %mul3A_214 : f32 to vector<16xf32>
          %mul3A_216 = arith.mulf %get3A_213, %mul3A_215 : vector<16xf32>
          %swap3A_217 = arith.index_cast %scan3A_139 : i32 to index
          %swap3A_218 = arith.constant 96 : index
          %swap3A_219 = tpu.vector_load %arg8[%swap3A_217, %swap3A_218] {strides = array<i32>} : memref<16x1024xf32, #tpu.memory_space<vmem>>, vector<1x16xf32>,
          %swap3A_220 = vector.shape_cast %swap3A_219 : vector<1x16xf32> to vector<16xf32>
          %swap3A_221 = vector.shape_cast %mul3A_216 : vector<16xf32> to vector<1x16xf32>
          tpu.vector_store %arg8[%swap3A_217, %swap3A_218], %swap3A_221 {strides = array<i32>} : memref<16x1024xf32, #tpu.memory_space<vmem>>, vector<1x16xf32>,
          %get3A_222 = arith.index_cast %scan3A_139 : i32 to index
          %get3A_223 = arith.constant 112 : index
          %get3A_224 = tpu.vector_load %arg8[%get3A_222, %get3A_223] {strides = array<i32>} : memref<16x1024xf32, #tpu.memory_space<vmem>>, vector<1x16xf32>,
          %get3A_225 = vector.shape_cast %get3A_224 : vector<1x16xf32> to vector<16xf32>
          %mul3A_226 = arith.constant 3.200000e+01 : f32
          %mul3A_227 = vector.broadcast %mul3A_226 : f32 to vector<16xf32>
          %mul3A_228 = arith.mulf %get3A_225, %mul3A_227 : vector<16xf32>
          %swap3A_229 = arith.index_cast %scan3A_139 : i32 to index
          %swap3A_230 = arith.constant 112 : index
          %swap3A_231 = tpu.vector_load %arg8[%swap3A_229, %swap3A_230] {strides = array<i32>} : memref<16x1024xf32, #tpu.memory_space<vmem>>, vector<1x16xf32>,
          %swap3A_232 = vector.shape_cast %swap3A_231 : vector<1x16xf32> to vector<16xf32>
          %swap3A_233 = vector.shape_cast %mul3A_228 : vector<16xf32> to vector<1x16xf32>
          tpu.vector_store %arg8[%swap3A_229, %swap3A_230], %swap3A_233 {strides = array<i32>} : memref<16x1024xf32, #tpu.memory_space<vmem>>, vector<1x16xf32>,
          %get3A_234 = arith.index_cast %scan3A_139 : i32 to index
          %get3A_235 = arith.constant 128 : index
          %get3A_236 = tpu.vector_load %arg8[%get3A_234, %get3A_235] {strides = array<i32>} : memref<16x1024xf32, #tpu.memory_space<vmem>>, vector<1x16xf32>,
          %get3A_237 = vector.shape_cast %get3A_236 : vector<1x16xf32> to vector<16xf32>
          %mul3A_238 = arith.constant 3.200000e+01 : f32
          %mul3A_239 = vector.broadcast %mul3A_238 : f32 to vector<16xf32>
          %mul3A_240 = arith.mulf %get3A_237, %mul3A_239 : vector<16xf32>
          %swap3A_241 = arith.index_cast %scan3A_139 : i32 to index
          %swap3A_242 = arith.constant 128 : index
          %swap3A_243 = tpu.vector_load %arg8[%swap3A_241, %swap3A_242] {strides = array<i32>} : memref<16x1024xf32, #tpu.memory_space<vmem>>, vector<1x16xf32>,
          %swap3A_244 = vector.shape_cast %swap3A_243 : vector<1x16xf32> to vector<16xf32>
          %swap3A_245 = vector.shape_cast %mul3A_240 : vector<16xf32> to vector<1x16xf32>
          tpu.vector_store %arg8[%swap3A_241, %swap3A_242], %swap3A_245 {strides = array<i32>} : memref<16x1024xf32, #tpu.memory_space<vmem>>, vector<1x16xf32>,
          %get3A_246 = arith.index_cast %scan3A_139 : i32 to index
          %get3A_247 = arith.constant 144 : index
          %get3A_248 = tpu.vector_load %arg8[%get3A_246, %get3A_247] {strides = array<i32>} : memref<16x1024xf32, #tpu.memory_space<vmem>>, vector<1x16xf32>,
          %get3A_249 = vector.shape_cast %get3A_248 : vector<1x16xf32> to vector<16xf32>
          %mul3A_250 = arith.constant 3.200000e+01 : f32
          %mul3A_251 = vector.broadcast %mul3A_250 : f32 to vector<16xf32>
          %mul3A_252 = arith.mulf %get3A_249, %mul3A_251 : vector<16xf32>
          %swap3A_253 = arith.index_cast %scan3A_139 : i32 to index
          %swap3A_254 = arith.constant 144 : index
          %swap3A_255 = tpu.vector_load %arg8[%swap3A_253, %swap3A_254] {strides = array<i32>} : memref<16x1024xf32, #tpu.memory_space<vmem>>, vector<1x16xf32>,
          %swap3A_256 = vector.shape_cast %swap3A_255 : vector<1x16xf32> to vector<16xf32>
          %swap3A_257 = vector.shape_cast %mul3A_252 : vector<16xf32> to vector<1x16xf32>
          tpu.vector_store %arg8[%swap3A_253, %swap3A_254], %swap3A_257 {strides = array<i32>} : memref<16x1024xf32, #tpu.memory_space<vmem>>, vector<1x16xf32>,
          %get3A_258 = arith.index_cast %scan3A_139 : i32 to index
          %get3A_259 = arith.constant 160 : index
          %get3A_260 = tpu.vector_load %arg8[%get3A_258, %get3A_259] {strides = array<i32>} : memref<16x1024xf32, #tpu.memory_space<vmem>>, vector<1x16xf32>,
          %get3A_261 = vector.shape_cast %get3A_260 : vector<1x16xf32> to vector<16xf32>
          %mul3A_262 = arith.constant 3.200000e+01 : f32
          %mul3A_263 = vector.broadcast %mul3A_262 : f32 to vector<16xf32>
          %mul3A_264 = arith.mulf %get3A_261, %mul3A_263 : vector<16xf32>
          %swap3A_265 = arith.index_cast %scan3A_139 : i32 to index
          %swap3A_266 = arith.constant 160 : index
          %swap3A_267 = tpu.vector_load %arg8[%swap3A_265, %swap3A_266] {strides = array<i32>} : memref<16x1024xf32, #tpu.memory_space<vmem>>, vector<1x16xf32>,
          %swap3A_268 = vector.shape_cast %swap3A_267 : vector<1x16xf32> to vector<16xf32>
          %swap3A_269 = vector.shape_cast %mul3A_264 : vector<16xf32> to vector<1x16xf32>
          tpu.vector_store %arg8[%swap3A_265, %swap3A_266], %swap3A_269 {strides = array<i32>} : memref<16x1024xf32, #tpu.memory_space<vmem>>, vector<1x16xf32>,
          %get3A_270 = arith.index_cast %scan3A_139 : i32 to index
          %get3A_271 = arith.constant 176 : index
          %get3A_272 = tpu.vector_load %arg8[%get3A_270, %get3A_271] {strides = array<i32>} : memref<16x1024xf32, #tpu.memory_space<vmem>>, vector<1x16xf32>,
          %get3A_273 = vector.shape_cast %get3A_272 : vector<1x16xf32> to vector<16xf32>
          %mul3A_274 = arith.constant 3.200000e+01 : f32
          %mul3A_275 = vector.broadcast %mul3A_274 : f32 to vector<16xf32>
          %mul3A_276 = arith.mulf %get3A_273, %mul3A_275 : vector<16xf32>
          %swap3A_277 = arith.index_cast %scan3A_139 : i32 to index
          %swap3A_278 = arith.constant 176 : index
          %swap3A_279 = tpu.vector_load %arg8[%swap3A_277, %swap3A_278] {strides = array<i32>} : memref<16x1024xf32, #tpu.memory_space<vmem>>, vector<1x16xf32>,
          %swap3A_280 = vector.shape_cast %swap3A_279 : vector<1x16xf32> to vector<16xf32>
          %swap3A_281 = vector.shape_cast %mul3A_276 : vector<16xf32> to vector<1x16xf32>
          tpu.vector_store %arg8[%swap3A_277, %swap3A_278], %swap3A_281 {strides = array<i32>} : memref<16x1024xf32, #tpu.memory_space<vmem>>, vector<1x16xf32>,
          %get3A_282 = arith.index_cast %scan3A_139 : i32 to index
          %get3A_283 = arith.constant 192 : index
          %get3A_284 = tpu.vector_load %arg8[%get3A_282, %get3A_283] {strides = array<i32>} : memref<16x1024xf32, #tpu.memory_space<vmem>>, vector<1x16xf32>,
          %get3A_285 = vector.shape_cast %get3A_284 : vector<1x16xf32> to vector<16xf32>
          %mul3A_286 = arith.constant 3.200000e+01 : f32
          %mul3A_287 = vector.broadcast %mul3A_286 : f32 to vector<16xf32>
          %mul3A_288 = arith.mulf %get3A_285, %mul3A_287 : vector<16xf32>
          %swap3A_289 = arith.index_cast %scan3A_139 : i32 to index
          %swap3A_290 = arith.constant 192 : index
          %swap3A_291 = tpu.vector_load %arg8[%swap3A_289, %swap3A_290] {strides = array<i32>} : memref<16x1024xf32, #tpu.memory_space<vmem>>, vector<1x16xf32>,
          %swap3A_292 = vector.shape_cast %swap3A_291 : vector<1x16xf32> to vector<16xf32>
          %swap3A_293 = vector.shape_cast %mul3A_288 : vector<16xf32> to vector<1x16xf32>
          tpu.vector_store %arg8[%swap3A_289, %swap3A_290], %swap3A_293 {strides = array<i32>} : memref<16x1024xf32, #tpu.memory_space<vmem>>, vector<1x16xf32>,
          %get3A_294 = arith.index_cast %scan3A_139 : i32 to index
          %get3A_295 = arith.constant 208 : index
          %get3A_296 = tpu.vector_load %arg8[%get3A_294, %get3A_295] {strides = array<i32>} : memref<16x1024xf32, #tpu.memory_space<vmem>>, vector<1x16xf32>,
          %get3A_297 = vector.shape_cast %get3A_296 : vector<1x16xf32> to vector<16xf32>
          %mul3A_298 = arith.constant 3.200000e+01 : f32
          %mul3A_299 = vector.broadcast %mul3A_298 : f32 to vector<16xf32>
          %mul3A_300 = arith.mulf %get3A_297, %mul3A_299 : vector<16xf32>
          %swap3A_301 = arith.index_cast %scan3A_139 : i32 to index
          %swap3A_302 = arith.constant 208 : index
          %swap3A_303 = tpu.vector_load %arg8[%swap3A_301, %swap3A_302] {strides = array<i32>} : memref<16x1024xf32, #tpu.memory_space<vmem>>, vector<1x16xf32>,
          %swap3A_304 = vector.shape_cast %swap3A_303 : vector<1x16xf32> to vector<16xf32>
          %swap3A_305 = vector.shape_cast %mul3A_300 : vector<16xf32> to vector<1x16xf32>
          tpu.vector_store %arg8[%swap3A_301, %swap3A_302], %swap3A_305 {strides = array<i32>} : memref<16x1024xf32, #tpu.memory_space<vmem>>, vector<1x16xf32>,
          %get3A_306 = arith.index_cast %scan3A_139 : i32 to index
          %get3A_307 = arith.constant 224 : index
          %get3A_308 = tpu.vector_load %arg8[%get3A_306, %get3A_307] {strides = array<i32>} : memref<16x1024xf32, #tpu.memory_space<vmem>>, vector<1x16xf32>,
          %get3A_309 = vector.shape_cast %get3A_308 : vector<1x16xf32> to vector<16xf32>
          %mul3A_310 = arith.constant 3.200000e+01 : f32
          %mul3A_311 = vector.broadcast %mul3A_310 : f32 to vector<16xf32>
          %mul3A_312 = arith.mulf %get3A_309, %mul3A_311 : vector<16xf32>
          %swap3A_313 = arith.index_cast %scan3A_139 : i32 to index
          %swap3A_314 = arith.constant 224 : index
          %swap3A_315 = tpu.vector_load %arg8[%swap3A_313, %swap3A_314] {strides = array<i32>} : memref<16x1024xf32, #tpu.memory_space<vmem>>, vector<1x16xf32>,
          %swap3A_316 = vector.shape_cast %swap3A_315 : vector<1x16xf32> to vector<16xf32>
          %swap3A_317 = vector.shape_cast %mul3A_312 : vector<16xf32> to vector<1x16xf32>
          tpu.vector_store %arg8[%swap3A_313, %swap3A_314], %swap3A_317 {strides = array<i32>} : memref<16x1024xf32, #tpu.memory_space<vmem>>, vector<1x16xf32>,
          %get3A_318 = arith.index_cast %scan3A_139 : i32 to index
          %get3A_319 = arith.constant 240 : index
          %get3A_320 = tpu.vector_load %arg8[%get3A_318, %get3A_319] {strides = array<i32>} : memref<16x1024xf32, #tpu.memory_space<vmem>>, vector<1x16xf32>,
          %get3A_321 = vector.shape_cast %get3A_320 : vector<1x16xf32> to vector<16xf32>
          %mul3A_322 = arith.constant 3.200000e+01 : f32
          %mul3A_323 = vector.broadcast %mul3A_322 : f32 to vector<16xf32>
          %mul3A_324 = arith.mulf %get3A_321, %mul3A_323 : vector<16xf32>
          %swap3A_325 = arith.index_cast %scan3A_139 : i32 to index
          %swap3A_326 = arith.constant 240 : index
          %swap3A_327 = tpu.vector_load %arg8[%swap3A_325, %swap3A_326] {strides = array<i32>} : memref<16x1024xf32, #tpu.memory_space<vmem>>, vector<1x16xf32>,
          %swap3A_328 = vector.shape_cast %swap3A_327 : vector<1x16xf32> to vector<16xf32>
          %swap3A_329 = vector.shape_cast %mul3A_324 : vector<16xf32> to vector<1x16xf32>
          tpu.vector_store %arg8[%swap3A_325, %swap3A_326], %swap3A_329 {strides = array<i32>} : memref<16x1024xf32, #tpu.memory_space<vmem>>, vector<1x16xf32>,
          %get3A_330 = arith.index_cast %scan3A_139 : i32 to index
          %get3A_331 = arith.constant 256 : index
          %get3A_332 = tpu.vector_load %arg8[%get3A_330, %get3A_331] {strides = array<i32>} : memref<16x1024xf32, #tpu.memory_space<vmem>>, vector<1x16xf32>,
          %get3A_333 = vector.shape_cast %get3A_332 : vector<1x16xf32> to vector<16xf32>
          %mul3A_334 = arith.constant 3.200000e+01 : f32
          %mul3A_335 = vector.broadcast %mul3A_334 : f32 to vector<16xf32>
          %mul3A_336 = arith.mulf %get3A_333, %mul3A_335 : vector<16xf32>
          %swap3A_337 = arith.index_cast %scan3A_139 : i32 to index
          %swap3A_338 = arith.constant 256 : index
          %swap3A_339 = tpu.vector_load %arg8[%swap3A_337, %swap3A_338] {strides = array<i32>} : memref<16x1024xf32, #tpu.memory_space<vmem>>, vector<1x16xf32>,
          %swap3A_340 = vector.shape_cast %swap3A_339 : vector<1x16xf32> to vector<16xf32>
          %swap3A_341 = vector.shape_cast %mul3A_336 : vector<16xf32> to vector<1x16xf32>
          tpu.vector_store %arg8[%swap3A_337, %swap3A_338], %swap3A_341 {strides = array<i32>} : memref<16x1024xf32, #tpu.memory_space<vmem>>, vector<1x16xf32>,
          %get3A_342 = arith.index_cast %scan3A_139 : i32 to index
          %get3A_343 = arith.constant 272 : index
          %get3A_344 = tpu.vector_load %arg8[%get3A_342, %get3A_343] {strides = array<i32>} : memref<16x1024xf32, #tpu.memory_space<vmem>>, vector<1x16xf32>,
          %get3A_345 = vector.shape_cast %get3A_344 : vector<1x16xf32> to vector<16xf32>
          %mul3A_346 = arith.constant 3.200000e+01 : f32
          %mul3A_347 = vector.broadcast %mul3A_346 : f32 to vector<16xf32>
          %mul3A_348 = arith.mulf %get3A_345, %mul3A_347 : vector<16xf32>
          %swap3A_349 = arith.index_cast %scan3A_139 : i32 to index
          %swap3A_350 = arith.constant 272 : index
          %swap3A_351 = tpu.vector_load %arg8[%swap3A_349, %swap3A_350] {strides = array<i32>} : memref<16x1024xf32, #tpu.memory_space<vmem>>, vector<1x16xf32>,
          %swap3A_352 = vector.shape_cast %swap3A_351 : vector<1x16xf32> to vector<16xf32>
          %swap3A_353 = vector.shape_cast %mul3A_348 : vector<16xf32> to vector<1x16xf32>
          tpu.vector_store %arg8[%swap3A_349, %swap3A_350], %swap3A_353 {strides = array<i32>} : memref<16x1024xf32, #tpu.memory_space<vmem>>, vector<1x16xf32>,
          %get3A_354 = arith.index_cast %scan3A_139 : i32 to index
          %get3A_355 = arith.constant 288 : index
          %get3A_356 = tpu.vector_load %arg8[%get3A_354, %get3A_355] {strides = array<i32>} : memref<16x1024xf32, #tpu.memory_space<vmem>>, vector<1x16xf32>,
          %get3A_357 = vector.shape_cast %get3A_356 : vector<1x16xf32> to vector<16xf32>
          %mul3A_358 = arith.constant 3.200000e+01 : f32
          %mul3A_359 = vector.broadcast %mul3A_358 : f32 to vector<16xf32>
          %mul3A_360 = arith.mulf %get3A_357, %mul3A_359 : vector<16xf32>
          %swap3A_361 = arith.index_cast %scan3A_139 : i32 to index
          %swap3A_362 = arith.constant 288 : index
          %swap3A_363 = tpu.vector_load %arg8[%swap3A_361, %swap3A_362] {strides = array<i32>} : memref<16x1024xf32, #tpu.memory_space<vmem>>, vector<1x16xf32>,
          %swap3A_364 = vector.shape_cast %swap3A_363 : vector<1x16xf32> to vector<16xf32>
          %swap3A_365 = vector.shape_cast %mul3A_360 : vector<16xf32> to vector<1x16xf32>
          tpu.vector_store %arg8[%swap3A_361, %swap3A_362], %swap3A_365 {strides = array<i32>} : memref<16x1024xf32, #tpu.memory_space<vmem>>, vector<1x16xf32>,
          %get3A_366 = arith.index_cast %scan3A_139 : i32 to index
          %get3A_367 = arith.constant 304 : index
          %get3A_368 = tpu.vector_load %arg8[%get3A_366, %get3A_367] {strides = array<i32>} : memref<16x1024xf32, #tpu.memory_space<vmem>>, vector<1x16xf32>,
          %get3A_369 = vector.shape_cast %get3A_368 : vector<1x16xf32> to vector<16xf32>
          %mul3A_370 = arith.constant 3.200000e+01 : f32
          %mul3A_371 = vector.broadcast %mul3A_370 : f32 to vector<16xf32>
          %mul3A_372 = arith.mulf %get3A_369, %mul3A_371 : vector<16xf32>
          %swap3A_373 = arith.index_cast %scan3A_139 : i32 to index
          %swap3A_374 = arith.constant 304 : index
          %swap3A_375 = tpu.vector_load %arg8[%swap3A_373, %swap3A_374] {strides = array<i32>} : memref<16x1024xf32, #tpu.memory_space<vmem>>, vector<1x16xf32>,
          %swap3A_376 = vector.shape_cast %swap3A_375 : vector<1x16xf32> to vector<16xf32>
          %swap3A_377 = vector.shape_cast %mul3A_372 : vector<16xf32> to vector<1x16xf32>
          tpu.vector_store %arg8[%swap3A_373, %swap3A_374], %swap3A_377 {strides = array<i32>} : memref<16x1024xf32, #tpu.memory_space<vmem>>, vector<1x16xf32>,
          %get3A_378 = arith.index_cast %scan3A_139 : i32 to index
          %get3A_379 = arith.constant 320 : index
          %get3A_380 = tpu.vector_load %arg8[%get3A_378, %get3A_379] {strides = array<i32>} : memref<16x1024xf32, #tpu.memory_space<vmem>>, vector<1x16xf32>,
          %get3A_381 = vector.shape_cast %get3A_380 : vector<1x16xf32> to vector<16xf32>
          %mul3A_382 = arith.constant 3.200000e+01 : f32
          %mul3A_383 = vector.broadcast %mul3A_382 : f32 to vector<16xf32>
          %mul3A_384 = arith.mulf %get3A_381, %mul3A_383 : vector<16xf32>
          %swap3A_385 = arith.index_cast %scan3A_139 : i32 to index
          %swap3A_386 = arith.constant 320 : index
          %swap3A_387 = tpu.vector_load %arg8[%swap3A_385, %swap3A_386] {strides = array<i32>} : memref<16x1024xf32, #tpu.memory_space<vmem>>, vector<1x16xf32>,
          %swap3A_388 = vector.shape_cast %swap3A_387 : vector<1x16xf32> to vector<16xf32>
          %swap3A_389 = vector.shape_cast %mul3A_384 : vector<16xf32> to vector<1x16xf32>
          tpu.vector_store %arg8[%swap3A_385, %swap3A_386], %swap3A_389 {strides = array<i32>} : memref<16x1024xf32, #tpu.memory_space<vmem>>, vector<1x16xf32>,
          %get3A_390 = arith.index_cast %scan3A_139 : i32 to index
          %get3A_391 = arith.constant 336 : index
          %get3A_392 = tpu.vector_load %arg8[%get3A_390, %get3A_391] {strides = array<i32>} : memref<16x1024xf32, #tpu.memory_space<vmem>>, vector<1x16xf32>,
          %get3A_393 = vector.shape_cast %get3A_392 : vector<1x16xf32> to vector<16xf32>
          %mul3A_394 = arith.constant 3.200000e+01 : f32
          %mul3A_395 = vector.broadcast %mul3A_394 : f32 to vector<16xf32>
          %mul3A_396 = arith.mulf %get3A_393, %mul3A_395 : vector<16xf32>
          %swap3A_397 = arith.index_cast %scan3A_139 : i32 to index
          %swap3A_398 = arith.constant 336 : index
          %swap3A_399 = tpu.vector_load %arg8[%swap3A_397, %swap3A_398] {strides = array<i32>} : memref<16x1024xf32, #tpu.memory_space<vmem>>, vector<1x16xf32>,
          %swap3A_400 = vector.shape_cast %swap3A_399 : vector<1x16xf32> to vector<16xf32>
          %swap3A_401 = vector.shape_cast %mul3A_396 : vector<16xf32> to vector<1x16xf32>
          tpu.vector_store %arg8[%swap3A_397, %swap3A_398], %swap3A_401 {strides = array<i32>} : memref<16x1024xf32, #tpu.memory_space<vmem>>, vector<1x16xf32>,
          %get3A_402 = arith.index_cast %scan3A_139 : i32 to index
          %get3A_403 = arith.constant 352 : index
          %get3A_404 = tpu.vector_load %arg8[%get3A_402, %get3A_403] {strides = array<i32>} : memref<16x1024xf32, #tpu.memory_space<vmem>>, vector<1x16xf32>,
          %get3A_405 = vector.shape_cast %get3A_404 : vector<1x16xf32> to vector<16xf32>
          %mul3A_406 = arith.constant 3.200000e+01 : f32
          %mul3A_407 = vector.broadcast %mul3A_406 : f32 to vector<16xf32>
          %mul3A_408 = arith.mulf %get3A_405, %mul3A_407 : vector<16xf32>
          %swap3A_409 = arith.index_cast %scan3A_139 : i32 to index
          %swap3A_410 = arith.constant 352 : index
          %swap3A_411 = tpu.vector_load %arg8[%swap3A_409, %swap3A_410] {strides = array<i32>} : memref<16x1024xf32, #tpu.memory_space<vmem>>, vector<1x16xf32>,
          %swap3A_412 = vector.shape_cast %swap3A_411 : vector<1x16xf32> to vector<16xf32>
          %swap3A_413 = vector.shape_cast %mul3A_408 : vector<16xf32> to vector<1x16xf32>
          tpu.vector_store %arg8[%swap3A_409, %swap3A_410], %swap3A_413 {strides = array<i32>} : memref<16x1024xf32, #tpu.memory_space<vmem>>, vector<1x16xf32>,
          %get3A_414 = arith.index_cast %scan3A_139 : i32 to index
          %get3A_415 = arith.constant 368 : index
          %get3A_416 = tpu.vector_load %arg8[%get3A_414, %get3A_415] {strides = array<i32>} : memref<16x1024xf32, #tpu.memory_space<vmem>>, vector<1x16xf32>,
          %get3A_417 = vector.shape_cast %get3A_416 : vector<1x16xf32> to vector<16xf32>
          %mul3A_418 = arith.constant 3.200000e+01 : f32
          %mul3A_419 = vector.broadcast %mul3A_418 : f32 to vector<16xf32>
          %mul3A_420 = arith.mulf %get3A_417, %mul3A_419 : vector<16xf32>
          %swap3A_421 = arith.index_cast %scan3A_139 : i32 to index
          %swap3A_422 = arith.constant 368 : index
          %swap3A_423 = tpu.vector_load %arg8[%swap3A_421, %swap3A_422] {strides = array<i32>} : memref<16x1024xf32, #tpu.memory_space<vmem>>, vector<1x16xf32>,
          %swap3A_424 = vector.shape_cast %swap3A_423 : vector<1x16xf32> to vector<16xf32>
          %swap3A_425 = vector.shape_cast %mul3A_420 : vector<16xf32> to vector<1x16xf32>
          tpu.vector_store %arg8[%swap3A_421, %swap3A_422], %swap3A_425 {strides = array<i32>} : memref<16x1024xf32, #tpu.memory_space<vmem>>, vector<1x16xf32>,
          %get3A_426 = arith.index_cast %scan3A_139 : i32 to index
          %get3A_427 = arith.constant 384 : index
          %get3A_428 = tpu.vector_load %arg8[%get3A_426, %get3A_427] {strides = array<i32>} : memref<16x1024xf32, #tpu.memory_space<vmem>>, vector<1x16xf32>,
          %get3A_429 = vector.shape_cast %get3A_428 : vector<1x16xf32> to vector<16xf32>
          %mul3A_430 = arith.constant 3.200000e+01 : f32
          %mul3A_431 = vector.broadcast %mul3A_430 : f32 to vector<16xf32>
          %mul3A_432 = arith.mulf %get3A_429, %mul3A_431 : vector<16xf32>
          %swap3A_433 = arith.index_cast %scan3A_139 : i32 to index
          %swap3A_434 = arith.constant 384 : index
          %swap3A_435 = tpu.vector_load %arg8[%swap3A_433, %swap3A_434] {strides = array<i32>} : memref<16x1024xf32, #tpu.memory_space<vmem>>, vector<1x16xf32>,
          %swap3A_436 = vector.shape_cast %swap3A_435 : vector<1x16xf32> to vector<16xf32>
          %swap3A_437 = vector.shape_cast %mul3A_432 : vector<16xf32> to vector<1x16xf32>
          tpu.vector_store %arg8[%swap3A_433, %swap3A_434], %swap3A_437 {strides = array<i32>} : memref<16x1024xf32, #tpu.memory_space<vmem>>, vector<1x16xf32>,
          %get3A_438 = arith.index_cast %scan3A_139 : i32 to index
          %get3A_439 = arith.constant 400 : index
          %get3A_440 = tpu.vector_load %arg8[%get3A_438, %get3A_439] {strides = array<i32>} : memref<16x1024xf32, #tpu.memory_space<vmem>>, vector<1x16xf32>,
          %get3A_441 = vector.shape_cast %get3A_440 : vector<1x16xf32> to vector<16xf32>
          %mul3A_442 = arith.constant 3.200000e+01 : f32
          %mul3A_443 = vector.broadcast %mul3A_442 : f32 to vector<16xf32>
          %mul3A_444 = arith.mulf %get3A_441, %mul3A_443 : vector<16xf32>
          %swap3A_445 = arith.index_cast %scan3A_139 : i32 to index
          %swap3A_446 = arith.constant 400 : index
          %swap3A_447 = tpu.vector_load %arg8[%swap3A_445, %swap3A_446] {strides = array<i32>} : memref<16x1024xf32, #tpu.memory_space<vmem>>, vector<1x16xf32>,
          %swap3A_448 = vector.shape_cast %swap3A_447 : vector<1x16xf32> to vector<16xf32>
          %swap3A_449 = vector.shape_cast %mul3A_444 : vector<16xf32> to vector<1x16xf32>
          tpu.vector_store %arg8[%swap3A_445, %swap3A_446], %swap3A_449 {strides = array<i32>} : memref<16x1024xf32, #tpu.memory_space<vmem>>, vector<1x16xf32>,
          %get3A_450 = arith.index_cast %scan3A_139 : i32 to index
          %get3A_451 = arith.constant 416 : index
          %get3A_452 = tpu.vector_load %arg8[%get3A_450, %get3A_451] {strides = array<i32>} : memref<16x1024xf32, #tpu.memory_space<vmem>>, vector<1x16xf32>,
          %get3A_453 = vector.shape_cast %get3A_452 : vector<1x16xf32> to vector<16xf32>
          %mul3A_454 = arith.constant 3.200000e+01 : f32
          %mul3A_455 = vector.broadcast %mul3A_454 : f32 to vector<16xf32>
          %mul3A_456 = arith.mulf %get3A_453, %mul3A_455 : vector<16xf32>
          %swap3A_457 = arith.index_cast %scan3A_139 : i32 to index
          %swap3A_458 = arith.constant 416 : index
          %swap3A_459 = tpu.vector_load %arg8[%swap3A_457, %swap3A_458] {strides = array<i32>} : memref<16x1024xf32, #tpu.memory_space<vmem>>, vector<1x16xf32>,
          %swap3A_460 = vector.shape_cast %swap3A_459 : vector<1x16xf32> to vector<16xf32>
          %swap3A_461 = vector.shape_cast %mul3A_456 : vector<16xf32> to vector<1x16xf32>
          tpu.vector_store %arg8[%swap3A_457, %swap3A_458], %swap3A_461 {strides = array<i32>} : memref<16x1024xf32, #tpu.memory_space<vmem>>, vector<1x16xf32>,
          %get3A_462 = arith.index_cast %scan3A_139 : i32 to index
          %get3A_463 = arith.constant 432 : index
          %get3A_464 = tpu.vector_load %arg8[%get3A_462, %get3A_463] {strides = array<i32>} : memref<16x1024xf32, #tpu.memory_space<vmem>>, vector<1x16xf32>,
          %get3A_465 = vector.shape_cast %get3A_464 : vector<1x16xf32> to vector<16xf32>
          %mul3A_466 = arith.constant 3.200000e+01 : f32
          %mul3A_467 = vector.broadcast %mul3A_466 : f32 to vector<16xf32>
          %mul3A_468 = arith.mulf %get3A_465, %mul3A_467 : vector<16xf32>
          %swap3A_469 = arith.index_cast %scan3A_139 : i32 to index
          %swap3A_470 = arith.constant 432 : index
          %swap3A_471 = tpu.vector_load %arg8[%swap3A_469, %swap3A_470] {strides = array<i32>} : memref<16x1024xf32, #tpu.memory_space<vmem>>, vector<1x16xf32>,
          %swap3A_472 = vector.shape_cast %swap3A_471 : vector<1x16xf32> to vector<16xf32>
          %swap3A_473 = vector.shape_cast %mul3A_468 : vector<16xf32> to vector<1x16xf32>
          tpu.vector_store %arg8[%swap3A_469, %swap3A_470], %swap3A_473 {strides = array<i32>} : memref<16x1024xf32, #tpu.memory_space<vmem>>, vector<1x16xf32>,
          %get3A_474 = arith.index_cast %scan3A_139 : i32 to index
          %get3A_475 = arith.constant 448 : index
          %get3A_476 = tpu.vector_load %arg8[%get3A_474, %get3A_475] {strides = array<i32>} : memref<16x1024xf32, #tpu.memory_space<vmem>>, vector<1x16xf32>,
          %get3A_477 = vector.shape_cast %get3A_476 : vector<1x16xf32> to vector<16xf32>
          %mul3A_478 = arith.constant 3.200000e+01 : f32
          %mul3A_479 = vector.broadcast %mul3A_478 : f32 to vector<16xf32>
          %mul3A_480 = arith.mulf %get3A_477, %mul3A_479 : vector<16xf32>
          %swap3A_481 = arith.index_cast %scan3A_139 : i32 to index
          %swap3A_482 = arith.constant 448 : index
          %swap3A_483 = tpu.vector_load %arg8[%swap3A_481, %swap3A_482] {strides = array<i32>} : memref<16x1024xf32, #tpu.memory_space<vmem>>, vector<1x16xf32>,
          %swap3A_484 = vector.shape_cast %swap3A_483 : vector<1x16xf32> to vector<16xf32>
          %swap3A_485 = vector.shape_cast %mul3A_480 : vector<16xf32> to vector<1x16xf32>
          tpu.vector_store %arg8[%swap3A_481, %swap3A_482], %swap3A_485 {strides = array<i32>} : memref<16x1024xf32, #tpu.memory_space<vmem>>, vector<1x16xf32>,
          %get3A_486 = arith.index_cast %scan3A_139 : i32 to index
          %get3A_487 = arith.constant 464 : index
          %get3A_488 = tpu.vector_load %arg8[%get3A_486, %get3A_487] {strides = array<i32>} : memref<16x1024xf32, #tpu.memory_space<vmem>>, vector<1x16xf32>,
          %get3A_489 = vector.shape_cast %get3A_488 : vector<1x16xf32> to vector<16xf32>
          %mul3A_490 = arith.constant 3.200000e+01 : f32
          %mul3A_491 = vector.broadcast %mul3A_490 : f32 to vector<16xf32>
          %mul3A_492 = arith.mulf %get3A_489, %mul3A_491 : vector<16xf32>
          %swap3A_493 = arith.index_cast %scan3A_139 : i32 to index
          %swap3A_494 = arith.constant 464 : index
          %swap3A_495 = tpu.vector_load %arg8[%swap3A_493, %swap3A_494] {strides = array<i32>} : memref<16x1024xf32, #tpu.memory_space<vmem>>, vector<1x16xf32>,
          %swap3A_496 = vector.shape_cast %swap3A_495 : vector<1x16xf32> to vector<16xf32>
          %swap3A_497 = vector.shape_cast %mul3A_492 : vector<16xf32> to vector<1x16xf32>
          tpu.vector_store %arg8[%swap3A_493, %swap3A_494], %swap3A_497 {strides = array<i32>} : memref<16x1024xf32, #tpu.memory_space<vmem>>, vector<1x16xf32>,
          %get3A_498 = arith.index_cast %scan3A_139 : i32 to index
          %get3A_499 = arith.constant 480 : index
          %get3A_500 = tpu.vector_load %arg8[%get3A_498, %get3A_499] {strides = array<i32>} : memref<16x1024xf32, #tpu.memory_space<vmem>>, vector<1x16xf32>,
          %get3A_501 = vector.shape_cast %get3A_500 : vector<1x16xf32> to vector<16xf32>
          %mul3A_502 = arith.constant 3.200000e+01 : f32
          %mul3A_503 = vector.broadcast %mul3A_502 : f32 to vector<16xf32>
          %mul3A_504 = arith.mulf %get3A_501, %mul3A_503 : vector<16xf32>
          %swap3A_505 = arith.index_cast %scan3A_139 : i32 to index
          %swap3A_506 = arith.constant 480 : index
          %swap3A_507 = tpu.vector_load %arg8[%swap3A_505, %swap3A_506] {strides = array<i32>} : memref<16x1024xf32, #tpu.memory_space<vmem>>, vector<1x16xf32>,
          %swap3A_508 = vector.shape_cast %swap3A_507 : vector<1x16xf32> to vector<16xf32>
          %swap3A_509 = vector.shape_cast %mul3A_504 : vector<16xf32> to vector<1x16xf32>
          tpu.vector_store %arg8[%swap3A_505, %swap3A_506], %swap3A_509 {strides = array<i32>} : memref<16x1024xf32, #tpu.memory_space<vmem>>, vector<1x16xf32>,
          %get3A_510 = arith.index_cast %scan3A_139 : i32 to index
          %get3A_511 = arith.constant 496 : index
          %get3A_512 = tpu.vector_load %arg8[%get3A_510, %get3A_511] {strides = array<i32>} : memref<16x1024xf32, #tpu.memory_space<vmem>>, vector<1x16xf32>,
          %get3A_513 = vector.shape_cast %get3A_512 : vector<1x16xf32> to vector<16xf32>
          %mul3A_514 = arith.constant 3.200000e+01 : f32
          %mul3A_515 = vector.broadcast %mul3A_514 : f32 to vector<16xf32>
          %mul3A_516 = arith.mulf %get3A_513, %mul3A_515 : vector<16xf32>
          %swap3A_517 = arith.index_cast %scan3A_139 : i32 to index
          %swap3A_518 = arith.constant 496 : index
          %swap3A_519 = tpu.vector_load %arg8[%swap3A_517, %swap3A_518] {strides = array<i32>} : memref<16x1024xf32, #tpu.memory_space<vmem>>, vector<1x16xf32>,
          %swap3A_520 = vector.shape_cast %swap3A_519 : vector<1x16xf32> to vector<16xf32>
          %swap3A_521 = vector.shape_cast %mul3A_516 : vector<16xf32> to vector<1x16xf32>
          tpu.vector_store %arg8[%swap3A_517, %swap3A_518], %swap3A_521 {strides = array<i32>} : memref<16x1024xf32, #tpu.memory_space<vmem>>, vector<1x16xf32>,
          %get3A_522 = arith.index_cast %scan3A_139 : i32 to index
          %get3A_523 = arith.constant 512 : index
          %get3A_524 = tpu.vector_load %arg8[%get3A_522, %get3A_523] {strides = array<i32>} : memref<16x1024xf32, #tpu.memory_space<vmem>>, vector<1x16xf32>,
          %get3A_525 = vector.shape_cast %get3A_524 : vector<1x16xf32> to vector<16xf32>
          %mul3A_526 = arith.constant 3.200000e+01 : f32
          %mul3A_527 = vector.broadcast %mul3A_526 : f32 to vector<16xf32>
          %mul3A_528 = arith.mulf %get3A_525, %mul3A_527 : vector<16xf32>
          %swap3A_529 = arith.index_cast %scan3A_139 : i32 to index
          %swap3A_530 = arith.constant 512 : index
          %swap3A_531 = tpu.vector_load %arg8[%swap3A_529, %swap3A_530] {strides = array<i32>} : memref<16x1024xf32, #tpu.memory_space<vmem>>, vector<1x16xf32>,
          %swap3A_532 = vector.shape_cast %swap3A_531 : vector<1x16xf32> to vector<16xf32>
          %swap3A_533 = vector.shape_cast %mul3A_528 : vector<16xf32> to vector<1x16xf32>
          tpu.vector_store %arg8[%swap3A_529, %swap3A_530], %swap3A_533 {strides = array<i32>} : memref<16x1024xf32, #tpu.memory_space<vmem>>, vector<1x16xf32>,
          %get3A_534 = arith.index_cast %scan3A_139 : i32 to index
          %get3A_535 = arith.constant 528 : index
          %get3A_536 = tpu.vector_load %arg8[%get3A_534, %get3A_535] {strides = array<i32>} : memref<16x1024xf32, #tpu.memory_space<vmem>>, vector<1x16xf32>,
          %get3A_537 = vector.shape_cast %get3A_536 : vector<1x16xf32> to vector<16xf32>
          %mul3A_538 = arith.constant 3.200000e+01 : f32
          %mul3A_539 = vector.broadcast %mul3A_538 : f32 to vector<16xf32>
          %mul3A_540 = arith.mulf %get3A_537, %mul3A_539 : vector<16xf32>
          %swap3A_541 = arith.index_cast %scan3A_139 : i32 to index
          %swap3A_542 = arith.constant 528 : index
          %swap3A_543 = tpu.vector_load %arg8[%swap3A_541, %swap3A_542] {strides = array<i32>} : memref<16x1024xf32, #tpu.memory_space<vmem>>, vector<1x16xf32>,
          %swap3A_544 = vector.shape_cast %swap3A_543 : vector<1x16xf32> to vector<16xf32>
          %swap3A_545 = vector.shape_cast %mul3A_540 : vector<16xf32> to vector<1x16xf32>
          tpu.vector_store %arg8[%swap3A_541, %swap3A_542], %swap3A_545 {strides = array<i32>} : memref<16x1024xf32, #tpu.memory_space<vmem>>, vector<1x16xf32>,
          %get3A_546 = arith.index_cast %scan3A_139 : i32 to index
          %get3A_547 = arith.constant 544 : index
          %get3A_548 = tpu.vector_load %arg8[%get3A_546, %get3A_547] {strides = array<i32>} : memref<16x1024xf32, #tpu.memory_space<vmem>>, vector<1x16xf32>,
          %get3A_549 = vector.shape_cast %get3A_548 : vector<1x16xf32> to vector<16xf32>
          %mul3A_550 = arith.constant 3.200000e+01 : f32
          %mul3A_551 = vector.broadcast %mul3A_550 : f32 to vector<16xf32>
          %mul3A_552 = arith.mulf %get3A_549, %mul3A_551 : vector<16xf32>
          %swap3A_553 = arith.index_cast %scan3A_139 : i32 to index
          %swap3A_554 = arith.constant 544 : index
          %swap3A_555 = tpu.vector_load %arg8[%swap3A_553, %swap3A_554] {strides = array<i32>} : memref<16x1024xf32, #tpu.memory_space<vmem>>, vector<1x16xf32>,
          %swap3A_556 = vector.shape_cast %swap3A_555 : vector<1x16xf32> to vector<16xf32>
          %swap3A_557 = vector.shape_cast %mul3A_552 : vector<16xf32> to vector<1x16xf32>
          tpu.vector_store %arg8[%swap3A_553, %swap3A_554], %swap3A_557 {strides = array<i32>} : memref<16x1024xf32, #tpu.memory_space<vmem>>, vector<1x16xf32>,
          %get3A_558 = arith.index_cast %scan3A_139 : i32 to index
          %get3A_559 = arith.constant 560 : index
          %get3A_560 = tpu.vector_load %arg8[%get3A_558, %get3A_559] {strides = array<i32>} : memref<16x1024xf32, #tpu.memory_space<vmem>>, vector<1x16xf32>,
          %get3A_561 = vector.shape_cast %get3A_560 : vector<1x16xf32> to vector<16xf32>
          %mul3A_562 = arith.constant 3.200000e+01 : f32
          %mul3A_563 = vector.broadcast %mul3A_562 : f32 to vector<16xf32>
          %mul3A_564 = arith.mulf %get3A_561, %mul3A_563 : vector<16xf32>
          %swap3A_565 = arith.index_cast %scan3A_139 : i32 to index
          %swap3A_566 = arith.constant 560 : index
          %swap3A_567 = tpu.vector_load %arg8[%swap3A_565, %swap3A_566] {strides = array<i32>} : memref<16x1024xf32, #tpu.memory_space<vmem>>, vector<1x16xf32>,
          %swap3A_568 = vector.shape_cast %swap3A_567 : vector<1x16xf32> to vector<16xf32>
          %swap3A_569 = vector.shape_cast %mul3A_564 : vector<16xf32> to vector<1x16xf32>
          tpu.vector_store %arg8[%swap3A_565, %swap3A_566], %swap3A_569 {strides = array<i32>} : memref<16x1024xf32, #tpu.memory_space<vmem>>, vector<1x16xf32>,
          %get3A_570 = arith.index_cast %scan3A_139 : i32 to index
          %get3A_571 = arith.constant 576 : index
          %get3A_572 = tpu.vector_load %arg8[%get3A_570, %get3A_571] {strides = array<i32>} : memref<16x1024xf32, #tpu.memory_space<vmem>>, vector<1x16xf32>,
          %get3A_573 = vector.shape_cast %get3A_572 : vector<1x16xf32> to vector<16xf32>
          %mul3A_574 = arith.constant 3.200000e+01 : f32
          %mul3A_575 = vector.broadcast %mul3A_574 : f32 to vector<16xf32>
          %mul3A_576 = arith.mulf %get3A_573, %mul3A_575 : vector<16xf32>
          %swap3A_577 = arith.index_cast %scan3A_139 : i32 to index
          %swap3A_578 = arith.constant 576 : index
          %swap3A_579 = tpu.vector_load %arg8[%swap3A_577, %swap3A_578] {strides = array<i32>} : memref<16x1024xf32, #tpu.memory_space<vmem>>, vector<1x16xf32>,
          %swap3A_580 = vector.shape_cast %swap3A_579 : vector<1x16xf32> to vector<16xf32>
          %swap3A_581 = vector.shape_cast %mul3A_576 : vector<16xf32> to vector<1x16xf32>
          tpu.vector_store %arg8[%swap3A_577, %swap3A_578], %swap3A_581 {strides = array<i32>} : memref<16x1024xf32, #tpu.memory_space<vmem>>, vector<1x16xf32>,
          %get3A_582 = arith.index_cast %scan3A_139 : i32 to index
          %get3A_583 = arith.constant 592 : index
          %get3A_584 = tpu.vector_load %arg8[%get3A_582, %get3A_583] {strides = array<i32>} : memref<16x1024xf32, #tpu.memory_space<vmem>>, vector<1x16xf32>,
          %get3A_585 = vector.shape_cast %get3A_584 : vector<1x16xf32> to vector<16xf32>
          %mul3A_586 = arith.constant 3.200000e+01 : f32
          %mul3A_587 = vector.broadcast %mul3A_586 : f32 to vector<16xf32>
          %mul3A_588 = arith.mulf %get3A_585, %mul3A_587 : vector<16xf32>
          %swap3A_589 = arith.index_cast %scan3A_139 : i32 to index
          %swap3A_590 = arith.constant 592 : index
          %swap3A_591 = tpu.vector_load %arg8[%swap3A_589, %swap3A_590] {strides = array<i32>} : memref<16x1024xf32, #tpu.memory_space<vmem>>, vector<1x16xf32>,
          %swap3A_592 = vector.shape_cast %swap3A_591 : vector<1x16xf32> to vector<16xf32>
          %swap3A_593 = vector.shape_cast %mul3A_588 : vector<16xf32> to vector<1x16xf32>
          tpu.vector_store %arg8[%swap3A_589, %swap3A_590], %swap3A_593 {strides = array<i32>} : memref<16x1024xf32, #tpu.memory_space<vmem>>, vector<1x16xf32>,
          %get3A_594 = arith.index_cast %scan3A_139 : i32 to index
          %get3A_595 = arith.constant 608 : index
          %get3A_596 = tpu.vector_load %arg8[%get3A_594, %get3A_595] {strides = array<i32>} : memref<16x1024xf32, #tpu.memory_space<vmem>>, vector<1x16xf32>,
          %get3A_597 = vector.shape_cast %get3A_596 : vector<1x16xf32> to vector<16xf32>
          %mul3A_598 = arith.constant 3.200000e+01 : f32
          %mul3A_599 = vector.broadcast %mul3A_598 : f32 to vector<16xf32>
          %mul3A_600 = arith.mulf %get3A_597, %mul3A_599 : vector<16xf32>
          %swap3A_601 = arith.index_cast %scan3A_139 : i32 to index
          %swap3A_602 = arith.constant 608 : index
          %swap3A_603 = tpu.vector_load %arg8[%swap3A_601, %swap3A_602] {strides = array<i32>} : memref<16x1024xf32, #tpu.memory_space<vmem>>, vector<1x16xf32>,
          %swap3A_604 = vector.shape_cast %swap3A_603 : vector<1x16xf32> to vector<16xf32>
          %swap3A_605 = vector.shape_cast %mul3A_600 : vector<16xf32> to vector<1x16xf32>
          tpu.vector_store %arg8[%swap3A_601, %swap3A_602], %swap3A_605 {strides = array<i32>} : memref<16x1024xf32, #tpu.memory_space<vmem>>, vector<1x16xf32>,
          %get3A_606 = arith.index_cast %scan3A_139 : i32 to index
          %get3A_607 = arith.constant 624 : index
          %get3A_608 = tpu.vector_load %arg8[%get3A_606, %get3A_607] {strides = array<i32>} : memref<16x1024xf32, #tpu.memory_space<vmem>>, vector<1x16xf32>,
          %get3A_609 = vector.shape_cast %get3A_608 : vector<1x16xf32> to vector<16xf32>
          %mul3A_610 = arith.constant 3.200000e+01 : f32
          %mul3A_611 = vector.broadcast %mul3A_610 : f32 to vector<16xf32>
          %mul3A_612 = arith.mulf %get3A_609, %mul3A_611 : vector<16xf32>
          %swap3A_613 = arith.index_cast %scan3A_139 : i32 to index
          %swap3A_614 = arith.constant 624 : index
          %swap3A_615 = tpu.vector_load %arg8[%swap3A_613, %swap3A_614] {strides = array<i32>} : memref<16x1024xf32, #tpu.memory_space<vmem>>, vector<1x16xf32>,
          %swap3A_616 = vector.shape_cast %swap3A_615 : vector<1x16xf32> to vector<16xf32>
          %swap3A_617 = vector.shape_cast %mul3A_612 : vector<16xf32> to vector<1x16xf32>
          tpu.vector_store %arg8[%swap3A_613, %swap3A_614], %swap3A_617 {strides = array<i32>} : memref<16x1024xf32, #tpu.memory_space<vmem>>, vector<1x16xf32>,
          %get3A_618 = arith.index_cast %scan3A_139 : i32 to index
          %get3A_619 = arith.constant 640 : index
          %get3A_620 = tpu.vector_load %arg8[%get3A_618, %get3A_619] {strides = array<i32>} : memref<16x1024xf32, #tpu.memory_space<vmem>>, vector<1x16xf32>,
          %get3A_621 = vector.shape_cast %get3A_620 : vector<1x16xf32> to vector<16xf32>
          %mul3A_622 = arith.constant 3.200000e+01 : f32
          %mul3A_623 = vector.broadcast %mul3A_622 : f32 to vector<16xf32>
          %mul3A_624 = arith.mulf %get3A_621, %mul3A_623 : vector<16xf32>
          %swap3A_625 = arith.index_cast %scan3A_139 : i32 to index
          %swap3A_626 = arith.constant 640 : index
          %swap3A_627 = tpu.vector_load %arg8[%swap3A_625, %swap3A_626] {strides = array<i32>} : memref<16x1024xf32, #tpu.memory_space<vmem>>, vector<1x16xf32>,
          %swap3A_628 = vector.shape_cast %swap3A_627 : vector<1x16xf32> to vector<16xf32>
          %swap3A_629 = vector.shape_cast %mul3A_624 : vector<16xf32> to vector<1x16xf32>
          tpu.vector_store %arg8[%swap3A_625, %swap3A_626], %swap3A_629 {strides = array<i32>} : memref<16x1024xf32, #tpu.memory_space<vmem>>, vector<1x16xf32>,
          %get3A_630 = arith.index_cast %scan3A_139 : i32 to index
          %get3A_631 = arith.constant 656 : index
          %get3A_632 = tpu.vector_load %arg8[%get3A_630, %get3A_631] {strides = array<i32>} : memref<16x1024xf32, #tpu.memory_space<vmem>>, vector<1x16xf32>,
          %get3A_633 = vector.shape_cast %get3A_632 : vector<1x16xf32> to vector<16xf32>
          %mul3A_634 = arith.constant 3.200000e+01 : f32
          %mul3A_635 = vector.broadcast %mul3A_634 : f32 to vector<16xf32>
          %mul3A_636 = arith.mulf %get3A_633, %mul3A_635 : vector<16xf32>
          %swap3A_637 = arith.index_cast %scan3A_139 : i32 to index
          %swap3A_638 = arith.constant 656 : index
          %swap3A_639 = tpu.vector_load %arg8[%swap3A_637, %swap3A_638] {strides = array<i32>} : memref<16x1024xf32, #tpu.memory_space<vmem>>, vector<1x16xf32>,
          %swap3A_640 = vector.shape_cast %swap3A_639 : vector<1x16xf32> to vector<16xf32>
          %swap3A_641 = vector.shape_cast %mul3A_636 : vector<16xf32> to vector<1x16xf32>
          tpu.vector_store %arg8[%swap3A_637, %swap3A_638], %swap3A_641 {strides = array<i32>} : memref<16x1024xf32, #tpu.memory_space<vmem>>, vector<1x16xf32>,
          %get3A_642 = arith.index_cast %scan3A_139 : i32 to index
          %get3A_643 = arith.constant 672 : index
          %get3A_644 = tpu.vector_load %arg8[%get3A_642, %get3A_643] {strides = array<i32>} : memref<16x1024xf32, #tpu.memory_space<vmem>>, vector<1x16xf32>,
          %get3A_645 = vector.shape_cast %get3A_644 : vector<1x16xf32> to vector<16xf32>
          %mul3A_646 = arith.constant 3.200000e+01 : f32
          %mul3A_647 = vector.broadcast %mul3A_646 : f32 to vector<16xf32>
          %mul3A_648 = arith.mulf %get3A_645, %mul3A_647 : vector<16xf32>
          %swap3A_649 = arith.index_cast %scan3A_139 : i32 to index
          %swap3A_650 = arith.constant 672 : index
          %swap3A_651 = tpu.vector_load %arg8[%swap3A_649, %swap3A_650] {strides = array<i32>} : memref<16x1024xf32, #tpu.memory_space<vmem>>, vector<1x16xf32>,
          %swap3A_652 = vector.shape_cast %swap3A_651 : vector<1x16xf32> to vector<16xf32>
          %swap3A_653 = vector.shape_cast %mul3A_648 : vector<16xf32> to vector<1x16xf32>
          tpu.vector_store %arg8[%swap3A_649, %swap3A_650], %swap3A_653 {strides = array<i32>} : memref<16x1024xf32, #tpu.memory_space<vmem>>, vector<1x16xf32>,
          %get3A_654 = arith.index_cast %scan3A_139 : i32 to index
          %get3A_655 = arith.constant 688 : index
          %get3A_656 = tpu.vector_load %arg8[%get3A_654, %get3A_655] {strides = array<i32>} : memref<16x1024xf32, #tpu.memory_space<vmem>>, vector<1x16xf32>,
          %get3A_657 = vector.shape_cast %get3A_656 : vector<1x16xf32> to vector<16xf32>
          %mul3A_658 = arith.constant 3.200000e+01 : f32
          %mul3A_659 = vector.broadcast %mul3A_658 : f32 to vector<16xf32>
          %mul3A_660 = arith.mulf %get3A_657, %mul3A_659 : vector<16xf32>
          %swap3A_661 = arith.index_cast %scan3A_139 : i32 to index
          %swap3A_662 = arith.constant 688 : index
          %swap3A_663 = tpu.vector_load %arg8[%swap3A_661, %swap3A_662] {strides = array<i32>} : memref<16x1024xf32, #tpu.memory_space<vmem>>, vector<1x16xf32>,
          %swap3A_664 = vector.shape_cast %swap3A_663 : vector<1x16xf32> to vector<16xf32>
          %swap3A_665 = vector.shape_cast %mul3A_660 : vector<16xf32> to vector<1x16xf32>
          tpu.vector_store %arg8[%swap3A_661, %swap3A_662], %swap3A_665 {strides = array<i32>} : memref<16x1024xf32, #tpu.memory_space<vmem>>, vector<1x16xf32>,
          %get3A_666 = arith.index_cast %scan3A_139 : i32 to index
          %get3A_667 = arith.constant 704 : index
          %get3A_668 = tpu.vector_load %arg8[%get3A_666, %get3A_667] {strides = array<i32>} : memref<16x1024xf32, #tpu.memory_space<vmem>>, vector<1x16xf32>,
          %get3A_669 = vector.shape_cast %get3A_668 : vector<1x16xf32> to vector<16xf32>
          %mul3A_670 = arith.constant 3.200000e+01 : f32
          %mul3A_671 = vector.broadcast %mul3A_670 : f32 to vector<16xf32>
          %mul3A_672 = arith.mulf %get3A_669, %mul3A_671 : vector<16xf32>
          %swap3A_673 = arith.index_cast %scan3A_139 : i32 to index
          %swap3A_674 = arith.constant 704 : index
          %swap3A_675 = tpu.vector_load %arg8[%swap3A_673, %swap3A_674] {strides = array<i32>} : memref<16x1024xf32, #tpu.memory_space<vmem>>, vector<1x16xf32>,
          %swap3A_676 = vector.shape_cast %swap3A_675 : vector<1x16xf32> to vector<16xf32>
          %swap3A_677 = vector.shape_cast %mul3A_672 : vector<16xf32> to vector<1x16xf32>
          tpu.vector_store %arg8[%swap3A_673, %swap3A_674], %swap3A_677 {strides = array<i32>} : memref<16x1024xf32, #tpu.memory_space<vmem>>, vector<1x16xf32>,
          %get3A_678 = arith.index_cast %scan3A_139 : i32 to index
          %get3A_679 = arith.constant 720 : index
          %get3A_680 = tpu.vector_load %arg8[%get3A_678, %get3A_679] {strides = array<i32>} : memref<16x1024xf32, #tpu.memory_space<vmem>>, vector<1x16xf32>,
          %get3A_681 = vector.shape_cast %get3A_680 : vector<1x16xf32> to vector<16xf32>
          %mul3A_682 = arith.constant 3.200000e+01 : f32
          %mul3A_683 = vector.broadcast %mul3A_682 : f32 to vector<16xf32>
          %mul3A_684 = arith.mulf %get3A_681, %mul3A_683 : vector<16xf32>
          %swap3A_685 = arith.index_cast %scan3A_139 : i32 to index
          %swap3A_686 = arith.constant 720 : index
          %swap3A_687 = tpu.vector_load %arg8[%swap3A_685, %swap3A_686] {strides = array<i32>} : memref<16x1024xf32, #tpu.memory_space<vmem>>, vector<1x16xf32>,
          %swap3A_688 = vector.shape_cast %swap3A_687 : vector<1x16xf32> to vector<16xf32>
          %swap3A_689 = vector.shape_cast %mul3A_684 : vector<16xf32> to vector<1x16xf32>
          tpu.vector_store %arg8[%swap3A_685, %swap3A_686], %swap3A_689 {strides = array<i32>} : memref<16x1024xf32, #tpu.memory_space<vmem>>, vector<1x16xf32>,
          %get3A_690 = arith.index_cast %scan3A_139 : i32 to index
          %get3A_691 = arith.constant 736 : index
          %get3A_692 = tpu.vector_load %arg8[%get3A_690, %get3A_691] {strides = array<i32>} : memref<16x1024xf32, #tpu.memory_space<vmem>>, vector<1x16xf32>,
          %get3A_693 = vector.shape_cast %get3A_692 : vector<1x16xf32> to vector<16xf32>
          %mul3A_694 = arith.constant 3.200000e+01 : f32
          %mul3A_695 = vector.broadcast %mul3A_694 : f32 to vector<16xf32>
          %mul3A_696 = arith.mulf %get3A_693, %mul3A_695 : vector<16xf32>
          %swap3A_697 = arith.index_cast %scan3A_139 : i32 to index
          %swap3A_698 = arith.constant 736 : index
          %swap3A_699 = tpu.vector_load %arg8[%swap3A_697, %swap3A_698] {strides = array<i32>} : memref<16x1024xf32, #tpu.memory_space<vmem>>, vector<1x16xf32>,
          %swap3A_700 = vector.shape_cast %swap3A_699 : vector<1x16xf32> to vector<16xf32>
          %swap3A_701 = vector.shape_cast %mul3A_696 : vector<16xf32> to vector<1x16xf32>
          tpu.vector_store %arg8[%swap3A_697, %swap3A_698], %swap3A_701 {strides = array<i32>} : memref<16x1024xf32, #tpu.memory_space<vmem>>, vector<1x16xf32>,
          %get3A_702 = arith.index_cast %scan3A_139 : i32 to index
          %get3A_703 = arith.constant 752 : index
          %get3A_704 = tpu.vector_load %arg8[%get3A_702, %get3A_703] {strides = array<i32>} : memref<16x1024xf32, #tpu.memory_space<vmem>>, vector<1x16xf32>,
          %get3A_705 = vector.shape_cast %get3A_704 : vector<1x16xf32> to vector<16xf32>
          %mul3A_706 = arith.constant 3.200000e+01 : f32
          %mul3A_707 = vector.broadcast %mul3A_706 : f32 to vector<16xf32>
          %mul3A_708 = arith.mulf %get3A_705, %mul3A_707 : vector<16xf32>
          %swap3A_709 = arith.index_cast %scan3A_139 : i32 to index
          %swap3A_710 = arith.constant 752 : index
          %swap3A_711 = tpu.vector_load %arg8[%swap3A_709, %swap3A_710] {strides = array<i32>} : memref<16x1024xf32, #tpu.memory_space<vmem>>, vector<1x16xf32>,
          %swap3A_712 = vector.shape_cast %swap3A_711 : vector<1x16xf32> to vector<16xf32>
          %swap3A_713 = vector.shape_cast %mul3A_708 : vector<16xf32> to vector<1x16xf32>
          tpu.vector_store %arg8[%swap3A_709, %swap3A_710], %swap3A_713 {strides = array<i32>} : memref<16x1024xf32, #tpu.memory_space<vmem>>, vector<1x16xf32>,
          %get3A_714 = arith.index_cast %scan3A_139 : i32 to index
          %get3A_715 = arith.constant 768 : index
          %get3A_716 = tpu.vector_load %arg8[%get3A_714, %get3A_715] {strides = array<i32>} : memref<16x1024xf32, #tpu.memory_space<vmem>>, vector<1x16xf32>,
          %get3A_717 = vector.shape_cast %get3A_716 : vector<1x16xf32> to vector<16xf32>
          %mul3A_718 = arith.constant 3.200000e+01 : f32
          %mul3A_719 = vector.broadcast %mul3A_718 : f32 to vector<16xf32>
          %mul3A_720 = arith.mulf %get3A_717, %mul3A_719 : vector<16xf32>
          %swap3A_721 = arith.index_cast %scan3A_139 : i32 to index
          %swap3A_722 = arith.constant 768 : index
          %swap3A_723 = tpu.vector_load %arg8[%swap3A_721, %swap3A_722] {strides = array<i32>} : memref<16x1024xf32, #tpu.memory_space<vmem>>, vector<1x16xf32>,
          %swap3A_724 = vector.shape_cast %swap3A_723 : vector<1x16xf32> to vector<16xf32>
          %swap3A_725 = vector.shape_cast %mul3A_720 : vector<16xf32> to vector<1x16xf32>
          tpu.vector_store %arg8[%swap3A_721, %swap3A_722], %swap3A_725 {strides = array<i32>} : memref<16x1024xf32, #tpu.memory_space<vmem>>, vector<1x16xf32>,
          %get3A_726 = arith.index_cast %scan3A_139 : i32 to index
          %get3A_727 = arith.constant 784 : index
          %get3A_728 = tpu.vector_load %arg8[%get3A_726, %get3A_727] {strides = array<i32>} : memref<16x1024xf32, #tpu.memory_space<vmem>>, vector<1x16xf32>,
          %get3A_729 = vector.shape_cast %get3A_728 : vector<1x16xf32> to vector<16xf32>
          %mul3A_730 = arith.constant 3.200000e+01 : f32
          %mul3A_731 = vector.broadcast %mul3A_730 : f32 to vector<16xf32>
          %mul3A_732 = arith.mulf %get3A_729, %mul3A_731 : vector<16xf32>
          %swap3A_733 = arith.index_cast %scan3A_139 : i32 to index
          %swap3A_734 = arith.constant 784 : index
          %swap3A_735 = tpu.vector_load %arg8[%swap3A_733, %swap3A_734] {strides = array<i32>} : memref<16x1024xf32, #tpu.memory_space<vmem>>, vector<1x16xf32>,
          %swap3A_736 = vector.shape_cast %swap3A_735 : vector<1x16xf32> to vector<16xf32>
          %swap3A_737 = vector.shape_cast %mul3A_732 : vector<16xf32> to vector<1x16xf32>
          tpu.vector_store %arg8[%swap3A_733, %swap3A_734], %swap3A_737 {strides = array<i32>} : memref<16x1024xf32, #tpu.memory_space<vmem>>, vector<1x16xf32>,
          %get3A_738 = arith.index_cast %scan3A_139 : i32 to index
          %get3A_739 = arith.constant 800 : index
          %get3A_740 = tpu.vector_load %arg8[%get3A_738, %get3A_739] {strides = array<i32>} : memref<16x1024xf32, #tpu.memory_space<vmem>>, vector<1x16xf32>,
          %get3A_741 = vector.shape_cast %get3A_740 : vector<1x16xf32> to vector<16xf32>
          %mul3A_742 = arith.constant 3.200000e+01 : f32
          %mul3A_743 = vector.broadcast %mul3A_742 : f32 to vector<16xf32>
          %mul3A_744 = arith.mulf %get3A_741, %mul3A_743 : vector<16xf32>
          %swap3A_745 = arith.index_cast %scan3A_139 : i32 to index
          %swap3A_746 = arith.constant 800 : index
          %swap3A_747 = tpu.vector_load %arg8[%swap3A_745, %swap3A_746] {strides = array<i32>} : memref<16x1024xf32, #tpu.memory_space<vmem>>, vector<1x16xf32>,
          %swap3A_748 = vector.shape_cast %swap3A_747 : vector<1x16xf32> to vector<16xf32>
          %swap3A_749 = vector.shape_cast %mul3A_744 : vector<16xf32> to vector<1x16xf32>
          tpu.vector_store %arg8[%swap3A_745, %swap3A_746], %swap3A_749 {strides = array<i32>} : memref<16x1024xf32, #tpu.memory_space<vmem>>, vector<1x16xf32>,
          %get3A_750 = arith.index_cast %scan3A_139 : i32 to index
          %get3A_751 = arith.constant 816 : index
          %get3A_752 = tpu.vector_load %arg8[%get3A_750, %get3A_751] {strides = array<i32>} : memref<16x1024xf32, #tpu.memory_space<vmem>>, vector<1x16xf32>,
          %get3A_753 = vector.shape_cast %get3A_752 : vector<1x16xf32> to vector<16xf32>
          %mul3A_754 = arith.constant 3.200000e+01 : f32
          %mul3A_755 = vector.broadcast %mul3A_754 : f32 to vector<16xf32>
          %mul3A_756 = arith.mulf %get3A_753, %mul3A_755 : vector<16xf32>
          %swap3A_757 = arith.index_cast %scan3A_139 : i32 to index
          %swap3A_758 = arith.constant 816 : index
          %swap3A_759 = tpu.vector_load %arg8[%swap3A_757, %swap3A_758] {strides = array<i32>} : memref<16x1024xf32, #tpu.memory_space<vmem>>, vector<1x16xf32>,
          %swap3A_760 = vector.shape_cast %swap3A_759 : vector<1x16xf32> to vector<16xf32>
          %swap3A_761 = vector.shape_cast %mul3A_756 : vector<16xf32> to vector<1x16xf32>
          tpu.vector_store %arg8[%swap3A_757, %swap3A_758], %swap3A_761 {strides = array<i32>} : memref<16x1024xf32, #tpu.memory_space<vmem>>, vector<1x16xf32>,
          %get3A_762 = arith.index_cast %scan3A_139 : i32 to index
          %get3A_763 = arith.constant 832 : index
          %get3A_764 = tpu.vector_load %arg8[%get3A_762, %get3A_763] {strides = array<i32>} : memref<16x1024xf32, #tpu.memory_space<vmem>>, vector<1x16xf32>,
          %get3A_765 = vector.shape_cast %get3A_764 : vector<1x16xf32> to vector<16xf32>
          %mul3A_766 = arith.constant 3.200000e+01 : f32
          %mul3A_767 = vector.broadcast %mul3A_766 : f32 to vector<16xf32>
          %mul3A_768 = arith.mulf %get3A_765, %mul3A_767 : vector<16xf32>
          %swap3A_769 = arith.index_cast %scan3A_139 : i32 to index
          %swap3A_770 = arith.constant 832 : index
          %swap3A_771 = tpu.vector_load %arg8[%swap3A_769, %swap3A_770] {strides = array<i32>} : memref<16x1024xf32, #tpu.memory_space<vmem>>, vector<1x16xf32>,
          %swap3A_772 = vector.shape_cast %swap3A_771 : vector<1x16xf32> to vector<16xf32>
          %swap3A_773 = vector.shape_cast %mul3A_768 : vector<16xf32> to vector<1x16xf32>
          tpu.vector_store %arg8[%swap3A_769, %swap3A_770], %swap3A_773 {strides = array<i32>} : memref<16x1024xf32, #tpu.memory_space<vmem>>, vector<1x16xf32>,
          %get3A_774 = arith.index_cast %scan3A_139 : i32 to index
          %get3A_775 = arith.constant 848 : index
          %get3A_776 = tpu.vector_load %arg8[%get3A_774, %get3A_775] {strides = array<i32>} : memref<16x1024xf32, #tpu.memory_space<vmem>>, vector<1x16xf32>,
          %get3A_777 = vector.shape_cast %get3A_776 : vector<1x16xf32> to vector<16xf32>
          %mul3A_778 = arith.constant 3.200000e+01 : f32
          %mul3A_779 = vector.broadcast %mul3A_778 : f32 to vector<16xf32>
          %mul3A_780 = arith.mulf %get3A_777, %mul3A_779 : vector<16xf32>
          %swap3A_781 = arith.index_cast %scan3A_139 : i32 to index
          %swap3A_782 = arith.constant 848 : index
          %swap3A_783 = tpu.vector_load %arg8[%swap3A_781, %swap3A_782] {strides = array<i32>} : memref<16x1024xf32, #tpu.memory_space<vmem>>, vector<1x16xf32>,
          %swap3A_784 = vector.shape_cast %swap3A_783 : vector<1x16xf32> to vector<16xf32>
          %swap3A_785 = vector.shape_cast %mul3A_780 : vector<16xf32> to vector<1x16xf32>
          tpu.vector_store %arg8[%swap3A_781, %swap3A_782], %swap3A_785 {strides = array<i32>} : memref<16x1024xf32, #tpu.memory_space<vmem>>, vector<1x16xf32>,
          %get3A_786 = arith.index_cast %scan3A_139 : i32 to index
          %get3A_787 = arith.constant 864 : index
          %get3A_788 = tpu.vector_load %arg8[%get3A_786, %get3A_787] {strides = array<i32>} : memref<16x1024xf32, #tpu.memory_space<vmem>>, vector<1x16xf32>,
          %get3A_789 = vector.shape_cast %get3A_788 : vector<1x16xf32> to vector<16xf32>
          %mul3A_790 = arith.constant 3.200000e+01 : f32
          %mul3A_791 = vector.broadcast %mul3A_790 : f32 to vector<16xf32>
          %mul3A_792 = arith.mulf %get3A_789, %mul3A_791 : vector<16xf32>
          %swap3A_793 = arith.index_cast %scan3A_139 : i32 to index
          %swap3A_794 = arith.constant 864 : index
          %swap3A_795 = tpu.vector_load %arg8[%swap3A_793, %swap3A_794] {strides = array<i32>} : memref<16x1024xf32, #tpu.memory_space<vmem>>, vector<1x16xf32>,
          %swap3A_796 = vector.shape_cast %swap3A_795 : vector<1x16xf32> to vector<16xf32>
          %swap3A_797 = vector.shape_cast %mul3A_792 : vector<16xf32> to vector<1x16xf32>
          tpu.vector_store %arg8[%swap3A_793, %swap3A_794], %swap3A_797 {strides = array<i32>} : memref<16x1024xf32, #tpu.memory_space<vmem>>, vector<1x16xf32>,
          %get3A_798 = arith.index_cast %scan3A_139 : i32 to index
          %get3A_799 = arith.constant 880 : index
          %get3A_800 = tpu.vector_load %arg8[%get3A_798, %get3A_799] {strides = array<i32>} : memref<16x1024xf32, #tpu.memory_space<vmem>>, vector<1x16xf32>,
          %get3A_801 = vector.shape_cast %get3A_800 : vector<1x16xf32> to vector<16xf32>
          %mul3A_802 = arith.constant 3.200000e+01 : f32
          %mul3A_803 = vector.broadcast %mul3A_802 : f32 to vector<16xf32>
          %mul3A_804 = arith.mulf %get3A_801, %mul3A_803 : vector<16xf32>
          %swap3A_805 = arith.index_cast %scan3A_139 : i32 to index
          %swap3A_806 = arith.constant 880 : index
          %swap3A_807 = tpu.vector_load %arg8[%swap3A_805, %swap3A_806] {strides = array<i32>} : memref<16x1024xf32, #tpu.memory_space<vmem>>, vector<1x16xf32>,
          %swap3A_808 = vector.shape_cast %swap3A_807 : vector<1x16xf32> to vector<16xf32>
          %swap3A_809 = vector.shape_cast %mul3A_804 : vector<16xf32> to vector<1x16xf32>
          tpu.vector_store %arg8[%swap3A_805, %swap3A_806], %swap3A_809 {strides = array<i32>} : memref<16x1024xf32, #tpu.memory_space<vmem>>, vector<1x16xf32>,
          %get3A_810 = arith.index_cast %scan3A_139 : i32 to index
          %get3A_811 = arith.constant 896 : index
          %get3A_812 = tpu.vector_load %arg8[%get3A_810, %get3A_811] {strides = array<i32>} : memref<16x1024xf32, #tpu.memory_space<vmem>>, vector<1x16xf32>,
          %get3A_813 = vector.shape_cast %get3A_812 : vector<1x16xf32> to vector<16xf32>
          %mul3A_814 = arith.constant 3.200000e+01 : f32
          %mul3A_815 = vector.broadcast %mul3A_814 : f32 to vector<16xf32>
          %mul3A_816 = arith.mulf %get3A_813, %mul3A_815 : vector<16xf32>
          %swap3A_817 = arith.index_cast %scan3A_139 : i32 to index
          %swap3A_818 = arith.constant 896 : index
          %swap3A_819 = tpu.vector_load %arg8[%swap3A_817, %swap3A_818] {strides = array<i32>} : memref<16x1024xf32, #tpu.memory_space<vmem>>, vector<1x16xf32>,
          %swap3A_820 = vector.shape_cast %swap3A_819 : vector<1x16xf32> to vector<16xf32>
          %swap3A_821 = vector.shape_cast %mul3A_816 : vector<16xf32> to vector<1x16xf32>
          tpu.vector_store %arg8[%swap3A_817, %swap3A_818], %swap3A_821 {strides = array<i32>} : memref<16x1024xf32, #tpu.memory_space<vmem>>, vector<1x16xf32>,
          %get3A_822 = arith.index_cast %scan3A_139 : i32 to index
          %get3A_823 = arith.constant 912 : index
          %get3A_824 = tpu.vector_load %arg8[%get3A_822, %get3A_823] {strides = array<i32>} : memref<16x1024xf32, #tpu.memory_space<vmem>>, vector<1x16xf32>,
          %get3A_825 = vector.shape_cast %get3A_824 : vector<1x16xf32> to vector<16xf32>
          %mul3A_826 = arith.constant 3.200000e+01 : f32
          %mul3A_827 = vector.broadcast %mul3A_826 : f32 to vector<16xf32>
          %mul3A_828 = arith.mulf %get3A_825, %mul3A_827 : vector<16xf32>
          %swap3A_829 = arith.index_cast %scan3A_139 : i32 to index
          %swap3A_830 = arith.constant 912 : index
          %swap3A_831 = tpu.vector_load %arg8[%swap3A_829, %swap3A_830] {strides = array<i32>} : memref<16x1024xf32, #tpu.memory_space<vmem>>, vector<1x16xf32>,
          %swap3A_832 = vector.shape_cast %swap3A_831 : vector<1x16xf32> to vector<16xf32>
          %swap3A_833 = vector.shape_cast %mul3A_828 : vector<16xf32> to vector<1x16xf32>
          tpu.vector_store %arg8[%swap3A_829, %swap3A_830], %swap3A_833 {strides = array<i32>} : memref<16x1024xf32, #tpu.memory_space<vmem>>, vector<1x16xf32>,
          %get3A_834 = arith.index_cast %scan3A_139 : i32 to index
          %get3A_835 = arith.constant 928 : index
          %get3A_836 = tpu.vector_load %arg8[%get3A_834, %get3A_835] {strides = array<i32>} : memref<16x1024xf32, #tpu.memory_space<vmem>>, vector<1x16xf32>,
          %get3A_837 = vector.shape_cast %get3A_836 : vector<1x16xf32> to vector<16xf32>
          %mul3A_838 = arith.constant 3.200000e+01 : f32
          %mul3A_839 = vector.broadcast %mul3A_838 : f32 to vector<16xf32>
          %mul3A_840 = arith.mulf %get3A_837, %mul3A_839 : vector<16xf32>
          %swap3A_841 = arith.index_cast %scan3A_139 : i32 to index
          %swap3A_842 = arith.constant 928 : index
          %swap3A_843 = tpu.vector_load %arg8[%swap3A_841, %swap3A_842] {strides = array<i32>} : memref<16x1024xf32, #tpu.memory_space<vmem>>, vector<1x16xf32>,
          %swap3A_844 = vector.shape_cast %swap3A_843 : vector<1x16xf32> to vector<16xf32>
          %swap3A_845 = vector.shape_cast %mul3A_840 : vector<16xf32> to vector<1x16xf32>
          tpu.vector_store %arg8[%swap3A_841, %swap3A_842], %swap3A_845 {strides = array<i32>} : memref<16x1024xf32, #tpu.memory_space<vmem>>, vector<1x16xf32>,
          %get3A_846 = arith.index_cast %scan3A_139 : i32 to index
          %get3A_847 = arith.constant 944 : index
          %get3A_848 = tpu.vector_load %arg8[%get3A_846, %get3A_847] {strides = array<i32>} : memref<16x1024xf32, #tpu.memory_space<vmem>>, vector<1x16xf32>,
          %get3A_849 = vector.shape_cast %get3A_848 : vector<1x16xf32> to vector<16xf32>
          %mul3A_850 = arith.constant 3.200000e+01 : f32
          %mul3A_851 = vector.broadcast %mul3A_850 : f32 to vector<16xf32>
          %mul3A_852 = arith.mulf %get3A_849, %mul3A_851 : vector<16xf32>
          %swap3A_853 = arith.index_cast %scan3A_139 : i32 to index
          %swap3A_854 = arith.constant 944 : index
          %swap3A_855 = tpu.vector_load %arg8[%swap3A_853, %swap3A_854] {strides = array<i32>} : memref<16x1024xf32, #tpu.memory_space<vmem>>, vector<1x16xf32>,
          %swap3A_856 = vector.shape_cast %swap3A_855 : vector<1x16xf32> to vector<16xf32>
          %swap3A_857 = vector.shape_cast %mul3A_852 : vector<16xf32> to vector<1x16xf32>
          tpu.vector_store %arg8[%swap3A_853, %swap3A_854], %swap3A_857 {strides = array<i32>} : memref<16x1024xf32, #tpu.memory_space<vmem>>, vector<1x16xf32>,
          %get3A_858 = arith.index_cast %scan3A_139 : i32 to index
          %get3A_859 = arith.constant 960 : index
          %get3A_860 = tpu.vector_load %arg8[%get3A_858, %get3A_859] {strides = array<i32>} : memref<16x1024xf32, #tpu.memory_space<vmem>>, vector<1x16xf32>,
          %get3A_861 = vector.shape_cast %get3A_860 : vector<1x16xf32> to vector<16xf32>
          %mul3A_862 = arith.constant 3.200000e+01 : f32
          %mul3A_863 = vector.broadcast %mul3A_862 : f32 to vector<16xf32>
          %mul3A_864 = arith.mulf %get3A_861, %mul3A_863 : vector<16xf32>
          %swap3A_865 = arith.index_cast %scan3A_139 : i32 to index
          %swap3A_866 = arith.constant 960 : index
          %swap3A_867 = tpu.vector_load %arg8[%swap3A_865, %swap3A_866] {strides = array<i32>} : memref<16x1024xf32, #tpu.memory_space<vmem>>, vector<1x16xf32>,
          %swap3A_868 = vector.shape_cast %swap3A_867 : vector<1x16xf32> to vector<16xf32>
          %swap3A_869 = vector.shape_cast %mul3A_864 : vector<16xf32> to vector<1x16xf32>
          tpu.vector_store %arg8[%swap3A_865, %swap3A_866], %swap3A_869 {strides = array<i32>} : memref<16x1024xf32, #tpu.memory_space<vmem>>, vector<1x16xf32>,
          %get3A_870 = arith.index_cast %scan3A_139 : i32 to index
          %get3A_871 = arith.constant 976 : index
          %get3A_872 = tpu.vector_load %arg8[%get3A_870, %get3A_871] {strides = array<i32>} : memref<16x1024xf32, #tpu.memory_space<vmem>>, vector<1x16xf32>,
          %get3A_873 = vector.shape_cast %get3A_872 : vector<1x16xf32> to vector<16xf32>
          %mul3A_874 = arith.constant 3.200000e+01 : f32
          %mul3A_875 = vector.broadcast %mul3A_874 : f32 to vector<16xf32>
          %mul3A_876 = arith.mulf %get3A_873, %mul3A_875 : vector<16xf32>
          %swap3A_877 = arith.index_cast %scan3A_139 : i32 to index
          %swap3A_878 = arith.constant 976 : index
          %swap3A_879 = tpu.vector_load %arg8[%swap3A_877, %swap3A_878] {strides = array<i32>} : memref<16x1024xf32, #tpu.memory_space<vmem>>, vector<1x16xf32>,
          %swap3A_880 = vector.shape_cast %swap3A_879 : vector<1x16xf32> to vector<16xf32>
          %swap3A_881 = vector.shape_cast %mul3A_876 : vector<16xf32> to vector<1x16xf32>
          tpu.vector_store %arg8[%swap3A_877, %swap3A_878], %swap3A_881 {strides = array<i32>} : memref<16x1024xf32, #tpu.memory_space<vmem>>, vector<1x16xf32>,
          %get3A_882 = arith.index_cast %scan3A_139 : i32 to index
          %get3A_883 = arith.constant 992 : index
          %get3A_884 = tpu.vector_load %arg8[%get3A_882, %get3A_883] {strides = array<i32>} : memref<16x1024xf32, #tpu.memory_space<vmem>>, vector<1x16xf32>,
          %get3A_885 = vector.shape_cast %get3A_884 : vector<1x16xf32> to vector<16xf32>
          %mul3A_886 = arith.constant 3.200000e+01 : f32
          %mul3A_887 = vector.broadcast %mul3A_886 : f32 to vector<16xf32>
          %mul3A_888 = arith.mulf %get3A_885, %mul3A_887 : vector<16xf32>
          %swap3A_889 = arith.index_cast %scan3A_139 : i32 to index
          %swap3A_890 = arith.constant 992 : index
          %swap3A_891 = tpu.vector_load %arg8[%swap3A_889, %swap3A_890] {strides = array<i32>} : memref<16x1024xf32, #tpu.memory_space<vmem>>, vector<1x16xf32>,
          %swap3A_892 = vector.shape_cast %swap3A_891 : vector<1x16xf32> to vector<16xf32>
          %swap3A_893 = vector.shape_cast %mul3A_888 : vector<16xf32> to vector<1x16xf32>
          tpu.vector_store %arg8[%swap3A_889, %swap3A_890], %swap3A_893 {strides = array<i32>} : memref<16x1024xf32, #tpu.memory_space<vmem>>, vector<1x16xf32>,
          %get3A_894 = arith.index_cast %scan3A_139 : i32 to index
          %get3A_895 = arith.constant 1008 : index
          %get3A_896 = tpu.vector_load %arg8[%get3A_894, %get3A_895] {strides = array<i32>} : memref<16x1024xf32, #tpu.memory_space<vmem>>, vector<1x16xf32>,
          %get3A_897 = vector.shape_cast %get3A_896 : vector<1x16xf32> to vector<16xf32>
          %mul3A_898 = arith.constant 3.200000e+01 : f32
          %mul3A_899 = vector.broadcast %mul3A_898 : f32 to vector<16xf32>
          %mul3A_900 = arith.mulf %get3A_897, %mul3A_899 : vector<16xf32>
          %swap3A_901 = arith.index_cast %scan3A_139 : i32 to index
          %swap3A_902 = arith.constant 1008 : index
          %swap3A_903 = tpu.vector_load %arg8[%swap3A_901, %swap3A_902] {strides = array<i32>} : memref<16x1024xf32, #tpu.memory_space<vmem>>, vector<1x16xf32>,
          %swap3A_904 = vector.shape_cast %swap3A_903 : vector<1x16xf32> to vector<16xf32>
          %swap3A_905 = vector.shape_cast %mul3A_900 : vector<16xf32> to vector<1x16xf32>
          tpu.vector_store %arg8[%swap3A_901, %swap3A_902], %swap3A_905 {strides = array<i32>} : memref<16x1024xf32, #tpu.memory_space<vmem>>, vector<1x16xf32>,
        }
        %scan3A_131 = arith.constant 16 : i32
        %mul3A_132 = arith.constant 16 : i32
        %mul3A_133 = arith.muli %add3A_79, %mul3A_132 : i32
        %add3A_134 = arith.addi %mul3A_2, %mul3A_133 : i32
        %dma_start3A_135 = arith.constant 0 : i32
        %dma_start3A_136 = tpu.memref_slice %arg4[%add3A_134, %dma_start3A_135] : memref<32768x1024xf32, #tpu.memory_space<hbm>> -> memref<16x1024xf32, #tpu.memory_space<hbm>>
        %dma_start3A_137 = arith.constant 0 : i32
        %dma_start3A_138 = tpu.memref_slice %arg4[%add3A_134, %dma_start3A_137] : memref<32768x1024xf32, #tpu.memory_space<hbm>> -> memref<16x1024xf32, #tpu.memory_space<hbm>>
        tpu.enqueue_dma source(%arg8 : memref<16x1024xf32, #tpu.memory_space<vmem>>) target(%dma_start3A_138 : memref<16x1024xf32, #tpu.memory_space<hbm>>) target_semaphore(%arg18 : memref<!tpu.dma_semaphore, #tpu.memory_space<semaphore_mem>>)
      } else {
      }
      %add3A_92 = arith.constant 3 : i32
      %add3A_93 = arith.addi %mul3A_52, %add3A_92 : i32
      %add3A_94 = arith.constant 2 : i32
      %add3A_95 = arith.addi %add3A_93, %add3A_94 : i32
      %lt3A_96 = arith.constant 64 : i32
      %lt3A_97 = arith.cmpi slt, %add3A_95, %lt3A_96 : i32
      %convert_element_type3A_98 = arith.extui %lt3A_97 : i1 to i32
      %cond3A_99 = arith.constant 0 : i32
      %cond3A_100 = arith.cmpi ne, %convert_element_type3A_98, %cond3A_99 : i32
      scf.if %cond3A_100 {
        %add3A_120 = arith.constant 2 : i32
        %add3A_121 = arith.addi %add3A_93, %add3A_120 : i32
        %ge3A = arith.constant 5 : i32
        %ge3A_122 = arith.cmpi sge, %add3A_121, %ge3A : i32
        %convert_element_type3A_123 = arith.extui %ge3A_122 : i1 to i32
        %cond3A_124 = arith.constant 0 : i32
        %cond3A_125 = arith.cmpi ne, %convert_element_type3A_123, %cond3A_124 : i32
        scf.if %cond3A_125 {
          %dma_wait3A_134 = arith.constant 0 : i32
          %dma_wait3A_135 = arith.constant 0 : i32
          %dma_wait3A_136 = tpu.memref_slice %arg4[%dma_wait3A_134, %dma_wait3A_135] : memref<32768x1024xf32, #tpu.memory_space<hbm>> -> memref<16x1024xf32, #tpu.memory_space<hbm>>
          %dma_wait3A_137 = arith.constant 0 : i32
          %dma_wait3A_138 = arith.constant 0 : i32
          %dma_wait3A_139 = tpu.memref_slice %arg4[%dma_wait3A_137, %dma_wait3A_138] : memref<32768x1024xf32, #tpu.memory_space<hbm>> -> memref<16x1024xf32, #tpu.memory_space<hbm>>
          tpu.wait_dma2 semaphore(%arg16 : memref<!tpu.dma_semaphore, #tpu.memory_space<semaphore_mem>>) src(%arg6 : memref<16x1024xf32, #tpu.memory_space<vmem>>) dst(%dma_wait3A_139 : memref<16x1024xf32, #tpu.memory_space<hbm>>)
        } else {
        }
        %add3A_126 = arith.constant 2 : i32
        %add3A_127 = arith.addi %add3A_93, %add3A_126 : i32
        %dma_start3A_128 = arith.constant 0 : i32
        %dma_start3A_129 = tpu.memref_slice %arg5[%add3A_127, %dma_start3A_128] : memref<64x16xi32, #tpu.memory_space<vmem>> -> memref<1x16xi32, #tpu.memory_space<vmem>>
        %dma_start3A_130 = tpu.memref_squeeze %dma_start3A_129 : memref<1x16xi32, #tpu.memory_space<vmem>> -> memref<16xi32, #tpu.memory_space<vmem>>
        %dma_start3A_131 = arith.constant 0 : i32
        %dma_start3A_132 = arith.constant 0 : i32
        %dma_start3A_133 = tpu.memref_slice %arg3[%dma_start3A_131, %dma_start3A_132] : memref<100000x1024xf32, #tpu.memory_space<hbm>> -> memref<100000x1024xf32, #tpu.memory_space<hbm>>
        tpu.enqueue_indirect_dma source(%dma_start3A_133 : memref<100000x1024xf32, #tpu.memory_space<hbm>>) target(%arg6 : memref<16x1024xf32, #tpu.memory_space<vmem>>) offsets(%dma_start3A_130 : memref<16xi32, #tpu.memory_space<vmem>>) semaphore(%arg11 : memref<!tpu.dma_semaphore, #tpu.memory_space<semaphore_mem>>)
      } else {
      }
      %lt3A_101 = arith.constant 64 : i32
      %lt3A_102 = arith.cmpi slt, %add3A_93, %lt3A_101 : i32
      %convert_element_type3A_103 = arith.extui %lt3A_102 : i1 to i32
      %cond3A_104 = arith.constant 0 : i32
      %cond3A_105 = arith.cmpi ne, %convert_element_type3A_103, %cond3A_104 : i32
      scf.if %cond3A_105 {
        %dma_wait3A_120 = arith.constant 0 : i32
        %dma_wait3A_121 = arith.constant 0 : i32
        %dma_wait3A_122 = tpu.memref_slice %arg3[%dma_wait3A_120, %dma_wait3A_121] : memref<100000x1024xf32, #tpu.memory_space<hbm>> -> memref<16x1024xf32, #tpu.memory_space<hbm>>
        %dma_wait3A_123 = arith.constant 0 : i32
        %dma_wait3A_124 = arith.constant 0 : i32
        %dma_wait3A_125 = tpu.memref_slice %arg3[%dma_wait3A_123, %dma_wait3A_124] : memref<100000x1024xf32, #tpu.memory_space<hbm>> -> memref<16x1024xf32, #tpu.memory_space<hbm>>
        tpu.wait_dma2 semaphore(%arg14 : memref<!tpu.dma_semaphore, #tpu.memory_space<semaphore_mem>>) src(%dma_wait3A_125 : memref<16x1024xf32, #tpu.memory_space<hbm>>) dst(%arg9 : memref<16x1024xf32, #tpu.memory_space<vmem>>)
        %scan3A_126 = arith.constant 0 : i32
        %scan3A_127 = arith.constant 0 : i32
        %scan3A_128 = arith.constant 16 : i32
        %scan3A_129 = arith.addi %scan3A_127, %scan3A_128 : i32
        %scan3A_130 = arith.constant 1 : i32
        scf.for %scan3A_139 = %scan3A_127 to %scan3A_129 step %scan3A_130  : i32 {
          %get3A = arith.index_cast %scan3A_139 : i32 to index
          %get3A_140 = arith.constant 0 : index
          %get3A_141 = tpu.vector_load %arg9[%get3A, %get3A_140] {strides = array<i32>} : memref<16x1024xf32, #tpu.memory_space<vmem>>, vector<1x16xf32>,
          %get3A_142 = vector.shape_cast %get3A_141 : vector<1x16xf32> to vector<16xf32>
          %mul3A_143 = arith.constant 3.200000e+01 : f32
          %mul3A_144 = vector.broadcast %mul3A_143 : f32 to vector<16xf32>
          %mul3A_145 = arith.mulf %get3A_142, %mul3A_144 : vector<16xf32>
          %swap3A = arith.index_cast %scan3A_139 : i32 to index
          %swap3A_146 = arith.constant 0 : index
          %swap3A_147 = tpu.vector_load %arg9[%swap3A, %swap3A_146] {strides = array<i32>} : memref<16x1024xf32, #tpu.memory_space<vmem>>, vector<1x16xf32>,
          %swap3A_148 = vector.shape_cast %swap3A_147 : vector<1x16xf32> to vector<16xf32>
          %swap3A_149 = vector.shape_cast %mul3A_145 : vector<16xf32> to vector<1x16xf32>
          tpu.vector_store %arg9[%swap3A, %swap3A_146], %swap3A_149 {strides = array<i32>} : memref<16x1024xf32, #tpu.memory_space<vmem>>, vector<1x16xf32>,
          %get3A_150 = arith.index_cast %scan3A_139 : i32 to index
          %get3A_151 = arith.constant 16 : index
          %get3A_152 = tpu.vector_load %arg9[%get3A_150, %get3A_151] {strides = array<i32>} : memref<16x1024xf32, #tpu.memory_space<vmem>>, vector<1x16xf32>,
          %get3A_153 = vector.shape_cast %get3A_152 : vector<1x16xf32> to vector<16xf32>
          %mul3A_154 = arith.constant 3.200000e+01 : f32
          %mul3A_155 = vector.broadcast %mul3A_154 : f32 to vector<16xf32>
          %mul3A_156 = arith.mulf %get3A_153, %mul3A_155 : vector<16xf32>
          %swap3A_157 = arith.index_cast %scan3A_139 : i32 to index
          %swap3A_158 = arith.constant 16 : index
          %swap3A_159 = tpu.vector_load %arg9[%swap3A_157, %swap3A_158] {strides = array<i32>} : memref<16x1024xf32, #tpu.memory_space<vmem>>, vector<1x16xf32>,
          %swap3A_160 = vector.shape_cast %swap3A_159 : vector<1x16xf32> to vector<16xf32>
          %swap3A_161 = vector.shape_cast %mul3A_156 : vector<16xf32> to vector<1x16xf32>
          tpu.vector_store %arg9[%swap3A_157, %swap3A_158], %swap3A_161 {strides = array<i32>} : memref<16x1024xf32, #tpu.memory_space<vmem>>, vector<1x16xf32>,
          %get3A_162 = arith.index_cast %scan3A_139 : i32 to index
          %get3A_163 = arith.constant 32 : index
          %get3A_164 = tpu.vector_load %arg9[%get3A_162, %get3A_163] {strides = array<i32>} : memref<16x1024xf32, #tpu.memory_space<vmem>>, vector<1x16xf32>,
          %get3A_165 = vector.shape_cast %get3A_164 : vector<1x16xf32> to vector<16xf32>
          %mul3A_166 = arith.constant 3.200000e+01 : f32
          %mul3A_167 = vector.broadcast %mul3A_166 : f32 to vector<16xf32>
          %mul3A_168 = arith.mulf %get3A_165, %mul3A_167 : vector<16xf32>
          %swap3A_169 = arith.index_cast %scan3A_139 : i32 to index
          %swap3A_170 = arith.constant 32 : index
          %swap3A_171 = tpu.vector_load %arg9[%swap3A_169, %swap3A_170] {strides = array<i32>} : memref<16x1024xf32, #tpu.memory_space<vmem>>, vector<1x16xf32>,
          %swap3A_172 = vector.shape_cast %swap3A_171 : vector<1x16xf32> to vector<16xf32>
          %swap3A_173 = vector.shape_cast %mul3A_168 : vector<16xf32> to vector<1x16xf32>
          tpu.vector_store %arg9[%swap3A_169, %swap3A_170], %swap3A_173 {strides = array<i32>} : memref<16x1024xf32, #tpu.memory_space<vmem>>, vector<1x16xf32>,
          %get3A_174 = arith.index_cast %scan3A_139 : i32 to index
          %get3A_175 = arith.constant 48 : index
          %get3A_176 = tpu.vector_load %arg9[%get3A_174, %get3A_175] {strides = array<i32>} : memref<16x1024xf32, #tpu.memory_space<vmem>>, vector<1x16xf32>,
          %get3A_177 = vector.shape_cast %get3A_176 : vector<1x16xf32> to vector<16xf32>
          %mul3A_178 = arith.constant 3.200000e+01 : f32
          %mul3A_179 = vector.broadcast %mul3A_178 : f32 to vector<16xf32>
          %mul3A_180 = arith.mulf %get3A_177, %mul3A_179 : vector<16xf32>
          %swap3A_181 = arith.index_cast %scan3A_139 : i32 to index
          %swap3A_182 = arith.constant 48 : index
          %swap3A_183 = tpu.vector_load %arg9[%swap3A_181, %swap3A_182] {strides = array<i32>} : memref<16x1024xf32, #tpu.memory_space<vmem>>, vector<1x16xf32>,
          %swap3A_184 = vector.shape_cast %swap3A_183 : vector<1x16xf32> to vector<16xf32>
          %swap3A_185 = vector.shape_cast %mul3A_180 : vector<16xf32> to vector<1x16xf32>
          tpu.vector_store %arg9[%swap3A_181, %swap3A_182], %swap3A_185 {strides = array<i32>} : memref<16x1024xf32, #tpu.memory_space<vmem>>, vector<1x16xf32>,
          %get3A_186 = arith.index_cast %scan3A_139 : i32 to index
          %get3A_187 = arith.constant 64 : index
          %get3A_188 = tpu.vector_load %arg9[%get3A_186, %get3A_187] {strides = array<i32>} : memref<16x1024xf32, #tpu.memory_space<vmem>>, vector<1x16xf32>,
          %get3A_189 = vector.shape_cast %get3A_188 : vector<1x16xf32> to vector<16xf32>
          %mul3A_190 = arith.constant 3.200000e+01 : f32
          %mul3A_191 = vector.broadcast %mul3A_190 : f32 to vector<16xf32>
          %mul3A_192 = arith.mulf %get3A_189, %mul3A_191 : vector<16xf32>
          %swap3A_193 = arith.index_cast %scan3A_139 : i32 to index
          %swap3A_194 = arith.constant 64 : index
          %swap3A_195 = tpu.vector_load %arg9[%swap3A_193, %swap3A_194] {strides = array<i32>} : memref<16x1024xf32, #tpu.memory_space<vmem>>, vector<1x16xf32>,
          %swap3A_196 = vector.shape_cast %swap3A_195 : vector<1x16xf32> to vector<16xf32>
          %swap3A_197 = vector.shape_cast %mul3A_192 : vector<16xf32> to vector<1x16xf32>
          tpu.vector_store %arg9[%swap3A_193, %swap3A_194], %swap3A_197 {strides = array<i32>} : memref<16x1024xf32, #tpu.memory_space<vmem>>, vector<1x16xf32>,
          %get3A_198 = arith.index_cast %scan3A_139 : i32 to index
          %get3A_199 = arith.constant 80 : index
          %get3A_200 = tpu.vector_load %arg9[%get3A_198, %get3A_199] {strides = array<i32>} : memref<16x1024xf32, #tpu.memory_space<vmem>>, vector<1x16xf32>,
          %get3A_201 = vector.shape_cast %get3A_200 : vector<1x16xf32> to vector<16xf32>
          %mul3A_202 = arith.constant 3.200000e+01 : f32
          %mul3A_203 = vector.broadcast %mul3A_202 : f32 to vector<16xf32>
          %mul3A_204 = arith.mulf %get3A_201, %mul3A_203 : vector<16xf32>
          %swap3A_205 = arith.index_cast %scan3A_139 : i32 to index
          %swap3A_206 = arith.constant 80 : index
          %swap3A_207 = tpu.vector_load %arg9[%swap3A_205, %swap3A_206] {strides = array<i32>} : memref<16x1024xf32, #tpu.memory_space<vmem>>, vector<1x16xf32>,
          %swap3A_208 = vector.shape_cast %swap3A_207 : vector<1x16xf32> to vector<16xf32>
          %swap3A_209 = vector.shape_cast %mul3A_204 : vector<16xf32> to vector<1x16xf32>
          tpu.vector_store %arg9[%swap3A_205, %swap3A_206], %swap3A_209 {strides = array<i32>} : memref<16x1024xf32, #tpu.memory_space<vmem>>, vector<1x16xf32>,
          %get3A_210 = arith.index_cast %scan3A_139 : i32 to index
          %get3A_211 = arith.constant 96 : index
          %get3A_212 = tpu.vector_load %arg9[%get3A_210, %get3A_211] {strides = array<i32>} : memref<16x1024xf32, #tpu.memory_space<vmem>>, vector<1x16xf32>,
          %get3A_213 = vector.shape_cast %get3A_212 : vector<1x16xf32> to vector<16xf32>
          %mul3A_214 = arith.constant 3.200000e+01 : f32
          %mul3A_215 = vector.broadcast %mul3A_214 : f32 to vector<16xf32>
          %mul3A_216 = arith.mulf %get3A_213, %mul3A_215 : vector<16xf32>
          %swap3A_217 = arith.index_cast %scan3A_139 : i32 to index
          %swap3A_218 = arith.constant 96 : index
          %swap3A_219 = tpu.vector_load %arg9[%swap3A_217, %swap3A_218] {strides = array<i32>} : memref<16x1024xf32, #tpu.memory_space<vmem>>, vector<1x16xf32>,
          %swap3A_220 = vector.shape_cast %swap3A_219 : vector<1x16xf32> to vector<16xf32>
          %swap3A_221 = vector.shape_cast %mul3A_216 : vector<16xf32> to vector<1x16xf32>
          tpu.vector_store %arg9[%swap3A_217, %swap3A_218], %swap3A_221 {strides = array<i32>} : memref<16x1024xf32, #tpu.memory_space<vmem>>, vector<1x16xf32>,
          %get3A_222 = arith.index_cast %scan3A_139 : i32 to index
          %get3A_223 = arith.constant 112 : index
          %get3A_224 = tpu.vector_load %arg9[%get3A_222, %get3A_223] {strides = array<i32>} : memref<16x1024xf32, #tpu.memory_space<vmem>>, vector<1x16xf32>,
          %get3A_225 = vector.shape_cast %get3A_224 : vector<1x16xf32> to vector<16xf32>
          %mul3A_226 = arith.constant 3.200000e+01 : f32
          %mul3A_227 = vector.broadcast %mul3A_226 : f32 to vector<16xf32>
          %mul3A_228 = arith.mulf %get3A_225, %mul3A_227 : vector<16xf32>
          %swap3A_229 = arith.index_cast %scan3A_139 : i32 to index
          %swap3A_230 = arith.constant 112 : index
          %swap3A_231 = tpu.vector_load %arg9[%swap3A_229, %swap3A_230] {strides = array<i32>} : memref<16x1024xf32, #tpu.memory_space<vmem>>, vector<1x16xf32>,
          %swap3A_232 = vector.shape_cast %swap3A_231 : vector<1x16xf32> to vector<16xf32>
          %swap3A_233 = vector.shape_cast %mul3A_228 : vector<16xf32> to vector<1x16xf32>
          tpu.vector_store %arg9[%swap3A_229, %swap3A_230], %swap3A_233 {strides = array<i32>} : memref<16x1024xf32, #tpu.memory_space<vmem>>, vector<1x16xf32>,
          %get3A_234 = arith.index_cast %scan3A_139 : i32 to index
          %get3A_235 = arith.constant 128 : index
          %get3A_236 = tpu.vector_load %arg9[%get3A_234, %get3A_235] {strides = array<i32>} : memref<16x1024xf32, #tpu.memory_space<vmem>>, vector<1x16xf32>,
          %get3A_237 = vector.shape_cast %get3A_236 : vector<1x16xf32> to vector<16xf32>
          %mul3A_238 = arith.constant 3.200000e+01 : f32
          %mul3A_239 = vector.broadcast %mul3A_238 : f32 to vector<16xf32>
          %mul3A_240 = arith.mulf %get3A_237, %mul3A_239 : vector<16xf32>
          %swap3A_241 = arith.index_cast %scan3A_139 : i32 to index
          %swap3A_242 = arith.constant 128 : index
          %swap3A_243 = tpu.vector_load %arg9[%swap3A_241, %swap3A_242] {strides = array<i32>} : memref<16x1024xf32, #tpu.memory_space<vmem>>, vector<1x16xf32>,
          %swap3A_244 = vector.shape_cast %swap3A_243 : vector<1x16xf32> to vector<16xf32>
          %swap3A_245 = vector.shape_cast %mul3A_240 : vector<16xf32> to vector<1x16xf32>
          tpu.vector_store %arg9[%swap3A_241, %swap3A_242], %swap3A_245 {strides = array<i32>} : memref<16x1024xf32, #tpu.memory_space<vmem>>, vector<1x16xf32>,
          %get3A_246 = arith.index_cast %scan3A_139 : i32 to index
          %get3A_247 = arith.constant 144 : index
          %get3A_248 = tpu.vector_load %arg9[%get3A_246, %get3A_247] {strides = array<i32>} : memref<16x1024xf32, #tpu.memory_space<vmem>>, vector<1x16xf32>,
          %get3A_249 = vector.shape_cast %get3A_248 : vector<1x16xf32> to vector<16xf32>
          %mul3A_250 = arith.constant 3.200000e+01 : f32
          %mul3A_251 = vector.broadcast %mul3A_250 : f32 to vector<16xf32>
          %mul3A_252 = arith.mulf %get3A_249, %mul3A_251 : vector<16xf32>
          %swap3A_253 = arith.index_cast %scan3A_139 : i32 to index
          %swap3A_254 = arith.constant 144 : index
          %swap3A_255 = tpu.vector_load %arg9[%swap3A_253, %swap3A_254] {strides = array<i32>} : memref<16x1024xf32, #tpu.memory_space<vmem>>, vector<1x16xf32>,
          %swap3A_256 = vector.shape_cast %swap3A_255 : vector<1x16xf32> to vector<16xf32>
          %swap3A_257 = vector.shape_cast %mul3A_252 : vector<16xf32> to vector<1x16xf32>
          tpu.vector_store %arg9[%swap3A_253, %swap3A_254], %swap3A_257 {strides = array<i32>} : memref<16x1024xf32, #tpu.memory_space<vmem>>, vector<1x16xf32>,
          %get3A_258 = arith.index_cast %scan3A_139 : i32 to index
          %get3A_259 = arith.constant 160 : index
          %get3A_260 = tpu.vector_load %arg9[%get3A_258, %get3A_259] {strides = array<i32>} : memref<16x1024xf32, #tpu.memory_space<vmem>>, vector<1x16xf32>,
          %get3A_261 = vector.shape_cast %get3A_260 : vector<1x16xf32> to vector<16xf32>
          %mul3A_262 = arith.constant 3.200000e+01 : f32
          %mul3A_263 = vector.broadcast %mul3A_262 : f32 to vector<16xf32>
          %mul3A_264 = arith.mulf %get3A_261, %mul3A_263 : vector<16xf32>
          %swap3A_265 = arith.index_cast %scan3A_139 : i32 to index
          %swap3A_266 = arith.constant 160 : index
          %swap3A_267 = tpu.vector_load %arg9[%swap3A_265, %swap3A_266] {strides = array<i32>} : memref<16x1024xf32, #tpu.memory_space<vmem>>, vector<1x16xf32>,
          %swap3A_268 = vector.shape_cast %swap3A_267 : vector<1x16xf32> to vector<16xf32>
          %swap3A_269 = vector.shape_cast %mul3A_264 : vector<16xf32> to vector<1x16xf32>
          tpu.vector_store %arg9[%swap3A_265, %swap3A_266], %swap3A_269 {strides = array<i32>} : memref<16x1024xf32, #tpu.memory_space<vmem>>, vector<1x16xf32>,
          %get3A_270 = arith.index_cast %scan3A_139 : i32 to index
          %get3A_271 = arith.constant 176 : index
          %get3A_272 = tpu.vector_load %arg9[%get3A_270, %get3A_271] {strides = array<i32>} : memref<16x1024xf32, #tpu.memory_space<vmem>>, vector<1x16xf32>,
          %get3A_273 = vector.shape_cast %get3A_272 : vector<1x16xf32> to vector<16xf32>
          %mul3A_274 = arith.constant 3.200000e+01 : f32
          %mul3A_275 = vector.broadcast %mul3A_274 : f32 to vector<16xf32>
          %mul3A_276 = arith.mulf %get3A_273, %mul3A_275 : vector<16xf32>
          %swap3A_277 = arith.index_cast %scan3A_139 : i32 to index
          %swap3A_278 = arith.constant 176 : index
          %swap3A_279 = tpu.vector_load %arg9[%swap3A_277, %swap3A_278] {strides = array<i32>} : memref<16x1024xf32, #tpu.memory_space<vmem>>, vector<1x16xf32>,
          %swap3A_280 = vector.shape_cast %swap3A_279 : vector<1x16xf32> to vector<16xf32>
          %swap3A_281 = vector.shape_cast %mul3A_276 : vector<16xf32> to vector<1x16xf32>
          tpu.vector_store %arg9[%swap3A_277, %swap3A_278], %swap3A_281 {strides = array<i32>} : memref<16x1024xf32, #tpu.memory_space<vmem>>, vector<1x16xf32>,
          %get3A_282 = arith.index_cast %scan3A_139 : i32 to index
          %get3A_283 = arith.constant 192 : index
          %get3A_284 = tpu.vector_load %arg9[%get3A_282, %get3A_283] {strides = array<i32>} : memref<16x1024xf32, #tpu.memory_space<vmem>>, vector<1x16xf32>,
          %get3A_285 = vector.shape_cast %get3A_284 : vector<1x16xf32> to vector<16xf32>
          %mul3A_286 = arith.constant 3.200000e+01 : f32
          %mul3A_287 = vector.broadcast %mul3A_286 : f32 to vector<16xf32>
          %mul3A_288 = arith.mulf %get3A_285, %mul3A_287 : vector<16xf32>
          %swap3A_289 = arith.index_cast %scan3A_139 : i32 to index
          %swap3A_290 = arith.constant 192 : index
          %swap3A_291 = tpu.vector_load %arg9[%swap3A_289, %swap3A_290] {strides = array<i32>} : memref<16x1024xf32, #tpu.memory_space<vmem>>, vector<1x16xf32>,
          %swap3A_292 = vector.shape_cast %swap3A_291 : vector<1x16xf32> to vector<16xf32>
          %swap3A_293 = vector.shape_cast %mul3A_288 : vector<16xf32> to vector<1x16xf32>
          tpu.vector_store %arg9[%swap3A_289, %swap3A_290], %swap3A_293 {strides = array<i32>} : memref<16x1024xf32, #tpu.memory_space<vmem>>, vector<1x16xf32>,
          %get3A_294 = arith.index_cast %scan3A_139 : i32 to index
          %get3A_295 = arith.constant 208 : index
          %get3A_296 = tpu.vector_load %arg9[%get3A_294, %get3A_295] {strides = array<i32>} : memref<16x1024xf32, #tpu.memory_space<vmem>>, vector<1x16xf32>,
          %get3A_297 = vector.shape_cast %get3A_296 : vector<1x16xf32> to vector<16xf32>
          %mul3A_298 = arith.constant 3.200000e+01 : f32
          %mul3A_299 = vector.broadcast %mul3A_298 : f32 to vector<16xf32>
          %mul3A_300 = arith.mulf %get3A_297, %mul3A_299 : vector<16xf32>
          %swap3A_301 = arith.index_cast %scan3A_139 : i32 to index
          %swap3A_302 = arith.constant 208 : index
          %swap3A_303 = tpu.vector_load %arg9[%swap3A_301, %swap3A_302] {strides = array<i32>} : memref<16x1024xf32, #tpu.memory_space<vmem>>, vector<1x16xf32>,
          %swap3A_304 = vector.shape_cast %swap3A_303 : vector<1x16xf32> to vector<16xf32>
          %swap3A_305 = vector.shape_cast %mul3A_300 : vector<16xf32> to vector<1x16xf32>
          tpu.vector_store %arg9[%swap3A_301, %swap3A_302], %swap3A_305 {strides = array<i32>} : memref<16x1024xf32, #tpu.memory_space<vmem>>, vector<1x16xf32>,
          %get3A_306 = arith.index_cast %scan3A_139 : i32 to index
          %get3A_307 = arith.constant 224 : index
          %get3A_308 = tpu.vector_load %arg9[%get3A_306, %get3A_307] {strides = array<i32>} : memref<16x1024xf32, #tpu.memory_space<vmem>>, vector<1x16xf32>,
          %get3A_309 = vector.shape_cast %get3A_308 : vector<1x16xf32> to vector<16xf32>
          %mul3A_310 = arith.constant 3.200000e+01 : f32
          %mul3A_311 = vector.broadcast %mul3A_310 : f32 to vector<16xf32>
          %mul3A_312 = arith.mulf %get3A_309, %mul3A_311 : vector<16xf32>
          %swap3A_313 = arith.index_cast %scan3A_139 : i32 to index
          %swap3A_314 = arith.constant 224 : index
          %swap3A_315 = tpu.vector_load %arg9[%swap3A_313, %swap3A_314] {strides = array<i32>} : memref<16x1024xf32, #tpu.memory_space<vmem>>, vector<1x16xf32>,
          %swap3A_316 = vector.shape_cast %swap3A_315 : vector<1x16xf32> to vector<16xf32>
          %swap3A_317 = vector.shape_cast %mul3A_312 : vector<16xf32> to vector<1x16xf32>
          tpu.vector_store %arg9[%swap3A_313, %swap3A_314], %swap3A_317 {strides = array<i32>} : memref<16x1024xf32, #tpu.memory_space<vmem>>, vector<1x16xf32>,
          %get3A_318 = arith.index_cast %scan3A_139 : i32 to index
          %get3A_319 = arith.constant 240 : index
          %get3A_320 = tpu.vector_load %arg9[%get3A_318, %get3A_319] {strides = array<i32>} : memref<16x1024xf32, #tpu.memory_space<vmem>>, vector<1x16xf32>,
          %get3A_321 = vector.shape_cast %get3A_320 : vector<1x16xf32> to vector<16xf32>
          %mul3A_322 = arith.constant 3.200000e+01 : f32
          %mul3A_323 = vector.broadcast %mul3A_322 : f32 to vector<16xf32>
          %mul3A_324 = arith.mulf %get3A_321, %mul3A_323 : vector<16xf32>
          %swap3A_325 = arith.index_cast %scan3A_139 : i32 to index
          %swap3A_326 = arith.constant 240 : index
          %swap3A_327 = tpu.vector_load %arg9[%swap3A_325, %swap3A_326] {strides = array<i32>} : memref<16x1024xf32, #tpu.memory_space<vmem>>, vector<1x16xf32>,
          %swap3A_328 = vector.shape_cast %swap3A_327 : vector<1x16xf32> to vector<16xf32>
          %swap3A_329 = vector.shape_cast %mul3A_324 : vector<16xf32> to vector<1x16xf32>
          tpu.vector_store %arg9[%swap3A_325, %swap3A_326], %swap3A_329 {strides = array<i32>} : memref<16x1024xf32, #tpu.memory_space<vmem>>, vector<1x16xf32>,
          %get3A_330 = arith.index_cast %scan3A_139 : i32 to index
          %get3A_331 = arith.constant 256 : index
          %get3A_332 = tpu.vector_load %arg9[%get3A_330, %get3A_331] {strides = array<i32>} : memref<16x1024xf32, #tpu.memory_space<vmem>>, vector<1x16xf32>,
          %get3A_333 = vector.shape_cast %get3A_332 : vector<1x16xf32> to vector<16xf32>
          %mul3A_334 = arith.constant 3.200000e+01 : f32
          %mul3A_335 = vector.broadcast %mul3A_334 : f32 to vector<16xf32>
          %mul3A_336 = arith.mulf %get3A_333, %mul3A_335 : vector<16xf32>
          %swap3A_337 = arith.index_cast %scan3A_139 : i32 to index
          %swap3A_338 = arith.constant 256 : index
          %swap3A_339 = tpu.vector_load %arg9[%swap3A_337, %swap3A_338] {strides = array<i32>} : memref<16x1024xf32, #tpu.memory_space<vmem>>, vector<1x16xf32>,
          %swap3A_340 = vector.shape_cast %swap3A_339 : vector<1x16xf32> to vector<16xf32>
          %swap3A_341 = vector.shape_cast %mul3A_336 : vector<16xf32> to vector<1x16xf32>
          tpu.vector_store %arg9[%swap3A_337, %swap3A_338], %swap3A_341 {strides = array<i32>} : memref<16x1024xf32, #tpu.memory_space<vmem>>, vector<1x16xf32>,
          %get3A_342 = arith.index_cast %scan3A_139 : i32 to index
          %get3A_343 = arith.constant 272 : index
          %get3A_344 = tpu.vector_load %arg9[%get3A_342, %get3A_343] {strides = array<i32>} : memref<16x1024xf32, #tpu.memory_space<vmem>>, vector<1x16xf32>,
          %get3A_345 = vector.shape_cast %get3A_344 : vector<1x16xf32> to vector<16xf32>
          %mul3A_346 = arith.constant 3.200000e+01 : f32
          %mul3A_347 = vector.broadcast %mul3A_346 : f32 to vector<16xf32>
          %mul3A_348 = arith.mulf %get3A_345, %mul3A_347 : vector<16xf32>
          %swap3A_349 = arith.index_cast %scan3A_139 : i32 to index
          %swap3A_350 = arith.constant 272 : index
          %swap3A_351 = tpu.vector_load %arg9[%swap3A_349, %swap3A_350] {strides = array<i32>} : memref<16x1024xf32, #tpu.memory_space<vmem>>, vector<1x16xf32>,
          %swap3A_352 = vector.shape_cast %swap3A_351 : vector<1x16xf32> to vector<16xf32>
          %swap3A_353 = vector.shape_cast %mul3A_348 : vector<16xf32> to vector<1x16xf32>
          tpu.vector_store %arg9[%swap3A_349, %swap3A_350], %swap3A_353 {strides = array<i32>} : memref<16x1024xf32, #tpu.memory_space<vmem>>, vector<1x16xf32>,
          %get3A_354 = arith.index_cast %scan3A_139 : i32 to index
          %get3A_355 = arith.constant 288 : index
          %get3A_356 = tpu.vector_load %arg9[%get3A_354, %get3A_355] {strides = array<i32>} : memref<16x1024xf32, #tpu.memory_space<vmem>>, vector<1x16xf32>,
          %get3A_357 = vector.shape_cast %get3A_356 : vector<1x16xf32> to vector<16xf32>
          %mul3A_358 = arith.constant 3.200000e+01 : f32
          %mul3A_359 = vector.broadcast %mul3A_358 : f32 to vector<16xf32>
          %mul3A_360 = arith.mulf %get3A_357, %mul3A_359 : vector<16xf32>
          %swap3A_361 = arith.index_cast %scan3A_139 : i32 to index
          %swap3A_362 = arith.constant 288 : index
          %swap3A_363 = tpu.vector_load %arg9[%swap3A_361, %swap3A_362] {strides = array<i32>} : memref<16x1024xf32, #tpu.memory_space<vmem>>, vector<1x16xf32>,
          %swap3A_364 = vector.shape_cast %swap3A_363 : vector<1x16xf32> to vector<16xf32>
          %swap3A_365 = vector.shape_cast %mul3A_360 : vector<16xf32> to vector<1x16xf32>
          tpu.vector_store %arg9[%swap3A_361, %swap3A_362], %swap3A_365 {strides = array<i32>} : memref<16x1024xf32, #tpu.memory_space<vmem>>, vector<1x16xf32>,
          %get3A_366 = arith.index_cast %scan3A_139 : i32 to index
          %get3A_367 = arith.constant 304 : index
          %get3A_368 = tpu.vector_load %arg9[%get3A_366, %get3A_367] {strides = array<i32>} : memref<16x1024xf32, #tpu.memory_space<vmem>>, vector<1x16xf32>,
          %get3A_369 = vector.shape_cast %get3A_368 : vector<1x16xf32> to vector<16xf32>
          %mul3A_370 = arith.constant 3.200000e+01 : f32
          %mul3A_371 = vector.broadcast %mul3A_370 : f32 to vector<16xf32>
          %mul3A_372 = arith.mulf %get3A_369, %mul3A_371 : vector<16xf32>
          %swap3A_373 = arith.index_cast %scan3A_139 : i32 to index
          %swap3A_374 = arith.constant 304 : index
          %swap3A_375 = tpu.vector_load %arg9[%swap3A_373, %swap3A_374] {strides = array<i32>} : memref<16x1024xf32, #tpu.memory_space<vmem>>, vector<1x16xf32>,
          %swap3A_376 = vector.shape_cast %swap3A_375 : vector<1x16xf32> to vector<16xf32>
          %swap3A_377 = vector.shape_cast %mul3A_372 : vector<16xf32> to vector<1x16xf32>
          tpu.vector_store %arg9[%swap3A_373, %swap3A_374], %swap3A_377 {strides = array<i32>} : memref<16x1024xf32, #tpu.memory_space<vmem>>, vector<1x16xf32>,
          %get3A_378 = arith.index_cast %scan3A_139 : i32 to index
          %get3A_379 = arith.constant 320 : index
          %get3A_380 = tpu.vector_load %arg9[%get3A_378, %get3A_379] {strides = array<i32>} : memref<16x1024xf32, #tpu.memory_space<vmem>>, vector<1x16xf32>,
          %get3A_381 = vector.shape_cast %get3A_380 : vector<1x16xf32> to vector<16xf32>
          %mul3A_382 = arith.constant 3.200000e+01 : f32
          %mul3A_383 = vector.broadcast %mul3A_382 : f32 to vector<16xf32>
          %mul3A_384 = arith.mulf %get3A_381, %mul3A_383 : vector<16xf32>
          %swap3A_385 = arith.index_cast %scan3A_139 : i32 to index
          %swap3A_386 = arith.constant 320 : index
          %swap3A_387 = tpu.vector_load %arg9[%swap3A_385, %swap3A_386] {strides = array<i32>} : memref<16x1024xf32, #tpu.memory_space<vmem>>, vector<1x16xf32>,
          %swap3A_388 = vector.shape_cast %swap3A_387 : vector<1x16xf32> to vector<16xf32>
          %swap3A_389 = vector.shape_cast %mul3A_384 : vector<16xf32> to vector<1x16xf32>
          tpu.vector_store %arg9[%swap3A_385, %swap3A_386], %swap3A_389 {strides = array<i32>} : memref<16x1024xf32, #tpu.memory_space<vmem>>, vector<1x16xf32>,
          %get3A_390 = arith.index_cast %scan3A_139 : i32 to index
          %get3A_391 = arith.constant 336 : index
          %get3A_392 = tpu.vector_load %arg9[%get3A_390, %get3A_391] {strides = array<i32>} : memref<16x1024xf32, #tpu.memory_space<vmem>>, vector<1x16xf32>,
          %get3A_393 = vector.shape_cast %get3A_392 : vector<1x16xf32> to vector<16xf32>
          %mul3A_394 = arith.constant 3.200000e+01 : f32
          %mul3A_395 = vector.broadcast %mul3A_394 : f32 to vector<16xf32>
          %mul3A_396 = arith.mulf %get3A_393, %mul3A_395 : vector<16xf32>
          %swap3A_397 = arith.index_cast %scan3A_139 : i32 to index
          %swap3A_398 = arith.constant 336 : index
          %swap3A_399 = tpu.vector_load %arg9[%swap3A_397, %swap3A_398] {strides = array<i32>} : memref<16x1024xf32, #tpu.memory_space<vmem>>, vector<1x16xf32>,
          %swap3A_400 = vector.shape_cast %swap3A_399 : vector<1x16xf32> to vector<16xf32>
          %swap3A_401 = vector.shape_cast %mul3A_396 : vector<16xf32> to vector<1x16xf32>
          tpu.vector_store %arg9[%swap3A_397, %swap3A_398], %swap3A_401 {strides = array<i32>} : memref<16x1024xf32, #tpu.memory_space<vmem>>, vector<1x16xf32>,
          %get3A_402 = arith.index_cast %scan3A_139 : i32 to index
          %get3A_403 = arith.constant 352 : index
          %get3A_404 = tpu.vector_load %arg9[%get3A_402, %get3A_403] {strides = array<i32>} : memref<16x1024xf32, #tpu.memory_space<vmem>>, vector<1x16xf32>,
          %get3A_405 = vector.shape_cast %get3A_404 : vector<1x16xf32> to vector<16xf32>
          %mul3A_406 = arith.constant 3.200000e+01 : f32
          %mul3A_407 = vector.broadcast %mul3A_406 : f32 to vector<16xf32>
          %mul3A_408 = arith.mulf %get3A_405, %mul3A_407 : vector<16xf32>
          %swap3A_409 = arith.index_cast %scan3A_139 : i32 to index
          %swap3A_410 = arith.constant 352 : index
          %swap3A_411 = tpu.vector_load %arg9[%swap3A_409, %swap3A_410] {strides = array<i32>} : memref<16x1024xf32, #tpu.memory_space<vmem>>, vector<1x16xf32>,
          %swap3A_412 = vector.shape_cast %swap3A_411 : vector<1x16xf32> to vector<16xf32>
          %swap3A_413 = vector.shape_cast %mul3A_408 : vector<16xf32> to vector<1x16xf32>
          tpu.vector_store %arg9[%swap3A_409, %swap3A_410], %swap3A_413 {strides = array<i32>} : memref<16x1024xf32, #tpu.memory_space<vmem>>, vector<1x16xf32>,
          %get3A_414 = arith.index_cast %scan3A_139 : i32 to index
          %get3A_415 = arith.constant 368 : index
          %get3A_416 = tpu.vector_load %arg9[%get3A_414, %get3A_415] {strides = array<i32>} : memref<16x1024xf32, #tpu.memory_space<vmem>>, vector<1x16xf32>,
          %get3A_417 = vector.shape_cast %get3A_416 : vector<1x16xf32> to vector<16xf32>
          %mul3A_418 = arith.constant 3.200000e+01 : f32
          %mul3A_419 = vector.broadcast %mul3A_418 : f32 to vector<16xf32>
          %mul3A_420 = arith.mulf %get3A_417, %mul3A_419 : vector<16xf32>
          %swap3A_421 = arith.index_cast %scan3A_139 : i32 to index
          %swap3A_422 = arith.constant 368 : index
          %swap3A_423 = tpu.vector_load %arg9[%swap3A_421, %swap3A_422] {strides = array<i32>} : memref<16x1024xf32, #tpu.memory_space<vmem>>, vector<1x16xf32>,
          %swap3A_424 = vector.shape_cast %swap3A_423 : vector<1x16xf32> to vector<16xf32>
          %swap3A_425 = vector.shape_cast %mul3A_420 : vector<16xf32> to vector<1x16xf32>
          tpu.vector_store %arg9[%swap3A_421, %swap3A_422], %swap3A_425 {strides = array<i32>} : memref<16x1024xf32, #tpu.memory_space<vmem>>, vector<1x16xf32>,
          %get3A_426 = arith.index_cast %scan3A_139 : i32 to index
          %get3A_427 = arith.constant 384 : index
          %get3A_428 = tpu.vector_load %arg9[%get3A_426, %get3A_427] {strides = array<i32>} : memref<16x1024xf32, #tpu.memory_space<vmem>>, vector<1x16xf32>,
          %get3A_429 = vector.shape_cast %get3A_428 : vector<1x16xf32> to vector<16xf32>
          %mul3A_430 = arith.constant 3.200000e+01 : f32
          %mul3A_431 = vector.broadcast %mul3A_430 : f32 to vector<16xf32>
          %mul3A_432 = arith.mulf %get3A_429, %mul3A_431 : vector<16xf32>
          %swap3A_433 = arith.index_cast %scan3A_139 : i32 to index
          %swap3A_434 = arith.constant 384 : index
          %swap3A_435 = tpu.vector_load %arg9[%swap3A_433, %swap3A_434] {strides = array<i32>} : memref<16x1024xf32, #tpu.memory_space<vmem>>, vector<1x16xf32>,
          %swap3A_436 = vector.shape_cast %swap3A_435 : vector<1x16xf32> to vector<16xf32>
          %swap3A_437 = vector.shape_cast %mul3A_432 : vector<16xf32> to vector<1x16xf32>
          tpu.vector_store %arg9[%swap3A_433, %swap3A_434], %swap3A_437 {strides = array<i32>} : memref<16x1024xf32, #tpu.memory_space<vmem>>, vector<1x16xf32>,
          %get3A_438 = arith.index_cast %scan3A_139 : i32 to index
          %get3A_439 = arith.constant 400 : index
          %get3A_440 = tpu.vector_load %arg9[%get3A_438, %get3A_439] {strides = array<i32>} : memref<16x1024xf32, #tpu.memory_space<vmem>>, vector<1x16xf32>,
          %get3A_441 = vector.shape_cast %get3A_440 : vector<1x16xf32> to vector<16xf32>
          %mul3A_442 = arith.constant 3.200000e+01 : f32
          %mul3A_443 = vector.broadcast %mul3A_442 : f32 to vector<16xf32>
          %mul3A_444 = arith.mulf %get3A_441, %mul3A_443 : vector<16xf32>
          %swap3A_445 = arith.index_cast %scan3A_139 : i32 to index
          %swap3A_446 = arith.constant 400 : index
          %swap3A_447 = tpu.vector_load %arg9[%swap3A_445, %swap3A_446] {strides = array<i32>} : memref<16x1024xf32, #tpu.memory_space<vmem>>, vector<1x16xf32>,
          %swap3A_448 = vector.shape_cast %swap3A_447 : vector<1x16xf32> to vector<16xf32>
          %swap3A_449 = vector.shape_cast %mul3A_444 : vector<16xf32> to vector<1x16xf32>
          tpu.vector_store %arg9[%swap3A_445, %swap3A_446], %swap3A_449 {strides = array<i32>} : memref<16x1024xf32, #tpu.memory_space<vmem>>, vector<1x16xf32>,
          %get3A_450 = arith.index_cast %scan3A_139 : i32 to index
          %get3A_451 = arith.constant 416 : index
          %get3A_452 = tpu.vector_load %arg9[%get3A_450, %get3A_451] {strides = array<i32>} : memref<16x1024xf32, #tpu.memory_space<vmem>>, vector<1x16xf32>,
          %get3A_453 = vector.shape_cast %get3A_452 : vector<1x16xf32> to vector<16xf32>
          %mul3A_454 = arith.constant 3.200000e+01 : f32
          %mul3A_455 = vector.broadcast %mul3A_454 : f32 to vector<16xf32>
          %mul3A_456 = arith.mulf %get3A_453, %mul3A_455 : vector<16xf32>
          %swap3A_457 = arith.index_cast %scan3A_139 : i32 to index
          %swap3A_458 = arith.constant 416 : index
          %swap3A_459 = tpu.vector_load %arg9[%swap3A_457, %swap3A_458] {strides = array<i32>} : memref<16x1024xf32, #tpu.memory_space<vmem>>, vector<1x16xf32>,
          %swap3A_460 = vector.shape_cast %swap3A_459 : vector<1x16xf32> to vector<16xf32>
          %swap3A_461 = vector.shape_cast %mul3A_456 : vector<16xf32> to vector<1x16xf32>
          tpu.vector_store %arg9[%swap3A_457, %swap3A_458], %swap3A_461 {strides = array<i32>} : memref<16x1024xf32, #tpu.memory_space<vmem>>, vector<1x16xf32>,
          %get3A_462 = arith.index_cast %scan3A_139 : i32 to index
          %get3A_463 = arith.constant 432 : index
          %get3A_464 = tpu.vector_load %arg9[%get3A_462, %get3A_463] {strides = array<i32>} : memref<16x1024xf32, #tpu.memory_space<vmem>>, vector<1x16xf32>,
          %get3A_465 = vector.shape_cast %get3A_464 : vector<1x16xf32> to vector<16xf32>
          %mul3A_466 = arith.constant 3.200000e+01 : f32
          %mul3A_467 = vector.broadcast %mul3A_466 : f32 to vector<16xf32>
          %mul3A_468 = arith.mulf %get3A_465, %mul3A_467 : vector<16xf32>
          %swap3A_469 = arith.index_cast %scan3A_139 : i32 to index
          %swap3A_470 = arith.constant 432 : index
          %swap3A_471 = tpu.vector_load %arg9[%swap3A_469, %swap3A_470] {strides = array<i32>} : memref<16x1024xf32, #tpu.memory_space<vmem>>, vector<1x16xf32>,
          %swap3A_472 = vector.shape_cast %swap3A_471 : vector<1x16xf32> to vector<16xf32>
          %swap3A_473 = vector.shape_cast %mul3A_468 : vector<16xf32> to vector<1x16xf32>
          tpu.vector_store %arg9[%swap3A_469, %swap3A_470], %swap3A_473 {strides = array<i32>} : memref<16x1024xf32, #tpu.memory_space<vmem>>, vector<1x16xf32>,
          %get3A_474 = arith.index_cast %scan3A_139 : i32 to index
          %get3A_475 = arith.constant 448 : index
          %get3A_476 = tpu.vector_load %arg9[%get3A_474, %get3A_475] {strides = array<i32>} : memref<16x1024xf32, #tpu.memory_space<vmem>>, vector<1x16xf32>,
          %get3A_477 = vector.shape_cast %get3A_476 : vector<1x16xf32> to vector<16xf32>
          %mul3A_478 = arith.constant 3.200000e+01 : f32
          %mul3A_479 = vector.broadcast %mul3A_478 : f32 to vector<16xf32>
          %mul3A_480 = arith.mulf %get3A_477, %mul3A_479 : vector<16xf32>
          %swap3A_481 = arith.index_cast %scan3A_139 : i32 to index
          %swap3A_482 = arith.constant 448 : index
          %swap3A_483 = tpu.vector_load %arg9[%swap3A_481, %swap3A_482] {strides = array<i32>} : memref<16x1024xf32, #tpu.memory_space<vmem>>, vector<1x16xf32>,
          %swap3A_484 = vector.shape_cast %swap3A_483 : vector<1x16xf32> to vector<16xf32>
          %swap3A_485 = vector.shape_cast %mul3A_480 : vector<16xf32> to vector<1x16xf32>
          tpu.vector_store %arg9[%swap3A_481, %swap3A_482], %swap3A_485 {strides = array<i32>} : memref<16x1024xf32, #tpu.memory_space<vmem>>, vector<1x16xf32>,
          %get3A_486 = arith.index_cast %scan3A_139 : i32 to index
          %get3A_487 = arith.constant 464 : index
          %get3A_488 = tpu.vector_load %arg9[%get3A_486, %get3A_487] {strides = array<i32>} : memref<16x1024xf32, #tpu.memory_space<vmem>>, vector<1x16xf32>,
          %get3A_489 = vector.shape_cast %get3A_488 : vector<1x16xf32> to vector<16xf32>
          %mul3A_490 = arith.constant 3.200000e+01 : f32
          %mul3A_491 = vector.broadcast %mul3A_490 : f32 to vector<16xf32>
          %mul3A_492 = arith.mulf %get3A_489, %mul3A_491 : vector<16xf32>
          %swap3A_493 = arith.index_cast %scan3A_139 : i32 to index
          %swap3A_494 = arith.constant 464 : index
          %swap3A_495 = tpu.vector_load %arg9[%swap3A_493, %swap3A_494] {strides = array<i32>} : memref<16x1024xf32, #tpu.memory_space<vmem>>, vector<1x16xf32>,
          %swap3A_496 = vector.shape_cast %swap3A_495 : vector<1x16xf32> to vector<16xf32>
          %swap3A_497 = vector.shape_cast %mul3A_492 : vector<16xf32> to vector<1x16xf32>
          tpu.vector_store %arg9[%swap3A_493, %swap3A_494], %swap3A_497 {strides = array<i32>} : memref<16x1024xf32, #tpu.memory_space<vmem>>, vector<1x16xf32>,
          %get3A_498 = arith.index_cast %scan3A_139 : i32 to index
          %get3A_499 = arith.constant 480 : index
          %get3A_500 = tpu.vector_load %arg9[%get3A_498, %get3A_499] {strides = array<i32>} : memref<16x1024xf32, #tpu.memory_space<vmem>>, vector<1x16xf32>,
          %get3A_501 = vector.shape_cast %get3A_500 : vector<1x16xf32> to vector<16xf32>
          %mul3A_502 = arith.constant 3.200000e+01 : f32
          %mul3A_503 = vector.broadcast %mul3A_502 : f32 to vector<16xf32>
          %mul3A_504 = arith.mulf %get3A_501, %mul3A_503 : vector<16xf32>
          %swap3A_505 = arith.index_cast %scan3A_139 : i32 to index
          %swap3A_506 = arith.constant 480 : index
          %swap3A_507 = tpu.vector_load %arg9[%swap3A_505, %swap3A_506] {strides = array<i32>} : memref<16x1024xf32, #tpu.memory_space<vmem>>, vector<1x16xf32>,
          %swap3A_508 = vector.shape_cast %swap3A_507 : vector<1x16xf32> to vector<16xf32>
          %swap3A_509 = vector.shape_cast %mul3A_504 : vector<16xf32> to vector<1x16xf32>
          tpu.vector_store %arg9[%swap3A_505, %swap3A_506], %swap3A_509 {strides = array<i32>} : memref<16x1024xf32, #tpu.memory_space<vmem>>, vector<1x16xf32>,
          %get3A_510 = arith.index_cast %scan3A_139 : i32 to index
          %get3A_511 = arith.constant 496 : index
          %get3A_512 = tpu.vector_load %arg9[%get3A_510, %get3A_511] {strides = array<i32>} : memref<16x1024xf32, #tpu.memory_space<vmem>>, vector<1x16xf32>,
          %get3A_513 = vector.shape_cast %get3A_512 : vector<1x16xf32> to vector<16xf32>
          %mul3A_514 = arith.constant 3.200000e+01 : f32
          %mul3A_515 = vector.broadcast %mul3A_514 : f32 to vector<16xf32>
          %mul3A_516 = arith.mulf %get3A_513, %mul3A_515 : vector<16xf32>
          %swap3A_517 = arith.index_cast %scan3A_139 : i32 to index
          %swap3A_518 = arith.constant 496 : index
          %swap3A_519 = tpu.vector_load %arg9[%swap3A_517, %swap3A_518] {strides = array<i32>} : memref<16x1024xf32, #tpu.memory_space<vmem>>, vector<1x16xf32>,
          %swap3A_520 = vector.shape_cast %swap3A_519 : vector<1x16xf32> to vector<16xf32>
          %swap3A_521 = vector.shape_cast %mul3A_516 : vector<16xf32> to vector<1x16xf32>
          tpu.vector_store %arg9[%swap3A_517, %swap3A_518], %swap3A_521 {strides = array<i32>} : memref<16x1024xf32, #tpu.memory_space<vmem>>, vector<1x16xf32>,
          %get3A_522 = arith.index_cast %scan3A_139 : i32 to index
          %get3A_523 = arith.constant 512 : index
          %get3A_524 = tpu.vector_load %arg9[%get3A_522, %get3A_523] {strides = array<i32>} : memref<16x1024xf32, #tpu.memory_space<vmem>>, vector<1x16xf32>,
          %get3A_525 = vector.shape_cast %get3A_524 : vector<1x16xf32> to vector<16xf32>
          %mul3A_526 = arith.constant 3.200000e+01 : f32
          %mul3A_527 = vector.broadcast %mul3A_526 : f32 to vector<16xf32>
          %mul3A_528 = arith.mulf %get3A_525, %mul3A_527 : vector<16xf32>
          %swap3A_529 = arith.index_cast %scan3A_139 : i32 to index
          %swap3A_530 = arith.constant 512 : index
          %swap3A_531 = tpu.vector_load %arg9[%swap3A_529, %swap3A_530] {strides = array<i32>} : memref<16x1024xf32, #tpu.memory_space<vmem>>, vector<1x16xf32>,
          %swap3A_532 = vector.shape_cast %swap3A_531 : vector<1x16xf32> to vector<16xf32>
          %swap3A_533 = vector.shape_cast %mul3A_528 : vector<16xf32> to vector<1x16xf32>
          tpu.vector_store %arg9[%swap3A_529, %swap3A_530], %swap3A_533 {strides = array<i32>} : memref<16x1024xf32, #tpu.memory_space<vmem>>, vector<1x16xf32>,
          %get3A_534 = arith.index_cast %scan3A_139 : i32 to index
          %get3A_535 = arith.constant 528 : index
          %get3A_536 = tpu.vector_load %arg9[%get3A_534, %get3A_535] {strides = array<i32>} : memref<16x1024xf32, #tpu.memory_space<vmem>>, vector<1x16xf32>,
          %get3A_537 = vector.shape_cast %get3A_536 : vector<1x16xf32> to vector<16xf32>
          %mul3A_538 = arith.constant 3.200000e+01 : f32
          %mul3A_539 = vector.broadcast %mul3A_538 : f32 to vector<16xf32>
          %mul3A_540 = arith.mulf %get3A_537, %mul3A_539 : vector<16xf32>
          %swap3A_541 = arith.index_cast %scan3A_139 : i32 to index
          %swap3A_542 = arith.constant 528 : index
          %swap3A_543 = tpu.vector_load %arg9[%swap3A_541, %swap3A_542] {strides = array<i32>} : memref<16x1024xf32, #tpu.memory_space<vmem>>, vector<1x16xf32>,
          %swap3A_544 = vector.shape_cast %swap3A_543 : vector<1x16xf32> to vector<16xf32>
          %swap3A_545 = vector.shape_cast %mul3A_540 : vector<16xf32> to vector<1x16xf32>
          tpu.vector_store %arg9[%swap3A_541, %swap3A_542], %swap3A_545 {strides = array<i32>} : memref<16x1024xf32, #tpu.memory_space<vmem>>, vector<1x16xf32>,
          %get3A_546 = arith.index_cast %scan3A_139 : i32 to index
          %get3A_547 = arith.constant 544 : index
          %get3A_548 = tpu.vector_load %arg9[%get3A_546, %get3A_547] {strides = array<i32>} : memref<16x1024xf32, #tpu.memory_space<vmem>>, vector<1x16xf32>,
          %get3A_549 = vector.shape_cast %get3A_548 : vector<1x16xf32> to vector<16xf32>
          %mul3A_550 = arith.constant 3.200000e+01 : f32
          %mul3A_551 = vector.broadcast %mul3A_550 : f32 to vector<16xf32>
          %mul3A_552 = arith.mulf %get3A_549, %mul3A_551 : vector<16xf32>
          %swap3A_553 = arith.index_cast %scan3A_139 : i32 to index
          %swap3A_554 = arith.constant 544 : index
          %swap3A_555 = tpu.vector_load %arg9[%swap3A_553, %swap3A_554] {strides = array<i32>} : memref<16x1024xf32, #tpu.memory_space<vmem>>, vector<1x16xf32>,
          %swap3A_556 = vector.shape_cast %swap3A_555 : vector<1x16xf32> to vector<16xf32>
          %swap3A_557 = vector.shape_cast %mul3A_552 : vector<16xf32> to vector<1x16xf32>
          tpu.vector_store %arg9[%swap3A_553, %swap3A_554], %swap3A_557 {strides = array<i32>} : memref<16x1024xf32, #tpu.memory_space<vmem>>, vector<1x16xf32>,
          %get3A_558 = arith.index_cast %scan3A_139 : i32 to index
          %get3A_559 = arith.constant 560 : index
          %get3A_560 = tpu.vector_load %arg9[%get3A_558, %get3A_559] {strides = array<i32>} : memref<16x1024xf32, #tpu.memory_space<vmem>>, vector<1x16xf32>,
          %get3A_561 = vector.shape_cast %get3A_560 : vector<1x16xf32> to vector<16xf32>
          %mul3A_562 = arith.constant 3.200000e+01 : f32
          %mul3A_563 = vector.broadcast %mul3A_562 : f32 to vector<16xf32>
          %mul3A_564 = arith.mulf %get3A_561, %mul3A_563 : vector<16xf32>
          %swap3A_565 = arith.index_cast %scan3A_139 : i32 to index
          %swap3A_566 = arith.constant 560 : index
          %swap3A_567 = tpu.vector_load %arg9[%swap3A_565, %swap3A_566] {strides = array<i32>} : memref<16x1024xf32, #tpu.memory_space<vmem>>, vector<1x16xf32>,
          %swap3A_568 = vector.shape_cast %swap3A_567 : vector<1x16xf32> to vector<16xf32>
          %swap3A_569 = vector.shape_cast %mul3A_564 : vector<16xf32> to vector<1x16xf32>
          tpu.vector_store %arg9[%swap3A_565, %swap3A_566], %swap3A_569 {strides = array<i32>} : memref<16x1024xf32, #tpu.memory_space<vmem>>, vector<1x16xf32>,
          %get3A_570 = arith.index_cast %scan3A_139 : i32 to index
          %get3A_571 = arith.constant 576 : index
          %get3A_572 = tpu.vector_load %arg9[%get3A_570, %get3A_571] {strides = array<i32>} : memref<16x1024xf32, #tpu.memory_space<vmem>>, vector<1x16xf32>,
          %get3A_573 = vector.shape_cast %get3A_572 : vector<1x16xf32> to vector<16xf32>
          %mul3A_574 = arith.constant 3.200000e+01 : f32
          %mul3A_575 = vector.broadcast %mul3A_574 : f32 to vector<16xf32>
          %mul3A_576 = arith.mulf %get3A_573, %mul3A_575 : vector<16xf32>
          %swap3A_577 = arith.index_cast %scan3A_139 : i32 to index
          %swap3A_578 = arith.constant 576 : index
          %swap3A_579 = tpu.vector_load %arg9[%swap3A_577, %swap3A_578] {strides = array<i32>} : memref<16x1024xf32, #tpu.memory_space<vmem>>, vector<1x16xf32>,
          %swap3A_580 = vector.shape_cast %swap3A_579 : vector<1x16xf32> to vector<16xf32>
          %swap3A_581 = vector.shape_cast %mul3A_576 : vector<16xf32> to vector<1x16xf32>
          tpu.vector_store %arg9[%swap3A_577, %swap3A_578], %swap3A_581 {strides = array<i32>} : memref<16x1024xf32, #tpu.memory_space<vmem>>, vector<1x16xf32>,
          %get3A_582 = arith.index_cast %scan3A_139 : i32 to index
          %get3A_583 = arith.constant 592 : index
          %get3A_584 = tpu.vector_load %arg9[%get3A_582, %get3A_583] {strides = array<i32>} : memref<16x1024xf32, #tpu.memory_space<vmem>>, vector<1x16xf32>,
          %get3A_585 = vector.shape_cast %get3A_584 : vector<1x16xf32> to vector<16xf32>
          %mul3A_586 = arith.constant 3.200000e+01 : f32
          %mul3A_587 = vector.broadcast %mul3A_586 : f32 to vector<16xf32>
          %mul3A_588 = arith.mulf %get3A_585, %mul3A_587 : vector<16xf32>
          %swap3A_589 = arith.index_cast %scan3A_139 : i32 to index
          %swap3A_590 = arith.constant 592 : index
          %swap3A_591 = tpu.vector_load %arg9[%swap3A_589, %swap3A_590] {strides = array<i32>} : memref<16x1024xf32, #tpu.memory_space<vmem>>, vector<1x16xf32>,
          %swap3A_592 = vector.shape_cast %swap3A_591 : vector<1x16xf32> to vector<16xf32>
          %swap3A_593 = vector.shape_cast %mul3A_588 : vector<16xf32> to vector<1x16xf32>
          tpu.vector_store %arg9[%swap3A_589, %swap3A_590], %swap3A_593 {strides = array<i32>} : memref<16x1024xf32, #tpu.memory_space<vmem>>, vector<1x16xf32>,
          %get3A_594 = arith.index_cast %scan3A_139 : i32 to index
          %get3A_595 = arith.constant 608 : index
          %get3A_596 = tpu.vector_load %arg9[%get3A_594, %get3A_595] {strides = array<i32>} : memref<16x1024xf32, #tpu.memory_space<vmem>>, vector<1x16xf32>,
          %get3A_597 = vector.shape_cast %get3A_596 : vector<1x16xf32> to vector<16xf32>
          %mul3A_598 = arith.constant 3.200000e+01 : f32
          %mul3A_599 = vector.broadcast %mul3A_598 : f32 to vector<16xf32>
          %mul3A_600 = arith.mulf %get3A_597, %mul3A_599 : vector<16xf32>
          %swap3A_601 = arith.index_cast %scan3A_139 : i32 to index
          %swap3A_602 = arith.constant 608 : index
          %swap3A_603 = tpu.vector_load %arg9[%swap3A_601, %swap3A_602] {strides = array<i32>} : memref<16x1024xf32, #tpu.memory_space<vmem>>, vector<1x16xf32>,
          %swap3A_604 = vector.shape_cast %swap3A_603 : vector<1x16xf32> to vector<16xf32>
          %swap3A_605 = vector.shape_cast %mul3A_600 : vector<16xf32> to vector<1x16xf32>
          tpu.vector_store %arg9[%swap3A_601, %swap3A_602], %swap3A_605 {strides = array<i32>} : memref<16x1024xf32, #tpu.memory_space<vmem>>, vector<1x16xf32>,
          %get3A_606 = arith.index_cast %scan3A_139 : i32 to index
          %get3A_607 = arith.constant 624 : index
          %get3A_608 = tpu.vector_load %arg9[%get3A_606, %get3A_607] {strides = array<i32>} : memref<16x1024xf32, #tpu.memory_space<vmem>>, vector<1x16xf32>,
          %get3A_609 = vector.shape_cast %get3A_608 : vector<1x16xf32> to vector<16xf32>
          %mul3A_610 = arith.constant 3.200000e+01 : f32
          %mul3A_611 = vector.broadcast %mul3A_610 : f32 to vector<16xf32>
          %mul3A_612 = arith.mulf %get3A_609, %mul3A_611 : vector<16xf32>
          %swap3A_613 = arith.index_cast %scan3A_139 : i32 to index
          %swap3A_614 = arith.constant 624 : index
          %swap3A_615 = tpu.vector_load %arg9[%swap3A_613, %swap3A_614] {strides = array<i32>} : memref<16x1024xf32, #tpu.memory_space<vmem>>, vector<1x16xf32>,
          %swap3A_616 = vector.shape_cast %swap3A_615 : vector<1x16xf32> to vector<16xf32>
          %swap3A_617 = vector.shape_cast %mul3A_612 : vector<16xf32> to vector<1x16xf32>
          tpu.vector_store %arg9[%swap3A_613, %swap3A_614], %swap3A_617 {strides = array<i32>} : memref<16x1024xf32, #tpu.memory_space<vmem>>, vector<1x16xf32>,
          %get3A_618 = arith.index_cast %scan3A_139 : i32 to index
          %get3A_619 = arith.constant 640 : index
          %get3A_620 = tpu.vector_load %arg9[%get3A_618, %get3A_619] {strides = array<i32>} : memref<16x1024xf32, #tpu.memory_space<vmem>>, vector<1x16xf32>,
          %get3A_621 = vector.shape_cast %get3A_620 : vector<1x16xf32> to vector<16xf32>
          %mul3A_622 = arith.constant 3.200000e+01 : f32
          %mul3A_623 = vector.broadcast %mul3A_622 : f32 to vector<16xf32>
          %mul3A_624 = arith.mulf %get3A_621, %mul3A_623 : vector<16xf32>
          %swap3A_625 = arith.index_cast %scan3A_139 : i32 to index
          %swap3A_626 = arith.constant 640 : index
          %swap3A_627 = tpu.vector_load %arg9[%swap3A_625, %swap3A_626] {strides = array<i32>} : memref<16x1024xf32, #tpu.memory_space<vmem>>, vector<1x16xf32>,
          %swap3A_628 = vector.shape_cast %swap3A_627 : vector<1x16xf32> to vector<16xf32>
          %swap3A_629 = vector.shape_cast %mul3A_624 : vector<16xf32> to vector<1x16xf32>
          tpu.vector_store %arg9[%swap3A_625, %swap3A_626], %swap3A_629 {strides = array<i32>} : memref<16x1024xf32, #tpu.memory_space<vmem>>, vector<1x16xf32>,
          %get3A_630 = arith.index_cast %scan3A_139 : i32 to index
          %get3A_631 = arith.constant 656 : index
          %get3A_632 = tpu.vector_load %arg9[%get3A_630, %get3A_631] {strides = array<i32>} : memref<16x1024xf32, #tpu.memory_space<vmem>>, vector<1x16xf32>,
          %get3A_633 = vector.shape_cast %get3A_632 : vector<1x16xf32> to vector<16xf32>
          %mul3A_634 = arith.constant 3.200000e+01 : f32
          %mul3A_635 = vector.broadcast %mul3A_634 : f32 to vector<16xf32>
          %mul3A_636 = arith.mulf %get3A_633, %mul3A_635 : vector<16xf32>
          %swap3A_637 = arith.index_cast %scan3A_139 : i32 to index
          %swap3A_638 = arith.constant 656 : index
          %swap3A_639 = tpu.vector_load %arg9[%swap3A_637, %swap3A_638] {strides = array<i32>} : memref<16x1024xf32, #tpu.memory_space<vmem>>, vector<1x16xf32>,
          %swap3A_640 = vector.shape_cast %swap3A_639 : vector<1x16xf32> to vector<16xf32>
          %swap3A_641 = vector.shape_cast %mul3A_636 : vector<16xf32> to vector<1x16xf32>
          tpu.vector_store %arg9[%swap3A_637, %swap3A_638], %swap3A_641 {strides = array<i32>} : memref<16x1024xf32, #tpu.memory_space<vmem>>, vector<1x16xf32>,
          %get3A_642 = arith.index_cast %scan3A_139 : i32 to index
          %get3A_643 = arith.constant 672 : index
          %get3A_644 = tpu.vector_load %arg9[%get3A_642, %get3A_643] {strides = array<i32>} : memref<16x1024xf32, #tpu.memory_space<vmem>>, vector<1x16xf32>,
          %get3A_645 = vector.shape_cast %get3A_644 : vector<1x16xf32> to vector<16xf32>
          %mul3A_646 = arith.constant 3.200000e+01 : f32
          %mul3A_647 = vector.broadcast %mul3A_646 : f32 to vector<16xf32>
          %mul3A_648 = arith.mulf %get3A_645, %mul3A_647 : vector<16xf32>
          %swap3A_649 = arith.index_cast %scan3A_139 : i32 to index
          %swap3A_650 = arith.constant 672 : index
          %swap3A_651 = tpu.vector_load %arg9[%swap3A_649, %swap3A_650] {strides = array<i32>} : memref<16x1024xf32, #tpu.memory_space<vmem>>, vector<1x16xf32>,
          %swap3A_652 = vector.shape_cast %swap3A_651 : vector<1x16xf32> to vector<16xf32>
          %swap3A_653 = vector.shape_cast %mul3A_648 : vector<16xf32> to vector<1x16xf32>
          tpu.vector_store %arg9[%swap3A_649, %swap3A_650], %swap3A_653 {strides = array<i32>} : memref<16x1024xf32, #tpu.memory_space<vmem>>, vector<1x16xf32>,
          %get3A_654 = arith.index_cast %scan3A_139 : i32 to index
          %get3A_655 = arith.constant 688 : index
          %get3A_656 = tpu.vector_load %arg9[%get3A_654, %get3A_655] {strides = array<i32>} : memref<16x1024xf32, #tpu.memory_space<vmem>>, vector<1x16xf32>,
          %get3A_657 = vector.shape_cast %get3A_656 : vector<1x16xf32> to vector<16xf32>
          %mul3A_658 = arith.constant 3.200000e+01 : f32
          %mul3A_659 = vector.broadcast %mul3A_658 : f32 to vector<16xf32>
          %mul3A_660 = arith.mulf %get3A_657, %mul3A_659 : vector<16xf32>
          %swap3A_661 = arith.index_cast %scan3A_139 : i32 to index
          %swap3A_662 = arith.constant 688 : index
          %swap3A_663 = tpu.vector_load %arg9[%swap3A_661, %swap3A_662] {strides = array<i32>} : memref<16x1024xf32, #tpu.memory_space<vmem>>, vector<1x16xf32>,
          %swap3A_664 = vector.shape_cast %swap3A_663 : vector<1x16xf32> to vector<16xf32>
          %swap3A_665 = vector.shape_cast %mul3A_660 : vector<16xf32> to vector<1x16xf32>
          tpu.vector_store %arg9[%swap3A_661, %swap3A_662], %swap3A_665 {strides = array<i32>} : memref<16x1024xf32, #tpu.memory_space<vmem>>, vector<1x16xf32>,
          %get3A_666 = arith.index_cast %scan3A_139 : i32 to index
          %get3A_667 = arith.constant 704 : index
          %get3A_668 = tpu.vector_load %arg9[%get3A_666, %get3A_667] {strides = array<i32>} : memref<16x1024xf32, #tpu.memory_space<vmem>>, vector<1x16xf32>,
          %get3A_669 = vector.shape_cast %get3A_668 : vector<1x16xf32> to vector<16xf32>
          %mul3A_670 = arith.constant 3.200000e+01 : f32
          %mul3A_671 = vector.broadcast %mul3A_670 : f32 to vector<16xf32>
          %mul3A_672 = arith.mulf %get3A_669, %mul3A_671 : vector<16xf32>
          %swap3A_673 = arith.index_cast %scan3A_139 : i32 to index
          %swap3A_674 = arith.constant 704 : index
          %swap3A_675 = tpu.vector_load %arg9[%swap3A_673, %swap3A_674] {strides = array<i32>} : memref<16x1024xf32, #tpu.memory_space<vmem>>, vector<1x16xf32>,
          %swap3A_676 = vector.shape_cast %swap3A_675 : vector<1x16xf32> to vector<16xf32>
          %swap3A_677 = vector.shape_cast %mul3A_672 : vector<16xf32> to vector<1x16xf32>
          tpu.vector_store %arg9[%swap3A_673, %swap3A_674], %swap3A_677 {strides = array<i32>} : memref<16x1024xf32, #tpu.memory_space<vmem>>, vector<1x16xf32>,
          %get3A_678 = arith.index_cast %scan3A_139 : i32 to index
          %get3A_679 = arith.constant 720 : index
          %get3A_680 = tpu.vector_load %arg9[%get3A_678, %get3A_679] {strides = array<i32>} : memref<16x1024xf32, #tpu.memory_space<vmem>>, vector<1x16xf32>,
          %get3A_681 = vector.shape_cast %get3A_680 : vector<1x16xf32> to vector<16xf32>
          %mul3A_682 = arith.constant 3.200000e+01 : f32
          %mul3A_683 = vector.broadcast %mul3A_682 : f32 to vector<16xf32>
          %mul3A_684 = arith.mulf %get3A_681, %mul3A_683 : vector<16xf32>
          %swap3A_685 = arith.index_cast %scan3A_139 : i32 to index
          %swap3A_686 = arith.constant 720 : index
          %swap3A_687 = tpu.vector_load %arg9[%swap3A_685, %swap3A_686] {strides = array<i32>} : memref<16x1024xf32, #tpu.memory_space<vmem>>, vector<1x16xf32>,
          %swap3A_688 = vector.shape_cast %swap3A_687 : vector<1x16xf32> to vector<16xf32>
          %swap3A_689 = vector.shape_cast %mul3A_684 : vector<16xf32> to vector<1x16xf32>
          tpu.vector_store %arg9[%swap3A_685, %swap3A_686], %swap3A_689 {strides = array<i32>} : memref<16x1024xf32, #tpu.memory_space<vmem>>, vector<1x16xf32>,
          %get3A_690 = arith.index_cast %scan3A_139 : i32 to index
          %get3A_691 = arith.constant 736 : index
          %get3A_692 = tpu.vector_load %arg9[%get3A_690, %get3A_691] {strides = array<i32>} : memref<16x1024xf32, #tpu.memory_space<vmem>>, vector<1x16xf32>,
          %get3A_693 = vector.shape_cast %get3A_692 : vector<1x16xf32> to vector<16xf32>
          %mul3A_694 = arith.constant 3.200000e+01 : f32
          %mul3A_695 = vector.broadcast %mul3A_694 : f32 to vector<16xf32>
          %mul3A_696 = arith.mulf %get3A_693, %mul3A_695 : vector<16xf32>
          %swap3A_697 = arith.index_cast %scan3A_139 : i32 to index
          %swap3A_698 = arith.constant 736 : index
          %swap3A_699 = tpu.vector_load %arg9[%swap3A_697, %swap3A_698] {strides = array<i32>} : memref<16x1024xf32, #tpu.memory_space<vmem>>, vector<1x16xf32>,
          %swap3A_700 = vector.shape_cast %swap3A_699 : vector<1x16xf32> to vector<16xf32>
          %swap3A_701 = vector.shape_cast %mul3A_696 : vector<16xf32> to vector<1x16xf32>
          tpu.vector_store %arg9[%swap3A_697, %swap3A_698], %swap3A_701 {strides = array<i32>} : memref<16x1024xf32, #tpu.memory_space<vmem>>, vector<1x16xf32>,
          %get3A_702 = arith.index_cast %scan3A_139 : i32 to index
          %get3A_703 = arith.constant 752 : index
          %get3A_704 = tpu.vector_load %arg9[%get3A_702, %get3A_703] {strides = array<i32>} : memref<16x1024xf32, #tpu.memory_space<vmem>>, vector<1x16xf32>,
          %get3A_705 = vector.shape_cast %get3A_704 : vector<1x16xf32> to vector<16xf32>
          %mul3A_706 = arith.constant 3.200000e+01 : f32
          %mul3A_707 = vector.broadcast %mul3A_706 : f32 to vector<16xf32>
          %mul3A_708 = arith.mulf %get3A_705, %mul3A_707 : vector<16xf32>
          %swap3A_709 = arith.index_cast %scan3A_139 : i32 to index
          %swap3A_710 = arith.constant 752 : index
          %swap3A_711 = tpu.vector_load %arg9[%swap3A_709, %swap3A_710] {strides = array<i32>} : memref<16x1024xf32, #tpu.memory_space<vmem>>, vector<1x16xf32>,
          %swap3A_712 = vector.shape_cast %swap3A_711 : vector<1x16xf32> to vector<16xf32>
          %swap3A_713 = vector.shape_cast %mul3A_708 : vector<16xf32> to vector<1x16xf32>
          tpu.vector_store %arg9[%swap3A_709, %swap3A_710], %swap3A_713 {strides = array<i32>} : memref<16x1024xf32, #tpu.memory_space<vmem>>, vector<1x16xf32>,
          %get3A_714 = arith.index_cast %scan3A_139 : i32 to index
          %get3A_715 = arith.constant 768 : index
          %get3A_716 = tpu.vector_load %arg9[%get3A_714, %get3A_715] {strides = array<i32>} : memref<16x1024xf32, #tpu.memory_space<vmem>>, vector<1x16xf32>,
          %get3A_717 = vector.shape_cast %get3A_716 : vector<1x16xf32> to vector<16xf32>
          %mul3A_718 = arith.constant 3.200000e+01 : f32
          %mul3A_719 = vector.broadcast %mul3A_718 : f32 to vector<16xf32>
          %mul3A_720 = arith.mulf %get3A_717, %mul3A_719 : vector<16xf32>
          %swap3A_721 = arith.index_cast %scan3A_139 : i32 to index
          %swap3A_722 = arith.constant 768 : index
          %swap3A_723 = tpu.vector_load %arg9[%swap3A_721, %swap3A_722] {strides = array<i32>} : memref<16x1024xf32, #tpu.memory_space<vmem>>, vector<1x16xf32>,
          %swap3A_724 = vector.shape_cast %swap3A_723 : vector<1x16xf32> to vector<16xf32>
          %swap3A_725 = vector.shape_cast %mul3A_720 : vector<16xf32> to vector<1x16xf32>
          tpu.vector_store %arg9[%swap3A_721, %swap3A_722], %swap3A_725 {strides = array<i32>} : memref<16x1024xf32, #tpu.memory_space<vmem>>, vector<1x16xf32>,
          %get3A_726 = arith.index_cast %scan3A_139 : i32 to index
          %get3A_727 = arith.constant 784 : index
          %get3A_728 = tpu.vector_load %arg9[%get3A_726, %get3A_727] {strides = array<i32>} : memref<16x1024xf32, #tpu.memory_space<vmem>>, vector<1x16xf32>,
          %get3A_729 = vector.shape_cast %get3A_728 : vector<1x16xf32> to vector<16xf32>
          %mul3A_730 = arith.constant 3.200000e+01 : f32
          %mul3A_731 = vector.broadcast %mul3A_730 : f32 to vector<16xf32>
          %mul3A_732 = arith.mulf %get3A_729, %mul3A_731 : vector<16xf32>
          %swap3A_733 = arith.index_cast %scan3A_139 : i32 to index
          %swap3A_734 = arith.constant 784 : index
          %swap3A_735 = tpu.vector_load %arg9[%swap3A_733, %swap3A_734] {strides = array<i32>} : memref<16x1024xf32, #tpu.memory_space<vmem>>, vector<1x16xf32>,
          %swap3A_736 = vector.shape_cast %swap3A_735 : vector<1x16xf32> to vector<16xf32>
          %swap3A_737 = vector.shape_cast %mul3A_732 : vector<16xf32> to vector<1x16xf32>
          tpu.vector_store %arg9[%swap3A_733, %swap3A_734], %swap3A_737 {strides = array<i32>} : memref<16x1024xf32, #tpu.memory_space<vmem>>, vector<1x16xf32>,
          %get3A_738 = arith.index_cast %scan3A_139 : i32 to index
          %get3A_739 = arith.constant 800 : index
          %get3A_740 = tpu.vector_load %arg9[%get3A_738, %get3A_739] {strides = array<i32>} : memref<16x1024xf32, #tpu.memory_space<vmem>>, vector<1x16xf32>,
          %get3A_741 = vector.shape_cast %get3A_740 : vector<1x16xf32> to vector<16xf32>
          %mul3A_742 = arith.constant 3.200000e+01 : f32
          %mul3A_743 = vector.broadcast %mul3A_742 : f32 to vector<16xf32>
          %mul3A_744 = arith.mulf %get3A_741, %mul3A_743 : vector<16xf32>
          %swap3A_745 = arith.index_cast %scan3A_139 : i32 to index
          %swap3A_746 = arith.constant 800 : index
          %swap3A_747 = tpu.vector_load %arg9[%swap3A_745, %swap3A_746] {strides = array<i32>} : memref<16x1024xf32, #tpu.memory_space<vmem>>, vector<1x16xf32>,
          %swap3A_748 = vector.shape_cast %swap3A_747 : vector<1x16xf32> to vector<16xf32>
          %swap3A_749 = vector.shape_cast %mul3A_744 : vector<16xf32> to vector<1x16xf32>
          tpu.vector_store %arg9[%swap3A_745, %swap3A_746], %swap3A_749 {strides = array<i32>} : memref<16x1024xf32, #tpu.memory_space<vmem>>, vector<1x16xf32>,
          %get3A_750 = arith.index_cast %scan3A_139 : i32 to index
          %get3A_751 = arith.constant 816 : index
          %get3A_752 = tpu.vector_load %arg9[%get3A_750, %get3A_751] {strides = array<i32>} : memref<16x1024xf32, #tpu.memory_space<vmem>>, vector<1x16xf32>,
          %get3A_753 = vector.shape_cast %get3A_752 : vector<1x16xf32> to vector<16xf32>
          %mul3A_754 = arith.constant 3.200000e+01 : f32
          %mul3A_755 = vector.broadcast %mul3A_754 : f32 to vector<16xf32>
          %mul3A_756 = arith.mulf %get3A_753, %mul3A_755 : vector<16xf32>
          %swap3A_757 = arith.index_cast %scan3A_139 : i32 to index
          %swap3A_758 = arith.constant 816 : index
          %swap3A_759 = tpu.vector_load %arg9[%swap3A_757, %swap3A_758] {strides = array<i32>} : memref<16x1024xf32, #tpu.memory_space<vmem>>, vector<1x16xf32>,
          %swap3A_760 = vector.shape_cast %swap3A_759 : vector<1x16xf32> to vector<16xf32>
          %swap3A_761 = vector.shape_cast %mul3A_756 : vector<16xf32> to vector<1x16xf32>
          tpu.vector_store %arg9[%swap3A_757, %swap3A_758], %swap3A_761 {strides = array<i32>} : memref<16x1024xf32, #tpu.memory_space<vmem>>, vector<1x16xf32>,
          %get3A_762 = arith.index_cast %scan3A_139 : i32 to index
          %get3A_763 = arith.constant 832 : index
          %get3A_764 = tpu.vector_load %arg9[%get3A_762, %get3A_763] {strides = array<i32>} : memref<16x1024xf32, #tpu.memory_space<vmem>>, vector<1x16xf32>,
          %get3A_765 = vector.shape_cast %get3A_764 : vector<1x16xf32> to vector<16xf32>
          %mul3A_766 = arith.constant 3.200000e+01 : f32
          %mul3A_767 = vector.broadcast %mul3A_766 : f32 to vector<16xf32>
          %mul3A_768 = arith.mulf %get3A_765, %mul3A_767 : vector<16xf32>
          %swap3A_769 = arith.index_cast %scan3A_139 : i32 to index
          %swap3A_770 = arith.constant 832 : index
          %swap3A_771 = tpu.vector_load %arg9[%swap3A_769, %swap3A_770] {strides = array<i32>} : memref<16x1024xf32, #tpu.memory_space<vmem>>, vector<1x16xf32>,
          %swap3A_772 = vector.shape_cast %swap3A_771 : vector<1x16xf32> to vector<16xf32>
          %swap3A_773 = vector.shape_cast %mul3A_768 : vector<16xf32> to vector<1x16xf32>
          tpu.vector_store %arg9[%swap3A_769, %swap3A_770], %swap3A_773 {strides = array<i32>} : memref<16x1024xf32, #tpu.memory_space<vmem>>, vector<1x16xf32>,
          %get3A_774 = arith.index_cast %scan3A_139 : i32 to index
          %get3A_775 = arith.constant 848 : index
          %get3A_776 = tpu.vector_load %arg9[%get3A_774, %get3A_775] {strides = array<i32>} : memref<16x1024xf32, #tpu.memory_space<vmem>>, vector<1x16xf32>,
          %get3A_777 = vector.shape_cast %get3A_776 : vector<1x16xf32> to vector<16xf32>
          %mul3A_778 = arith.constant 3.200000e+01 : f32
          %mul3A_779 = vector.broadcast %mul3A_778 : f32 to vector<16xf32>
          %mul3A_780 = arith.mulf %get3A_777, %mul3A_779 : vector<16xf32>
          %swap3A_781 = arith.index_cast %scan3A_139 : i32 to index
          %swap3A_782 = arith.constant 848 : index
          %swap3A_783 = tpu.vector_load %arg9[%swap3A_781, %swap3A_782] {strides = array<i32>} : memref<16x1024xf32, #tpu.memory_space<vmem>>, vector<1x16xf32>,
          %swap3A_784 = vector.shape_cast %swap3A_783 : vector<1x16xf32> to vector<16xf32>
          %swap3A_785 = vector.shape_cast %mul3A_780 : vector<16xf32> to vector<1x16xf32>
          tpu.vector_store %arg9[%swap3A_781, %swap3A_782], %swap3A_785 {strides = array<i32>} : memref<16x1024xf32, #tpu.memory_space<vmem>>, vector<1x16xf32>,
          %get3A_786 = arith.index_cast %scan3A_139 : i32 to index
          %get3A_787 = arith.constant 864 : index
          %get3A_788 = tpu.vector_load %arg9[%get3A_786, %get3A_787] {strides = array<i32>} : memref<16x1024xf32, #tpu.memory_space<vmem>>, vector<1x16xf32>,
          %get3A_789 = vector.shape_cast %get3A_788 : vector<1x16xf32> to vector<16xf32>
          %mul3A_790 = arith.constant 3.200000e+01 : f32
          %mul3A_791 = vector.broadcast %mul3A_790 : f32 to vector<16xf32>
          %mul3A_792 = arith.mulf %get3A_789, %mul3A_791 : vector<16xf32>
          %swap3A_793 = arith.index_cast %scan3A_139 : i32 to index
          %swap3A_794 = arith.constant 864 : index
          %swap3A_795 = tpu.vector_load %arg9[%swap3A_793, %swap3A_794] {strides = array<i32>} : memref<16x1024xf32, #tpu.memory_space<vmem>>, vector<1x16xf32>,
          %swap3A_796 = vector.shape_cast %swap3A_795 : vector<1x16xf32> to vector<16xf32>
          %swap3A_797 = vector.shape_cast %mul3A_792 : vector<16xf32> to vector<1x16xf32>
          tpu.vector_store %arg9[%swap3A_793, %swap3A_794], %swap3A_797 {strides = array<i32>} : memref<16x1024xf32, #tpu.memory_space<vmem>>, vector<1x16xf32>,
          %get3A_798 = arith.index_cast %scan3A_139 : i32 to index
          %get3A_799 = arith.constant 880 : index
          %get3A_800 = tpu.vector_load %arg9[%get3A_798, %get3A_799] {strides = array<i32>} : memref<16x1024xf32, #tpu.memory_space<vmem>>, vector<1x16xf32>,
          %get3A_801 = vector.shape_cast %get3A_800 : vector<1x16xf32> to vector<16xf32>
          %mul3A_802 = arith.constant 3.200000e+01 : f32
          %mul3A_803 = vector.broadcast %mul3A_802 : f32 to vector<16xf32>
          %mul3A_804 = arith.mulf %get3A_801, %mul3A_803 : vector<16xf32>
          %swap3A_805 = arith.index_cast %scan3A_139 : i32 to index
          %swap3A_806 = arith.constant 880 : index
          %swap3A_807 = tpu.vector_load %arg9[%swap3A_805, %swap3A_806] {strides = array<i32>} : memref<16x1024xf32, #tpu.memory_space<vmem>>, vector<1x16xf32>,
          %swap3A_808 = vector.shape_cast %swap3A_807 : vector<1x16xf32> to vector<16xf32>
          %swap3A_809 = vector.shape_cast %mul3A_804 : vector<16xf32> to vector<1x16xf32>
          tpu.vector_store %arg9[%swap3A_805, %swap3A_806], %swap3A_809 {strides = array<i32>} : memref<16x1024xf32, #tpu.memory_space<vmem>>, vector<1x16xf32>,
          %get3A_810 = arith.index_cast %scan3A_139 : i32 to index
          %get3A_811 = arith.constant 896 : index
          %get3A_812 = tpu.vector_load %arg9[%get3A_810, %get3A_811] {strides = array<i32>} : memref<16x1024xf32, #tpu.memory_space<vmem>>, vector<1x16xf32>,
          %get3A_813 = vector.shape_cast %get3A_812 : vector<1x16xf32> to vector<16xf32>
          %mul3A_814 = arith.constant 3.200000e+01 : f32
          %mul3A_815 = vector.broadcast %mul3A_814 : f32 to vector<16xf32>
          %mul3A_816 = arith.mulf %get3A_813, %mul3A_815 : vector<16xf32>
          %swap3A_817 = arith.index_cast %scan3A_139 : i32 to index
          %swap3A_818 = arith.constant 896 : index
          %swap3A_819 = tpu.vector_load %arg9[%swap3A_817, %swap3A_818] {strides = array<i32>} : memref<16x1024xf32, #tpu.memory_space<vmem>>, vector<1x16xf32>,
          %swap3A_820 = vector.shape_cast %swap3A_819 : vector<1x16xf32> to vector<16xf32>
          %swap3A_821 = vector.shape_cast %mul3A_816 : vector<16xf32> to vector<1x16xf32>
          tpu.vector_store %arg9[%swap3A_817, %swap3A_818], %swap3A_821 {strides = array<i32>} : memref<16x1024xf32, #tpu.memory_space<vmem>>, vector<1x16xf32>,
          %get3A_822 = arith.index_cast %scan3A_139 : i32 to index
          %get3A_823 = arith.constant 912 : index
          %get3A_824 = tpu.vector_load %arg9[%get3A_822, %get3A_823] {strides = array<i32>} : memref<16x1024xf32, #tpu.memory_space<vmem>>, vector<1x16xf32>,
          %get3A_825 = vector.shape_cast %get3A_824 : vector<1x16xf32> to vector<16xf32>
          %mul3A_826 = arith.constant 3.200000e+01 : f32
          %mul3A_827 = vector.broadcast %mul3A_826 : f32 to vector<16xf32>
          %mul3A_828 = arith.mulf %get3A_825, %mul3A_827 : vector<16xf32>
          %swap3A_829 = arith.index_cast %scan3A_139 : i32 to index
          %swap3A_830 = arith.constant 912 : index
          %swap3A_831 = tpu.vector_load %arg9[%swap3A_829, %swap3A_830] {strides = array<i32>} : memref<16x1024xf32, #tpu.memory_space<vmem>>, vector<1x16xf32>,
          %swap3A_832 = vector.shape_cast %swap3A_831 : vector<1x16xf32> to vector<16xf32>
          %swap3A_833 = vector.shape_cast %mul3A_828 : vector<16xf32> to vector<1x16xf32>
          tpu.vector_store %arg9[%swap3A_829, %swap3A_830], %swap3A_833 {strides = array<i32>} : memref<16x1024xf32, #tpu.memory_space<vmem>>, vector<1x16xf32>,
          %get3A_834 = arith.index_cast %scan3A_139 : i32 to index
          %get3A_835 = arith.constant 928 : index
          %get3A_836 = tpu.vector_load %arg9[%get3A_834, %get3A_835] {strides = array<i32>} : memref<16x1024xf32, #tpu.memory_space<vmem>>, vector<1x16xf32>,
          %get3A_837 = vector.shape_cast %get3A_836 : vector<1x16xf32> to vector<16xf32>
          %mul3A_838 = arith.constant 3.200000e+01 : f32
          %mul3A_839 = vector.broadcast %mul3A_838 : f32 to vector<16xf32>
          %mul3A_840 = arith.mulf %get3A_837, %mul3A_839 : vector<16xf32>
          %swap3A_841 = arith.index_cast %scan3A_139 : i32 to index
          %swap3A_842 = arith.constant 928 : index
          %swap3A_843 = tpu.vector_load %arg9[%swap3A_841, %swap3A_842] {strides = array<i32>} : memref<16x1024xf32, #tpu.memory_space<vmem>>, vector<1x16xf32>,
          %swap3A_844 = vector.shape_cast %swap3A_843 : vector<1x16xf32> to vector<16xf32>
          %swap3A_845 = vector.shape_cast %mul3A_840 : vector<16xf32> to vector<1x16xf32>
          tpu.vector_store %arg9[%swap3A_841, %swap3A_842], %swap3A_845 {strides = array<i32>} : memref<16x1024xf32, #tpu.memory_space<vmem>>, vector<1x16xf32>,
          %get3A_846 = arith.index_cast %scan3A_139 : i32 to index
          %get3A_847 = arith.constant 944 : index
          %get3A_848 = tpu.vector_load %arg9[%get3A_846, %get3A_847] {strides = array<i32>} : memref<16x1024xf32, #tpu.memory_space<vmem>>, vector<1x16xf32>,
          %get3A_849 = vector.shape_cast %get3A_848 : vector<1x16xf32> to vector<16xf32>
          %mul3A_850 = arith.constant 3.200000e+01 : f32
          %mul3A_851 = vector.broadcast %mul3A_850 : f32 to vector<16xf32>
          %mul3A_852 = arith.mulf %get3A_849, %mul3A_851 : vector<16xf32>
          %swap3A_853 = arith.index_cast %scan3A_139 : i32 to index
          %swap3A_854 = arith.constant 944 : index
          %swap3A_855 = tpu.vector_load %arg9[%swap3A_853, %swap3A_854] {strides = array<i32>} : memref<16x1024xf32, #tpu.memory_space<vmem>>, vector<1x16xf32>,
          %swap3A_856 = vector.shape_cast %swap3A_855 : vector<1x16xf32> to vector<16xf32>
          %swap3A_857 = vector.shape_cast %mul3A_852 : vector<16xf32> to vector<1x16xf32>
          tpu.vector_store %arg9[%swap3A_853, %swap3A_854], %swap3A_857 {strides = array<i32>} : memref<16x1024xf32, #tpu.memory_space<vmem>>, vector<1x16xf32>,
          %get3A_858 = arith.index_cast %scan3A_139 : i32 to index
          %get3A_859 = arith.constant 960 : index
          %get3A_860 = tpu.vector_load %arg9[%get3A_858, %get3A_859] {strides = array<i32>} : memref<16x1024xf32, #tpu.memory_space<vmem>>, vector<1x16xf32>,
          %get3A_861 = vector.shape_cast %get3A_860 : vector<1x16xf32> to vector<16xf32>
          %mul3A_862 = arith.constant 3.200000e+01 : f32
          %mul3A_863 = vector.broadcast %mul3A_862 : f32 to vector<16xf32>
          %mul3A_864 = arith.mulf %get3A_861, %mul3A_863 : vector<16xf32>
          %swap3A_865 = arith.index_cast %scan3A_139 : i32 to index
          %swap3A_866 = arith.constant 960 : index
          %swap3A_867 = tpu.vector_load %arg9[%swap3A_865, %swap3A_866] {strides = array<i32>} : memref<16x1024xf32, #tpu.memory_space<vmem>>, vector<1x16xf32>,
          %swap3A_868 = vector.shape_cast %swap3A_867 : vector<1x16xf32> to vector<16xf32>
          %swap3A_869 = vector.shape_cast %mul3A_864 : vector<16xf32> to vector<1x16xf32>
          tpu.vector_store %arg9[%swap3A_865, %swap3A_866], %swap3A_869 {strides = array<i32>} : memref<16x1024xf32, #tpu.memory_space<vmem>>, vector<1x16xf32>,
          %get3A_870 = arith.index_cast %scan3A_139 : i32 to index
          %get3A_871 = arith.constant 976 : index
          %get3A_872 = tpu.vector_load %arg9[%get3A_870, %get3A_871] {strides = array<i32>} : memref<16x1024xf32, #tpu.memory_space<vmem>>, vector<1x16xf32>,
          %get3A_873 = vector.shape_cast %get3A_872 : vector<1x16xf32> to vector<16xf32>
          %mul3A_874 = arith.constant 3.200000e+01 : f32
          %mul3A_875 = vector.broadcast %mul3A_874 : f32 to vector<16xf32>
          %mul3A_876 = arith.mulf %get3A_873, %mul3A_875 : vector<16xf32>
          %swap3A_877 = arith.index_cast %scan3A_139 : i32 to index
          %swap3A_878 = arith.constant 976 : index
          %swap3A_879 = tpu.vector_load %arg9[%swap3A_877, %swap3A_878] {strides = array<i32>} : memref<16x1024xf32, #tpu.memory_space<vmem>>, vector<1x16xf32>,
          %swap3A_880 = vector.shape_cast %swap3A_879 : vector<1x16xf32> to vector<16xf32>
          %swap3A_881 = vector.shape_cast %mul3A_876 : vector<16xf32> to vector<1x16xf32>
          tpu.vector_store %arg9[%swap3A_877, %swap3A_878], %swap3A_881 {strides = array<i32>} : memref<16x1024xf32, #tpu.memory_space<vmem>>, vector<1x16xf32>,
          %get3A_882 = arith.index_cast %scan3A_139 : i32 to index
          %get3A_883 = arith.constant 992 : index
          %get3A_884 = tpu.vector_load %arg9[%get3A_882, %get3A_883] {strides = array<i32>} : memref<16x1024xf32, #tpu.memory_space<vmem>>, vector<1x16xf32>,
          %get3A_885 = vector.shape_cast %get3A_884 : vector<1x16xf32> to vector<16xf32>
          %mul3A_886 = arith.constant 3.200000e+01 : f32
          %mul3A_887 = vector.broadcast %mul3A_886 : f32 to vector<16xf32>
          %mul3A_888 = arith.mulf %get3A_885, %mul3A_887 : vector<16xf32>
          %swap3A_889 = arith.index_cast %scan3A_139 : i32 to index
          %swap3A_890 = arith.constant 992 : index
          %swap3A_891 = tpu.vector_load %arg9[%swap3A_889, %swap3A_890] {strides = array<i32>} : memref<16x1024xf32, #tpu.memory_space<vmem>>, vector<1x16xf32>,
          %swap3A_892 = vector.shape_cast %swap3A_891 : vector<1x16xf32> to vector<16xf32>
          %swap3A_893 = vector.shape_cast %mul3A_888 : vector<16xf32> to vector<1x16xf32>
          tpu.vector_store %arg9[%swap3A_889, %swap3A_890], %swap3A_893 {strides = array<i32>} : memref<16x1024xf32, #tpu.memory_space<vmem>>, vector<1x16xf32>,
          %get3A_894 = arith.index_cast %scan3A_139 : i32 to index
          %get3A_895 = arith.constant 1008 : index
          %get3A_896 = tpu.vector_load %arg9[%get3A_894, %get3A_895] {strides = array<i32>} : memref<16x1024xf32, #tpu.memory_space<vmem>>, vector<1x16xf32>,
          %get3A_897 = vector.shape_cast %get3A_896 : vector<1x16xf32> to vector<16xf32>
          %mul3A_898 = arith.constant 3.200000e+01 : f32
          %mul3A_899 = vector.broadcast %mul3A_898 : f32 to vector<16xf32>
          %mul3A_900 = arith.mulf %get3A_897, %mul3A_899 : vector<16xf32>
          %swap3A_901 = arith.index_cast %scan3A_139 : i32 to index
          %swap3A_902 = arith.constant 1008 : index
          %swap3A_903 = tpu.vector_load %arg9[%swap3A_901, %swap3A_902] {strides = array<i32>} : memref<16x1024xf32, #tpu.memory_space<vmem>>, vector<1x16xf32>,
          %swap3A_904 = vector.shape_cast %swap3A_903 : vector<1x16xf32> to vector<16xf32>
          %swap3A_905 = vector.shape_cast %mul3A_900 : vector<16xf32> to vector<1x16xf32>
          tpu.vector_store %arg9[%swap3A_901, %swap3A_902], %swap3A_905 {strides = array<i32>} : memref<16x1024xf32, #tpu.memory_space<vmem>>, vector<1x16xf32>,
        }
        %scan3A_131 = arith.constant 16 : i32
        %mul3A_132 = arith.constant 16 : i32
        %mul3A_133 = arith.muli %add3A_93, %mul3A_132 : i32
        %add3A_134 = arith.addi %mul3A_2, %mul3A_133 : i32
        %dma_start3A_135 = arith.constant 0 : i32
        %dma_start3A_136 = tpu.memref_slice %arg4[%add3A_134, %dma_start3A_135] : memref<32768x1024xf32, #tpu.memory_space<hbm>> -> memref<16x1024xf32, #tpu.memory_space<hbm>>
        %dma_start3A_137 = arith.constant 0 : i32
        %dma_start3A_138 = tpu.memref_slice %arg4[%add3A_134, %dma_start3A_137] : memref<32768x1024xf32, #tpu.memory_space<hbm>> -> memref<16x1024xf32, #tpu.memory_space<hbm>>
        tpu.enqueue_dma source(%arg9 : memref<16x1024xf32, #tpu.memory_space<vmem>>) target(%dma_start3A_138 : memref<16x1024xf32, #tpu.memory_space<hbm>>) target_semaphore(%arg19 : memref<!tpu.dma_semaphore, #tpu.memory_space<semaphore_mem>>)
      } else {
      }
      %add3A_106 = arith.constant 4 : i32
      %add3A_107 = arith.addi %mul3A_52, %add3A_106 : i32
      %add3A_108 = arith.constant 2 : i32
      %add3A_109 = arith.addi %add3A_107, %add3A_108 : i32
      %lt3A_110 = arith.constant 64 : i32
      %lt3A_111 = arith.cmpi slt, %add3A_109, %lt3A_110 : i32
      %convert_element_type3A_112 = arith.extui %lt3A_111 : i1 to i32
      %cond3A_113 = arith.constant 0 : i32
      %cond3A_114 = arith.cmpi ne, %convert_element_type3A_112, %cond3A_113 : i32
      scf.if %cond3A_114 {
        %add3A_120 = arith.constant 2 : i32
        %add3A_121 = arith.addi %add3A_107, %add3A_120 : i32
        %ge3A = arith.constant 5 : i32
        %ge3A_122 = arith.cmpi sge, %add3A_121, %ge3A : i32
        %convert_element_type3A_123 = arith.extui %ge3A_122 : i1 to i32
        %cond3A_124 = arith.constant 0 : i32
        %cond3A_125 = arith.cmpi ne, %convert_element_type3A_123, %cond3A_124 : i32
        scf.if %cond3A_125 {
          %dma_wait3A_134 = arith.constant 0 : i32
          %dma_wait3A_135 = arith.constant 0 : i32
          %dma_wait3A_136 = tpu.memref_slice %arg4[%dma_wait3A_134, %dma_wait3A_135] : memref<32768x1024xf32, #tpu.memory_space<hbm>> -> memref<16x1024xf32, #tpu.memory_space<hbm>>
          %dma_wait3A_137 = arith.constant 0 : i32
          %dma_wait3A_138 = arith.constant 0 : i32
          %dma_wait3A_139 = tpu.memref_slice %arg4[%dma_wait3A_137, %dma_wait3A_138] : memref<32768x1024xf32, #tpu.memory_space<hbm>> -> memref<16x1024xf32, #tpu.memory_space<hbm>>
          tpu.wait_dma2 semaphore(%arg17 : memref<!tpu.dma_semaphore, #tpu.memory_space<semaphore_mem>>) src(%arg7 : memref<16x1024xf32, #tpu.memory_space<vmem>>) dst(%dma_wait3A_139 : memref<16x1024xf32, #tpu.memory_space<hbm>>)
        } else {
        }
        %add3A_126 = arith.constant 2 : i32
        %add3A_127 = arith.addi %add3A_107, %add3A_126 : i32
        %dma_start3A_128 = arith.constant 0 : i32
        %dma_start3A_129 = tpu.memref_slice %arg5[%add3A_127, %dma_start3A_128] : memref<64x16xi32, #tpu.memory_space<vmem>> -> memref<1x16xi32, #tpu.memory_space<vmem>>
        %dma_start3A_130 = tpu.memref_squeeze %dma_start3A_129 : memref<1x16xi32, #tpu.memory_space<vmem>> -> memref<16xi32, #tpu.memory_space<vmem>>
        %dma_start3A_131 = arith.constant 0 : i32
        %dma_start3A_132 = arith.constant 0 : i32
        %dma_start3A_133 = tpu.memref_slice %arg3[%dma_start3A_131, %dma_start3A_132] : memref<100000x1024xf32, #tpu.memory_space<hbm>> -> memref<100000x1024xf32, #tpu.memory_space<hbm>>
        tpu.enqueue_indirect_dma source(%dma_start3A_133 : memref<100000x1024xf32, #tpu.memory_space<hbm>>) target(%arg7 : memref<16x1024xf32, #tpu.memory_space<vmem>>) offsets(%dma_start3A_130 : memref<16xi32, #tpu.memory_space<vmem>>) semaphore(%arg12 : memref<!tpu.dma_semaphore, #tpu.memory_space<semaphore_mem>>)
      } else {
      }
      %lt3A_115 = arith.constant 64 : i32
      %lt3A_116 = arith.cmpi slt, %add3A_107, %lt3A_115 : i32
      %convert_element_type3A_117 = arith.extui %lt3A_116 : i1 to i32
      %cond3A_118 = arith.constant 0 : i32
      %cond3A_119 = arith.cmpi ne, %convert_element_type3A_117, %cond3A_118 : i32
      scf.if %cond3A_119 {
        %dma_wait3A_120 = arith.constant 0 : i32
        %dma_wait3A_121 = arith.constant 0 : i32
        %dma_wait3A_122 = tpu.memref_slice %arg3[%dma_wait3A_120, %dma_wait3A_121] : memref<100000x1024xf32, #tpu.memory_space<hbm>> -> memref<16x1024xf32, #tpu.memory_space<hbm>>
        %dma_wait3A_123 = arith.constant 0 : i32
        %dma_wait3A_124 = arith.constant 0 : i32
        %dma_wait3A_125 = tpu.memref_slice %arg3[%dma_wait3A_123, %dma_wait3A_124] : memref<100000x1024xf32, #tpu.memory_space<hbm>> -> memref<16x1024xf32, #tpu.memory_space<hbm>>
        tpu.wait_dma2 semaphore(%arg15 : memref<!tpu.dma_semaphore, #tpu.memory_space<semaphore_mem>>) src(%dma_wait3A_125 : memref<16x1024xf32, #tpu.memory_space<hbm>>) dst(%arg10 : memref<16x1024xf32, #tpu.memory_space<vmem>>)
        %scan3A_126 = arith.constant 0 : i32
        %scan3A_127 = arith.constant 0 : i32
        %scan3A_128 = arith.constant 16 : i32
        %scan3A_129 = arith.addi %scan3A_127, %scan3A_128 : i32
        %scan3A_130 = arith.constant 1 : i32
        scf.for %scan3A_139 = %scan3A_127 to %scan3A_129 step %scan3A_130  : i32 {
          %get3A = arith.index_cast %scan3A_139 : i32 to index
          %get3A_140 = arith.constant 0 : index
          %get3A_141 = tpu.vector_load %arg10[%get3A, %get3A_140] {strides = array<i32>} : memref<16x1024xf32, #tpu.memory_space<vmem>>, vector<1x16xf32>,
          %get3A_142 = vector.shape_cast %get3A_141 : vector<1x16xf32> to vector<16xf32>
          %mul3A_143 = arith.constant 3.200000e+01 : f32
          %mul3A_144 = vector.broadcast %mul3A_143 : f32 to vector<16xf32>
          %mul3A_145 = arith.mulf %get3A_142, %mul3A_144 : vector<16xf32>
          %swap3A = arith.index_cast %scan3A_139 : i32 to index
          %swap3A_146 = arith.constant 0 : index
          %swap3A_147 = tpu.vector_load %arg10[%swap3A, %swap3A_146] {strides = array<i32>} : memref<16x1024xf32, #tpu.memory_space<vmem>>, vector<1x16xf32>,
          %swap3A_148 = vector.shape_cast %swap3A_147 : vector<1x16xf32> to vector<16xf32>
          %swap3A_149 = vector.shape_cast %mul3A_145 : vector<16xf32> to vector<1x16xf32>
          tpu.vector_store %arg10[%swap3A, %swap3A_146], %swap3A_149 {strides = array<i32>} : memref<16x1024xf32, #tpu.memory_space<vmem>>, vector<1x16xf32>,
          %get3A_150 = arith.index_cast %scan3A_139 : i32 to index
          %get3A_151 = arith.constant 16 : index
          %get3A_152 = tpu.vector_load %arg10[%get3A_150, %get3A_151] {strides = array<i32>} : memref<16x1024xf32, #tpu.memory_space<vmem>>, vector<1x16xf32>,
          %get3A_153 = vector.shape_cast %get3A_152 : vector<1x16xf32> to vector<16xf32>
          %mul3A_154 = arith.constant 3.200000e+01 : f32
          %mul3A_155 = vector.broadcast %mul3A_154 : f32 to vector<16xf32>
          %mul3A_156 = arith.mulf %get3A_153, %mul3A_155 : vector<16xf32>
          %swap3A_157 = arith.index_cast %scan3A_139 : i32 to index
          %swap3A_158 = arith.constant 16 : index
          %swap3A_159 = tpu.vector_load %arg10[%swap3A_157, %swap3A_158] {strides = array<i32>} : memref<16x1024xf32, #tpu.memory_space<vmem>>, vector<1x16xf32>,
          %swap3A_160 = vector.shape_cast %swap3A_159 : vector<1x16xf32> to vector<16xf32>
          %swap3A_161 = vector.shape_cast %mul3A_156 : vector<16xf32> to vector<1x16xf32>
          tpu.vector_store %arg10[%swap3A_157, %swap3A_158], %swap3A_161 {strides = array<i32>} : memref<16x1024xf32, #tpu.memory_space<vmem>>, vector<1x16xf32>,
          %get3A_162 = arith.index_cast %scan3A_139 : i32 to index
          %get3A_163 = arith.constant 32 : index
          %get3A_164 = tpu.vector_load %arg10[%get3A_162, %get3A_163] {strides = array<i32>} : memref<16x1024xf32, #tpu.memory_space<vmem>>, vector<1x16xf32>,
          %get3A_165 = vector.shape_cast %get3A_164 : vector<1x16xf32> to vector<16xf32>
          %mul3A_166 = arith.constant 3.200000e+01 : f32
          %mul3A_167 = vector.broadcast %mul3A_166 : f32 to vector<16xf32>
          %mul3A_168 = arith.mulf %get3A_165, %mul3A_167 : vector<16xf32>
          %swap3A_169 = arith.index_cast %scan3A_139 : i32 to index
          %swap3A_170 = arith.constant 32 : index
          %swap3A_171 = tpu.vector_load %arg10[%swap3A_169, %swap3A_170] {strides = array<i32>} : memref<16x1024xf32, #tpu.memory_space<vmem>>, vector<1x16xf32>,
          %swap3A_172 = vector.shape_cast %swap3A_171 : vector<1x16xf32> to vector<16xf32>
          %swap3A_173 = vector.shape_cast %mul3A_168 : vector<16xf32> to vector<1x16xf32>
          tpu.vector_store %arg10[%swap3A_169, %swap3A_170], %swap3A_173 {strides = array<i32>} : memref<16x1024xf32, #tpu.memory_space<vmem>>, vector<1x16xf32>,
          %get3A_174 = arith.index_cast %scan3A_139 : i32 to index
          %get3A_175 = arith.constant 48 : index
          %get3A_176 = tpu.vector_load %arg10[%get3A_174, %get3A_175] {strides = array<i32>} : memref<16x1024xf32, #tpu.memory_space<vmem>>, vector<1x16xf32>,
          %get3A_177 = vector.shape_cast %get3A_176 : vector<1x16xf32> to vector<16xf32>
          %mul3A_178 = arith.constant 3.200000e+01 : f32
          %mul3A_179 = vector.broadcast %mul3A_178 : f32 to vector<16xf32>
          %mul3A_180 = arith.mulf %get3A_177, %mul3A_179 : vector<16xf32>
          %swap3A_181 = arith.index_cast %scan3A_139 : i32 to index
          %swap3A_182 = arith.constant 48 : index
          %swap3A_183 = tpu.vector_load %arg10[%swap3A_181, %swap3A_182] {strides = array<i32>} : memref<16x1024xf32, #tpu.memory_space<vmem>>, vector<1x16xf32>,
          %swap3A_184 = vector.shape_cast %swap3A_183 : vector<1x16xf32> to vector<16xf32>
          %swap3A_185 = vector.shape_cast %mul3A_180 : vector<16xf32> to vector<1x16xf32>
          tpu.vector_store %arg10[%swap3A_181, %swap3A_182], %swap3A_185 {strides = array<i32>} : memref<16x1024xf32, #tpu.memory_space<vmem>>, vector<1x16xf32>,
          %get3A_186 = arith.index_cast %scan3A_139 : i32 to index
          %get3A_187 = arith.constant 64 : index
          %get3A_188 = tpu.vector_load %arg10[%get3A_186, %get3A_187] {strides = array<i32>} : memref<16x1024xf32, #tpu.memory_space<vmem>>, vector<1x16xf32>,
          %get3A_189 = vector.shape_cast %get3A_188 : vector<1x16xf32> to vector<16xf32>
          %mul3A_190 = arith.constant 3.200000e+01 : f32
          %mul3A_191 = vector.broadcast %mul3A_190 : f32 to vector<16xf32>
          %mul3A_192 = arith.mulf %get3A_189, %mul3A_191 : vector<16xf32>
          %swap3A_193 = arith.index_cast %scan3A_139 : i32 to index
          %swap3A_194 = arith.constant 64 : index
          %swap3A_195 = tpu.vector_load %arg10[%swap3A_193, %swap3A_194] {strides = array<i32>} : memref<16x1024xf32, #tpu.memory_space<vmem>>, vector<1x16xf32>,
          %swap3A_196 = vector.shape_cast %swap3A_195 : vector<1x16xf32> to vector<16xf32>
          %swap3A_197 = vector.shape_cast %mul3A_192 : vector<16xf32> to vector<1x16xf32>
          tpu.vector_store %arg10[%swap3A_193, %swap3A_194], %swap3A_197 {strides = array<i32>} : memref<16x1024xf32, #tpu.memory_space<vmem>>, vector<1x16xf32>,
          %get3A_198 = arith.index_cast %scan3A_139 : i32 to index
          %get3A_199 = arith.constant 80 : index
          %get3A_200 = tpu.vector_load %arg10[%get3A_198, %get3A_199] {strides = array<i32>} : memref<16x1024xf32, #tpu.memory_space<vmem>>, vector<1x16xf32>,
          %get3A_201 = vector.shape_cast %get3A_200 : vector<1x16xf32> to vector<16xf32>
          %mul3A_202 = arith.constant 3.200000e+01 : f32
          %mul3A_203 = vector.broadcast %mul3A_202 : f32 to vector<16xf32>
          %mul3A_204 = arith.mulf %get3A_201, %mul3A_203 : vector<16xf32>
          %swap3A_205 = arith.index_cast %scan3A_139 : i32 to index
          %swap3A_206 = arith.constant 80 : index
          %swap3A_207 = tpu.vector_load %arg10[%swap3A_205, %swap3A_206] {strides = array<i32>} : memref<16x1024xf32, #tpu.memory_space<vmem>>, vector<1x16xf32>,
          %swap3A_208 = vector.shape_cast %swap3A_207 : vector<1x16xf32> to vector<16xf32>
          %swap3A_209 = vector.shape_cast %mul3A_204 : vector<16xf32> to vector<1x16xf32>
          tpu.vector_store %arg10[%swap3A_205, %swap3A_206], %swap3A_209 {strides = array<i32>} : memref<16x1024xf32, #tpu.memory_space<vmem>>, vector<1x16xf32>,
          %get3A_210 = arith.index_cast %scan3A_139 : i32 to index
          %get3A_211 = arith.constant 96 : index
          %get3A_212 = tpu.vector_load %arg10[%get3A_210, %get3A_211] {strides = array<i32>} : memref<16x1024xf32, #tpu.memory_space<vmem>>, vector<1x16xf32>,
          %get3A_213 = vector.shape_cast %get3A_212 : vector<1x16xf32> to vector<16xf32>
          %mul3A_214 = arith.constant 3.200000e+01 : f32
          %mul3A_215 = vector.broadcast %mul3A_214 : f32 to vector<16xf32>
          %mul3A_216 = arith.mulf %get3A_213, %mul3A_215 : vector<16xf32>
          %swap3A_217 = arith.index_cast %scan3A_139 : i32 to index
          %swap3A_218 = arith.constant 96 : index
          %swap3A_219 = tpu.vector_load %arg10[%swap3A_217, %swap3A_218] {strides = array<i32>} : memref<16x1024xf32, #tpu.memory_space<vmem>>, vector<1x16xf32>,
          %swap3A_220 = vector.shape_cast %swap3A_219 : vector<1x16xf32> to vector<16xf32>
          %swap3A_221 = vector.shape_cast %mul3A_216 : vector<16xf32> to vector<1x16xf32>
          tpu.vector_store %arg10[%swap3A_217, %swap3A_218], %swap3A_221 {strides = array<i32>} : memref<16x1024xf32, #tpu.memory_space<vmem>>, vector<1x16xf32>,
          %get3A_222 = arith.index_cast %scan3A_139 : i32 to index
          %get3A_223 = arith.constant 112 : index
          %get3A_224 = tpu.vector_load %arg10[%get3A_222, %get3A_223] {strides = array<i32>} : memref<16x1024xf32, #tpu.memory_space<vmem>>, vector<1x16xf32>,
          %get3A_225 = vector.shape_cast %get3A_224 : vector<1x16xf32> to vector<16xf32>
          %mul3A_226 = arith.constant 3.200000e+01 : f32
          %mul3A_227 = vector.broadcast %mul3A_226 : f32 to vector<16xf32>
          %mul3A_228 = arith.mulf %get3A_225, %mul3A_227 : vector<16xf32>
          %swap3A_229 = arith.index_cast %scan3A_139 : i32 to index
          %swap3A_230 = arith.constant 112 : index
          %swap3A_231 = tpu.vector_load %arg10[%swap3A_229, %swap3A_230] {strides = array<i32>} : memref<16x1024xf32, #tpu.memory_space<vmem>>, vector<1x16xf32>,
          %swap3A_232 = vector.shape_cast %swap3A_231 : vector<1x16xf32> to vector<16xf32>
          %swap3A_233 = vector.shape_cast %mul3A_228 : vector<16xf32> to vector<1x16xf32>
          tpu.vector_store %arg10[%swap3A_229, %swap3A_230], %swap3A_233 {strides = array<i32>} : memref<16x1024xf32, #tpu.memory_space<vmem>>, vector<1x16xf32>,
          %get3A_234 = arith.index_cast %scan3A_139 : i32 to index
          %get3A_235 = arith.constant 128 : index
          %get3A_236 = tpu.vector_load %arg10[%get3A_234, %get3A_235] {strides = array<i32>} : memref<16x1024xf32, #tpu.memory_space<vmem>>, vector<1x16xf32>,
          %get3A_237 = vector.shape_cast %get3A_236 : vector<1x16xf32> to vector<16xf32>
          %mul3A_238 = arith.constant 3.200000e+01 : f32
          %mul3A_239 = vector.broadcast %mul3A_238 : f32 to vector<16xf32>
          %mul3A_240 = arith.mulf %get3A_237, %mul3A_239 : vector<16xf32>
          %swap3A_241 = arith.index_cast %scan3A_139 : i32 to index
          %swap3A_242 = arith.constant 128 : index
          %swap3A_243 = tpu.vector_load %arg10[%swap3A_241, %swap3A_242] {strides = array<i32>} : memref<16x1024xf32, #tpu.memory_space<vmem>>, vector<1x16xf32>,
          %swap3A_244 = vector.shape_cast %swap3A_243 : vector<1x16xf32> to vector<16xf32>
          %swap3A_245 = vector.shape_cast %mul3A_240 : vector<16xf32> to vector<1x16xf32>
          tpu.vector_store %arg10[%swap3A_241, %swap3A_242], %swap3A_245 {strides = array<i32>} : memref<16x1024xf32, #tpu.memory_space<vmem>>, vector<1x16xf32>,
          %get3A_246 = arith.index_cast %scan3A_139 : i32 to index
          %get3A_247 = arith.constant 144 : index
          %get3A_248 = tpu.vector_load %arg10[%get3A_246, %get3A_247] {strides = array<i32>} : memref<16x1024xf32, #tpu.memory_space<vmem>>, vector<1x16xf32>,
          %get3A_249 = vector.shape_cast %get3A_248 : vector<1x16xf32> to vector<16xf32>
          %mul3A_250 = arith.constant 3.200000e+01 : f32
          %mul3A_251 = vector.broadcast %mul3A_250 : f32 to vector<16xf32>
          %mul3A_252 = arith.mulf %get3A_249, %mul3A_251 : vector<16xf32>
          %swap3A_253 = arith.index_cast %scan3A_139 : i32 to index
          %swap3A_254 = arith.constant 144 : index
          %swap3A_255 = tpu.vector_load %arg10[%swap3A_253, %swap3A_254] {strides = array<i32>} : memref<16x1024xf32, #tpu.memory_space<vmem>>, vector<1x16xf32>,
          %swap3A_256 = vector.shape_cast %swap3A_255 : vector<1x16xf32> to vector<16xf32>
          %swap3A_257 = vector.shape_cast %mul3A_252 : vector<16xf32> to vector<1x16xf32>
          tpu.vector_store %arg10[%swap3A_253, %swap3A_254], %swap3A_257 {strides = array<i32>} : memref<16x1024xf32, #tpu.memory_space<vmem>>, vector<1x16xf32>,
          %get3A_258 = arith.index_cast %scan3A_139 : i32 to index
          %get3A_259 = arith.constant 160 : index
          %get3A_260 = tpu.vector_load %arg10[%get3A_258, %get3A_259] {strides = array<i32>} : memref<16x1024xf32, #tpu.memory_space<vmem>>, vector<1x16xf32>,
          %get3A_261 = vector.shape_cast %get3A_260 : vector<1x16xf32> to vector<16xf32>
          %mul3A_262 = arith.constant 3.200000e+01 : f32
          %mul3A_263 = vector.broadcast %mul3A_262 : f32 to vector<16xf32>
          %mul3A_264 = arith.mulf %get3A_261, %mul3A_263 : vector<16xf32>
          %swap3A_265 = arith.index_cast %scan3A_139 : i32 to index
          %swap3A_266 = arith.constant 160 : index
          %swap3A_267 = tpu.vector_load %arg10[%swap3A_265, %swap3A_266] {strides = array<i32>} : memref<16x1024xf32, #tpu.memory_space<vmem>>, vector<1x16xf32>,
          %swap3A_268 = vector.shape_cast %swap3A_267 : vector<1x16xf32> to vector<16xf32>
          %swap3A_269 = vector.shape_cast %mul3A_264 : vector<16xf32> to vector<1x16xf32>
          tpu.vector_store %arg10[%swap3A_265, %swap3A_266], %swap3A_269 {strides = array<i32>} : memref<16x1024xf32, #tpu.memory_space<vmem>>, vector<1x16xf32>,
          %get3A_270 = arith.index_cast %scan3A_139 : i32 to index
          %get3A_271 = arith.constant 176 : index
          %get3A_272 = tpu.vector_load %arg10[%get3A_270, %get3A_271] {strides = array<i32>} : memref<16x1024xf32, #tpu.memory_space<vmem>>, vector<1x16xf32>,
          %get3A_273 = vector.shape_cast %get3A_272 : vector<1x16xf32> to vector<16xf32>
          %mul3A_274 = arith.constant 3.200000e+01 : f32
          %mul3A_275 = vector.broadcast %mul3A_274 : f32 to vector<16xf32>
          %mul3A_276 = arith.mulf %get3A_273, %mul3A_275 : vector<16xf32>
          %swap3A_277 = arith.index_cast %scan3A_139 : i32 to index
          %swap3A_278 = arith.constant 176 : index
          %swap3A_279 = tpu.vector_load %arg10[%swap3A_277, %swap3A_278] {strides = array<i32>} : memref<16x1024xf32, #tpu.memory_space<vmem>>, vector<1x16xf32>,
          %swap3A_280 = vector.shape_cast %swap3A_279 : vector<1x16xf32> to vector<16xf32>
          %swap3A_281 = vector.shape_cast %mul3A_276 : vector<16xf32> to vector<1x16xf32>
          tpu.vector_store %arg10[%swap3A_277, %swap3A_278], %swap3A_281 {strides = array<i32>} : memref<16x1024xf32, #tpu.memory_space<vmem>>, vector<1x16xf32>,
          %get3A_282 = arith.index_cast %scan3A_139 : i32 to index
          %get3A_283 = arith.constant 192 : index
          %get3A_284 = tpu.vector_load %arg10[%get3A_282, %get3A_283] {strides = array<i32>} : memref<16x1024xf32, #tpu.memory_space<vmem>>, vector<1x16xf32>,
          %get3A_285 = vector.shape_cast %get3A_284 : vector<1x16xf32> to vector<16xf32>
          %mul3A_286 = arith.constant 3.200000e+01 : f32
          %mul3A_287 = vector.broadcast %mul3A_286 : f32 to vector<16xf32>
          %mul3A_288 = arith.mulf %get3A_285, %mul3A_287 : vector<16xf32>
          %swap3A_289 = arith.index_cast %scan3A_139 : i32 to index
          %swap3A_290 = arith.constant 192 : index
          %swap3A_291 = tpu.vector_load %arg10[%swap3A_289, %swap3A_290] {strides = array<i32>} : memref<16x1024xf32, #tpu.memory_space<vmem>>, vector<1x16xf32>,
          %swap3A_292 = vector.shape_cast %swap3A_291 : vector<1x16xf32> to vector<16xf32>
          %swap3A_293 = vector.shape_cast %mul3A_288 : vector<16xf32> to vector<1x16xf32>
          tpu.vector_store %arg10[%swap3A_289, %swap3A_290], %swap3A_293 {strides = array<i32>} : memref<16x1024xf32, #tpu.memory_space<vmem>>, vector<1x16xf32>,
          %get3A_294 = arith.index_cast %scan3A_139 : i32 to index
          %get3A_295 = arith.constant 208 : index
          %get3A_296 = tpu.vector_load %arg10[%get3A_294, %get3A_295] {strides = array<i32>} : memref<16x1024xf32, #tpu.memory_space<vmem>>, vector<1x16xf32>,
          %get3A_297 = vector.shape_cast %get3A_296 : vector<1x16xf32> to vector<16xf32>
          %mul3A_298 = arith.constant 3.200000e+01 : f32
          %mul3A_299 = vector.broadcast %mul3A_298 : f32 to vector<16xf32>
          %mul3A_300 = arith.mulf %get3A_297, %mul3A_299 : vector<16xf32>
          %swap3A_301 = arith.index_cast %scan3A_139 : i32 to index
          %swap3A_302 = arith.constant 208 : index
          %swap3A_303 = tpu.vector_load %arg10[%swap3A_301, %swap3A_302] {strides = array<i32>} : memref<16x1024xf32, #tpu.memory_space<vmem>>, vector<1x16xf32>,
          %swap3A_304 = vector.shape_cast %swap3A_303 : vector<1x16xf32> to vector<16xf32>
          %swap3A_305 = vector.shape_cast %mul3A_300 : vector<16xf32> to vector<1x16xf32>
          tpu.vector_store %arg10[%swap3A_301, %swap3A_302], %swap3A_305 {strides = array<i32>} : memref<16x1024xf32, #tpu.memory_space<vmem>>, vector<1x16xf32>,
          %get3A_306 = arith.index_cast %scan3A_139 : i32 to index
          %get3A_307 = arith.constant 224 : index
          %get3A_308 = tpu.vector_load %arg10[%get3A_306, %get3A_307] {strides = array<i32>} : memref<16x1024xf32, #tpu.memory_space<vmem>>, vector<1x16xf32>,
          %get3A_309 = vector.shape_cast %get3A_308 : vector<1x16xf32> to vector<16xf32>
          %mul3A_310 = arith.constant 3.200000e+01 : f32
          %mul3A_311 = vector.broadcast %mul3A_310 : f32 to vector<16xf32>
          %mul3A_312 = arith.mulf %get3A_309, %mul3A_311 : vector<16xf32>
          %swap3A_313 = arith.index_cast %scan3A_139 : i32 to index
          %swap3A_314 = arith.constant 224 : index
          %swap3A_315 = tpu.vector_load %arg10[%swap3A_313, %swap3A_314] {strides = array<i32>} : memref<16x1024xf32, #tpu.memory_space<vmem>>, vector<1x16xf32>,
          %swap3A_316 = vector.shape_cast %swap3A_315 : vector<1x16xf32> to vector<16xf32>
          %swap3A_317 = vector.shape_cast %mul3A_312 : vector<16xf32> to vector<1x16xf32>
          tpu.vector_store %arg10[%swap3A_313, %swap3A_314], %swap3A_317 {strides = array<i32>} : memref<16x1024xf32, #tpu.memory_space<vmem>>, vector<1x16xf32>,
          %get3A_318 = arith.index_cast %scan3A_139 : i32 to index
          %get3A_319 = arith.constant 240 : index
          %get3A_320 = tpu.vector_load %arg10[%get3A_318, %get3A_319] {strides = array<i32>} : memref<16x1024xf32, #tpu.memory_space<vmem>>, vector<1x16xf32>,
          %get3A_321 = vector.shape_cast %get3A_320 : vector<1x16xf32> to vector<16xf32>
          %mul3A_322 = arith.constant 3.200000e+01 : f32
          %mul3A_323 = vector.broadcast %mul3A_322 : f32 to vector<16xf32>
          %mul3A_324 = arith.mulf %get3A_321, %mul3A_323 : vector<16xf32>
          %swap3A_325 = arith.index_cast %scan3A_139 : i32 to index
          %swap3A_326 = arith.constant 240 : index
          %swap3A_327 = tpu.vector_load %arg10[%swap3A_325, %swap3A_326] {strides = array<i32>} : memref<16x1024xf32, #tpu.memory_space<vmem>>, vector<1x16xf32>,
          %swap3A_328 = vector.shape_cast %swap3A_327 : vector<1x16xf32> to vector<16xf32>
          %swap3A_329 = vector.shape_cast %mul3A_324 : vector<16xf32> to vector<1x16xf32>
          tpu.vector_store %arg10[%swap3A_325, %swap3A_326], %swap3A_329 {strides = array<i32>} : memref<16x1024xf32, #tpu.memory_space<vmem>>, vector<1x16xf32>,
          %get3A_330 = arith.index_cast %scan3A_139 : i32 to index
          %get3A_331 = arith.constant 256 : index
          %get3A_332 = tpu.vector_load %arg10[%get3A_330, %get3A_331] {strides = array<i32>} : memref<16x1024xf32, #tpu.memory_space<vmem>>, vector<1x16xf32>,
          %get3A_333 = vector.shape_cast %get3A_332 : vector<1x16xf32> to vector<16xf32>
          %mul3A_334 = arith.constant 3.200000e+01 : f32
          %mul3A_335 = vector.broadcast %mul3A_334 : f32 to vector<16xf32>
          %mul3A_336 = arith.mulf %get3A_333, %mul3A_335 : vector<16xf32>
          %swap3A_337 = arith.index_cast %scan3A_139 : i32 to index
          %swap3A_338 = arith.constant 256 : index
          %swap3A_339 = tpu.vector_load %arg10[%swap3A_337, %swap3A_338] {strides = array<i32>} : memref<16x1024xf32, #tpu.memory_space<vmem>>, vector<1x16xf32>,
          %swap3A_340 = vector.shape_cast %swap3A_339 : vector<1x16xf32> to vector<16xf32>
          %swap3A_341 = vector.shape_cast %mul3A_336 : vector<16xf32> to vector<1x16xf32>
          tpu.vector_store %arg10[%swap3A_337, %swap3A_338], %swap3A_341 {strides = array<i32>} : memref<16x1024xf32, #tpu.memory_space<vmem>>, vector<1x16xf32>,
          %get3A_342 = arith.index_cast %scan3A_139 : i32 to index
          %get3A_343 = arith.constant 272 : index
          %get3A_344 = tpu.vector_load %arg10[%get3A_342, %get3A_343] {strides = array<i32>} : memref<16x1024xf32, #tpu.memory_space<vmem>>, vector<1x16xf32>,
          %get3A_345 = vector.shape_cast %get3A_344 : vector<1x16xf32> to vector<16xf32>
          %mul3A_346 = arith.constant 3.200000e+01 : f32
          %mul3A_347 = vector.broadcast %mul3A_346 : f32 to vector<16xf32>
          %mul3A_348 = arith.mulf %get3A_345, %mul3A_347 : vector<16xf32>
          %swap3A_349 = arith.index_cast %scan3A_139 : i32 to index
          %swap3A_350 = arith.constant 272 : index
          %swap3A_351 = tpu.vector_load %arg10[%swap3A_349, %swap3A_350] {strides = array<i32>} : memref<16x1024xf32, #tpu.memory_space<vmem>>, vector<1x16xf32>,
          %swap3A_352 = vector.shape_cast %swap3A_351 : vector<1x16xf32> to vector<16xf32>
          %swap3A_353 = vector.shape_cast %mul3A_348 : vector<16xf32> to vector<1x16xf32>
          tpu.vector_store %arg10[%swap3A_349, %swap3A_350], %swap3A_353 {strides = array<i32>} : memref<16x1024xf32, #tpu.memory_space<vmem>>, vector<1x16xf32>,
          %get3A_354 = arith.index_cast %scan3A_139 : i32 to index
          %get3A_355 = arith.constant 288 : index
          %get3A_356 = tpu.vector_load %arg10[%get3A_354, %get3A_355] {strides = array<i32>} : memref<16x1024xf32, #tpu.memory_space<vmem>>, vector<1x16xf32>,
          %get3A_357 = vector.shape_cast %get3A_356 : vector<1x16xf32> to vector<16xf32>
          %mul3A_358 = arith.constant 3.200000e+01 : f32
          %mul3A_359 = vector.broadcast %mul3A_358 : f32 to vector<16xf32>
          %mul3A_360 = arith.mulf %get3A_357, %mul3A_359 : vector<16xf32>
          %swap3A_361 = arith.index_cast %scan3A_139 : i32 to index
          %swap3A_362 = arith.constant 288 : index
          %swap3A_363 = tpu.vector_load %arg10[%swap3A_361, %swap3A_362] {strides = array<i32>} : memref<16x1024xf32, #tpu.memory_space<vmem>>, vector<1x16xf32>,
          %swap3A_364 = vector.shape_cast %swap3A_363 : vector<1x16xf32> to vector<16xf32>
          %swap3A_365 = vector.shape_cast %mul3A_360 : vector<16xf32> to vector<1x16xf32>
          tpu.vector_store %arg10[%swap3A_361, %swap3A_362], %swap3A_365 {strides = array<i32>} : memref<16x1024xf32, #tpu.memory_space<vmem>>, vector<1x16xf32>,
          %get3A_366 = arith.index_cast %scan3A_139 : i32 to index
          %get3A_367 = arith.constant 304 : index
          %get3A_368 = tpu.vector_load %arg10[%get3A_366, %get3A_367] {strides = array<i32>} : memref<16x1024xf32, #tpu.memory_space<vmem>>, vector<1x16xf32>,
          %get3A_369 = vector.shape_cast %get3A_368 : vector<1x16xf32> to vector<16xf32>
          %mul3A_370 = arith.constant 3.200000e+01 : f32
          %mul3A_371 = vector.broadcast %mul3A_370 : f32 to vector<16xf32>
          %mul3A_372 = arith.mulf %get3A_369, %mul3A_371 : vector<16xf32>
          %swap3A_373 = arith.index_cast %scan3A_139 : i32 to index
          %swap3A_374 = arith.constant 304 : index
          %swap3A_375 = tpu.vector_load %arg10[%swap3A_373, %swap3A_374] {strides = array<i32>} : memref<16x1024xf32, #tpu.memory_space<vmem>>, vector<1x16xf32>,
          %swap3A_376 = vector.shape_cast %swap3A_375 : vector<1x16xf32> to vector<16xf32>
          %swap3A_377 = vector.shape_cast %mul3A_372 : vector<16xf32> to vector<1x16xf32>
          tpu.vector_store %arg10[%swap3A_373, %swap3A_374], %swap3A_377 {strides = array<i32>} : memref<16x1024xf32, #tpu.memory_space<vmem>>, vector<1x16xf32>,
          %get3A_378 = arith.index_cast %scan3A_139 : i32 to index
          %get3A_379 = arith.constant 320 : index
          %get3A_380 = tpu.vector_load %arg10[%get3A_378, %get3A_379] {strides = array<i32>} : memref<16x1024xf32, #tpu.memory_space<vmem>>, vector<1x16xf32>,
          %get3A_381 = vector.shape_cast %get3A_380 : vector<1x16xf32> to vector<16xf32>
          %mul3A_382 = arith.constant 3.200000e+01 : f32
          %mul3A_383 = vector.broadcast %mul3A_382 : f32 to vector<16xf32>
          %mul3A_384 = arith.mulf %get3A_381, %mul3A_383 : vector<16xf32>
          %swap3A_385 = arith.index_cast %scan3A_139 : i32 to index
          %swap3A_386 = arith.constant 320 : index
          %swap3A_387 = tpu.vector_load %arg10[%swap3A_385, %swap3A_386] {strides = array<i32>} : memref<16x1024xf32, #tpu.memory_space<vmem>>, vector<1x16xf32>,
          %swap3A_388 = vector.shape_cast %swap3A_387 : vector<1x16xf32> to vector<16xf32>
          %swap3A_389 = vector.shape_cast %mul3A_384 : vector<16xf32> to vector<1x16xf32>
          tpu.vector_store %arg10[%swap3A_385, %swap3A_386], %swap3A_389 {strides = array<i32>} : memref<16x1024xf32, #tpu.memory_space<vmem>>, vector<1x16xf32>,
          %get3A_390 = arith.index_cast %scan3A_139 : i32 to index
          %get3A_391 = arith.constant 336 : index
          %get3A_392 = tpu.vector_load %arg10[%get3A_390, %get3A_391] {strides = array<i32>} : memref<16x1024xf32, #tpu.memory_space<vmem>>, vector<1x16xf32>,
          %get3A_393 = vector.shape_cast %get3A_392 : vector<1x16xf32> to vector<16xf32>
          %mul3A_394 = arith.constant 3.200000e+01 : f32
          %mul3A_395 = vector.broadcast %mul3A_394 : f32 to vector<16xf32>
          %mul3A_396 = arith.mulf %get3A_393, %mul3A_395 : vector<16xf32>
          %swap3A_397 = arith.index_cast %scan3A_139 : i32 to index
          %swap3A_398 = arith.constant 336 : index
          %swap3A_399 = tpu.vector_load %arg10[%swap3A_397, %swap3A_398] {strides = array<i32>} : memref<16x1024xf32, #tpu.memory_space<vmem>>, vector<1x16xf32>,
          %swap3A_400 = vector.shape_cast %swap3A_399 : vector<1x16xf32> to vector<16xf32>
          %swap3A_401 = vector.shape_cast %mul3A_396 : vector<16xf32> to vector<1x16xf32>
          tpu.vector_store %arg10[%swap3A_397, %swap3A_398], %swap3A_401 {strides = array<i32>} : memref<16x1024xf32, #tpu.memory_space<vmem>>, vector<1x16xf32>,
          %get3A_402 = arith.index_cast %scan3A_139 : i32 to index
          %get3A_403 = arith.constant 352 : index
          %get3A_404 = tpu.vector_load %arg10[%get3A_402, %get3A_403] {strides = array<i32>} : memref<16x1024xf32, #tpu.memory_space<vmem>>, vector<1x16xf32>,
          %get3A_405 = vector.shape_cast %get3A_404 : vector<1x16xf32> to vector<16xf32>
          %mul3A_406 = arith.constant 3.200000e+01 : f32
          %mul3A_407 = vector.broadcast %mul3A_406 : f32 to vector<16xf32>
          %mul3A_408 = arith.mulf %get3A_405, %mul3A_407 : vector<16xf32>
          %swap3A_409 = arith.index_cast %scan3A_139 : i32 to index
          %swap3A_410 = arith.constant 352 : index
          %swap3A_411 = tpu.vector_load %arg10[%swap3A_409, %swap3A_410] {strides = array<i32>} : memref<16x1024xf32, #tpu.memory_space<vmem>>, vector<1x16xf32>,
          %swap3A_412 = vector.shape_cast %swap3A_411 : vector<1x16xf32> to vector<16xf32>
          %swap3A_413 = vector.shape_cast %mul3A_408 : vector<16xf32> to vector<1x16xf32>
          tpu.vector_store %arg10[%swap3A_409, %swap3A_410], %swap3A_413 {strides = array<i32>} : memref<16x1024xf32, #tpu.memory_space<vmem>>, vector<1x16xf32>,
          %get3A_414 = arith.index_cast %scan3A_139 : i32 to index
          %get3A_415 = arith.constant 368 : index
          %get3A_416 = tpu.vector_load %arg10[%get3A_414, %get3A_415] {strides = array<i32>} : memref<16x1024xf32, #tpu.memory_space<vmem>>, vector<1x16xf32>,
          %get3A_417 = vector.shape_cast %get3A_416 : vector<1x16xf32> to vector<16xf32>
          %mul3A_418 = arith.constant 3.200000e+01 : f32
          %mul3A_419 = vector.broadcast %mul3A_418 : f32 to vector<16xf32>
          %mul3A_420 = arith.mulf %get3A_417, %mul3A_419 : vector<16xf32>
          %swap3A_421 = arith.index_cast %scan3A_139 : i32 to index
          %swap3A_422 = arith.constant 368 : index
          %swap3A_423 = tpu.vector_load %arg10[%swap3A_421, %swap3A_422] {strides = array<i32>} : memref<16x1024xf32, #tpu.memory_space<vmem>>, vector<1x16xf32>,
          %swap3A_424 = vector.shape_cast %swap3A_423 : vector<1x16xf32> to vector<16xf32>
          %swap3A_425 = vector.shape_cast %mul3A_420 : vector<16xf32> to vector<1x16xf32>
          tpu.vector_store %arg10[%swap3A_421, %swap3A_422], %swap3A_425 {strides = array<i32>} : memref<16x1024xf32, #tpu.memory_space<vmem>>, vector<1x16xf32>,
          %get3A_426 = arith.index_cast %scan3A_139 : i32 to index
          %get3A_427 = arith.constant 384 : index
          %get3A_428 = tpu.vector_load %arg10[%get3A_426, %get3A_427] {strides = array<i32>} : memref<16x1024xf32, #tpu.memory_space<vmem>>, vector<1x16xf32>,
          %get3A_429 = vector.shape_cast %get3A_428 : vector<1x16xf32> to vector<16xf32>
          %mul3A_430 = arith.constant 3.200000e+01 : f32
          %mul3A_431 = vector.broadcast %mul3A_430 : f32 to vector<16xf32>
          %mul3A_432 = arith.mulf %get3A_429, %mul3A_431 : vector<16xf32>
          %swap3A_433 = arith.index_cast %scan3A_139 : i32 to index
          %swap3A_434 = arith.constant 384 : index
          %swap3A_435 = tpu.vector_load %arg10[%swap3A_433, %swap3A_434] {strides = array<i32>} : memref<16x1024xf32, #tpu.memory_space<vmem>>, vector<1x16xf32>,
          %swap3A_436 = vector.shape_cast %swap3A_435 : vector<1x16xf32> to vector<16xf32>
          %swap3A_437 = vector.shape_cast %mul3A_432 : vector<16xf32> to vector<1x16xf32>
          tpu.vector_store %arg10[%swap3A_433, %swap3A_434], %swap3A_437 {strides = array<i32>} : memref<16x1024xf32, #tpu.memory_space<vmem>>, vector<1x16xf32>,
          %get3A_438 = arith.index_cast %scan3A_139 : i32 to index
          %get3A_439 = arith.constant 400 : index
          %get3A_440 = tpu.vector_load %arg10[%get3A_438, %get3A_439] {strides = array<i32>} : memref<16x1024xf32, #tpu.memory_space<vmem>>, vector<1x16xf32>,
          %get3A_441 = vector.shape_cast %get3A_440 : vector<1x16xf32> to vector<16xf32>
          %mul3A_442 = arith.constant 3.200000e+01 : f32
          %mul3A_443 = vector.broadcast %mul3A_442 : f32 to vector<16xf32>
          %mul3A_444 = arith.mulf %get3A_441, %mul3A_443 : vector<16xf32>
          %swap3A_445 = arith.index_cast %scan3A_139 : i32 to index
          %swap3A_446 = arith.constant 400 : index
          %swap3A_447 = tpu.vector_load %arg10[%swap3A_445, %swap3A_446] {strides = array<i32>} : memref<16x1024xf32, #tpu.memory_space<vmem>>, vector<1x16xf32>,
          %swap3A_448 = vector.shape_cast %swap3A_447 : vector<1x16xf32> to vector<16xf32>
          %swap3A_449 = vector.shape_cast %mul3A_444 : vector<16xf32> to vector<1x16xf32>
          tpu.vector_store %arg10[%swap3A_445, %swap3A_446], %swap3A_449 {strides = array<i32>} : memref<16x1024xf32, #tpu.memory_space<vmem>>, vector<1x16xf32>,
          %get3A_450 = arith.index_cast %scan3A_139 : i32 to index
          %get3A_451 = arith.constant 416 : index
          %get3A_452 = tpu.vector_load %arg10[%get3A_450, %get3A_451] {strides = array<i32>} : memref<16x1024xf32, #tpu.memory_space<vmem>>, vector<1x16xf32>,
          %get3A_453 = vector.shape_cast %get3A_452 : vector<1x16xf32> to vector<16xf32>
          %mul3A_454 = arith.constant 3.200000e+01 : f32
          %mul3A_455 = vector.broadcast %mul3A_454 : f32 to vector<16xf32>
          %mul3A_456 = arith.mulf %get3A_453, %mul3A_455 : vector<16xf32>
          %swap3A_457 = arith.index_cast %scan3A_139 : i32 to index
          %swap3A_458 = arith.constant 416 : index
          %swap3A_459 = tpu.vector_load %arg10[%swap3A_457, %swap3A_458] {strides = array<i32>} : memref<16x1024xf32, #tpu.memory_space<vmem>>, vector<1x16xf32>,
          %swap3A_460 = vector.shape_cast %swap3A_459 : vector<1x16xf32> to vector<16xf32>
          %swap3A_461 = vector.shape_cast %mul3A_456 : vector<16xf32> to vector<1x16xf32>
          tpu.vector_store %arg10[%swap3A_457, %swap3A_458], %swap3A_461 {strides = array<i32>} : memref<16x1024xf32, #tpu.memory_space<vmem>>, vector<1x16xf32>,
          %get3A_462 = arith.index_cast %scan3A_139 : i32 to index
          %get3A_463 = arith.constant 432 : index
          %get3A_464 = tpu.vector_load %arg10[%get3A_462, %get3A_463] {strides = array<i32>} : memref<16x1024xf32, #tpu.memory_space<vmem>>, vector<1x16xf32>,
          %get3A_465 = vector.shape_cast %get3A_464 : vector<1x16xf32> to vector<16xf32>
          %mul3A_466 = arith.constant 3.200000e+01 : f32
          %mul3A_467 = vector.broadcast %mul3A_466 : f32 to vector<16xf32>
          %mul3A_468 = arith.mulf %get3A_465, %mul3A_467 : vector<16xf32>
          %swap3A_469 = arith.index_cast %scan3A_139 : i32 to index
          %swap3A_470 = arith.constant 432 : index
          %swap3A_471 = tpu.vector_load %arg10[%swap3A_469, %swap3A_470] {strides = array<i32>} : memref<16x1024xf32, #tpu.memory_space<vmem>>, vector<1x16xf32>,
          %swap3A_472 = vector.shape_cast %swap3A_471 : vector<1x16xf32> to vector<16xf32>
          %swap3A_473 = vector.shape_cast %mul3A_468 : vector<16xf32> to vector<1x16xf32>
          tpu.vector_store %arg10[%swap3A_469, %swap3A_470], %swap3A_473 {strides = array<i32>} : memref<16x1024xf32, #tpu.memory_space<vmem>>, vector<1x16xf32>,
          %get3A_474 = arith.index_cast %scan3A_139 : i32 to index
          %get3A_475 = arith.constant 448 : index
          %get3A_476 = tpu.vector_load %arg10[%get3A_474, %get3A_475] {strides = array<i32>} : memref<16x1024xf32, #tpu.memory_space<vmem>>, vector<1x16xf32>,
          %get3A_477 = vector.shape_cast %get3A_476 : vector<1x16xf32> to vector<16xf32>
          %mul3A_478 = arith.constant 3.200000e+01 : f32
          %mul3A_479 = vector.broadcast %mul3A_478 : f32 to vector<16xf32>
          %mul3A_480 = arith.mulf %get3A_477, %mul3A_479 : vector<16xf32>
          %swap3A_481 = arith.index_cast %scan3A_139 : i32 to index
          %swap3A_482 = arith.constant 448 : index
          %swap3A_483 = tpu.vector_load %arg10[%swap3A_481, %swap3A_482] {strides = array<i32>} : memref<16x1024xf32, #tpu.memory_space<vmem>>, vector<1x16xf32>,
          %swap3A_484 = vector.shape_cast %swap3A_483 : vector<1x16xf32> to vector<16xf32>
          %swap3A_485 = vector.shape_cast %mul3A_480 : vector<16xf32> to vector<1x16xf32>
          tpu.vector_store %arg10[%swap3A_481, %swap3A_482], %swap3A_485 {strides = array<i32>} : memref<16x1024xf32, #tpu.memory_space<vmem>>, vector<1x16xf32>,
          %get3A_486 = arith.index_cast %scan3A_139 : i32 to index
          %get3A_487 = arith.constant 464 : index
          %get3A_488 = tpu.vector_load %arg10[%get3A_486, %get3A_487] {strides = array<i32>} : memref<16x1024xf32, #tpu.memory_space<vmem>>, vector<1x16xf32>,
          %get3A_489 = vector.shape_cast %get3A_488 : vector<1x16xf32> to vector<16xf32>
          %mul3A_490 = arith.constant 3.200000e+01 : f32
          %mul3A_491 = vector.broadcast %mul3A_490 : f32 to vector<16xf32>
          %mul3A_492 = arith.mulf %get3A_489, %mul3A_491 : vector<16xf32>
          %swap3A_493 = arith.index_cast %scan3A_139 : i32 to index
          %swap3A_494 = arith.constant 464 : index
          %swap3A_495 = tpu.vector_load %arg10[%swap3A_493, %swap3A_494] {strides = array<i32>} : memref<16x1024xf32, #tpu.memory_space<vmem>>, vector<1x16xf32>,
          %swap3A_496 = vector.shape_cast %swap3A_495 : vector<1x16xf32> to vector<16xf32>
          %swap3A_497 = vector.shape_cast %mul3A_492 : vector<16xf32> to vector<1x16xf32>
          tpu.vector_store %arg10[%swap3A_493, %swap3A_494], %swap3A_497 {strides = array<i32>} : memref<16x1024xf32, #tpu.memory_space<vmem>>, vector<1x16xf32>,
          %get3A_498 = arith.index_cast %scan3A_139 : i32 to index
          %get3A_499 = arith.constant 480 : index
          %get3A_500 = tpu.vector_load %arg10[%get3A_498, %get3A_499] {strides = array<i32>} : memref<16x1024xf32, #tpu.memory_space<vmem>>, vector<1x16xf32>,
          %get3A_501 = vector.shape_cast %get3A_500 : vector<1x16xf32> to vector<16xf32>
          %mul3A_502 = arith.constant 3.200000e+01 : f32
          %mul3A_503 = vector.broadcast %mul3A_502 : f32 to vector<16xf32>
          %mul3A_504 = arith.mulf %get3A_501, %mul3A_503 : vector<16xf32>
          %swap3A_505 = arith.index_cast %scan3A_139 : i32 to index
          %swap3A_506 = arith.constant 480 : index
          %swap3A_507 = tpu.vector_load %arg10[%swap3A_505, %swap3A_506] {strides = array<i32>} : memref<16x1024xf32, #tpu.memory_space<vmem>>, vector<1x16xf32>,
          %swap3A_508 = vector.shape_cast %swap3A_507 : vector<1x16xf32> to vector<16xf32>
          %swap3A_509 = vector.shape_cast %mul3A_504 : vector<16xf32> to vector<1x16xf32>
          tpu.vector_store %arg10[%swap3A_505, %swap3A_506], %swap3A_509 {strides = array<i32>} : memref<16x1024xf32, #tpu.memory_space<vmem>>, vector<1x16xf32>,
          %get3A_510 = arith.index_cast %scan3A_139 : i32 to index
          %get3A_511 = arith.constant 496 : index
          %get3A_512 = tpu.vector_load %arg10[%get3A_510, %get3A_511] {strides = array<i32>} : memref<16x1024xf32, #tpu.memory_space<vmem>>, vector<1x16xf32>,
          %get3A_513 = vector.shape_cast %get3A_512 : vector<1x16xf32> to vector<16xf32>
          %mul3A_514 = arith.constant 3.200000e+01 : f32
          %mul3A_515 = vector.broadcast %mul3A_514 : f32 to vector<16xf32>
          %mul3A_516 = arith.mulf %get3A_513, %mul3A_515 : vector<16xf32>
          %swap3A_517 = arith.index_cast %scan3A_139 : i32 to index
          %swap3A_518 = arith.constant 496 : index
          %swap3A_519 = tpu.vector_load %arg10[%swap3A_517, %swap3A_518] {strides = array<i32>} : memref<16x1024xf32, #tpu.memory_space<vmem>>, vector<1x16xf32>,
          %swap3A_520 = vector.shape_cast %swap3A_519 : vector<1x16xf32> to vector<16xf32>
          %swap3A_521 = vector.shape_cast %mul3A_516 : vector<16xf32> to vector<1x16xf32>
          tpu.vector_store %arg10[%swap3A_517, %swap3A_518], %swap3A_521 {strides = array<i32>} : memref<16x1024xf32, #tpu.memory_space<vmem>>, vector<1x16xf32>,
          %get3A_522 = arith.index_cast %scan3A_139 : i32 to index
          %get3A_523 = arith.constant 512 : index
          %get3A_524 = tpu.vector_load %arg10[%get3A_522, %get3A_523] {strides = array<i32>} : memref<16x1024xf32, #tpu.memory_space<vmem>>, vector<1x16xf32>,
          %get3A_525 = vector.shape_cast %get3A_524 : vector<1x16xf32> to vector<16xf32>
          %mul3A_526 = arith.constant 3.200000e+01 : f32
          %mul3A_527 = vector.broadcast %mul3A_526 : f32 to vector<16xf32>
          %mul3A_528 = arith.mulf %get3A_525, %mul3A_527 : vector<16xf32>
          %swap3A_529 = arith.index_cast %scan3A_139 : i32 to index
          %swap3A_530 = arith.constant 512 : index
          %swap3A_531 = tpu.vector_load %arg10[%swap3A_529, %swap3A_530] {strides = array<i32>} : memref<16x1024xf32, #tpu.memory_space<vmem>>, vector<1x16xf32>,
          %swap3A_532 = vector.shape_cast %swap3A_531 : vector<1x16xf32> to vector<16xf32>
          %swap3A_533 = vector.shape_cast %mul3A_528 : vector<16xf32> to vector<1x16xf32>
          tpu.vector_store %arg10[%swap3A_529, %swap3A_530], %swap3A_533 {strides = array<i32>} : memref<16x1024xf32, #tpu.memory_space<vmem>>, vector<1x16xf32>,
          %get3A_534 = arith.index_cast %scan3A_139 : i32 to index
          %get3A_535 = arith.constant 528 : index
          %get3A_536 = tpu.vector_load %arg10[%get3A_534, %get3A_535] {strides = array<i32>} : memref<16x1024xf32, #tpu.memory_space<vmem>>, vector<1x16xf32>,
          %get3A_537 = vector.shape_cast %get3A_536 : vector<1x16xf32> to vector<16xf32>
          %mul3A_538 = arith.constant 3.200000e+01 : f32
          %mul3A_539 = vector.broadcast %mul3A_538 : f32 to vector<16xf32>
          %mul3A_540 = arith.mulf %get3A_537, %mul3A_539 : vector<16xf32>
          %swap3A_541 = arith.index_cast %scan3A_139 : i32 to index
          %swap3A_542 = arith.constant 528 : index
          %swap3A_543 = tpu.vector_load %arg10[%swap3A_541, %swap3A_542] {strides = array<i32>} : memref<16x1024xf32, #tpu.memory_space<vmem>>, vector<1x16xf32>,
          %swap3A_544 = vector.shape_cast %swap3A_543 : vector<1x16xf32> to vector<16xf32>
          %swap3A_545 = vector.shape_cast %mul3A_540 : vector<16xf32> to vector<1x16xf32>
          tpu.vector_store %arg10[%swap3A_541, %swap3A_542], %swap3A_545 {strides = array<i32>} : memref<16x1024xf32, #tpu.memory_space<vmem>>, vector<1x16xf32>,
          %get3A_546 = arith.index_cast %scan3A_139 : i32 to index
          %get3A_547 = arith.constant 544 : index
          %get3A_548 = tpu.vector_load %arg10[%get3A_546, %get3A_547] {strides = array<i32>} : memref<16x1024xf32, #tpu.memory_space<vmem>>, vector<1x16xf32>,
          %get3A_549 = vector.shape_cast %get3A_548 : vector<1x16xf32> to vector<16xf32>
          %mul3A_550 = arith.constant 3.200000e+01 : f32
          %mul3A_551 = vector.broadcast %mul3A_550 : f32 to vector<16xf32>
          %mul3A_552 = arith.mulf %get3A_549, %mul3A_551 : vector<16xf32>
          %swap3A_553 = arith.index_cast %scan3A_139 : i32 to index
          %swap3A_554 = arith.constant 544 : index
          %swap3A_555 = tpu.vector_load %arg10[%swap3A_553, %swap3A_554] {strides = array<i32>} : memref<16x1024xf32, #tpu.memory_space<vmem>>, vector<1x16xf32>,
          %swap3A_556 = vector.shape_cast %swap3A_555 : vector<1x16xf32> to vector<16xf32>
          %swap3A_557 = vector.shape_cast %mul3A_552 : vector<16xf32> to vector<1x16xf32>
          tpu.vector_store %arg10[%swap3A_553, %swap3A_554], %swap3A_557 {strides = array<i32>} : memref<16x1024xf32, #tpu.memory_space<vmem>>, vector<1x16xf32>,
          %get3A_558 = arith.index_cast %scan3A_139 : i32 to index
          %get3A_559 = arith.constant 560 : index
          %get3A_560 = tpu.vector_load %arg10[%get3A_558, %get3A_559] {strides = array<i32>} : memref<16x1024xf32, #tpu.memory_space<vmem>>, vector<1x16xf32>,
          %get3A_561 = vector.shape_cast %get3A_560 : vector<1x16xf32> to vector<16xf32>
          %mul3A_562 = arith.constant 3.200000e+01 : f32
          %mul3A_563 = vector.broadcast %mul3A_562 : f32 to vector<16xf32>
          %mul3A_564 = arith.mulf %get3A_561, %mul3A_563 : vector<16xf32>
          %swap3A_565 = arith.index_cast %scan3A_139 : i32 to index
          %swap3A_566 = arith.constant 560 : index
          %swap3A_567 = tpu.vector_load %arg10[%swap3A_565, %swap3A_566] {strides = array<i32>} : memref<16x1024xf32, #tpu.memory_space<vmem>>, vector<1x16xf32>,
          %swap3A_568 = vector.shape_cast %swap3A_567 : vector<1x16xf32> to vector<16xf32>
          %swap3A_569 = vector.shape_cast %mul3A_564 : vector<16xf32> to vector<1x16xf32>
          tpu.vector_store %arg10[%swap3A_565, %swap3A_566], %swap3A_569 {strides = array<i32>} : memref<16x1024xf32, #tpu.memory_space<vmem>>, vector<1x16xf32>,
          %get3A_570 = arith.index_cast %scan3A_139 : i32 to index
          %get3A_571 = arith.constant 576 : index
          %get3A_572 = tpu.vector_load %arg10[%get3A_570, %get3A_571] {strides = array<i32>} : memref<16x1024xf32, #tpu.memory_space<vmem>>, vector<1x16xf32>,
          %get3A_573 = vector.shape_cast %get3A_572 : vector<1x16xf32> to vector<16xf32>
          %mul3A_574 = arith.constant 3.200000e+01 : f32
          %mul3A_575 = vector.broadcast %mul3A_574 : f32 to vector<16xf32>
          %mul3A_576 = arith.mulf %get3A_573, %mul3A_575 : vector<16xf32>
          %swap3A_577 = arith.index_cast %scan3A_139 : i32 to index
          %swap3A_578 = arith.constant 576 : index
          %swap3A_579 = tpu.vector_load %arg10[%swap3A_577, %swap3A_578] {strides = array<i32>} : memref<16x1024xf32, #tpu.memory_space<vmem>>, vector<1x16xf32>,
          %swap3A_580 = vector.shape_cast %swap3A_579 : vector<1x16xf32> to vector<16xf32>
          %swap3A_581 = vector.shape_cast %mul3A_576 : vector<16xf32> to vector<1x16xf32>
          tpu.vector_store %arg10[%swap3A_577, %swap3A_578], %swap3A_581 {strides = array<i32>} : memref<16x1024xf32, #tpu.memory_space<vmem>>, vector<1x16xf32>,
          %get3A_582 = arith.index_cast %scan3A_139 : i32 to index
          %get3A_583 = arith.constant 592 : index
          %get3A_584 = tpu.vector_load %arg10[%get3A_582, %get3A_583] {strides = array<i32>} : memref<16x1024xf32, #tpu.memory_space<vmem>>, vector<1x16xf32>,
          %get3A_585 = vector.shape_cast %get3A_584 : vector<1x16xf32> to vector<16xf32>
          %mul3A_586 = arith.constant 3.200000e+01 : f32
          %mul3A_587 = vector.broadcast %mul3A_586 : f32 to vector<16xf32>
          %mul3A_588 = arith.mulf %get3A_585, %mul3A_587 : vector<16xf32>
          %swap3A_589 = arith.index_cast %scan3A_139 : i32 to index
          %swap3A_590 = arith.constant 592 : index
          %swap3A_591 = tpu.vector_load %arg10[%swap3A_589, %swap3A_590] {strides = array<i32>} : memref<16x1024xf32, #tpu.memory_space<vmem>>, vector<1x16xf32>,
          %swap3A_592 = vector.shape_cast %swap3A_591 : vector<1x16xf32> to vector<16xf32>
          %swap3A_593 = vector.shape_cast %mul3A_588 : vector<16xf32> to vector<1x16xf32>
          tpu.vector_store %arg10[%swap3A_589, %swap3A_590], %swap3A_593 {strides = array<i32>} : memref<16x1024xf32, #tpu.memory_space<vmem>>, vector<1x16xf32>,
          %get3A_594 = arith.index_cast %scan3A_139 : i32 to index
          %get3A_595 = arith.constant 608 : index
          %get3A_596 = tpu.vector_load %arg10[%get3A_594, %get3A_595] {strides = array<i32>} : memref<16x1024xf32, #tpu.memory_space<vmem>>, vector<1x16xf32>,
          %get3A_597 = vector.shape_cast %get3A_596 : vector<1x16xf32> to vector<16xf32>
          %mul3A_598 = arith.constant 3.200000e+01 : f32
          %mul3A_599 = vector.broadcast %mul3A_598 : f32 to vector<16xf32>
          %mul3A_600 = arith.mulf %get3A_597, %mul3A_599 : vector<16xf32>
          %swap3A_601 = arith.index_cast %scan3A_139 : i32 to index
          %swap3A_602 = arith.constant 608 : index
          %swap3A_603 = tpu.vector_load %arg10[%swap3A_601, %swap3A_602] {strides = array<i32>} : memref<16x1024xf32, #tpu.memory_space<vmem>>, vector<1x16xf32>,
          %swap3A_604 = vector.shape_cast %swap3A_603 : vector<1x16xf32> to vector<16xf32>
          %swap3A_605 = vector.shape_cast %mul3A_600 : vector<16xf32> to vector<1x16xf32>
          tpu.vector_store %arg10[%swap3A_601, %swap3A_602], %swap3A_605 {strides = array<i32>} : memref<16x1024xf32, #tpu.memory_space<vmem>>, vector<1x16xf32>,
          %get3A_606 = arith.index_cast %scan3A_139 : i32 to index
          %get3A_607 = arith.constant 624 : index
          %get3A_608 = tpu.vector_load %arg10[%get3A_606, %get3A_607] {strides = array<i32>} : memref<16x1024xf32, #tpu.memory_space<vmem>>, vector<1x16xf32>,
          %get3A_609 = vector.shape_cast %get3A_608 : vector<1x16xf32> to vector<16xf32>
          %mul3A_610 = arith.constant 3.200000e+01 : f32
          %mul3A_611 = vector.broadcast %mul3A_610 : f32 to vector<16xf32>
          %mul3A_612 = arith.mulf %get3A_609, %mul3A_611 : vector<16xf32>
          %swap3A_613 = arith.index_cast %scan3A_139 : i32 to index
          %swap3A_614 = arith.constant 624 : index
          %swap3A_615 = tpu.vector_load %arg10[%swap3A_613, %swap3A_614] {strides = array<i32>} : memref<16x1024xf32, #tpu.memory_space<vmem>>, vector<1x16xf32>,
          %swap3A_616 = vector.shape_cast %swap3A_615 : vector<1x16xf32> to vector<16xf32>
          %swap3A_617 = vector.shape_cast %mul3A_612 : vector<16xf32> to vector<1x16xf32>
          tpu.vector_store %arg10[%swap3A_613, %swap3A_614], %swap3A_617 {strides = array<i32>} : memref<16x1024xf32, #tpu.memory_space<vmem>>, vector<1x16xf32>,
          %get3A_618 = arith.index_cast %scan3A_139 : i32 to index
          %get3A_619 = arith.constant 640 : index
          %get3A_620 = tpu.vector_load %arg10[%get3A_618, %get3A_619] {strides = array<i32>} : memref<16x1024xf32, #tpu.memory_space<vmem>>, vector<1x16xf32>,
          %get3A_621 = vector.shape_cast %get3A_620 : vector<1x16xf32> to vector<16xf32>
          %mul3A_622 = arith.constant 3.200000e+01 : f32
          %mul3A_623 = vector.broadcast %mul3A_622 : f32 to vector<16xf32>
          %mul3A_624 = arith.mulf %get3A_621, %mul3A_623 : vector<16xf32>
          %swap3A_625 = arith.index_cast %scan3A_139 : i32 to index
          %swap3A_626 = arith.constant 640 : index
          %swap3A_627 = tpu.vector_load %arg10[%swap3A_625, %swap3A_626] {strides = array<i32>} : memref<16x1024xf32, #tpu.memory_space<vmem>>, vector<1x16xf32>,
          %swap3A_628 = vector.shape_cast %swap3A_627 : vector<1x16xf32> to vector<16xf32>
          %swap3A_629 = vector.shape_cast %mul3A_624 : vector<16xf32> to vector<1x16xf32>
          tpu.vector_store %arg10[%swap3A_625, %swap3A_626], %swap3A_629 {strides = array<i32>} : memref<16x1024xf32, #tpu.memory_space<vmem>>, vector<1x16xf32>,
          %get3A_630 = arith.index_cast %scan3A_139 : i32 to index
          %get3A_631 = arith.constant 656 : index
          %get3A_632 = tpu.vector_load %arg10[%get3A_630, %get3A_631] {strides = array<i32>} : memref<16x1024xf32, #tpu.memory_space<vmem>>, vector<1x16xf32>,
          %get3A_633 = vector.shape_cast %get3A_632 : vector<1x16xf32> to vector<16xf32>
          %mul3A_634 = arith.constant 3.200000e+01 : f32
          %mul3A_635 = vector.broadcast %mul3A_634 : f32 to vector<16xf32>
          %mul3A_636 = arith.mulf %get3A_633, %mul3A_635 : vector<16xf32>
          %swap3A_637 = arith.index_cast %scan3A_139 : i32 to index
          %swap3A_638 = arith.constant 656 : index
          %swap3A_639 = tpu.vector_load %arg10[%swap3A_637, %swap3A_638] {strides = array<i32>} : memref<16x1024xf32, #tpu.memory_space<vmem>>, vector<1x16xf32>,
          %swap3A_640 = vector.shape_cast %swap3A_639 : vector<1x16xf32> to vector<16xf32>
          %swap3A_641 = vector.shape_cast %mul3A_636 : vector<16xf32> to vector<1x16xf32>
          tpu.vector_store %arg10[%swap3A_637, %swap3A_638], %swap3A_641 {strides = array<i32>} : memref<16x1024xf32, #tpu.memory_space<vmem>>, vector<1x16xf32>,
          %get3A_642 = arith.index_cast %scan3A_139 : i32 to index
          %get3A_643 = arith.constant 672 : index
          %get3A_644 = tpu.vector_load %arg10[%get3A_642, %get3A_643] {strides = array<i32>} : memref<16x1024xf32, #tpu.memory_space<vmem>>, vector<1x16xf32>,
          %get3A_645 = vector.shape_cast %get3A_644 : vector<1x16xf32> to vector<16xf32>
          %mul3A_646 = arith.constant 3.200000e+01 : f32
          %mul3A_647 = vector.broadcast %mul3A_646 : f32 to vector<16xf32>
          %mul3A_648 = arith.mulf %get3A_645, %mul3A_647 : vector<16xf32>
          %swap3A_649 = arith.index_cast %scan3A_139 : i32 to index
          %swap3A_650 = arith.constant 672 : index
          %swap3A_651 = tpu.vector_load %arg10[%swap3A_649, %swap3A_650] {strides = array<i32>} : memref<16x1024xf32, #tpu.memory_space<vmem>>, vector<1x16xf32>,
          %swap3A_652 = vector.shape_cast %swap3A_651 : vector<1x16xf32> to vector<16xf32>
          %swap3A_653 = vector.shape_cast %mul3A_648 : vector<16xf32> to vector<1x16xf32>
          tpu.vector_store %arg10[%swap3A_649, %swap3A_650], %swap3A_653 {strides = array<i32>} : memref<16x1024xf32, #tpu.memory_space<vmem>>, vector<1x16xf32>,
          %get3A_654 = arith.index_cast %scan3A_139 : i32 to index
          %get3A_655 = arith.constant 688 : index
          %get3A_656 = tpu.vector_load %arg10[%get3A_654, %get3A_655] {strides = array<i32>} : memref<16x1024xf32, #tpu.memory_space<vmem>>, vector<1x16xf32>,
          %get3A_657 = vector.shape_cast %get3A_656 : vector<1x16xf32> to vector<16xf32>
          %mul3A_658 = arith.constant 3.200000e+01 : f32
          %mul3A_659 = vector.broadcast %mul3A_658 : f32 to vector<16xf32>
          %mul3A_660 = arith.mulf %get3A_657, %mul3A_659 : vector<16xf32>
          %swap3A_661 = arith.index_cast %scan3A_139 : i32 to index
          %swap3A_662 = arith.constant 688 : index
          %swap3A_663 = tpu.vector_load %arg10[%swap3A_661, %swap3A_662] {strides = array<i32>} : memref<16x1024xf32, #tpu.memory_space<vmem>>, vector<1x16xf32>,
          %swap3A_664 = vector.shape_cast %swap3A_663 : vector<1x16xf32> to vector<16xf32>
          %swap3A_665 = vector.shape_cast %mul3A_660 : vector<16xf32> to vector<1x16xf32>
          tpu.vector_store %arg10[%swap3A_661, %swap3A_662], %swap3A_665 {strides = array<i32>} : memref<16x1024xf32, #tpu.memory_space<vmem>>, vector<1x16xf32>,
          %get3A_666 = arith.index_cast %scan3A_139 : i32 to index
          %get3A_667 = arith.constant 704 : index
          %get3A_668 = tpu.vector_load %arg10[%get3A_666, %get3A_667] {strides = array<i32>} : memref<16x1024xf32, #tpu.memory_space<vmem>>, vector<1x16xf32>,
          %get3A_669 = vector.shape_cast %get3A_668 : vector<1x16xf32> to vector<16xf32>
          %mul3A_670 = arith.constant 3.200000e+01 : f32
          %mul3A_671 = vector.broadcast %mul3A_670 : f32 to vector<16xf32>
          %mul3A_672 = arith.mulf %get3A_669, %mul3A_671 : vector<16xf32>
          %swap3A_673 = arith.index_cast %scan3A_139 : i32 to index
          %swap3A_674 = arith.constant 704 : index
          %swap3A_675 = tpu.vector_load %arg10[%swap3A_673, %swap3A_674] {strides = array<i32>} : memref<16x1024xf32, #tpu.memory_space<vmem>>, vector<1x16xf32>,
          %swap3A_676 = vector.shape_cast %swap3A_675 : vector<1x16xf32> to vector<16xf32>
          %swap3A_677 = vector.shape_cast %mul3A_672 : vector<16xf32> to vector<1x16xf32>
          tpu.vector_store %arg10[%swap3A_673, %swap3A_674], %swap3A_677 {strides = array<i32>} : memref<16x1024xf32, #tpu.memory_space<vmem>>, vector<1x16xf32>,
          %get3A_678 = arith.index_cast %scan3A_139 : i32 to index
          %get3A_679 = arith.constant 720 : index
          %get3A_680 = tpu.vector_load %arg10[%get3A_678, %get3A_679] {strides = array<i32>} : memref<16x1024xf32, #tpu.memory_space<vmem>>, vector<1x16xf32>,
          %get3A_681 = vector.shape_cast %get3A_680 : vector<1x16xf32> to vector<16xf32>
          %mul3A_682 = arith.constant 3.200000e+01 : f32
          %mul3A_683 = vector.broadcast %mul3A_682 : f32 to vector<16xf32>
          %mul3A_684 = arith.mulf %get3A_681, %mul3A_683 : vector<16xf32>
          %swap3A_685 = arith.index_cast %scan3A_139 : i32 to index
          %swap3A_686 = arith.constant 720 : index
          %swap3A_687 = tpu.vector_load %arg10[%swap3A_685, %swap3A_686] {strides = array<i32>} : memref<16x1024xf32, #tpu.memory_space<vmem>>, vector<1x16xf32>,
          %swap3A_688 = vector.shape_cast %swap3A_687 : vector<1x16xf32> to vector<16xf32>
          %swap3A_689 = vector.shape_cast %mul3A_684 : vector<16xf32> to vector<1x16xf32>
          tpu.vector_store %arg10[%swap3A_685, %swap3A_686], %swap3A_689 {strides = array<i32>} : memref<16x1024xf32, #tpu.memory_space<vmem>>, vector<1x16xf32>,
          %get3A_690 = arith.index_cast %scan3A_139 : i32 to index
          %get3A_691 = arith.constant 736 : index
          %get3A_692 = tpu.vector_load %arg10[%get3A_690, %get3A_691] {strides = array<i32>} : memref<16x1024xf32, #tpu.memory_space<vmem>>, vector<1x16xf32>,
          %get3A_693 = vector.shape_cast %get3A_692 : vector<1x16xf32> to vector<16xf32>
          %mul3A_694 = arith.constant 3.200000e+01 : f32
          %mul3A_695 = vector.broadcast %mul3A_694 : f32 to vector<16xf32>
          %mul3A_696 = arith.mulf %get3A_693, %mul3A_695 : vector<16xf32>
          %swap3A_697 = arith.index_cast %scan3A_139 : i32 to index
          %swap3A_698 = arith.constant 736 : index
          %swap3A_699 = tpu.vector_load %arg10[%swap3A_697, %swap3A_698] {strides = array<i32>} : memref<16x1024xf32, #tpu.memory_space<vmem>>, vector<1x16xf32>,
          %swap3A_700 = vector.shape_cast %swap3A_699 : vector<1x16xf32> to vector<16xf32>
          %swap3A_701 = vector.shape_cast %mul3A_696 : vector<16xf32> to vector<1x16xf32>
          tpu.vector_store %arg10[%swap3A_697, %swap3A_698], %swap3A_701 {strides = array<i32>} : memref<16x1024xf32, #tpu.memory_space<vmem>>, vector<1x16xf32>,
          %get3A_702 = arith.index_cast %scan3A_139 : i32 to index
          %get3A_703 = arith.constant 752 : index
          %get3A_704 = tpu.vector_load %arg10[%get3A_702, %get3A_703] {strides = array<i32>} : memref<16x1024xf32, #tpu.memory_space<vmem>>, vector<1x16xf32>,
          %get3A_705 = vector.shape_cast %get3A_704 : vector<1x16xf32> to vector<16xf32>
          %mul3A_706 = arith.constant 3.200000e+01 : f32
          %mul3A_707 = vector.broadcast %mul3A_706 : f32 to vector<16xf32>
          %mul3A_708 = arith.mulf %get3A_705, %mul3A_707 : vector<16xf32>
          %swap3A_709 = arith.index_cast %scan3A_139 : i32 to index
          %swap3A_710 = arith.constant 752 : index
          %swap3A_711 = tpu.vector_load %arg10[%swap3A_709, %swap3A_710] {strides = array<i32>} : memref<16x1024xf32, #tpu.memory_space<vmem>>, vector<1x16xf32>,
          %swap3A_712 = vector.shape_cast %swap3A_711 : vector<1x16xf32> to vector<16xf32>
          %swap3A_713 = vector.shape_cast %mul3A_708 : vector<16xf32> to vector<1x16xf32>
          tpu.vector_store %arg10[%swap3A_709, %swap3A_710], %swap3A_713 {strides = array<i32>} : memref<16x1024xf32, #tpu.memory_space<vmem>>, vector<1x16xf32>,
          %get3A_714 = arith.index_cast %scan3A_139 : i32 to index
          %get3A_715 = arith.constant 768 : index
          %get3A_716 = tpu.vector_load %arg10[%get3A_714, %get3A_715] {strides = array<i32>} : memref<16x1024xf32, #tpu.memory_space<vmem>>, vector<1x16xf32>,
          %get3A_717 = vector.shape_cast %get3A_716 : vector<1x16xf32> to vector<16xf32>
          %mul3A_718 = arith.constant 3.200000e+01 : f32
          %mul3A_719 = vector.broadcast %mul3A_718 : f32 to vector<16xf32>
          %mul3A_720 = arith.mulf %get3A_717, %mul3A_719 : vector<16xf32>
          %swap3A_721 = arith.index_cast %scan3A_139 : i32 to index
          %swap3A_722 = arith.constant 768 : index
          %swap3A_723 = tpu.vector_load %arg10[%swap3A_721, %swap3A_722] {strides = array<i32>} : memref<16x1024xf32, #tpu.memory_space<vmem>>, vector<1x16xf32>,
          %swap3A_724 = vector.shape_cast %swap3A_723 : vector<1x16xf32> to vector<16xf32>
          %swap3A_725 = vector.shape_cast %mul3A_720 : vector<16xf32> to vector<1x16xf32>
          tpu.vector_store %arg10[%swap3A_721, %swap3A_722], %swap3A_725 {strides = array<i32>} : memref<16x1024xf32, #tpu.memory_space<vmem>>, vector<1x16xf32>,
          %get3A_726 = arith.index_cast %scan3A_139 : i32 to index
          %get3A_727 = arith.constant 784 : index
          %get3A_728 = tpu.vector_load %arg10[%get3A_726, %get3A_727] {strides = array<i32>} : memref<16x1024xf32, #tpu.memory_space<vmem>>, vector<1x16xf32>,
          %get3A_729 = vector.shape_cast %get3A_728 : vector<1x16xf32> to vector<16xf32>
          %mul3A_730 = arith.constant 3.200000e+01 : f32
          %mul3A_731 = vector.broadcast %mul3A_730 : f32 to vector<16xf32>
          %mul3A_732 = arith.mulf %get3A_729, %mul3A_731 : vector<16xf32>
          %swap3A_733 = arith.index_cast %scan3A_139 : i32 to index
          %swap3A_734 = arith.constant 784 : index
          %swap3A_735 = tpu.vector_load %arg10[%swap3A_733, %swap3A_734] {strides = array<i32>} : memref<16x1024xf32, #tpu.memory_space<vmem>>, vector<1x16xf32>,
          %swap3A_736 = vector.shape_cast %swap3A_735 : vector<1x16xf32> to vector<16xf32>
          %swap3A_737 = vector.shape_cast %mul3A_732 : vector<16xf32> to vector<1x16xf32>
          tpu.vector_store %arg10[%swap3A_733, %swap3A_734], %swap3A_737 {strides = array<i32>} : memref<16x1024xf32, #tpu.memory_space<vmem>>, vector<1x16xf32>,
          %get3A_738 = arith.index_cast %scan3A_139 : i32 to index
          %get3A_739 = arith.constant 800 : index
          %get3A_740 = tpu.vector_load %arg10[%get3A_738, %get3A_739] {strides = array<i32>} : memref<16x1024xf32, #tpu.memory_space<vmem>>, vector<1x16xf32>,
          %get3A_741 = vector.shape_cast %get3A_740 : vector<1x16xf32> to vector<16xf32>
          %mul3A_742 = arith.constant 3.200000e+01 : f32
          %mul3A_743 = vector.broadcast %mul3A_742 : f32 to vector<16xf32>
          %mul3A_744 = arith.mulf %get3A_741, %mul3A_743 : vector<16xf32>
          %swap3A_745 = arith.index_cast %scan3A_139 : i32 to index
          %swap3A_746 = arith.constant 800 : index
          %swap3A_747 = tpu.vector_load %arg10[%swap3A_745, %swap3A_746] {strides = array<i32>} : memref<16x1024xf32, #tpu.memory_space<vmem>>, vector<1x16xf32>,
          %swap3A_748 = vector.shape_cast %swap3A_747 : vector<1x16xf32> to vector<16xf32>
          %swap3A_749 = vector.shape_cast %mul3A_744 : vector<16xf32> to vector<1x16xf32>
          tpu.vector_store %arg10[%swap3A_745, %swap3A_746], %swap3A_749 {strides = array<i32>} : memref<16x1024xf32, #tpu.memory_space<vmem>>, vector<1x16xf32>,
          %get3A_750 = arith.index_cast %scan3A_139 : i32 to index
          %get3A_751 = arith.constant 816 : index
          %get3A_752 = tpu.vector_load %arg10[%get3A_750, %get3A_751] {strides = array<i32>} : memref<16x1024xf32, #tpu.memory_space<vmem>>, vector<1x16xf32>,
          %get3A_753 = vector.shape_cast %get3A_752 : vector<1x16xf32> to vector<16xf32>
          %mul3A_754 = arith.constant 3.200000e+01 : f32
          %mul3A_755 = vector.broadcast %mul3A_754 : f32 to vector<16xf32>
          %mul3A_756 = arith.mulf %get3A_753, %mul3A_755 : vector<16xf32>
          %swap3A_757 = arith.index_cast %scan3A_139 : i32 to index
          %swap3A_758 = arith.constant 816 : index
          %swap3A_759 = tpu.vector_load %arg10[%swap3A_757, %swap3A_758] {strides = array<i32>} : memref<16x1024xf32, #tpu.memory_space<vmem>>, vector<1x16xf32>,
          %swap3A_760 = vector.shape_cast %swap3A_759 : vector<1x16xf32> to vector<16xf32>
          %swap3A_761 = vector.shape_cast %mul3A_756 : vector<16xf32> to vector<1x16xf32>
          tpu.vector_store %arg10[%swap3A_757, %swap3A_758], %swap3A_761 {strides = array<i32>} : memref<16x1024xf32, #tpu.memory_space<vmem>>, vector<1x16xf32>,
          %get3A_762 = arith.index_cast %scan3A_139 : i32 to index
          %get3A_763 = arith.constant 832 : index
          %get3A_764 = tpu.vector_load %arg10[%get3A_762, %get3A_763] {strides = array<i32>} : memref<16x1024xf32, #tpu.memory_space<vmem>>, vector<1x16xf32>,
          %get3A_765 = vector.shape_cast %get3A_764 : vector<1x16xf32> to vector<16xf32>
          %mul3A_766 = arith.constant 3.200000e+01 : f32
          %mul3A_767 = vector.broadcast %mul3A_766 : f32 to vector<16xf32>
          %mul3A_768 = arith.mulf %get3A_765, %mul3A_767 : vector<16xf32>
          %swap3A_769 = arith.index_cast %scan3A_139 : i32 to index
          %swap3A_770 = arith.constant 832 : index
          %swap3A_771 = tpu.vector_load %arg10[%swap3A_769, %swap3A_770] {strides = array<i32>} : memref<16x1024xf32, #tpu.memory_space<vmem>>, vector<1x16xf32>,
          %swap3A_772 = vector.shape_cast %swap3A_771 : vector<1x16xf32> to vector<16xf32>
          %swap3A_773 = vector.shape_cast %mul3A_768 : vector<16xf32> to vector<1x16xf32>
          tpu.vector_store %arg10[%swap3A_769, %swap3A_770], %swap3A_773 {strides = array<i32>} : memref<16x1024xf32, #tpu.memory_space<vmem>>, vector<1x16xf32>,
          %get3A_774 = arith.index_cast %scan3A_139 : i32 to index
          %get3A_775 = arith.constant 848 : index
          %get3A_776 = tpu.vector_load %arg10[%get3A_774, %get3A_775] {strides = array<i32>} : memref<16x1024xf32, #tpu.memory_space<vmem>>, vector<1x16xf32>,
          %get3A_777 = vector.shape_cast %get3A_776 : vector<1x16xf32> to vector<16xf32>
          %mul3A_778 = arith.constant 3.200000e+01 : f32
          %mul3A_779 = vector.broadcast %mul3A_778 : f32 to vector<16xf32>
          %mul3A_780 = arith.mulf %get3A_777, %mul3A_779 : vector<16xf32>
          %swap3A_781 = arith.index_cast %scan3A_139 : i32 to index
          %swap3A_782 = arith.constant 848 : index
          %swap3A_783 = tpu.vector_load %arg10[%swap3A_781, %swap3A_782] {strides = array<i32>} : memref<16x1024xf32, #tpu.memory_space<vmem>>, vector<1x16xf32>,
          %swap3A_784 = vector.shape_cast %swap3A_783 : vector<1x16xf32> to vector<16xf32>
          %swap3A_785 = vector.shape_cast %mul3A_780 : vector<16xf32> to vector<1x16xf32>
          tpu.vector_store %arg10[%swap3A_781, %swap3A_782], %swap3A_785 {strides = array<i32>} : memref<16x1024xf32, #tpu.memory_space<vmem>>, vector<1x16xf32>,
          %get3A_786 = arith.index_cast %scan3A_139 : i32 to index
          %get3A_787 = arith.constant 864 : index
          %get3A_788 = tpu.vector_load %arg10[%get3A_786, %get3A_787] {strides = array<i32>} : memref<16x1024xf32, #tpu.memory_space<vmem>>, vector<1x16xf32>,
          %get3A_789 = vector.shape_cast %get3A_788 : vector<1x16xf32> to vector<16xf32>
          %mul3A_790 = arith.constant 3.200000e+01 : f32
          %mul3A_791 = vector.broadcast %mul3A_790 : f32 to vector<16xf32>
          %mul3A_792 = arith.mulf %get3A_789, %mul3A_791 : vector<16xf32>
          %swap3A_793 = arith.index_cast %scan3A_139 : i32 to index
          %swap3A_794 = arith.constant 864 : index
          %swap3A_795 = tpu.vector_load %arg10[%swap3A_793, %swap3A_794] {strides = array<i32>} : memref<16x1024xf32, #tpu.memory_space<vmem>>, vector<1x16xf32>,
          %swap3A_796 = vector.shape_cast %swap3A_795 : vector<1x16xf32> to vector<16xf32>
          %swap3A_797 = vector.shape_cast %mul3A_792 : vector<16xf32> to vector<1x16xf32>
          tpu.vector_store %arg10[%swap3A_793, %swap3A_794], %swap3A_797 {strides = array<i32>} : memref<16x1024xf32, #tpu.memory_space<vmem>>, vector<1x16xf32>,
          %get3A_798 = arith.index_cast %scan3A_139 : i32 to index
          %get3A_799 = arith.constant 880 : index
          %get3A_800 = tpu.vector_load %arg10[%get3A_798, %get3A_799] {strides = array<i32>} : memref<16x1024xf32, #tpu.memory_space<vmem>>, vector<1x16xf32>,
          %get3A_801 = vector.shape_cast %get3A_800 : vector<1x16xf32> to vector<16xf32>
          %mul3A_802 = arith.constant 3.200000e+01 : f32
          %mul3A_803 = vector.broadcast %mul3A_802 : f32 to vector<16xf32>
          %mul3A_804 = arith.mulf %get3A_801, %mul3A_803 : vector<16xf32>
          %swap3A_805 = arith.index_cast %scan3A_139 : i32 to index
          %swap3A_806 = arith.constant 880 : index
          %swap3A_807 = tpu.vector_load %arg10[%swap3A_805, %swap3A_806] {strides = array<i32>} : memref<16x1024xf32, #tpu.memory_space<vmem>>, vector<1x16xf32>,
          %swap3A_808 = vector.shape_cast %swap3A_807 : vector<1x16xf32> to vector<16xf32>
          %swap3A_809 = vector.shape_cast %mul3A_804 : vector<16xf32> to vector<1x16xf32>
          tpu.vector_store %arg10[%swap3A_805, %swap3A_806], %swap3A_809 {strides = array<i32>} : memref<16x1024xf32, #tpu.memory_space<vmem>>, vector<1x16xf32>,
          %get3A_810 = arith.index_cast %scan3A_139 : i32 to index
          %get3A_811 = arith.constant 896 : index
          %get3A_812 = tpu.vector_load %arg10[%get3A_810, %get3A_811] {strides = array<i32>} : memref<16x1024xf32, #tpu.memory_space<vmem>>, vector<1x16xf32>,
          %get3A_813 = vector.shape_cast %get3A_812 : vector<1x16xf32> to vector<16xf32>
          %mul3A_814 = arith.constant 3.200000e+01 : f32
          %mul3A_815 = vector.broadcast %mul3A_814 : f32 to vector<16xf32>
          %mul3A_816 = arith.mulf %get3A_813, %mul3A_815 : vector<16xf32>
          %swap3A_817 = arith.index_cast %scan3A_139 : i32 to index
          %swap3A_818 = arith.constant 896 : index
          %swap3A_819 = tpu.vector_load %arg10[%swap3A_817, %swap3A_818] {strides = array<i32>} : memref<16x1024xf32, #tpu.memory_space<vmem>>, vector<1x16xf32>,
          %swap3A_820 = vector.shape_cast %swap3A_819 : vector<1x16xf32> to vector<16xf32>
          %swap3A_821 = vector.shape_cast %mul3A_816 : vector<16xf32> to vector<1x16xf32>
          tpu.vector_store %arg10[%swap3A_817, %swap3A_818], %swap3A_821 {strides = array<i32>} : memref<16x1024xf32, #tpu.memory_space<vmem>>, vector<1x16xf32>,
          %get3A_822 = arith.index_cast %scan3A_139 : i32 to index
          %get3A_823 = arith.constant 912 : index
          %get3A_824 = tpu.vector_load %arg10[%get3A_822, %get3A_823] {strides = array<i32>} : memref<16x1024xf32, #tpu.memory_space<vmem>>, vector<1x16xf32>,
          %get3A_825 = vector.shape_cast %get3A_824 : vector<1x16xf32> to vector<16xf32>
          %mul3A_826 = arith.constant 3.200000e+01 : f32
          %mul3A_827 = vector.broadcast %mul3A_826 : f32 to vector<16xf32>
          %mul3A_828 = arith.mulf %get3A_825, %mul3A_827 : vector<16xf32>
          %swap3A_829 = arith.index_cast %scan3A_139 : i32 to index
          %swap3A_830 = arith.constant 912 : index
          %swap3A_831 = tpu.vector_load %arg10[%swap3A_829, %swap3A_830] {strides = array<i32>} : memref<16x1024xf32, #tpu.memory_space<vmem>>, vector<1x16xf32>,
          %swap3A_832 = vector.shape_cast %swap3A_831 : vector<1x16xf32> to vector<16xf32>
          %swap3A_833 = vector.shape_cast %mul3A_828 : vector<16xf32> to vector<1x16xf32>
          tpu.vector_store %arg10[%swap3A_829, %swap3A_830], %swap3A_833 {strides = array<i32>} : memref<16x1024xf32, #tpu.memory_space<vmem>>, vector<1x16xf32>,
          %get3A_834 = arith.index_cast %scan3A_139 : i32 to index
          %get3A_835 = arith.constant 928 : index
          %get3A_836 = tpu.vector_load %arg10[%get3A_834, %get3A_835] {strides = array<i32>} : memref<16x1024xf32, #tpu.memory_space<vmem>>, vector<1x16xf32>,
          %get3A_837 = vector.shape_cast %get3A_836 : vector<1x16xf32> to vector<16xf32>
          %mul3A_838 = arith.constant 3.200000e+01 : f32
          %mul3A_839 = vector.broadcast %mul3A_838 : f32 to vector<16xf32>
          %mul3A_840 = arith.mulf %get3A_837, %mul3A_839 : vector<16xf32>
          %swap3A_841 = arith.index_cast %scan3A_139 : i32 to index
          %swap3A_842 = arith.constant 928 : index
          %swap3A_843 = tpu.vector_load %arg10[%swap3A_841, %swap3A_842] {strides = array<i32>} : memref<16x1024xf32, #tpu.memory_space<vmem>>, vector<1x16xf32>,
          %swap3A_844 = vector.shape_cast %swap3A_843 : vector<1x16xf32> to vector<16xf32>
          %swap3A_845 = vector.shape_cast %mul3A_840 : vector<16xf32> to vector<1x16xf32>
          tpu.vector_store %arg10[%swap3A_841, %swap3A_842], %swap3A_845 {strides = array<i32>} : memref<16x1024xf32, #tpu.memory_space<vmem>>, vector<1x16xf32>,
          %get3A_846 = arith.index_cast %scan3A_139 : i32 to index
          %get3A_847 = arith.constant 944 : index
          %get3A_848 = tpu.vector_load %arg10[%get3A_846, %get3A_847] {strides = array<i32>} : memref<16x1024xf32, #tpu.memory_space<vmem>>, vector<1x16xf32>,
          %get3A_849 = vector.shape_cast %get3A_848 : vector<1x16xf32> to vector<16xf32>
          %mul3A_850 = arith.constant 3.200000e+01 : f32
          %mul3A_851 = vector.broadcast %mul3A_850 : f32 to vector<16xf32>
          %mul3A_852 = arith.mulf %get3A_849, %mul3A_851 : vector<16xf32>
          %swap3A_853 = arith.index_cast %scan3A_139 : i32 to index
          %swap3A_854 = arith.constant 944 : index
          %swap3A_855 = tpu.vector_load %arg10[%swap3A_853, %swap3A_854] {strides = array<i32>} : memref<16x1024xf32, #tpu.memory_space<vmem>>, vector<1x16xf32>,
          %swap3A_856 = vector.shape_cast %swap3A_855 : vector<1x16xf32> to vector<16xf32>
          %swap3A_857 = vector.shape_cast %mul3A_852 : vector<16xf32> to vector<1x16xf32>
          tpu.vector_store %arg10[%swap3A_853, %swap3A_854], %swap3A_857 {strides = array<i32>} : memref<16x1024xf32, #tpu.memory_space<vmem>>, vector<1x16xf32>,
          %get3A_858 = arith.index_cast %scan3A_139 : i32 to index
          %get3A_859 = arith.constant 960 : index
          %get3A_860 = tpu.vector_load %arg10[%get3A_858, %get3A_859] {strides = array<i32>} : memref<16x1024xf32, #tpu.memory_space<vmem>>, vector<1x16xf32>,
          %get3A_861 = vector.shape_cast %get3A_860 : vector<1x16xf32> to vector<16xf32>
          %mul3A_862 = arith.constant 3.200000e+01 : f32
          %mul3A_863 = vector.broadcast %mul3A_862 : f32 to vector<16xf32>
          %mul3A_864 = arith.mulf %get3A_861, %mul3A_863 : vector<16xf32>
          %swap3A_865 = arith.index_cast %scan3A_139 : i32 to index
          %swap3A_866 = arith.constant 960 : index
          %swap3A_867 = tpu.vector_load %arg10[%swap3A_865, %swap3A_866] {strides = array<i32>} : memref<16x1024xf32, #tpu.memory_space<vmem>>, vector<1x16xf32>,
          %swap3A_868 = vector.shape_cast %swap3A_867 : vector<1x16xf32> to vector<16xf32>
          %swap3A_869 = vector.shape_cast %mul3A_864 : vector<16xf32> to vector<1x16xf32>
          tpu.vector_store %arg10[%swap3A_865, %swap3A_866], %swap3A_869 {strides = array<i32>} : memref<16x1024xf32, #tpu.memory_space<vmem>>, vector<1x16xf32>,
          %get3A_870 = arith.index_cast %scan3A_139 : i32 to index
          %get3A_871 = arith.constant 976 : index
          %get3A_872 = tpu.vector_load %arg10[%get3A_870, %get3A_871] {strides = array<i32>} : memref<16x1024xf32, #tpu.memory_space<vmem>>, vector<1x16xf32>,
          %get3A_873 = vector.shape_cast %get3A_872 : vector<1x16xf32> to vector<16xf32>
          %mul3A_874 = arith.constant 3.200000e+01 : f32
          %mul3A_875 = vector.broadcast %mul3A_874 : f32 to vector<16xf32>
          %mul3A_876 = arith.mulf %get3A_873, %mul3A_875 : vector<16xf32>
          %swap3A_877 = arith.index_cast %scan3A_139 : i32 to index
          %swap3A_878 = arith.constant 976 : index
          %swap3A_879 = tpu.vector_load %arg10[%swap3A_877, %swap3A_878] {strides = array<i32>} : memref<16x1024xf32, #tpu.memory_space<vmem>>, vector<1x16xf32>,
          %swap3A_880 = vector.shape_cast %swap3A_879 : vector<1x16xf32> to vector<16xf32>
          %swap3A_881 = vector.shape_cast %mul3A_876 : vector<16xf32> to vector<1x16xf32>
          tpu.vector_store %arg10[%swap3A_877, %swap3A_878], %swap3A_881 {strides = array<i32>} : memref<16x1024xf32, #tpu.memory_space<vmem>>, vector<1x16xf32>,
          %get3A_882 = arith.index_cast %scan3A_139 : i32 to index
          %get3A_883 = arith.constant 992 : index
          %get3A_884 = tpu.vector_load %arg10[%get3A_882, %get3A_883] {strides = array<i32>} : memref<16x1024xf32, #tpu.memory_space<vmem>>, vector<1x16xf32>,
          %get3A_885 = vector.shape_cast %get3A_884 : vector<1x16xf32> to vector<16xf32>
          %mul3A_886 = arith.constant 3.200000e+01 : f32
          %mul3A_887 = vector.broadcast %mul3A_886 : f32 to vector<16xf32>
          %mul3A_888 = arith.mulf %get3A_885, %mul3A_887 : vector<16xf32>
          %swap3A_889 = arith.index_cast %scan3A_139 : i32 to index
          %swap3A_890 = arith.constant 992 : index
          %swap3A_891 = tpu.vector_load %arg10[%swap3A_889, %swap3A_890] {strides = array<i32>} : memref<16x1024xf32, #tpu.memory_space<vmem>>, vector<1x16xf32>,
          %swap3A_892 = vector.shape_cast %swap3A_891 : vector<1x16xf32> to vector<16xf32>
          %swap3A_893 = vector.shape_cast %mul3A_888 : vector<16xf32> to vector<1x16xf32>
          tpu.vector_store %arg10[%swap3A_889, %swap3A_890], %swap3A_893 {strides = array<i32>} : memref<16x1024xf32, #tpu.memory_space<vmem>>, vector<1x16xf32>,
          %get3A_894 = arith.index_cast %scan3A_139 : i32 to index
          %get3A_895 = arith.constant 1008 : index
          %get3A_896 = tpu.vector_load %arg10[%get3A_894, %get3A_895] {strides = array<i32>} : memref<16x1024xf32, #tpu.memory_space<vmem>>, vector<1x16xf32>,
          %get3A_897 = vector.shape_cast %get3A_896 : vector<1x16xf32> to vector<16xf32>
          %mul3A_898 = arith.constant 3.200000e+01 : f32
          %mul3A_899 = vector.broadcast %mul3A_898 : f32 to vector<16xf32>
          %mul3A_900 = arith.mulf %get3A_897, %mul3A_899 : vector<16xf32>
          %swap3A_901 = arith.index_cast %scan3A_139 : i32 to index
          %swap3A_902 = arith.constant 1008 : index
          %swap3A_903 = tpu.vector_load %arg10[%swap3A_901, %swap3A_902] {strides = array<i32>} : memref<16x1024xf32, #tpu.memory_space<vmem>>, vector<1x16xf32>,
          %swap3A_904 = vector.shape_cast %swap3A_903 : vector<1x16xf32> to vector<16xf32>
          %swap3A_905 = vector.shape_cast %mul3A_900 : vector<16xf32> to vector<1x16xf32>
          tpu.vector_store %arg10[%swap3A_901, %swap3A_902], %swap3A_905 {strides = array<i32>} : memref<16x1024xf32, #tpu.memory_space<vmem>>, vector<1x16xf32>,
        }
        %scan3A_131 = arith.constant 16 : i32
        %mul3A_132 = arith.constant 16 : i32
        %mul3A_133 = arith.muli %add3A_107, %mul3A_132 : i32
        %add3A_134 = arith.addi %mul3A_2, %mul3A_133 : i32
        %dma_start3A_135 = arith.constant 0 : i32
        %dma_start3A_136 = tpu.memref_slice %arg4[%add3A_134, %dma_start3A_135] : memref<32768x1024xf32, #tpu.memory_space<hbm>> -> memref<16x1024xf32, #tpu.memory_space<hbm>>
        %dma_start3A_137 = arith.constant 0 : i32
        %dma_start3A_138 = tpu.memref_slice %arg4[%add3A_134, %dma_start3A_137] : memref<32768x1024xf32, #tpu.memory_space<hbm>> -> memref<16x1024xf32, #tpu.memory_space<hbm>>
        tpu.enqueue_dma source(%arg10 : memref<16x1024xf32, #tpu.memory_space<vmem>>) target(%dma_start3A_138 : memref<16x1024xf32, #tpu.memory_space<hbm>>) target_semaphore(%arg20 : memref<!tpu.dma_semaphore, #tpu.memory_space<semaphore_mem>>)
      } else {
      }
    }
    %scan3A_20 = arith.constant 13 : i32
    %dma_wait3A = arith.constant 0 : i32
    %dma_wait3A_21 = arith.constant 0 : i32
    %dma_wait3A_22 = tpu.memref_slice %arg4[%dma_wait3A, %dma_wait3A_21] : memref<32768x1024xf32, #tpu.memory_space<hbm>> -> memref<16x1024xf32, #tpu.memory_space<hbm>>
    %dma_wait3A_23 = arith.constant 0 : i32
    %dma_wait3A_24 = arith.constant 0 : i32
    %dma_wait3A_25 = tpu.memref_slice %arg4[%dma_wait3A_23, %dma_wait3A_24] : memref<32768x1024xf32, #tpu.memory_space<hbm>> -> memref<16x1024xf32, #tpu.memory_space<hbm>>
    tpu.wait_dma2 semaphore(%arg20 : memref<!tpu.dma_semaphore, #tpu.memory_space<semaphore_mem>>) src(%arg10 : memref<16x1024xf32, #tpu.memory_space<vmem>>) dst(%dma_wait3A_25 : memref<16x1024xf32, #tpu.memory_space<hbm>>)
    %dma_wait3A_26 = arith.constant 0 : i32
    %dma_wait3A_27 = arith.constant 0 : i32
    %dma_wait3A_28 = tpu.memref_slice %arg4[%dma_wait3A_26, %dma_wait3A_27] : memref<32768x1024xf32, #tpu.memory_space<hbm>> -> memref<16x1024xf32, #tpu.memory_space<hbm>>
    %dma_wait3A_29 = arith.constant 0 : i32
    %dma_wait3A_30 = arith.constant 0 : i32
    %dma_wait3A_31 = tpu.memref_slice %arg4[%dma_wait3A_29, %dma_wait3A_30] : memref<32768x1024xf32, #tpu.memory_space<hbm>> -> memref<16x1024xf32, #tpu.memory_space<hbm>>
    tpu.wait_dma2 semaphore(%arg16 : memref<!tpu.dma_semaphore, #tpu.memory_space<semaphore_mem>>) src(%arg6 : memref<16x1024xf32, #tpu.memory_space<vmem>>) dst(%dma_wait3A_31 : memref<16x1024xf32, #tpu.memory_space<hbm>>)
    %dma_wait3A_32 = arith.constant 0 : i32
    %dma_wait3A_33 = arith.constant 0 : i32
    %dma_wait3A_34 = tpu.memref_slice %arg4[%dma_wait3A_32, %dma_wait3A_33] : memref<32768x1024xf32, #tpu.memory_space<hbm>> -> memref<16x1024xf32, #tpu.memory_space<hbm>>
    %dma_wait3A_35 = arith.constant 0 : i32
    %dma_wait3A_36 = arith.constant 0 : i32
    %dma_wait3A_37 = tpu.memref_slice %arg4[%dma_wait3A_35, %dma_wait3A_36] : memref<32768x1024xf32, #tpu.memory_space<hbm>> -> memref<16x1024xf32, #tpu.memory_space<hbm>>
    tpu.wait_dma2 semaphore(%arg17 : memref<!tpu.dma_semaphore, #tpu.memory_space<semaphore_mem>>) src(%arg7 : memref<16x1024xf32, #tpu.memory_space<vmem>>) dst(%dma_wait3A_37 : memref<16x1024xf32, #tpu.memory_space<hbm>>)
    %dma_wait3A_38 = arith.constant 0 : i32
    %dma_wait3A_39 = arith.constant 0 : i32
    %dma_wait3A_40 = tpu.memref_slice %arg4[%dma_wait3A_38, %dma_wait3A_39] : memref<32768x1024xf32, #tpu.memory_space<hbm>> -> memref<16x1024xf32, #tpu.memory_space<hbm>>
    %dma_wait3A_41 = arith.constant 0 : i32
    %dma_wait3A_42 = arith.constant 0 : i32
    %dma_wait3A_43 = tpu.memref_slice %arg4[%dma_wait3A_41, %dma_wait3A_42] : memref<32768x1024xf32, #tpu.memory_space<hbm>> -> memref<16x1024xf32, #tpu.memory_space<hbm>>
    tpu.wait_dma2 semaphore(%arg18 : memref<!tpu.dma_semaphore, #tpu.memory_space<semaphore_mem>>) src(%arg8 : memref<16x1024xf32, #tpu.memory_space<vmem>>) dst(%dma_wait3A_43 : memref<16x1024xf32, #tpu.memory_space<hbm>>)
    %dma_wait3A_44 = arith.constant 0 : i32
    %dma_wait3A_45 = arith.constant 0 : i32
    %dma_wait3A_46 = tpu.memref_slice %arg4[%dma_wait3A_44, %dma_wait3A_45] : memref<32768x1024xf32, #tpu.memory_space<hbm>> -> memref<16x1024xf32, #tpu.memory_space<hbm>>
    %dma_wait3A_47 = arith.constant 0 : i32
    %dma_wait3A_48 = arith.constant 0 : i32
    %dma_wait3A_49 = tpu.memref_slice %arg4[%dma_wait3A_47, %dma_wait3A_48] : memref<32768x1024xf32, #tpu.memory_space<hbm>> -> memref<16x1024xf32, #tpu.memory_space<hbm>>
    tpu.wait_dma2 semaphore(%arg19 : memref<!tpu.dma_semaphore, #tpu.memory_space<semaphore_mem>>) src(%arg9 : memref<16x1024xf32, #tpu.memory_space<vmem>>) dst(%dma_wait3A_49 : memref<16x1024xf32, #tpu.memory_space<hbm>>)
    return
  }
}

</mosaic_0001>

<sc_bundles>
// kernel: kernel.3.cloned.1.call-start
scs
__scs_entry_jumppad:
0x0: {  	(pc) =	sbr.rel $0x88, $3  }
0x1: {  	(tag) =	ssettag $0x0;
	lr =	simm.s32 $0x1  }
0x2: {  	[smem:$0x3F9F] =	sst lr;
	_ =	strace $0xD0000000  }
0x3: {  	_ = 	snop  }
0x4: {  	_ = 	snop  }
0x5: {  	_ = 	snop  }
0x6: {  	_ = 	snop  }
0x7: {  	_ = 	snop  }
__scs_overlays_trampoline_lowered:
0x8: {  	[smem:$0x3FAE] =	sst s0  }
0x9: {  	[smem:$0x3FAF] =	sst s1  }
0xa: {  	[smem:$0x3FB0] =	sst s2  }
0xb: {  	[smem:$0x3FB1] =	sst s3  }
0xc: {  	[smem:$0x3FB2] =	sst s4  }
0xd: {  	[smem:$0x3FB3] =	sst s5  }
0xe: {  	[smem:$0x3FB4] =	sst s6  }
0xf: {  	[smem:$0x3FB5] =	sst s7  }
0x10: {  	[smem:$0x3FB6] =	sst s8  }
0x11: {  	[smem:$0x3FB7] =	sst s9;
	s0 =	simm.s32 @!p0 $0x0  }
0x12: {  	s1 =	sld [smem:$0x3F9D];
	s0 =	simm.s32 @p0 $0x1  }
0x13: {  	[smem:$0x3FB8] =	sst s0;
	s0 =	simm.s32 @!p1 $0x0  }
0x14: {  	s2 =	sld [smem:$0x3F9C];
	s0 =	simm.s32 @p1 $0x1  }
0x15: {  	[smem:$0x3FB9] =	sst s0;
	s0 =	simm.s32 @!p2 $0x0  }
0x16: {  	s3 =	sld [smem:$0x3FDB];
	s0 =	simm.s32 @p2 $0x1  }
0x17: {  	s4 =	simm.s32 $0x1BF5;
	[smem:$0x3FBB] =	sst s0  }
0x18: {  	s0 =	sld [smem:$0x3F9E];
	_ =	swait.ge [sflag:s4], $0x0  }
0x19: {  	s7 =	sld [smem:$0x3F9F]  }
0x1a: {  	s8 =	sadd.s32 $0xFFFFE003, lr  }
0x1b: {  	s9 =	sadd.s32 $0xFFFFFEF7, lr;
	s5 =	simm.s32 $0xFFFFFFFF;
	p2 =	slt.u32 s8, $0xFFFFF086  }
0x1c: {  	p1 =	slt.u32 s9, $0xF7A;
	s5 =	simm.s32 @!p2 $0x0  }
0x1d: {  	s5 =	simm.s32 @p1 $0x1;
	p0 =	seq.s32 s7, s2  }
0x1e: {  	s7 =	smul.u32 @!p0 $0xF7A, s2;
	p2 =	seq.s32 @!p0 s5, $0x0  }
0x1f: {  	s9 =	smul.u32 $0xF7A, s1;
	s8 =	simm.s32 @!p0 $0x1BF5;
	p2 =	por !p2, p0  }
0x20: {  	[sflag:s8] =	ssyncset.s32 @!p0 $0xFFFFF086;
	s6 =	sadd.s32 @!p0 s3, s7;
	s7 =	simm.s32 @!p0 $0x108  }
0x21: {  	s3 =	sadd.s32 s3, s9;
	s6 =	sadd.s32 @!p0 $0x88, s6;
	s7 =	simm.s32 @p2 $0x1082  }
0x22: {  	[simem:s7], [sflag:s8] =	dma.local @!p0 [hbm:s6], $0xF7A  }
0x23: {  	s9 =	sor.u32 $0xD0000000, s2;
	s6 =	simm.s32 $0x108;
	_ =	swait.ge @!p0 [sflag:s8], $0x0  }
0x24: {  	s3 =	sadd.s32 $0x88, s3;
	s6 =	simm.s32 @!p1 $0x1082;
	[sflag:s4] =	ssyncset.s32 $0xFFFFF086  }
0x25: {  	[simem:s6], [sflag:s4] =	dma.local [hbm:s3], $0xF7A  }
0x26: {  	[smem:$0x3F9F] =	sst s1;
	(tag) =	ssettag s2;
	_ =	strace s9  }
0x27: {  	s1 =	sld [smem:$0x3FAF]  }
0x28: {  	s2 =	sld [smem:$0x3FB0]  }
0x29: {  	s4 =	sld [smem:$0x3FB2]  }
0x2a: {  	p0 =	seq.s32 s5, $0x0;
	s5 =	sld [smem:$0x3FB3]  }
0x2b: {  	s6 =	sld [smem:$0x3FB4]  }
0x2c: {  	s7 =	sld [smem:$0x3FB5]  }
0x2d: {  	s3 =	simm.s32 $0x108;
	s8 =	sld [smem:$0x3FB6]  }
0x2e: {  	s3 =	simm.s32 @!p0 $0x1082;
	s9 =	sld [smem:$0x3FB7]  }
0x2f: {  	lr =	sadd.s32 s0, s3;
	s0 =	sld [smem:$0x3FAE]  }
0x30: {  	s3 =	sld [smem:$0x3FB1]  }
0x31: {  	[smem:$0x3FBA] =	sst s10  }
0x32: {  	s10 =	sld [smem:$0x3FB8];
	_ =	sdelay $0x3  }
0x33: {  	p0 =	seq.s32 s10, $0x1;
	s10 =	sld [smem:$0x3FBA];
	_ =	sdelay $0x3  }
0x34: {  	[smem:$0x3FBA] =	sst s10  }
0x35: {  	s10 =	sld [smem:$0x3FB9];
	_ =	sdelay $0x3  }
0x36: {  	p1 =	seq.s32 s10, $0x1;
	s10 =	sld [smem:$0x3FBA];
	_ =	sdelay $0x3  }
0x37: {  	[smem:$0x3FBA] =	sst s10  }
0x38: {  	s10 =	sld [smem:$0x3FBB]  }
0x39: {  	_ = 	snop;
	(pc) =	sbr.ind lr, $3  }
0x3a: {  	_ = 	snop  }
0x3b: {  	_ = 	snop  }
0x3c: {  	p2 =	seq.s32 s10, $0x1;
	s10 =	sld [smem:$0x3FBA]  }
0x3d: {  	_ =	shalt  }
0x3e: {  	_ =	shalt  }
0x3f: {  	_ =	shalt  }
0x40: {  	_ =	shalt  }
0x41: {  	_ =	shalt  }
0x42: {  	_ =	shalt  }
0x43: {  	_ =	shalt  }
0x44: {  	_ =	shalt  }
0x45: {  	_ =	shalt  }
0x46: {  	_ =	shalt  }
0x47: {  	_ =	shalt  }
0x48: {  	_ =	shalt  }
0x49: {  	_ =	shalt  }
0x4a: {  	_ =	shalt  }
0x4b: {  	_ =	shalt  }
0x4c: {  	_ =	shalt  }
0x4d: {  	_ =	shalt  }
0x4e: {  	_ =	shalt  }
0x4f: {  	_ =	shalt  }
0x50: {  	_ =	shalt  }
0x51: {  	_ =	shalt  }
0x52: {  	_ =	shalt  }
0x53: {  	_ =	shalt  }
0x54: {  	_ =	shalt  }
0x55: {  	_ =	shalt  }
0x56: {  	_ =	shalt  }
0x57: {  	_ =	shalt  }
0x58: {  	_ =	shalt  }
0x59: {  	_ =	shalt  }
0x5a: {  	_ =	shalt  }
0x5b: {  	_ =	shalt  }
0x5c: {  	_ =	shalt  }
0x5d: {  	_ =	shalt  }
0x5e: {  	_ =	shalt  }
0x5f: {  	_ =	shalt  }
0x60: {  	_ =	shalt  }
0x61: {  	_ =	shalt  }
0x62: {  	_ =	shalt  }
0x63: {  	_ =	shalt  }
0x64: {  	_ =	shalt  }
0x65: {  	_ =	shalt  }
0x66: {  	_ =	shalt  }
0x67: {  	_ =	shalt  }
0x68: {  	_ =	shalt  }
0x69: {  	_ =	shalt  }
0x6a: {  	_ =	shalt  }
0x6b: {  	_ =	shalt  }
0x6c: {  	_ =	shalt  }
0x6d: {  	_ =	shalt  }
0x6e: {  	_ =	shalt  }
0x6f: {  	_ =	shalt  }
0x70: {  	_ =	shalt  }
0x71: {  	_ =	shalt  }
0x72: {  	_ =	shalt  }
0x73: {  	_ =	shalt  }
0x74: {  	_ =	shalt  }
0x75: {  	_ =	shalt  }
0x76: {  	_ =	shalt  }
0x77: {  	_ =	shalt  }
0x78: {  	_ =	shalt  }
0x79: {  	_ =	shalt  }
0x7a: {  	_ =	shalt  }
0x7b: {  	_ =	shalt  }
0x7c: {  	_ =	shalt  }
0x7d: {  	_ =	shalt  }
0x7e: {  	_ =	shalt  }
0x7f: {  	_ =	shalt  }
0x80: {  	_ =	shalt  }
0x81: {  	_ =	shalt  }
0x82: {  	_ =	shalt  }
0x83: {  	_ =	shalt  }
0x84: {  	_ =	shalt  }
0x85: {  	_ =	shalt  }
0x86: {  	_ =	shalt  }
0x87: {  	_ =	shalt  }
.Lfunc_end0:
.L_simem_size_0:
called_computation_lowered:
.L_overlay_start_0:
0x88: {  	s2 =	sld [smem:$0x3FD9]  }
0x89: {  	s3 =	sld [smem:$0x3FFE];
	_ =	sdelay $0x1  }
0x8a: {  	s1 =	srdreg.scid  }
0x8b: {  	s0 =	sand.u32 $0x1, s1  }
0x8c: {  	s17 =	sshll.u32 s0, $0xA;
	s2 =	sadd.s32 s3, s2  }
0x8d: {  	s2 =	sadd.s32 s2, s17  }
0x8e: {  	[smem:$0x3FC6] =	sst s2  }
0x8f: {  	_ = 	snop  }
0x90: {  	s2 =	sld [smem:$0x3FC8]  }
0x91: {  	s18 =	sld [smem:$0x3FD0];
	(tm) =	ssettm $0x1  }
0x92: {  	s4 =	sld [smem:$0x3FFB];
	_ =	sdelay $0x3  }
0x93: {  	_ =	strace s4  }
0x94: {  	s4 =	sld [smem:$0x3FFC];
	_ =	sdelay $0x3  }
0x95: {  	_ =	strace s4  }
0x96: {  	s4 =	sld [smem:$0x3FFD];
	_ =	sdelay $0x3  }
0x97: {  	_ =	strace s4  }
0x98: {  	_ =	strace $0x8FFFFFFF  }
0x99: {  	s19 =	sld [smem:$0x3FDB];
	_ =	sdelay $0x1  }
0x9a: {  	s5 =	simm.s32 $_scs_section_size  }
0x9b: {  	s6 =	simm.s32 $_size__tile_overlayer_lowered;
	s7 =	simm.s32 $_tile_overlayer_lowered  }
0x9c: {  	s22 =	simm.s32 $0x1BFF;
	s21 =	sshll.u32 s7, $0x1;
	s4 =	sadd.s32 s5, s19  }
0x9d: {  	s8 =	simm.s32 $0x0;
	s20 =	sshll.u32 s6, $0x1;
	s6 =	sadd.s32 s21, s4  }
0x9e: {  	[timem:s8], [sflag:s22] =	dma.local [hbm:s6], s20  }
0x9f: {  	_ =	swait.ge [sflag:s22], s20  }
0xa0: {  	s5 =	ssub.s32 $0x0, s20;
	[sflag:s22] =	ssyncset.done $0x0  }
0xa1: {  	[sflag:s22] =	ssyncadd.s32 s5;
	_ =	sdelay $0x1  }
0xa2: {  	s23 =	simm.s32 $0x1B8B  }
0xa3: {  	_ =	swait.ge [sflag:s23], $0x1  }
0xa4: {  	[sflag:s23] =	ssyncset.done $0x0  }
0xa5: {  	s25 =	simm.s32 $0x1B8E;
	s24 =	sld [smem:$0x3FFE];
	[sflag:s23] =	ssyncadd.s32 $0xFFFFFFFF  }
0xa6: {  	s26 =	simm.s32 $execute0_lowered;
	[smem:$0x3FD2] =	sst s25  }
0xa7: {  	s6 =	sshll.u32 s26, $0x1;
	_ =	strace $0x80000046;
	[dreg:$0x1] =	wrdreg $0xFFFFFFFF  }
0xa8: {  	s28 =	simm.s32 $_size_execute0_lowered;
	s4 =	sadd.s32 s4, s6;
	[dreg:$0x0] =	wrdreg $0x0  }
0xa9: {  	s6 =	sshll.u32 s28, $0x1;
	[dreg:$0x2] =	wrdreg s4  }
0xaa: {  	[dreg:$0x3] =	wrdreg s6  }
0xab: {  	[dreg:$0x4] =	wrdreg $0xC0  }
0xac: {  	_ =	task [dreg:s8], $0x5FFFF  }
0xad: {  	[dreg:$0x1] =	wrdreg $0xFFFFFFFF  }
0xae: {  	[dreg:$0x0] =	wrdreg $0x60  }
0xaf: {  	[dreg:$0x2] =	wrdreg s24  }
0xb0: {  	[dreg:$0x3] =	wrdreg s2  }
0xb1: {  	[dreg:$0x4] =	wrdreg s18  }
0xb2: {  	[dreg:$0x5] =	wrdreg $0x9  }
0xb3: {  	_ =	task.clear_ibuf [dreg:s8], $0x6FFFF;
	_ =	strace $0x90000046  }
0xb4: {  	s29 =	simm.s32 $0x9;
	_ =	strace $0x80000048  }
0xb5: {  	_ =	swait.ge [sflag:s29], $0x1  }
0xb6: {  	[sflag:s29] =	ssyncadd.s32 $0xFFFFFFFF  }
0xb7: {  	_ =	strace $0x90000048  }
0xb8: {  	_ =	sfence  }
0xb9: {  	s30 =	sld [smem:$0x0];
	_ =	sdelay $0x2  }
0xba: {  	s31 =	sshll.u32 s1, $0xD;
	s1 =	sshrl.u32 s1, $0x2  }
0xbb: {  	s3 =	sand.u32 $0x4000, s31;
	s1 =	sadd.s32 s1, s30  }
0xbc: {  	s0 =	sor.u32 s3, s0;
	s1 =	sshll.u32 s1, $0x11  }
0xbd: {  	s0 =	sor.u32 s1, s0  }
0xbe: {  	s0 =	sadd.s32 $0x8F2B, s0  }
0xbf: {  	[sflag:s0] =	ssyncadd.remote.s32 $0x1  }
0xc0: {  	_ =	sfence.sel $0xFFFF  }
0xc1: {  	[dreg:$0x0] =	wrdreg $0xFFFFFFFF;
	(pc) =	sbr.abs _section_cstart, $3  }
0xc2: {  	[dreg:$0x1] =	wrdreg $0xFFFFFFFF  }
0xc3: {  	_ =	task.clear_ibuf [dreg:s8], $0x2FFFF;
	_ =	strace $0x9FFFFFFF  }
0xc4: {  	(tm) =	ssettm $0x7FFFFFFF  }
0xc5: {  	_ =	shalt  }
tec
execute0_lowered:
.L_overlay_start_1:
0x0: {  	(tag) =	ssettag $0x1  }
0x1: {  	s0 =	rddreg [dreg:$0x0]  }
0x2: {  	s2 =	rddreg [dreg:$0x1];
	s1 =	srdreg.scid  }
0x3: {  	s3 =	stileid.u32;
	s9 =	rddreg [dreg:$0x2];
	s4 =	simm.s32 $0x0  }
0x4: {  	s13 =	simm.s32 $0x2000;
	s21 =	simm.s32 $0x6000;
	s30 =	simm.s32 $0xA000  }
0x5: {  	s18 =	simm.s32 $0x1;
	s19 =	simm.s32 $0xE000;
	s28 =	simm.s32 $0x4  }
0x6: {  	s29 =	simm.s32 $0xA;
	s31 =	simm.s32 $0x7;
	s1 =	sand.u32 $0x1, s1  }
0x7: {  	s3 =	sshll.u32 s3, $0x1;
	[smem:$0x7FF] =	sst s4;
	s6 =	sadd.s32 $0x100, s2  }
0x8: {  	s7 =	sadd.s32 $0x200, s2;
	s8 =	sadd.s32 $0x300, s2;
	s3 =	sor.u32 s1, s3  }
0x9: {  	s1 =	ssub.s32 $0x2, s1;
	_ =	strace $0x80000047;
	s5 =	sshll.u32 s3, $0xA  }
0xa: {  	s23 =	sshrl.u32 s1, $0x1;
	s24 =	sshll.u32 s3, $0x11;
	s25 =	sshll.u32 s3, $0x14  }
.Ltmp0:
0xb: {  	s0 =	sadd.s32 s5, s0;
	s1 =	ssub.s32 s1, s23;
	(pc) =	sbr.rel .LBB2_1-.Ltmp0, $4  }
0xc: {  	s9 =	sadd.s32 s9, s24;
	s10 =	sor.u32 $0x4000, s25;
	s23 =	simm.s32 $0x11800  }
0xd: {  	v2 =	vlaneseq.u32;
	s24 =	simm.s32 $0x2;
	s25 =	simm.s32 $0x12000;
	s0 =	sadd.s32 $0x400, s0  }
0xe: {  	vm0 =	vmmov $0xffff;
	v1 =	vshrl.u32 v2, $0x3;
	s5 =	simm.s32 $0x0;
	s26 =	smax.u32 s1, $0x1;
	[dreg:$0x4] =	wrdreg s0  }
0xf: {  	v0 =	vand.u32 $0x7, v2;
	v2 =	vor.u32 $0x8, v2;
	v1 =	vmul.u32 $0x8, v1;
	s1 =	simm.s32 $0x5;
	[dreg:$0x5] =	wrdreg s26;
	s26 =	simm.s32 $0x3  }
.LBB2_18:
0x10: {  	_ =	swait.ge [sflag:s29], $0x4000  }
0x11: {  	[sflag:s29] =	ssyncset.done $0x0  }
0x12: {  	s0 =	simm.s32 $0x6;
	[sflag:s29] =	ssyncadd.s32 $0xFFFFC000  }
0x13: {  	_ =	swait.ge [sflag:s0], $0x4000  }
0x14: {  	[sflag:s0] =	ssyncset.done $0x0  }
0x15: {  	[sflag:s0] =	ssyncadd.s32 $0xFFFFC000  }
0x16: {  	_ =	swait.ge [sflag:s31], $0x4000  }
0x17: {  	[sflag:s31] =	ssyncset.done $0x0  }
0x18: {  	s20 =	simm.s32 $0x8;
	[sflag:s31] =	ssyncadd.s32 $0xFFFFC000  }
0x19: {  	_ =	swait.ge [sflag:s20], $0x4000  }
0x1a: {  	[sflag:s20] =	ssyncset.done $0x0  }
0x1b: {  	s3 =	simm.s32 $0x9;
	[sflag:s20] =	ssyncadd.s32 $0xFFFFC000  }
0x1c: {  	_ =	swait.ge [sflag:s3], $0x4000  }
0x1d: {  	s5 =	rddreg [dreg:$0x6]  }
0x1e: {  	s22 =	rddreg [dreg:$0x5];
	s5 =	sadd.s32 $0x1, s5  }
0x1f: {  	p0 =	sne.s32 s5, s22  }
.Ltmp1:
0x20: {  	_ = 	snop;
	(pc) =	sbr.rel @!p0 .LBB2_19-.Ltmp1, $3  }
0x21: {  	_ =	sdelay $0x1  }
0x22: {  	[sflag:s3] =	ssyncset.done $0x0  }
0x23: {  	[sflag:s3] =	ssyncadd.s32 $0xFFFFC000  }
.LBB2_1:
0x24: {  	[dreg:$0x6] =	wrdreg s5  }
0x25: {  	s0 =	rddreg [dreg:$0x4];
	s15 =	simm.s32 $0xB  }
0x26: {  	[tilespmem:s4], [sflag:$0xB] =	stream.linear.gather [hbm4b:s0+s4], $0x2000, $0x38;
	[tilespmem:$0x16000] =	vst v63  }
0x27: {  	_ =	swait.ge [sflag:s15], $0x2000  }
0x28: {  	[sflag:s15] =	ssyncset.done $0x0  }
0x29: {  	[sflag:s15] =	ssyncadd.s32 $0xFFFFE000  }
0x2a: {  	v3 =	vld [tilespmem:$0x0];
	_ =	sdelay $0x4  }
0x2b: {  	v4 =	vshll.u32 v3, $0x3  }
0x2c: {  	v3 =	vand.u32 $0x7, v3;
	v4 =	vand.u32 $0xFFFFFFC0, v4  }
0x2d: {  	v3 =	vor.u32 v3, v4  }
0x2e: {  	v4 =	vperm.xlane v3, v0;
	_ =	sdelay $0x1  }
0x2f: {  	v4 =	vadd.s32 v1, v4;
	_ =	sdelay $0x4  }
0x30: {  	[tilespmem:s13], [sflag:$0x1] =	stream.indirect_vreg.gather [hbm4b:s2+s4], $0x80, v4, vm0, $0xb8;
	[tilespmem:$0x16000] =	vst v63  }
0x31: {  	s16 =	simm.s32 $0x2800;
	v3 =	vperm.xlane v3, v2  }
0x32: {  	[tilespmem:s16], [sflag:$0x1] =	stream.indirect_vreg.gather [hbm4b:s6+s4], $0x80, v4, vm0, $0xb8;
	[tilespmem:$0x16000] =	vst v63  }
0x33: {  	s17 =	simm.s32 $0x3000;
	v3 =	vadd.s32 v1, v3  }
0x34: {  	[tilespmem:s17], [sflag:$0x1] =	stream.indirect_vreg.gather [hbm4b:s7+s4], $0x80, v4, vm0, $0xb8;
	[tilespmem:$0x16000] =	vst v63  }
0x35: {  	s20 =	simm.s32 $0x3800  }
0x36: {  	[tilespmem:s20], [sflag:$0x1] =	stream.indirect_vreg.gather [hbm4b:s8+s4], $0x80, v4, vm0, $0xb8;
	[tilespmem:$0x16000] =	vst v63  }
0x37: {  	s22 =	simm.s32 $0x4000  }
0x38: {  	[tilespmem:s22], [sflag:$0x1] =	stream.indirect_vreg.gather [hbm4b:s2+s4], $0x80, v3, vm0, $0xb8;
	[tilespmem:$0x16000] =	vst v63  }
0x39: {  	s3 =	simm.s32 $0x4800  }
0x3a: {  	[tilespmem:s3], [sflag:$0x1] =	stream.indirect_vreg.gather [hbm4b:s6+s4], $0x80, v3, vm0, $0xb8;
	[tilespmem:$0x16000] =	vst v63  }
0x3b: {  	s5 =	simm.s32 $0x5000  }
0x3c: {  	[tilespmem:s5], [sflag:$0x1] =	stream.indirect_vreg.gather [hbm4b:s7+s4], $0x80, v3, vm0, $0xb8;
	[tilespmem:$0x16000] =	vst v63  }
0x3d: {  	s11 =	simm.s32 $0x5800  }
0x3e: {  	[tilespmem:s11], [sflag:$0x1] =	stream.indirect_vreg.gather [hbm4b:s8+s4], $0x80, v3, vm0, $0xb8;
	[tilespmem:$0x16000] =	vst v63  }
0x3f: {  	v3 =	vld [tilespmem:$0x80];
	_ =	sdelay $0x4  }
0x40: {  	v63 =	vshll.u32 v3, $0x3  }
0x41: {  	v3 =	vand.u32 $0x7, v3;
	v4 =	vand.u32 $0xFFFFFFC0, v63  }
0x42: {  	v3 =	vor.u32 v3, v4  }
0x43: {  	v4 =	vperm.xlane v3, v0;
	_ =	sdelay $0x1  }
0x44: {  	v4 =	vadd.s32 v1, v4;
	_ =	sdelay $0x4  }
0x45: {  	[tilespmem:s21], [sflag:$0x2] =	stream.indirect_vreg.gather [hbm4b:s2+s4], $0x80, v4, vm0, $0xb8;
	[tilespmem:$0x16000] =	vst v63  }
0x46: {  	s12 =	simm.s32 $0x6800;
	v3 =	vperm.xlane v3, v2  }
0x47: {  	[tilespmem:s12], [sflag:$0x2] =	stream.indirect_vreg.gather [hbm4b:s6+s4], $0x80, v4, vm0, $0xb8;
	[tilespmem:$0x16000] =	vst v63  }
0x48: {  	s14 =	simm.s32 $0x7000;
	v3 =	vadd.s32 v1, v3  }
0x49: {  	[tilespmem:s14], [sflag:$0x2] =	stream.indirect_vreg.gather [hbm4b:s7+s4], $0x80, v4, vm0, $0xb8;
	[tilespmem:$0x16000] =	vst v63  }
0x4a: {  	s15 =	simm.s32 $0x7800  }
0x4b: {  	[tilespmem:s15], [sflag:$0x2] =	stream.indirect_vreg.gather [hbm4b:s8+s4], $0x80, v4, vm0, $0xb8;
	[tilespmem:$0x16000] =	vst v63  }
0x4c: {  	s16 =	simm.s32 $0x8000  }
0x4d: {  	[tilespmem:s16], [sflag:$0x2] =	stream.indirect_vreg.gather [hbm4b:s2+s4], $0x80, v3, vm0, $0xb8;
	[tilespmem:$0x16000] =	vst v63  }
0x4e: {  	s17 =	simm.s32 $0x8800  }
0x4f: {  	[tilespmem:s17], [sflag:$0x2] =	stream.indirect_vreg.gather [hbm4b:s6+s4], $0x80, v3, vm0, $0xb8;
	[tilespmem:$0x16000] =	vst v63  }
0x50: {  	s20 =	simm.s32 $0x9000  }
0x51: {  	[tilespmem:s20], [sflag:$0x2] =	stream.indirect_vreg.gather [hbm4b:s7+s4], $0x80, v3, vm0, $0xb8;
	[tilespmem:$0x16000] =	vst v63  }
0x52: {  	s0 =	simm.s32 $0x0;
	s22 =	simm.s32 $0x9800  }
0x53: {  	[tilespmem:s22], [sflag:$0x2] =	stream.indirect_vreg.gather [hbm4b:s8+s4], $0x80, v3, vm0, $0xb8;
	[tilespmem:$0x16000] =	vst v63  }
.LBB2_2:
0x54: {  	s14 =	smul.u32 $0x5, s0;
	p0 =	seq.s32 s0, $0x0  }
0x55: {  	s5 =	simm.s32 @!p0 $0x8  }
0x56: {  	s16 =	sadd.s32 $0x2, s14;
	_ =	swait.ge @!p0 [sflag:s5], $0x4000  }
0x57: {  	[sflag:s5] =	ssyncset.done @!p0 $0x0;
	s11 =	sshll.u32 s16, $0x7  }
0x58: {  	[sflag:s5] =	ssyncadd.s32 @!p0 $0xFFFFC000;
	s3 =	sand.u32 $0x3FFFFF80, s11  }
0x59: {  	v3 =	vld [tilespmem:s3+$0x0];
	_ =	sdelay $0x4  }
0x5a: {  	v4 =	vshll.u32 v3, $0x3  }
0x5b: {  	v3 =	vand.u32 $0x7, v3;
	v4 =	vand.u32 $0xFFFFFFC0, v4  }
0x5c: {  	v3 =	vor.u32 v3, v4  }
0x5d: {  	v4 =	vperm.xlane v3, v0;
	_ =	sdelay $0x1  }
0x5e: {  	v4 =	vadd.s32 v1, v4;
	_ =	sdelay $0x3  }
0x5f: {  	s15 =	simm.s32 $0x0  }
0x60: {  	[tilespmem:s30], [sflag:$0x3] =	stream.indirect_vreg.gather [hbm4b:s2+s15], $0x80, v4, vm0, $0xb8;
	[tilespmem:$0x16000] =	vst v63  }
0x61: {  	s3 =	simm.s32 $0xA800;
	v3 =	vperm.xlane v3, v2  }
0x62: {  	[tilespmem:s3], [sflag:$0x3] =	stream.indirect_vreg.gather [hbm4b:s6+s15], $0x80, v4, vm0, $0xb8;
	[tilespmem:$0x16000] =	vst v63  }
0x63: {  	s5 =	simm.s32 $0xB000;
	v3 =	vadd.s32 v1, v3  }
0x64: {  	[tilespmem:s5], [sflag:$0x3] =	stream.indirect_vreg.gather [hbm4b:s7+s15], $0x80, v4, vm0, $0xb8;
	[tilespmem:$0x16000] =	vst v63  }
0x65: {  	s11 =	simm.s32 $0xB800  }
0x66: {  	[tilespmem:s11], [sflag:$0x3] =	stream.indirect_vreg.gather [hbm4b:s8+s15], $0x80, v4, vm0, $0xb8;
	[tilespmem:$0x16000] =	vst v63  }
0x67: {  	s12 =	simm.s32 $0xC000  }
0x68: {  	[tilespmem:s12], [sflag:$0x3] =	stream.indirect_vreg.gather [hbm4b:s2+s15], $0x80, v3, vm0, $0xb8;
	[tilespmem:$0x16000] =	vst v63  }
0x69: {  	s17 =	simm.s32 $0xC800  }
0x6a: {  	[tilespmem:s17], [sflag:$0x3] =	stream.indirect_vreg.gather [hbm4b:s6+s15], $0x80, v3, vm0, $0xb8;
	[tilespmem:$0x16000] =	vst v63  }
0x6b: {  	s20 =	simm.s32 $0xD000  }
0x6c: {  	[tilespmem:s20], [sflag:$0x3] =	stream.indirect_vreg.gather [hbm4b:s7+s15], $0x80, v3, vm0, $0xb8;
	[tilespmem:$0x16000] =	vst v63  }
0x6d: {  	s22 =	simm.s32 $0xD800  }
0x6e: {  	[tilespmem:s22], [sflag:$0x3] =	stream.indirect_vreg.gather [hbm4b:s8+s15], $0x80, v3, vm0, $0xb8;
	[tilespmem:$0x16000] =	vst v63  }
0x6f: {  	_ =	swait.ge [sflag:s18], $0x4000  }
0x70: {  	s5 =	simm.s32 $0x0;
	[sflag:s18] =	ssyncset.done $0x0  }
0x71: {  	s17 =	simm.s32 $0xFFFFC000;
	s20 =	simm.s32 $0x0;
	[sflag:s18] =	ssyncadd.s32 $0xFFFFC000  }
.LBB2_3:
0x72: {  	s11 =	sadd.s32 $0x4000, s17  }
0x73: {  	s12 =	sand.u32 $0x380, s5;
	s11 =	sand.u32 $0x2000, s11  }
0x74: {  	s11 =	sor.u32 s12, s11  }
0x75: {  	v3 =	vld [tilespmem:s11+$0x2000]  }
0x76: {  	v4 =	vld [tilespmem:s11+$0x2010]  }
0x77: {  	v6 =	vld [tilespmem:s11+$0x2030]  }
0x78: {  	v8 =	vld [tilespmem:s11+$0x2060]  }
0x79: {  	v5 =	vld [tilespmem:s11+$0x2020]  }
0x7a: {  	v43 =	vld [tilespmem:s11+$0x2400];
	v3 =	vmul.f32 $3.200000000e+01, v3  }
0x7b: {  	v7 =	vld [tilespmem:s11+$0x2050];
	v4 =	vmul.f32 $3.200000000e+01, v4  }
0x7c: {  	v46 =	vld [tilespmem:s11+$0x2420];
	v44 =	vmul.f32 $3.200000000e+01, v6;
	[tilespmem:s11+$0x2000] =	vst v3  }
0x7d: {  	v9 =	vld [tilespmem:s11+$0x2070];
	v47 =	vmul.f32 $3.200000000e+01, v8;
	[tilespmem:s11+$0x2010] =	vst v4  }
0x7e: {  	v49 =	vld [tilespmem:s11+$0x2450];
	v3 =	vmul.f32 $3.200000000e+01, v5;
	[tilespmem:s11+$0x2030] =	vst v44  }
0x7f: {  	v45 =	vld [tilespmem:s11+$0x2410];
	v50 =	vmul.f32 $3.200000000e+01, v43;
	[tilespmem:s11+$0x2060] =	vst v47  }
0x80: {  	v52 =	vld [tilespmem:s11+$0x2470];
	[tilespmem:s11+$0x2020] =	vst v3;
	v3 =	vmul.f32 $3.200000000e+01, v7  }
0x81: {  	v48 =	vld [tilespmem:s11+$0x2430];
	v53 =	vmul.f32 $3.200000000e+01, v46;
	[tilespmem:s11+$0x2400] =	vst v50  }
0x82: {  	v55 =	vld [tilespmem:s11+$0x2810];
	[tilespmem:s11+$0x2050] =	vst v3;
	v3 =	vmul.f32 $3.200000000e+01, v9  }
0x83: {  	v51 =	vld [tilespmem:s11+$0x2460];
	v56 =	vmul.f32 $3.200000000e+01, v49;
	[tilespmem:s11+$0x2420] =	vst v53  }
0x84: {  	v58 =	vld [tilespmem:s11+$0x2830];
	[tilespmem:s11+$0x2070] =	vst v3;
	v3 =	vmul.f32 $3.200000000e+01, v45  }
0x85: {  	v54 =	vld [tilespmem:s11+$0x2800];
	v59 =	vmul.f32 $3.200000000e+01, v52;
	[tilespmem:s11+$0x2450] =	vst v56  }
0x86: {  	v61 =	vld [tilespmem:s11+$0x2860];
	[tilespmem:s11+$0x2410] =	vst v3;
	v3 =	vmul.f32 $3.200000000e+01, v48  }
0x87: {  	v57 =	vld [tilespmem:s11+$0x2820];
	v62 =	vmul.f32 $3.200000000e+01, v55;
	[tilespmem:s11+$0x2470] =	vst v59  }
0x88: {  	v12 =	vld [tilespmem:s11+$0x2C00];
	[tilespmem:s11+$0x2430] =	vst v3;
	v3 =	vmul.f32 $3.200000000e+01, v51  }
0x89: {  	v60 =	vld [tilespmem:s11+$0x2850];
	v13 =	vmul.f32 $3.200000000e+01, v58;
	[tilespmem:s11+$0x2810] =	vst v62  }
0x8a: {  	v15 =	vld [tilespmem:s11+$0x2C20];
	[tilespmem:s11+$0x2460] =	vst v3;
	v3 =	vmul.f32 $3.200000000e+01, v54  }
0x8b: {  	v63 =	vld [tilespmem:s11+$0x2870];
	v16 =	vmul.f32 $3.200000000e+01, v61;
	[tilespmem:s11+$0x2830] =	vst v13  }
0x8c: {  	v18 =	vld [tilespmem:s11+$0x2C50];
	[tilespmem:s11+$0x2800] =	vst v3;
	v3 =	vmul.f32 $3.200000000e+01, v57  }
0x8d: {  	v14 =	vld [tilespmem:s11+$0x2C10];
	v19 =	vmul.f32 $3.200000000e+01, v12;
	[tilespmem:s11+$0x2860] =	vst v16  }
0x8e: {  	v21 =	vld [tilespmem:s11+$0x2C70];
	[tilespmem:s11+$0x2820] =	vst v3;
	v3 =	vmul.f32 $3.200000000e+01, v60  }
0x8f: {  	v17 =	vld [tilespmem:s11+$0x2C30];
	v22 =	vmul.f32 $3.200000000e+01, v15;
	[tilespmem:s11+$0x2C00] =	vst v19  }
0x90: {  	v24 =	vld [tilespmem:s11+$0x3010];
	[tilespmem:s11+$0x2850] =	vst v3;
	v3 =	vmul.f32 $3.200000000e+01, v63  }
0x91: {  	v20 =	vld [tilespmem:s11+$0x2C60];
	v25 =	vmul.f32 $3.200000000e+01, v18;
	[tilespmem:s11+$0x2C20] =	vst v22  }
0x92: {  	v27 =	vld [tilespmem:s11+$0x3030];
	[tilespmem:s11+$0x2870] =	vst v3;
	v3 =	vmul.f32 $3.200000000e+01, v14  }
0x93: {  	v23 =	vld [tilespmem:s11+$0x3000];
	v28 =	vmul.f32 $3.200000000e+01, v21;
	[tilespmem:s11+$0x2C50] =	vst v25  }
0x94: {  	v30 =	vld [tilespmem:s11+$0x3060];
	[tilespmem:s11+$0x2C10] =	vst v3;
	v3 =	vmul.f32 $3.200000000e+01, v17  }
0x95: {  	v26 =	vld [tilespmem:s11+$0x3020];
	v31 =	vmul.f32 $3.200000000e+01, v24;
	[tilespmem:s11+$0x2C70] =	vst v28  }
0x96: {  	v33 =	vld [tilespmem:s11+$0x3400];
	[tilespmem:s11+$0x2C30] =	vst v3;
	v3 =	vmul.f32 $3.200000000e+01, v20  }
0x97: {  	v29 =	vld [tilespmem:s11+$0x3050];
	v34 =	vmul.f32 $3.200000000e+01, v27;
	[tilespmem:s11+$0x3010] =	vst v31  }
0x98: {  	v36 =	vld [tilespmem:s11+$0x3420];
	[tilespmem:s11+$0x2C60] =	vst v3;
	v3 =	vmul.f32 $3.200000000e+01, v23  }
0x99: {  	v32 =	vld [tilespmem:s11+$0x3070];
	v37 =	vmul.f32 $3.200000000e+01, v30;
	[tilespmem:s11+$0x3030] =	vst v34  }
0x9a: {  	v39 =	vld [tilespmem:s11+$0x3450];
	[tilespmem:s11+$0x3000] =	vst v3;
	v3 =	vmul.f32 $3.200000000e+01, v26  }
0x9b: {  	v35 =	vld [tilespmem:s11+$0x3410];
	v40 =	vmul.f32 $3.200000000e+01, v33;
	[tilespmem:s11+$0x3060] =	vst v37  }
0x9c: {  	v42 =	vld [tilespmem:s11+$0x3470];
	[tilespmem:s11+$0x3020] =	vst v3;
	v3 =	vmul.f32 $3.200000000e+01, v29  }
0x9d: {  	v38 =	vld [tilespmem:s11+$0x3430];
	v43 =	vmul.f32 $3.200000000e+01, v36;
	[tilespmem:s11+$0x3400] =	vst v40  }
0x9e: {  	v47 =	vld [tilespmem:s11+$0x3820];
	[tilespmem:s11+$0x3050] =	vst v3;
	v3 =	vmul.f32 $3.200000000e+01, v32  }
0x9f: {  	v41 =	vld [tilespmem:s11+$0x3460];
	v46 =	vmul.f32 $3.200000000e+01, v39;
	[tilespmem:s11+$0x3420] =	vst v43  }
0xa0: {  	v50 =	vld [tilespmem:s11+$0x3850];
	[tilespmem:s11+$0x3070] =	vst v3;
	v3 =	vmul.f32 $3.200000000e+01, v35  }
0xa1: {  	v49 =	vmul.f32 $3.200000000e+01, v42;
	v44 =	vld [tilespmem:s11+$0x3800];
	[tilespmem:s11+$0x3450] =	vst v46  }
0xa2: {  	v53 =	vld [tilespmem:s11+$0x3870];
	[tilespmem:s11+$0x3410] =	vst v3;
	v3 =	vmul.f32 $3.200000000e+01, v38  }
0xa3: {  	[tilespmem:s11+$0x3470] =	vst v49;
	v7 =	vmul.f32 $3.200000000e+01, v47;
	v45 =	vld [tilespmem:s11+$0x3810]  }
0xa4: {  	v48 =	vld [tilespmem:s11+$0x3830];
	[tilespmem:s11+$0x3430] =	vst v3;
	v3 =	vmul.f32 $3.200000000e+01, v41  }
0xa5: {  	v9 =	vmul.f32 $3.200000000e+01, v50;
	[tilespmem:s11+$0x3820] =	vst v7;
	v51 =	vld [tilespmem:s11+$0x3860]  }
0xa6: {  	[tilespmem:s11+$0x3460] =	vst v3;
	v3 =	vmul.f32 $3.200000000e+01, v44  }
0xa7: {  	v58 =	vld [tilespmem:s11+$0x3440];
	v6 =	vmul.f32 $3.200000000e+01, v53;
	[tilespmem:s11+$0x3850] =	vst v9  }
0xa8: {  	v52 =	vmul.f32 $3.200000000e+01, v45;
	[tilespmem:s11+$0x3800] =	vst v3;
	v3 =	vld [tilespmem:s11+$0x2040]  }
0xa9: {  	s3 =	sand.u32 $0x7, s15;
	v56 =	vld [tilespmem:s11+$0x2C40];
	[tilespmem:s11+$0x3870] =	vst v6;
	v8 =	vmul.f32 $3.200000000e+01, v48  }
0xaa: {  	s12 =	sshll.u32 s3, $0x7;
	v55 =	vld [tilespmem:s11+$0x2840];
	[tilespmem:s11+$0x3810] =	vst v52;
	v5 =	vmul.f32 $3.200000000e+01, v51  }
0xab: {  	s12 =	sadd.s32 s12, s20;
	v54 =	vld [tilespmem:s11+$0x2440];
	[tilespmem:s11+$0x3830] =	vst v8  }
0xac: {  	s3 =	sor.u32 $0x1C00, s12;
	v62 =	vmul.f32 $3.200000000e+01, v58;
	v57 =	vld [tilespmem:s11+$0x3040];
	[tilespmem:s11+$0x3860] =	vst v5  }
0xad: {  	v60 =	vld [tilespmem:s3+$0x2000];
	v3 =	vmul.f32 $3.200000000e+01, v3  }
0xae: {  	v59 =	vld [tilespmem:s11+$0x3840];
	v61 =	vmul.f32 $3.200000000e+01, v56;
	[tilespmem:s11+$0x3440] =	vst v62  }
0xaf: {  	[tilespmem:s11+$0x2040] =	vst v3;
	v3 =	vmul.f32 $3.200000000e+01, v55  }
0xb0: {  	[tilespmem:s11+$0x2C40] =	vst v61;
	v4 =	vmul.f32 $3.200000000e+01, v54  }
0xb1: {  	[tilespmem:s11+$0x2840] =	vst v3;
	v3 =	vmul.f32 $3.200000000e+01, v57  }
0xb2: {  	[tilespmem:s11+$0x2440] =	vst v4;
	v63 =	vmul.f32 $3.200000000e+01, v60  }
0xb3: {  	[tilespmem:s11+$0x3040] =	vst v3;
	v3 =	vmul.f32 $3.200000000e+01, v59  }
0xb4: {  	[tilespmem:s3+$0x2000] =	vst v63  }
0xb5: {  	s22 =	sor.u32 $0x1C10, s12;
	[tilespmem:s11+$0x3840] =	vst v3  }
0xb6: {  	v3 =	vld [tilespmem:s22+$0x2000];
	_ =	sdelay $0x4  }
0xb7: {  	v3 =	vmul.f32 $3.200000000e+01, v3;
	_ =	sdelay $0x1  }
0xb8: {  	s11 =	sor.u32 $0x1C20, s12;
	[tilespmem:s22+$0x2000] =	vst v3  }
0xb9: {  	v3 =	vld [tilespmem:s11+$0x2000];
	_ =	sdelay $0x4  }
0xba: {  	v3 =	vmul.f32 $3.200000000e+01, v3;
	_ =	sdelay $0x1  }
0xbb: {  	s22 =	sor.u32 $0x1C30, s12;
	[tilespmem:s11+$0x2000] =	vst v3  }
0xbc: {  	v3 =	vld [tilespmem:s22+$0x2000];
	_ =	sdelay $0x4  }
0xbd: {  	v3 =	vmul.f32 $3.200000000e+01, v3;
	_ =	sdelay $0x1  }
0xbe: {  	s11 =	sor.u32 $0x1C40, s12;
	[tilespmem:s22+$0x2000] =	vst v3  }
0xbf: {  	v3 =	vld [tilespmem:s11+$0x2000];
	_ =	sdelay $0x4  }
0xc0: {  	v3 =	vmul.f32 $3.200000000e+01, v3;
	_ =	sdelay $0x1  }
0xc1: {  	s22 =	sor.u32 $0x1C50, s12;
	[tilespmem:s11+$0x2000] =	vst v3  }
0xc2: {  	v3 =	vld [tilespmem:s22+$0x2000];
	_ =	sdelay $0x4  }
0xc3: {  	v3 =	vmul.f32 $3.200000000e+01, v3;
	_ =	sdelay $0x1  }
0xc4: {  	s11 =	sor.u32 $0x1C60, s12;
	[tilespmem:s22+$0x2000] =	vst v3  }
0xc5: {  	v3 =	vld [tilespmem:s11+$0x2000];
	_ =	sdelay $0x4  }
0xc6: {  	v3 =	vmul.f32 $3.200000000e+01, v3;
	_ =	sdelay $0x1  }
0xc7: {  	s22 =	sor.u32 $0x1C70, s12;
	[tilespmem:s11+$0x2000] =	vst v3  }
0xc8: {  	v3 =	vld [tilespmem:s22+$0x2000];
	_ =	sdelay $0x1  }
0xc9: {  	p1 =	sne.s32 s5, $0x780  }
.Ltmp2:
0xca: {  	_ = 	snop;
	(pc) =	sbr.rel @p1 .LBB2_3-.Ltmp2, $4  }
0xcb: {  	_ = 	snop  }
0xcc: {  	v3 =	vmul.f32 $3.200000000e+01, v3  }
0xcd: {  	s15 =	sadd.s32 $0x1, s15  }
0xce: {  	s17 =	sadd.s32 $0x400, s17;
	s5 =	sadd.s32 $0x80, s5;
	s20 =	sadd.s32 $0x400, s20;
	[tilespmem:s22+$0x2000] =	vst v3  }
0xcf: {  	s3 =	smul.u32 $0x2800, s0;
	_ =	sdelay $0x1  }
0xd0: {  	s3 =	sadd.s32 s3, s9  }
0xd1: {  	[hbm4b:s3+s4] =	stream.linear.scatter [tilespmem:s13], [sflag:$0x6], $0x4000, $0x38;
	[tilespmem:$0x16000] =	vst v63  }
0xd2: {  	s3 =	simm.s32 @!p0 $0x9  }
0xd3: {  	s15 =	sadd.s32 $0x3, s14;
	_ =	swait.ge @!p0 [sflag:s3], $0x4000  }
0xd4: {  	s5 =	sshll.u32 s15, $0x7;
	[sflag:s3] =	ssyncset.done @!p0 $0x0  }
0xd5: {  	s20 =	sand.u32 $0x3FFFFF80, s5;
	[sflag:s3] =	ssyncadd.s32 @!p0 $0xFFFFC000  }
0xd6: {  	v3 =	vld [tilespmem:s20+$0x0];
	_ =	sdelay $0x4  }
0xd7: {  	v4 =	vshll.u32 v3, $0x3  }
0xd8: {  	v3 =	vand.u32 $0x7, v3;
	v4 =	vand.u32 $0xFFFFFFC0, v4  }
0xd9: {  	v3 =	vor.u32 v3, v4  }
0xda: {  	v4 =	vperm.xlane v3, v0;
	_ =	sdelay $0x1  }
0xdb: {  	v4 =	vadd.s32 v1, v4;
	_ =	sdelay $0x3  }
0xdc: {  	s17 =	simm.s32 $0x0  }
0xdd: {  	[tilespmem:s19], [sflag:$0x4] =	stream.indirect_vreg.gather [hbm4b:s2+s17], $0x80, v4, vm0, $0xb8;
	[tilespmem:$0x16000] =	vst v63  }
0xde: {  	s22 =	simm.s32 $0xE800;
	v3 =	vperm.xlane v3, v2  }
0xdf: {  	[tilespmem:s22], [sflag:$0x4] =	stream.indirect_vreg.gather [hbm4b:s6+s17], $0x80, v4, vm0, $0xb8;
	[tilespmem:$0x16000] =	vst v63  }
0xe0: {  	s5 =	simm.s32 $0xF000;
	v3 =	vadd.s32 v1, v3  }
0xe1: {  	[tilespmem:s5], [sflag:$0x4] =	stream.indirect_vreg.gather [hbm4b:s7+s17], $0x80, v4, vm0, $0xb8;
	[tilespmem:$0x16000] =	vst v63  }
0xe2: {  	s11 =	simm.s32 $0xF800  }
0xe3: {  	[tilespmem:s11], [sflag:$0x4] =	stream.indirect_vreg.gather [hbm4b:s8+s17], $0x80, v4, vm0, $0xb8;
	[tilespmem:$0x16000] =	vst v63  }
0xe4: {  	s12 =	simm.s32 $0x10000  }
0xe5: {  	[tilespmem:s12], [sflag:$0x4] =	stream.indirect_vreg.gather [hbm4b:s2+s17], $0x80, v3, vm0, $0xb8;
	[tilespmem:$0x16000] =	vst v63  }
0xe6: {  	s20 =	simm.s32 $0x10800  }
0xe7: {  	[tilespmem:s20], [sflag:$0x4] =	stream.indirect_vreg.gather [hbm4b:s6+s17], $0x80, v3, vm0, $0xb8;
	[tilespmem:$0x16000] =	vst v63  }
0xe8: {  	s22 =	simm.s32 $0x11000  }
0xe9: {  	[tilespmem:s22], [sflag:$0x4] =	stream.indirect_vreg.gather [hbm4b:s7+s17], $0x80, v3, vm0, $0xb8;
	[tilespmem:$0x16000] =	vst v63  }
0xea: {  	_ = 	snop  }
0xeb: {  	[tilespmem:s23], [sflag:$0x4] =	stream.indirect_vreg.gather [hbm4b:s8+s17], $0x80, v3, vm0, $0xb8;
	[tilespmem:$0x16000] =	vst v63  }
0xec: {  	_ =	swait.ge [sflag:s24], $0x4000  }
0xed: {  	s5 =	simm.s32 $0x0;
	[sflag:s24] =	ssyncset.done $0x0  }
0xee: {  	s11 =	simm.s32 $0x0;
	s20 =	simm.s32 $0xFFFFC000;
	[sflag:s24] =	ssyncadd.s32 $0xFFFFC000  }
.LBB2_5:
0xef: {  	s3 =	sadd.s32 $0x4000, s20  }
0xf0: {  	s12 =	sand.u32 $0x380, s11;
	s3 =	sand.u32 $0x2000, s3  }
0xf1: {  	s12 =	sor.u32 s12, s3  }
0xf2: {  	v3 =	vld [tilespmem:s12+$0x6000]  }
0xf3: {  	v4 =	vld [tilespmem:s12+$0x6010]  }
0xf4: {  	v6 =	vld [tilespmem:s12+$0x6030]  }
0xf5: {  	v8 =	vld [tilespmem:s12+$0x6060]  }
0xf6: {  	v5 =	vld [tilespmem:s12+$0x6020]  }
0xf7: {  	v43 =	vld [tilespmem:s12+$0x6400];
	v3 =	vmul.f32 $3.200000000e+01, v3  }
0xf8: {  	v7 =	vld [tilespmem:s12+$0x6050];
	v4 =	vmul.f32 $3.200000000e+01, v4  }
0xf9: {  	v46 =	vld [tilespmem:s12+$0x6420];
	v44 =	vmul.f32 $3.200000000e+01, v6;
	[tilespmem:s12+$0x6000] =	vst v3  }
0xfa: {  	v9 =	vld [tilespmem:s12+$0x6070];
	v47 =	vmul.f32 $3.200000000e+01, v8;
	[tilespmem:s12+$0x6010] =	vst v4  }
0xfb: {  	v49 =	vld [tilespmem:s12+$0x6450];
	v3 =	vmul.f32 $3.200000000e+01, v5;
	[tilespmem:s12+$0x6030] =	vst v44  }
0xfc: {  	v45 =	vld [tilespmem:s12+$0x6410];
	v50 =	vmul.f32 $3.200000000e+01, v43;
	[tilespmem:s12+$0x6060] =	vst v47  }
0xfd: {  	v52 =	vld [tilespmem:s12+$0x6470];
	[tilespmem:s12+$0x6020] =	vst v3;
	v3 =	vmul.f32 $3.200000000e+01, v7  }
0xfe: {  	v48 =	vld [tilespmem:s12+$0x6430];
	v53 =	vmul.f32 $3.200000000e+01, v46;
	[tilespmem:s12+$0x6400] =	vst v50  }
0xff: {  	v55 =	vld [tilespmem:s12+$0x6810];
	[tilespmem:s12+$0x6050] =	vst v3;
	v3 =	vmul.f32 $3.200000000e+01, v9  }
0x100: {  	v51 =	vld [tilespmem:s12+$0x6460];
	v56 =	vmul.f32 $3.200000000e+01, v49;
	[tilespmem:s12+$0x6420] =	vst v53  }
0x101: {  	v58 =	vld [tilespmem:s12+$0x6830];
	[tilespmem:s12+$0x6070] =	vst v3;
	v3 =	vmul.f32 $3.200000000e+01, v45  }
0x102: {  	v54 =	vld [tilespmem:s12+$0x6800];
	v59 =	vmul.f32 $3.200000000e+01, v52;
	[tilespmem:s12+$0x6450] =	vst v56  }
0x103: {  	v61 =	vld [tilespmem:s12+$0x6860];
	[tilespmem:s12+$0x6410] =	vst v3;
	v3 =	vmul.f32 $3.200000000e+01, v48  }
0x104: {  	v57 =	vld [tilespmem:s12+$0x6820];
	v62 =	vmul.f32 $3.200000000e+01, v55;
	[tilespmem:s12+$0x6470] =	vst v59  }
0x105: {  	v12 =	vld [tilespmem:s12+$0x6C00];
	[tilespmem:s12+$0x6430] =	vst v3;
	v3 =	vmul.f32 $3.200000000e+01, v51  }
0x106: {  	v60 =	vld [tilespmem:s12+$0x6850];
	v13 =	vmul.f32 $3.200000000e+01, v58;
	[tilespmem:s12+$0x6810] =	vst v62  }
0x107: {  	v15 =	vld [tilespmem:s12+$0x6C20];
	[tilespmem:s12+$0x6460] =	vst v3;
	v3 =	vmul.f32 $3.200000000e+01, v54  }
0x108: {  	v63 =	vld [tilespmem:s12+$0x6870];
	v16 =	vmul.f32 $3.200000000e+01, v61;
	[tilespmem:s12+$0x6830] =	vst v13  }
0x109: {  	v18 =	vld [tilespmem:s12+$0x6C50];
	[tilespmem:s12+$0x6800] =	vst v3;
	v3 =	vmul.f32 $3.200000000e+01, v57  }
0x10a: {  	v14 =	vld [tilespmem:s12+$0x6C10];
	v19 =	vmul.f32 $3.200000000e+01, v12;
	[tilespmem:s12+$0x6860] =	vst v16  }
0x10b: {  	v21 =	vld [tilespmem:s12+$0x6C70];
	[tilespmem:s12+$0x6820] =	vst v3;
	v3 =	vmul.f32 $3.200000000e+01, v60  }
0x10c: {  	v17 =	vld [tilespmem:s12+$0x6C30];
	v22 =	vmul.f32 $3.200000000e+01, v15;
	[tilespmem:s12+$0x6C00] =	vst v19  }
0x10d: {  	v24 =	vld [tilespmem:s12+$0x7010];
	[tilespmem:s12+$0x6850] =	vst v3;
	v3 =	vmul.f32 $3.200000000e+01, v63  }
0x10e: {  	v20 =	vld [tilespmem:s12+$0x6C60];
	v25 =	vmul.f32 $3.200000000e+01, v18;
	[tilespmem:s12+$0x6C20] =	vst v22  }
0x10f: {  	v27 =	vld [tilespmem:s12+$0x7030];
	[tilespmem:s12+$0x6870] =	vst v3;
	v3 =	vmul.f32 $3.200000000e+01, v14  }
0x110: {  	v23 =	vld [tilespmem:s12+$0x7000];
	v28 =	vmul.f32 $3.200000000e+01, v21;
	[tilespmem:s12+$0x6C50] =	vst v25  }
0x111: {  	v30 =	vld [tilespmem:s12+$0x7060];
	[tilespmem:s12+$0x6C10] =	vst v3;
	v3 =	vmul.f32 $3.200000000e+01, v17  }
0x112: {  	v26 =	vld [tilespmem:s12+$0x7020];
	v31 =	vmul.f32 $3.200000000e+01, v24;
	[tilespmem:s12+$0x6C70] =	vst v28  }
0x113: {  	v33 =	vld [tilespmem:s12+$0x7400];
	[tilespmem:s12+$0x6C30] =	vst v3;
	v3 =	vmul.f32 $3.200000000e+01, v20  }
0x114: {  	v29 =	vld [tilespmem:s12+$0x7050];
	v34 =	vmul.f32 $3.200000000e+01, v27;
	[tilespmem:s12+$0x7010] =	vst v31  }
0x115: {  	v36 =	vld [tilespmem:s12+$0x7420];
	[tilespmem:s12+$0x6C60] =	vst v3;
	v3 =	vmul.f32 $3.200000000e+01, v23  }
0x116: {  	v32 =	vld [tilespmem:s12+$0x7070];
	v37 =	vmul.f32 $3.200000000e+01, v30;
	[tilespmem:s12+$0x7030] =	vst v34  }
0x117: {  	v39 =	vld [tilespmem:s12+$0x7450];
	[tilespmem:s12+$0x7000] =	vst v3;
	v3 =	vmul.f32 $3.200000000e+01, v26  }
0x118: {  	v35 =	vld [tilespmem:s12+$0x7410];
	v40 =	vmul.f32 $3.200000000e+01, v33;
	[tilespmem:s12+$0x7060] =	vst v37  }
0x119: {  	v42 =	vld [tilespmem:s12+$0x7470];
	[tilespmem:s12+$0x7020] =	vst v3;
	v3 =	vmul.f32 $3.200000000e+01, v29  }
0x11a: {  	v38 =	vld [tilespmem:s12+$0x7430];
	v43 =	vmul.f32 $3.200000000e+01, v36;
	[tilespmem:s12+$0x7400] =	vst v40  }
0x11b: {  	v47 =	vld [tilespmem:s12+$0x7820];
	[tilespmem:s12+$0x7050] =	vst v3;
	v3 =	vmul.f32 $3.200000000e+01, v32  }
0x11c: {  	v41 =	vld [tilespmem:s12+$0x7460];
	v46 =	vmul.f32 $3.200000000e+01, v39;
	[tilespmem:s12+$0x7420] =	vst v43  }
0x11d: {  	v50 =	vld [tilespmem:s12+$0x7850];
	[tilespmem:s12+$0x7070] =	vst v3;
	v3 =	vmul.f32 $3.200000000e+01, v35  }
0x11e: {  	v49 =	vmul.f32 $3.200000000e+01, v42;
	v44 =	vld [tilespmem:s12+$0x7800];
	[tilespmem:s12+$0x7450] =	vst v46  }
0x11f: {  	v53 =	vld [tilespmem:s12+$0x7870];
	[tilespmem:s12+$0x7410] =	vst v3;
	v3 =	vmul.f32 $3.200000000e+01, v38  }
0x120: {  	[tilespmem:s12+$0x7470] =	vst v49;
	v7 =	vmul.f32 $3.200000000e+01, v47;
	v45 =	vld [tilespmem:s12+$0x7810]  }
0x121: {  	v48 =	vld [tilespmem:s12+$0x7830];
	[tilespmem:s12+$0x7430] =	vst v3;
	v3 =	vmul.f32 $3.200000000e+01, v41  }
0x122: {  	v9 =	vmul.f32 $3.200000000e+01, v50;
	[tilespmem:s12+$0x7820] =	vst v7;
	v51 =	vld [tilespmem:s12+$0x7860]  }
0x123: {  	[tilespmem:s12+$0x7460] =	vst v3;
	v3 =	vmul.f32 $3.200000000e+01, v44  }
0x124: {  	v58 =	vld [tilespmem:s12+$0x7440];
	v6 =	vmul.f32 $3.200000000e+01, v53;
	[tilespmem:s12+$0x7850] =	vst v9  }
0x125: {  	v52 =	vmul.f32 $3.200000000e+01, v45;
	[tilespmem:s12+$0x7800] =	vst v3;
	v3 =	vld [tilespmem:s12+$0x6040]  }
0x126: {  	s22 =	sand.u32 $0x7, s17;
	v56 =	vld [tilespmem:s12+$0x6C40];
	[tilespmem:s12+$0x7870] =	vst v6;
	v8 =	vmul.f32 $3.200000000e+01, v48  }
0x127: {  	s3 =	sshll.u32 s22, $0x7;
	v55 =	vld [tilespmem:s12+$0x6840];
	[tilespmem:s12+$0x7810] =	vst v52;
	v5 =	vmul.f32 $3.200000000e+01, v51  }
0x128: {  	s3 =	sadd.s32 s3, s5;
	v54 =	vld [tilespmem:s12+$0x6440];
	[tilespmem:s12+$0x7830] =	vst v8  }
0x129: {  	s22 =	sor.u32 $0x1C00, s3;
	v62 =	vmul.f32 $3.200000000e+01, v58;
	v57 =	vld [tilespmem:s12+$0x7040];
	[tilespmem:s12+$0x7860] =	vst v5  }
0x12a: {  	v60 =	vld [tilespmem:s22+$0x6000];
	v3 =	vmul.f32 $3.200000000e+01, v3  }
0x12b: {  	v59 =	vld [tilespmem:s12+$0x7840];
	v61 =	vmul.f32 $3.200000000e+01, v56;
	[tilespmem:s12+$0x7440] =	vst v62  }
0x12c: {  	[tilespmem:s12+$0x6040] =	vst v3;
	v3 =	vmul.f32 $3.200000000e+01, v55  }
0x12d: {  	[tilespmem:s12+$0x6C40] =	vst v61;
	v4 =	vmul.f32 $3.200000000e+01, v54  }
0x12e: {  	[tilespmem:s12+$0x6840] =	vst v3;
	v3 =	vmul.f32 $3.200000000e+01, v57  }
0x12f: {  	[tilespmem:s12+$0x6440] =	vst v4;
	v63 =	vmul.f32 $3.200000000e+01, v60  }
0x130: {  	[tilespmem:s12+$0x7040] =	vst v3;
	v3 =	vmul.f32 $3.200000000e+01, v59  }
0x131: {  	[tilespmem:s22+$0x6000] =	vst v63  }
0x132: {  	s22 =	sor.u32 $0x1C10, s3;
	[tilespmem:s12+$0x7840] =	vst v3  }
0x133: {  	v3 =	vld [tilespmem:s22+$0x6000];
	_ =	sdelay $0x4  }
0x134: {  	v3 =	vmul.f32 $3.200000000e+01, v3;
	_ =	sdelay $0x1  }
0x135: {  	[tilespmem:s22+$0x6000] =	vst v3;
	s22 =	sor.u32 $0x1C20, s3  }
0x136: {  	v3 =	vld [tilespmem:s22+$0x6000];
	_ =	sdelay $0x4  }
0x137: {  	v3 =	vmul.f32 $3.200000000e+01, v3;
	_ =	sdelay $0x1  }
0x138: {  	[tilespmem:s22+$0x6000] =	vst v3;
	s22 =	sor.u32 $0x1C30, s3  }
0x139: {  	v3 =	vld [tilespmem:s22+$0x6000];
	_ =	sdelay $0x4  }
0x13a: {  	v3 =	vmul.f32 $3.200000000e+01, v3;
	_ =	sdelay $0x1  }
0x13b: {  	[tilespmem:s22+$0x6000] =	vst v3;
	s22 =	sor.u32 $0x1C40, s3  }
0x13c: {  	v3 =	vld [tilespmem:s22+$0x6000];
	_ =	sdelay $0x4  }
0x13d: {  	v3 =	vmul.f32 $3.200000000e+01, v3;
	_ =	sdelay $0x1  }
0x13e: {  	[tilespmem:s22+$0x6000] =	vst v3;
	s22 =	sor.u32 $0x1C50, s3  }
0x13f: {  	v3 =	vld [tilespmem:s22+$0x6000];
	_ =	sdelay $0x4  }
0x140: {  	v3 =	vmul.f32 $3.200000000e+01, v3;
	_ =	sdelay $0x1  }
0x141: {  	[tilespmem:s22+$0x6000] =	vst v3;
	s22 =	sor.u32 $0x1C60, s3  }
0x142: {  	v3 =	vld [tilespmem:s22+$0x6000];
	_ =	sdelay $0x4  }
0x143: {  	v3 =	vmul.f32 $3.200000000e+01, v3;
	_ =	sdelay $0x1  }
0x144: {  	s3 =	sor.u32 $0x1C70, s3;
	[tilespmem:s22+$0x6000] =	vst v3  }
0x145: {  	v3 =	vld [tilespmem:s3+$0x6000];
	_ =	sdelay $0x1  }
0x146: {  	p1 =	sne.s32 s11, $0x780  }
.Ltmp3:
0x147: {  	_ = 	snop;
	(pc) =	sbr.rel @p1 .LBB2_5-.Ltmp3, $4  }
0x148: {  	_ = 	snop  }
0x149: {  	v3 =	vmul.f32 $3.200000000e+01, v3  }
0x14a: {  	s17 =	sadd.s32 $0x1, s17  }
0x14b: {  	s20 =	sadd.s32 $0x400, s20;
	s11 =	sadd.s32 $0x80, s11;
	s5 =	sadd.s32 $0x400, s5;
	[tilespmem:s3+$0x6000] =	vst v3  }
0x14c: {  	s3 =	smul.u32 $0x14000, s0  }
.Ltmp4:
0x14d: {  	_ = 	snop;
	(pc) =	sbr.rel @p0 .LBB2_9-.Ltmp4, $4  }
0x14e: {  	s3 =	sadd.s32 s3, s10  }
0x14f: {  	s5 =	rddreg [dreg:$0x2];
	s3 =	sshrl.u32 s3, $0x3  }
0x150: {  	s14 =	sadd.s32 $0x4, s14;
	s3 =	sadd.s32 s5, s3  }
0x151: {  	[hbm4b:s3+s4] =	stream.linear.scatter [tilespmem:s21], [sflag:$0x7], $0x4000, $0x38;
	[tilespmem:$0x16000] =	vst v63  }
0x152: {  	p0 =	seq.s32 s0, $0xC  }
.Ltmp5:
0x153: {  	_ = 	snop;
	(pc) =	sbr.rel @p0 .LBB2_10-.Ltmp5, $1  }
0x154: {  	_ =	sdelay $0x3  }
0x155: {  	_ =	swait.ge [sflag:s29], $0x4000  }
0x156: {  	[sflag:s29] =	ssyncset.done $0x0  }
0x157: {  	[sflag:s29] =	ssyncadd.s32 $0xFFFFC000  }
.LBB2_9:
0x158: {  	s3 =	sshll.u32 s14, $0x7  }
0x159: {  	s3 =	sand.u32 $0x3FFFFF80, s3  }
0x15a: {  	v3 =	vld [tilespmem:s3+$0x0];
	_ =	sdelay $0x4  }
0x15b: {  	v4 =	vshll.u32 v3, $0x3  }
0x15c: {  	v3 =	vand.u32 $0x7, v3;
	v4 =	vand.u32 $0xFFFFFFC0, v4  }
0x15d: {  	v3 =	vor.u32 v3, v4  }
0x15e: {  	v4 =	vperm.xlane v3, v0;
	_ =	sdelay $0x1  }
0x15f: {  	v4 =	vadd.s32 v1, v4;
	_ =	sdelay $0x4  }
0x160: {  	[tilespmem:s25], [sflag:$0x5] =	stream.indirect_vreg.gather [hbm4b:s2+s4], $0x80, v4, vm0, $0xb8;
	[tilespmem:$0x16000] =	vst v63  }
0x161: {  	s22 =	simm.s32 $0x12800;
	v3 =	vperm.xlane v3, v2  }
0x162: {  	[tilespmem:s22], [sflag:$0x5] =	stream.indirect_vreg.gather [hbm4b:s6+s4], $0x80, v4, vm0, $0xb8;
	[tilespmem:$0x16000] =	vst v63  }
0x163: {  	s5 =	simm.s32 $0x13000;
	v3 =	vadd.s32 v1, v3  }
0x164: {  	[tilespmem:s5], [sflag:$0x5] =	stream.indirect_vreg.gather [hbm4b:s7+s4], $0x80, v4, vm0, $0xb8;
	[tilespmem:$0x16000] =	vst v63  }
0x165: {  	s11 =	simm.s32 $0x13800  }
0x166: {  	[tilespmem:s11], [sflag:$0x5] =	stream.indirect_vreg.gather [hbm4b:s8+s4], $0x80, v4, vm0, $0xb8;
	[tilespmem:$0x16000] =	vst v63  }
0x167: {  	s12 =	simm.s32 $0x14000  }
0x168: {  	[tilespmem:s12], [sflag:$0x5] =	stream.indirect_vreg.gather [hbm4b:s2+s4], $0x80, v3, vm0, $0xb8;
	[tilespmem:$0x16000] =	vst v63  }
0x169: {  	s17 =	simm.s32 $0x14800  }
0x16a: {  	[tilespmem:s17], [sflag:$0x5] =	stream.indirect_vreg.gather [hbm4b:s6+s4], $0x80, v3, vm0, $0xb8;
	[tilespmem:$0x16000] =	vst v63  }
0x16b: {  	s20 =	simm.s32 $0x15000  }
0x16c: {  	[tilespmem:s20], [sflag:$0x5] =	stream.indirect_vreg.gather [hbm4b:s7+s4], $0x80, v3, vm0, $0xb8;
	[tilespmem:$0x16000] =	vst v63  }
0x16d: {  	s22 =	simm.s32 $0x15800  }
0x16e: {  	[tilespmem:s22], [sflag:$0x5] =	stream.indirect_vreg.gather [hbm4b:s8+s4], $0x80, v3, vm0, $0xb8;
	[tilespmem:$0x16000] =	vst v63  }
.LBB2_10:
0x16f: {  	_ =	swait.ge [sflag:s26], $0x4000  }
0x170: {  	s17 =	simm.s32 $0x0;
	s20 =	simm.s32 $0xFFFFC000;
	[sflag:s26] =	ssyncset.done $0x0  }
0x171: {  	s5 =	simm.s32 $0x0;
	s11 =	simm.s32 $0x0;
	[sflag:s26] =	ssyncadd.s32 $0xFFFFC000  }
.LBB2_11:
0x172: {  	s3 =	sadd.s32 $0x4000, s20  }
0x173: {  	s12 =	sand.u32 $0x380, s11;
	s3 =	sand.u32 $0x2000, s3  }
0x174: {  	s12 =	sor.u32 s12, s3  }
0x175: {  	v3 =	vld [tilespmem:s12+$0xA000]  }
0x176: {  	v4 =	vld [tilespmem:s12+$0xA010]  }
0x177: {  	v6 =	vld [tilespmem:s12+$0xA030]  }
0x178: {  	v8 =	vld [tilespmem:s12+$0xA060]  }
0x179: {  	v5 =	vld [tilespmem:s12+$0xA020]  }
0x17a: {  	v43 =	vld [tilespmem:s12+$0xA400];
	v3 =	vmul.f32 $3.200000000e+01, v3  }
0x17b: {  	v7 =	vld [tilespmem:s12+$0xA050];
	v4 =	vmul.f32 $3.200000000e+01, v4  }
0x17c: {  	v46 =	vld [tilespmem:s12+$0xA420];
	v44 =	vmul.f32 $3.200000000e+01, v6;
	[tilespmem:s12+$0xA000] =	vst v3  }
0x17d: {  	v9 =	vld [tilespmem:s12+$0xA070];
	v47 =	vmul.f32 $3.200000000e+01, v8;
	[tilespmem:s12+$0xA010] =	vst v4  }
0x17e: {  	v49 =	vld [tilespmem:s12+$0xA450];
	v3 =	vmul.f32 $3.200000000e+01, v5;
	[tilespmem:s12+$0xA030] =	vst v44  }
0x17f: {  	v45 =	vld [tilespmem:s12+$0xA410];
	v50 =	vmul.f32 $3.200000000e+01, v43;
	[tilespmem:s12+$0xA060] =	vst v47  }
0x180: {  	v52 =	vld [tilespmem:s12+$0xA470];
	[tilespmem:s12+$0xA020] =	vst v3;
	v3 =	vmul.f32 $3.200000000e+01, v7  }
0x181: {  	v48 =	vld [tilespmem:s12+$0xA430];
	v53 =	vmul.f32 $3.200000000e+01, v46;
	[tilespmem:s12+$0xA400] =	vst v50  }
0x182: {  	v55 =	vld [tilespmem:s12+$0xA810];
	[tilespmem:s12+$0xA050] =	vst v3;
	v3 =	vmul.f32 $3.200000000e+01, v9  }
0x183: {  	v51 =	vld [tilespmem:s12+$0xA460];
	v56 =	vmul.f32 $3.200000000e+01, v49;
	[tilespmem:s12+$0xA420] =	vst v53  }
0x184: {  	v58 =	vld [tilespmem:s12+$0xA830];
	[tilespmem:s12+$0xA070] =	vst v3;
	v3 =	vmul.f32 $3.200000000e+01, v45  }
0x185: {  	v54 =	vld [tilespmem:s12+$0xA800];
	v59 =	vmul.f32 $3.200000000e+01, v52;
	[tilespmem:s12+$0xA450] =	vst v56  }
0x186: {  	v61 =	vld [tilespmem:s12+$0xA860];
	[tilespmem:s12+$0xA410] =	vst v3;
	v3 =	vmul.f32 $3.200000000e+01, v48  }
0x187: {  	v57 =	vld [tilespmem:s12+$0xA820];
	v62 =	vmul.f32 $3.200000000e+01, v55;
	[tilespmem:s12+$0xA470] =	vst v59  }
0x188: {  	v12 =	vld [tilespmem:s12+$0xAC00];
	[tilespmem:s12+$0xA430] =	vst v3;
	v3 =	vmul.f32 $3.200000000e+01, v51  }
0x189: {  	v60 =	vld [tilespmem:s12+$0xA850];
	v13 =	vmul.f32 $3.200000000e+01, v58;
	[tilespmem:s12+$0xA810] =	vst v62  }
0x18a: {  	v15 =	vld [tilespmem:s12+$0xAC20];
	[tilespmem:s12+$0xA460] =	vst v3;
	v3 =	vmul.f32 $3.200000000e+01, v54  }
0x18b: {  	v63 =	vld [tilespmem:s12+$0xA870];
	v16 =	vmul.f32 $3.200000000e+01, v61;
	[tilespmem:s12+$0xA830] =	vst v13  }
0x18c: {  	v18 =	vld [tilespmem:s12+$0xAC50];
	[tilespmem:s12+$0xA800] =	vst v3;
	v3 =	vmul.f32 $3.200000000e+01, v57  }
0x18d: {  	v14 =	vld [tilespmem:s12+$0xAC10];
	v19 =	vmul.f32 $3.200000000e+01, v12;
	[tilespmem:s12+$0xA860] =	vst v16  }
0x18e: {  	v21 =	vld [tilespmem:s12+$0xAC70];
	[tilespmem:s12+$0xA820] =	vst v3;
	v3 =	vmul.f32 $3.200000000e+01, v60  }
0x18f: {  	v17 =	vld [tilespmem:s12+$0xAC30];
	v22 =	vmul.f32 $3.200000000e+01, v15;
	[tilespmem:s12+$0xAC00] =	vst v19  }
0x190: {  	v24 =	vld [tilespmem:s12+$0xB010];
	[tilespmem:s12+$0xA850] =	vst v3;
	v3 =	vmul.f32 $3.200000000e+01, v63  }
0x191: {  	v20 =	vld [tilespmem:s12+$0xAC60];
	v25 =	vmul.f32 $3.200000000e+01, v18;
	[tilespmem:s12+$0xAC20] =	vst v22  }
0x192: {  	v27 =	vld [tilespmem:s12+$0xB030];
	[tilespmem:s12+$0xA870] =	vst v3;
	v3 =	vmul.f32 $3.200000000e+01, v14  }
0x193: {  	v23 =	vld [tilespmem:s12+$0xB000];
	v28 =	vmul.f32 $3.200000000e+01, v21;
	[tilespmem:s12+$0xAC50] =	vst v25  }
0x194: {  	v30 =	vld [tilespmem:s12+$0xB060];
	[tilespmem:s12+$0xAC10] =	vst v3;
	v3 =	vmul.f32 $3.200000000e+01, v17  }
0x195: {  	v26 =	vld [tilespmem:s12+$0xB020];
	v31 =	vmul.f32 $3.200000000e+01, v24;
	[tilespmem:s12+$0xAC70] =	vst v28  }
0x196: {  	v33 =	vld [tilespmem:s12+$0xB400];
	[tilespmem:s12+$0xAC30] =	vst v3;
	v3 =	vmul.f32 $3.200000000e+01, v20  }
0x197: {  	v29 =	vld [tilespmem:s12+$0xB050];
	v34 =	vmul.f32 $3.200000000e+01, v27;
	[tilespmem:s12+$0xB010] =	vst v31  }
0x198: {  	v36 =	vld [tilespmem:s12+$0xB420];
	[tilespmem:s12+$0xAC60] =	vst v3;
	v3 =	vmul.f32 $3.200000000e+01, v23  }
0x199: {  	v32 =	vld [tilespmem:s12+$0xB070];
	v37 =	vmul.f32 $3.200000000e+01, v30;
	[tilespmem:s12+$0xB030] =	vst v34  }
0x19a: {  	v39 =	vld [tilespmem:s12+$0xB450];
	[tilespmem:s12+$0xB000] =	vst v3;
	v3 =	vmul.f32 $3.200000000e+01, v26  }
0x19b: {  	v35 =	vld [tilespmem:s12+$0xB410];
	v40 =	vmul.f32 $3.200000000e+01, v33;
	[tilespmem:s12+$0xB060] =	vst v37  }
0x19c: {  	v42 =	vld [tilespmem:s12+$0xB470];
	[tilespmem:s12+$0xB020] =	vst v3;
	v3 =	vmul.f32 $3.200000000e+01, v29  }
0x19d: {  	v38 =	vld [tilespmem:s12+$0xB430];
	v43 =	vmul.f32 $3.200000000e+01, v36;
	[tilespmem:s12+$0xB400] =	vst v40  }
0x19e: {  	v47 =	vld [tilespmem:s12+$0xB820];
	[tilespmem:s12+$0xB050] =	vst v3;
	v3 =	vmul.f32 $3.200000000e+01, v32  }
0x19f: {  	v41 =	vld [tilespmem:s12+$0xB460];
	v46 =	vmul.f32 $3.200000000e+01, v39;
	[tilespmem:s12+$0xB420] =	vst v43  }
0x1a0: {  	v50 =	vld [tilespmem:s12+$0xB850];
	[tilespmem:s12+$0xB070] =	vst v3;
	v3 =	vmul.f32 $3.200000000e+01, v35  }
0x1a1: {  	v49 =	vmul.f32 $3.200000000e+01, v42;
	v44 =	vld [tilespmem:s12+$0xB800];
	[tilespmem:s12+$0xB450] =	vst v46  }
0x1a2: {  	v53 =	vld [tilespmem:s12+$0xB870];
	[tilespmem:s12+$0xB410] =	vst v3;
	v3 =	vmul.f32 $3.200000000e+01, v38  }
0x1a3: {  	[tilespmem:s12+$0xB470] =	vst v49;
	v7 =	vmul.f32 $3.200000000e+01, v47;
	v45 =	vld [tilespmem:s12+$0xB810]  }
0x1a4: {  	v48 =	vld [tilespmem:s12+$0xB830];
	[tilespmem:s12+$0xB430] =	vst v3;
	v3 =	vmul.f32 $3.200000000e+01, v41  }
0x1a5: {  	v9 =	vmul.f32 $3.200000000e+01, v50;
	[tilespmem:s12+$0xB820] =	vst v7;
	v51 =	vld [tilespmem:s12+$0xB860]  }
0x1a6: {  	[tilespmem:s12+$0xB460] =	vst v3;
	v3 =	vmul.f32 $3.200000000e+01, v44  }
0x1a7: {  	v58 =	vld [tilespmem:s12+$0xB440];
	v6 =	vmul.f32 $3.200000000e+01, v53;
	[tilespmem:s12+$0xB850] =	vst v9  }
0x1a8: {  	v52 =	vmul.f32 $3.200000000e+01, v45;
	[tilespmem:s12+$0xB800] =	vst v3;
	v3 =	vld [tilespmem:s12+$0xA040]  }
0x1a9: {  	s22 =	sand.u32 $0x7, s17;
	v56 =	vld [tilespmem:s12+$0xAC40];
	[tilespmem:s12+$0xB870] =	vst v6;
	v8 =	vmul.f32 $3.200000000e+01, v48  }
0x1aa: {  	s3 =	sshll.u32 s22, $0x7;
	v55 =	vld [tilespmem:s12+$0xA840];
	[tilespmem:s12+$0xB810] =	vst v52;
	v5 =	vmul.f32 $3.200000000e+01, v51  }
0x1ab: {  	s3 =	sadd.s32 s3, s5;
	v54 =	vld [tilespmem:s12+$0xA440];
	[tilespmem:s12+$0xB830] =	vst v8  }
0x1ac: {  	s22 =	sor.u32 $0x1C00, s3;
	v62 =	vmul.f32 $3.200000000e+01, v58;
	v57 =	vld [tilespmem:s12+$0xB040];
	[tilespmem:s12+$0xB860] =	vst v5  }
0x1ad: {  	v60 =	vld [tilespmem:s22+$0xA000];
	v3 =	vmul.f32 $3.200000000e+01, v3  }
0x1ae: {  	v59 =	vld [tilespmem:s12+$0xB840];
	v61 =	vmul.f32 $3.200000000e+01, v56;
	[tilespmem:s12+$0xB440] =	vst v62  }
0x1af: {  	[tilespmem:s12+$0xA040] =	vst v3;
	v3 =	vmul.f32 $3.200000000e+01, v55  }
0x1b0: {  	[tilespmem:s12+$0xAC40] =	vst v61;
	v4 =	vmul.f32 $3.200000000e+01, v54  }
0x1b1: {  	[tilespmem:s12+$0xA840] =	vst v3;
	v3 =	vmul.f32 $3.200000000e+01, v57  }
0x1b2: {  	[tilespmem:s12+$0xA440] =	vst v4;
	v63 =	vmul.f32 $3.200000000e+01, v60  }
0x1b3: {  	[tilespmem:s12+$0xB040] =	vst v3;
	v3 =	vmul.f32 $3.200000000e+01, v59  }
0x1b4: {  	[tilespmem:s22+$0xA000] =	vst v63  }
0x1b5: {  	s22 =	sor.u32 $0x1C10, s3;
	[tilespmem:s12+$0xB840] =	vst v3  }
0x1b6: {  	v3 =	vld [tilespmem:s22+$0xA000];
	_ =	sdelay $0x4  }
0x1b7: {  	v3 =	vmul.f32 $3.200000000e+01, v3;
	_ =	sdelay $0x1  }
0x1b8: {  	[tilespmem:s22+$0xA000] =	vst v3;
	s22 =	sor.u32 $0x1C20, s3  }
0x1b9: {  	v3 =	vld [tilespmem:s22+$0xA000];
	_ =	sdelay $0x4  }
0x1ba: {  	v3 =	vmul.f32 $3.200000000e+01, v3;
	_ =	sdelay $0x1  }
0x1bb: {  	[tilespmem:s22+$0xA000] =	vst v3;
	s22 =	sor.u32 $0x1C30, s3  }
0x1bc: {  	v3 =	vld [tilespmem:s22+$0xA000];
	_ =	sdelay $0x4  }
0x1bd: {  	v3 =	vmul.f32 $3.200000000e+01, v3;
	_ =	sdelay $0x1  }
0x1be: {  	[tilespmem:s22+$0xA000] =	vst v3;
	s22 =	sor.u32 $0x1C40, s3  }
0x1bf: {  	v3 =	vld [tilespmem:s22+$0xA000];
	_ =	sdelay $0x4  }
0x1c0: {  	v3 =	vmul.f32 $3.200000000e+01, v3;
	_ =	sdelay $0x1  }
0x1c1: {  	[tilespmem:s22+$0xA000] =	vst v3;
	s22 =	sor.u32 $0x1C50, s3  }
0x1c2: {  	v3 =	vld [tilespmem:s22+$0xA000];
	_ =	sdelay $0x4  }
0x1c3: {  	v3 =	vmul.f32 $3.200000000e+01, v3;
	_ =	sdelay $0x1  }
0x1c4: {  	[tilespmem:s22+$0xA000] =	vst v3;
	s22 =	sor.u32 $0x1C60, s3  }
0x1c5: {  	v3 =	vld [tilespmem:s22+$0xA000];
	_ =	sdelay $0x4  }
0x1c6: {  	v3 =	vmul.f32 $3.200000000e+01, v3;
	_ =	sdelay $0x1  }
0x1c7: {  	s3 =	sor.u32 $0x1C70, s3;
	[tilespmem:s22+$0xA000] =	vst v3  }
0x1c8: {  	v3 =	vld [tilespmem:s3+$0xA000];
	_ =	sdelay $0x1  }
0x1c9: {  	p0 =	sne.s32 s11, $0x780  }
.Ltmp6:
0x1ca: {  	_ = 	snop;
	(pc) =	sbr.rel @p0 .LBB2_11-.Ltmp6, $4  }
0x1cb: {  	_ = 	snop  }
0x1cc: {  	v3 =	vmul.f32 $3.200000000e+01, v3  }
0x1cd: {  	s17 =	sadd.s32 $0x1, s17  }
0x1ce: {  	s20 =	sadd.s32 $0x400, s20;
	s11 =	sadd.s32 $0x80, s11;
	s5 =	sadd.s32 $0x400, s5;
	[tilespmem:s3+$0xA000] =	vst v3  }
0x1cf: {  	s3 =	sshll.u32 s16, $0xB  }
0x1d0: {  	p0 =	seq.s32 s0, $0xC;
	s3 =	sadd.s32 s3, s9  }
0x1d1: {  	[hbm4b:s3+s4] =	stream.linear.scatter [tilespmem:s30], [sflag:$0x8], $0x4000, $0x38;
	[tilespmem:$0x16000] =	vst v63  }
0x1d2: {  	s3 =	simm.s32 @!p0 $0x6  }
0x1d3: {  	s5 =	smul.u32 @!p0 $0xA00, s0;
	_ =	swait.ge @!p0 [sflag:s3], $0x4000  }
0x1d4: {  	[sflag:s3] =	ssyncset.done @!p0 $0x0  }
0x1d5: {  	[sflag:s3] =	ssyncadd.s32 @!p0 $0xFFFFC000;
	s3 =	sshra.s32 @!p0 s5, $0x2  }
0x1d6: {  	v3 =	vld @!p0 [tilespmem:s3+$0x280];
	_ =	sdelay $0x4  }
0x1d7: {  	v4 =	vshll.u32 @!p0 v3, $0x3  }
0x1d8: {  	v5 =	vlaneseq.u32 @!p0;
	v3 =	vand.u32 @!p0 $0x7, v3;
	v4 =	vand.u32 @!p0 $0xFFFFFFC0, v4  }
0x1d9: {  	v6 =	vshrl.u32 @!p0 v5, $0x3;
	v3 =	vor.u32 @!p0 v3, v4;
	v4 =	vand.u32 @!p0 $0x7, v5  }
0x1da: {  	v6 =	vmul.u32 @!p0 $0x8, v6;
	v4 =	vperm.xlane @!p0 v3, v4;
	_ =	sdelay $0x1  }
0x1db: {  	v4 =	vadd.s32 @!p0 v6, v4;
	_ =	sdelay $0x3  }
0x1dc: {  	vm1 =	vmmov @!p0 $0xffff;
	s5 =	simm.s32 @!p0 $0x2000;
	s3 =	simm.s32 @!p0 $0x0  }
0x1dd: {  	v5 =	vor.u32 @!p0 $0x8, v5;
	[tilespmem:s5], [sflag:$0x1] =	stream.indirect_vreg.gather @!p0 [hbm4b:s2+s3], $0x80, v4, vm1, $0xb8;
	[tilespmem:$0x16000] =	vst v63  }
0x1de: {  	v3 =	vperm.xlane @!p0 v3, v5;
	s5 =	simm.s32 @!p0 $0x2800  }
0x1df: {  	[tilespmem:s5], [sflag:$0x1] =	stream.indirect_vreg.gather @!p0 [hbm4b:s6+s3], $0x80, v4, vm1, $0xb8;
	[tilespmem:$0x16000] =	vst v63  }
0x1e0: {  	v3 =	vadd.s32 @!p0 v6, v3;
	s5 =	simm.s32 @!p0 $0x3000  }
0x1e1: {  	[tilespmem:s5], [sflag:$0x1] =	stream.indirect_vreg.gather @!p0 [hbm4b:s7+s3], $0x80, v4, vm1, $0xb8;
	[tilespmem:$0x16000] =	vst v63  }
0x1e2: {  	s5 =	simm.s32 @!p0 $0x3800  }
0x1e3: {  	[tilespmem:s5], [sflag:$0x1] =	stream.indirect_vreg.gather @!p0 [hbm4b:s8+s3], $0x80, v4, vm1, $0xb8;
	[tilespmem:$0x16000] =	vst v63  }
0x1e4: {  	s5 =	simm.s32 @!p0 $0x4000  }
0x1e5: {  	[tilespmem:s5], [sflag:$0x1] =	stream.indirect_vreg.gather @!p0 [hbm4b:s2+s3], $0x80, v3, vm1, $0xb8;
	[tilespmem:$0x16000] =	vst v63  }
0x1e6: {  	s5 =	simm.s32 @!p0 $0x4800  }
0x1e7: {  	[tilespmem:s5], [sflag:$0x1] =	stream.indirect_vreg.gather @!p0 [hbm4b:s6+s3], $0x80, v3, vm1, $0xb8;
	[tilespmem:$0x16000] =	vst v63  }
0x1e8: {  	s5 =	simm.s32 @!p0 $0x5000  }
0x1e9: {  	[tilespmem:s5], [sflag:$0x1] =	stream.indirect_vreg.gather @!p0 [hbm4b:s7+s3], $0x80, v3, vm1, $0xb8;
	[tilespmem:$0x16000] =	vst v63  }
0x1ea: {  	s5 =	simm.s32 @!p0 $0x5800  }
0x1eb: {  	[tilespmem:s5], [sflag:$0x1] =	stream.indirect_vreg.gather @!p0 [hbm4b:s8+s3], $0x80, v3, vm1, $0xb8;
	[tilespmem:$0x16000] =	vst v63  }
0x1ec: {  	_ =	swait.ge [sflag:s28], $0x4000  }
0x1ed: {  	s16 =	simm.s32 $0x0;
	s17 =	simm.s32 $0xFFFFC000;
	[sflag:s28] =	ssyncset.done $0x0  }
0x1ee: {  	s11 =	simm.s32 $0x0;
	s5 =	simm.s32 $0x0;
	[sflag:s28] =	ssyncadd.s32 $0xFFFFC000  }
.LBB2_13:
0x1ef: {  	s3 =	sadd.s32 $0x4000, s17  }
0x1f0: {  	s12 =	sand.u32 $0x380, s11;
	s3 =	sand.u32 $0x2000, s3  }
0x1f1: {  	s12 =	sor.u32 s12, s3  }
0x1f2: {  	v3 =	vld [tilespmem:s12+$0xE000]  }
0x1f3: {  	v4 =	vld [tilespmem:s12+$0xE010]  }
0x1f4: {  	v6 =	vld [tilespmem:s12+$0xE030]  }
0x1f5: {  	v8 =	vld [tilespmem:s12+$0xE060]  }
0x1f6: {  	v5 =	vld [tilespmem:s12+$0xE020]  }
0x1f7: {  	v43 =	vld [tilespmem:s12+$0xE400];
	v3 =	vmul.f32 $3.200000000e+01, v3  }
0x1f8: {  	v7 =	vld [tilespmem:s12+$0xE050];
	v4 =	vmul.f32 $3.200000000e+01, v4  }
0x1f9: {  	v46 =	vld [tilespmem:s12+$0xE420];
	v44 =	vmul.f32 $3.200000000e+01, v6;
	[tilespmem:s12+$0xE000] =	vst v3  }
0x1fa: {  	v9 =	vld [tilespmem:s12+$0xE070];
	v47 =	vmul.f32 $3.200000000e+01, v8;
	[tilespmem:s12+$0xE010] =	vst v4  }
0x1fb: {  	v49 =	vld [tilespmem:s12+$0xE450];
	v3 =	vmul.f32 $3.200000000e+01, v5;
	[tilespmem:s12+$0xE030] =	vst v44  }
0x1fc: {  	v45 =	vld [tilespmem:s12+$0xE410];
	v50 =	vmul.f32 $3.200000000e+01, v43;
	[tilespmem:s12+$0xE060] =	vst v47  }
0x1fd: {  	v52 =	vld [tilespmem:s12+$0xE470];
	[tilespmem:s12+$0xE020] =	vst v3;
	v3 =	vmul.f32 $3.200000000e+01, v7  }
0x1fe: {  	v48 =	vld [tilespmem:s12+$0xE430];
	v53 =	vmul.f32 $3.200000000e+01, v46;
	[tilespmem:s12+$0xE400] =	vst v50  }
0x1ff: {  	v55 =	vld [tilespmem:s12+$0xE810];
	[tilespmem:s12+$0xE050] =	vst v3;
	v3 =	vmul.f32 $3.200000000e+01, v9  }
0x200: {  	v51 =	vld [tilespmem:s12+$0xE460];
	v56 =	vmul.f32 $3.200000000e+01, v49;
	[tilespmem:s12+$0xE420] =	vst v53  }
0x201: {  	v58 =	vld [tilespmem:s12+$0xE830];
	[tilespmem:s12+$0xE070] =	vst v3;
	v3 =	vmul.f32 $3.200000000e+01, v45  }
0x202: {  	v54 =	vld [tilespmem:s12+$0xE800];
	v59 =	vmul.f32 $3.200000000e+01, v52;
	[tilespmem:s12+$0xE450] =	vst v56  }
0x203: {  	v61 =	vld [tilespmem:s12+$0xE860];
	[tilespmem:s12+$0xE410] =	vst v3;
	v3 =	vmul.f32 $3.200000000e+01, v48  }
0x204: {  	v57 =	vld [tilespmem:s12+$0xE820];
	v62 =	vmul.f32 $3.200000000e+01, v55;
	[tilespmem:s12+$0xE470] =	vst v59  }
0x205: {  	v12 =	vld [tilespmem:s12+$0xEC00];
	[tilespmem:s12+$0xE430] =	vst v3;
	v3 =	vmul.f32 $3.200000000e+01, v51  }
0x206: {  	v60 =	vld [tilespmem:s12+$0xE850];
	v13 =	vmul.f32 $3.200000000e+01, v58;
	[tilespmem:s12+$0xE810] =	vst v62  }
0x207: {  	v15 =	vld [tilespmem:s12+$0xEC20];
	[tilespmem:s12+$0xE460] =	vst v3;
	v3 =	vmul.f32 $3.200000000e+01, v54  }
0x208: {  	v63 =	vld [tilespmem:s12+$0xE870];
	v16 =	vmul.f32 $3.200000000e+01, v61;
	[tilespmem:s12+$0xE830] =	vst v13  }
0x209: {  	v18 =	vld [tilespmem:s12+$0xEC50];
	[tilespmem:s12+$0xE800] =	vst v3;
	v3 =	vmul.f32 $3.200000000e+01, v57  }
0x20a: {  	v14 =	vld [tilespmem:s12+$0xEC10];
	v19 =	vmul.f32 $3.200000000e+01, v12;
	[tilespmem:s12+$0xE860] =	vst v16  }
0x20b: {  	v21 =	vld [tilespmem:s12+$0xEC70];
	[tilespmem:s12+$0xE820] =	vst v3;
	v3 =	vmul.f32 $3.200000000e+01, v60  }
0x20c: {  	v17 =	vld [tilespmem:s12+$0xEC30];
	v22 =	vmul.f32 $3.200000000e+01, v15;
	[tilespmem:s12+$0xEC00] =	vst v19  }
0x20d: {  	v24 =	vld [tilespmem:s12+$0xF010];
	[tilespmem:s12+$0xE850] =	vst v3;
	v3 =	vmul.f32 $3.200000000e+01, v63  }
0x20e: {  	v20 =	vld [tilespmem:s12+$0xEC60];
	v25 =	vmul.f32 $3.200000000e+01, v18;
	[tilespmem:s12+$0xEC20] =	vst v22  }
0x20f: {  	v27 =	vld [tilespmem:s12+$0xF030];
	[tilespmem:s12+$0xE870] =	vst v3;
	v3 =	vmul.f32 $3.200000000e+01, v14  }
0x210: {  	v23 =	vld [tilespmem:s12+$0xF000];
	v28 =	vmul.f32 $3.200000000e+01, v21;
	[tilespmem:s12+$0xEC50] =	vst v25  }
0x211: {  	v30 =	vld [tilespmem:s12+$0xF060];
	[tilespmem:s12+$0xEC10] =	vst v3;
	v3 =	vmul.f32 $3.200000000e+01, v17  }
0x212: {  	v26 =	vld [tilespmem:s12+$0xF020];
	v31 =	vmul.f32 $3.200000000e+01, v24;
	[tilespmem:s12+$0xEC70] =	vst v28  }
0x213: {  	v33 =	vld [tilespmem:s12+$0xF400];
	[tilespmem:s12+$0xEC30] =	vst v3;
	v3 =	vmul.f32 $3.200000000e+01, v20  }
0x214: {  	v29 =	vld [tilespmem:s12+$0xF050];
	v34 =	vmul.f32 $3.200000000e+01, v27;
	[tilespmem:s12+$0xF010] =	vst v31  }
0x215: {  	v36 =	vld [tilespmem:s12+$0xF420];
	[tilespmem:s12+$0xEC60] =	vst v3;
	v3 =	vmul.f32 $3.200000000e+01, v23  }
0x216: {  	v32 =	vld [tilespmem:s12+$0xF070];
	v37 =	vmul.f32 $3.200000000e+01, v30;
	[tilespmem:s12+$0xF030] =	vst v34  }
0x217: {  	v39 =	vld [tilespmem:s12+$0xF450];
	[tilespmem:s12+$0xF000] =	vst v3;
	v3 =	vmul.f32 $3.200000000e+01, v26  }
0x218: {  	v35 =	vld [tilespmem:s12+$0xF410];
	v40 =	vmul.f32 $3.200000000e+01, v33;
	[tilespmem:s12+$0xF060] =	vst v37  }
0x219: {  	v42 =	vld [tilespmem:s12+$0xF470];
	[tilespmem:s12+$0xF020] =	vst v3;
	v3 =	vmul.f32 $3.200000000e+01, v29  }
0x21a: {  	v38 =	vld [tilespmem:s12+$0xF430];
	v43 =	vmul.f32 $3.200000000e+01, v36;
	[tilespmem:s12+$0xF400] =	vst v40  }
0x21b: {  	v47 =	vld [tilespmem:s12+$0xF820];
	[tilespmem:s12+$0xF050] =	vst v3;
	v3 =	vmul.f32 $3.200000000e+01, v32  }
0x21c: {  	v41 =	vld [tilespmem:s12+$0xF460];
	v46 =	vmul.f32 $3.200000000e+01, v39;
	[tilespmem:s12+$0xF420] =	vst v43  }
0x21d: {  	v50 =	vld [tilespmem:s12+$0xF850];
	[tilespmem:s12+$0xF070] =	vst v3;
	v3 =	vmul.f32 $3.200000000e+01, v35  }
0x21e: {  	v49 =	vmul.f32 $3.200000000e+01, v42;
	v44 =	vld [tilespmem:s12+$0xF800];
	[tilespmem:s12+$0xF450] =	vst v46  }
0x21f: {  	v53 =	vld [tilespmem:s12+$0xF870];
	[tilespmem:s12+$0xF410] =	vst v3;
	v3 =	vmul.f32 $3.200000000e+01, v38  }
0x220: {  	[tilespmem:s12+$0xF470] =	vst v49;
	v7 =	vmul.f32 $3.200000000e+01, v47;
	v45 =	vld [tilespmem:s12+$0xF810]  }
0x221: {  	v48 =	vld [tilespmem:s12+$0xF830];
	[tilespmem:s12+$0xF430] =	vst v3;
	v3 =	vmul.f32 $3.200000000e+01, v41  }
0x222: {  	v9 =	vmul.f32 $3.200000000e+01, v50;
	[tilespmem:s12+$0xF820] =	vst v7;
	v51 =	vld [tilespmem:s12+$0xF860]  }
0x223: {  	[tilespmem:s12+$0xF460] =	vst v3;
	v3 =	vmul.f32 $3.200000000e+01, v44  }
0x224: {  	v58 =	vld [tilespmem:s12+$0xF440];
	v6 =	vmul.f32 $3.200000000e+01, v53;
	[tilespmem:s12+$0xF850] =	vst v9  }
0x225: {  	v52 =	vmul.f32 $3.200000000e+01, v45;
	[tilespmem:s12+$0xF800] =	vst v3;
	v3 =	vld [tilespmem:s12+$0xE040]  }
0x226: {  	s22 =	sand.u32 $0x7, s16;
	v56 =	vld [tilespmem:s12+$0xEC40];
	[tilespmem:s12+$0xF870] =	vst v6;
	v8 =	vmul.f32 $3.200000000e+01, v48  }
0x227: {  	s3 =	sshll.u32 s22, $0x7;
	v55 =	vld [tilespmem:s12+$0xE840];
	[tilespmem:s12+$0xF810] =	vst v52;
	v5 =	vmul.f32 $3.200000000e+01, v51  }
0x228: {  	s3 =	sadd.s32 s3, s5;
	v54 =	vld [tilespmem:s12+$0xE440];
	[tilespmem:s12+$0xF830] =	vst v8  }
0x229: {  	s20 =	sor.u32 $0x1C00, s3;
	v62 =	vmul.f32 $3.200000000e+01, v58;
	v57 =	vld [tilespmem:s12+$0xF040];
	[tilespmem:s12+$0xF860] =	vst v5  }
0x22a: {  	v60 =	vld [tilespmem:s20+$0xE000];
	v3 =	vmul.f32 $3.200000000e+01, v3  }
0x22b: {  	v59 =	vld [tilespmem:s12+$0xF840];
	v61 =	vmul.f32 $3.200000000e+01, v56;
	[tilespmem:s12+$0xF440] =	vst v62  }
0x22c: {  	[tilespmem:s12+$0xE040] =	vst v3;
	v3 =	vmul.f32 $3.200000000e+01, v55  }
0x22d: {  	[tilespmem:s12+$0xEC40] =	vst v61;
	v4 =	vmul.f32 $3.200000000e+01, v54  }
0x22e: {  	[tilespmem:s12+$0xE840] =	vst v3;
	v3 =	vmul.f32 $3.200000000e+01, v57  }
0x22f: {  	[tilespmem:s12+$0xE440] =	vst v4;
	v63 =	vmul.f32 $3.200000000e+01, v60  }
0x230: {  	[tilespmem:s12+$0xF040] =	vst v3;
	v3 =	vmul.f32 $3.200000000e+01, v59  }
0x231: {  	[tilespmem:s20+$0xE000] =	vst v63  }
0x232: {  	s20 =	sor.u32 $0x1C10, s3;
	[tilespmem:s12+$0xF840] =	vst v3  }
0x233: {  	v3 =	vld [tilespmem:s20+$0xE000];
	_ =	sdelay $0x4  }
0x234: {  	v3 =	vmul.f32 $3.200000000e+01, v3;
	_ =	sdelay $0x1  }
0x235: {  	s22 =	sor.u32 $0x1C20, s3;
	[tilespmem:s20+$0xE000] =	vst v3  }
0x236: {  	v3 =	vld [tilespmem:s22+$0xE000];
	_ =	sdelay $0x4  }
0x237: {  	v3 =	vmul.f32 $3.200000000e+01, v3;
	_ =	sdelay $0x1  }
0x238: {  	s20 =	sor.u32 $0x1C30, s3;
	[tilespmem:s22+$0xE000] =	vst v3  }
0x239: {  	v3 =	vld [tilespmem:s20+$0xE000];
	_ =	sdelay $0x4  }
0x23a: {  	v3 =	vmul.f32 $3.200000000e+01, v3;
	_ =	sdelay $0x1  }
0x23b: {  	s22 =	sor.u32 $0x1C40, s3;
	[tilespmem:s20+$0xE000] =	vst v3  }
0x23c: {  	v3 =	vld [tilespmem:s22+$0xE000];
	_ =	sdelay $0x4  }
0x23d: {  	v3 =	vmul.f32 $3.200000000e+01, v3;
	_ =	sdelay $0x1  }
0x23e: {  	s20 =	sor.u32 $0x1C50, s3;
	[tilespmem:s22+$0xE000] =	vst v3  }
0x23f: {  	v3 =	vld [tilespmem:s20+$0xE000];
	_ =	sdelay $0x4  }
0x240: {  	v3 =	vmul.f32 $3.200000000e+01, v3;
	_ =	sdelay $0x1  }
0x241: {  	s22 =	sor.u32 $0x1C60, s3;
	[tilespmem:s20+$0xE000] =	vst v3  }
0x242: {  	v3 =	vld [tilespmem:s22+$0xE000];
	_ =	sdelay $0x4  }
0x243: {  	v3 =	vmul.f32 $3.200000000e+01, v3;
	_ =	sdelay $0x1  }
0x244: {  	s3 =	sor.u32 $0x1C70, s3;
	[tilespmem:s22+$0xE000] =	vst v3  }
0x245: {  	v3 =	vld [tilespmem:s3+$0xE000];
	_ =	sdelay $0x1  }
0x246: {  	p1 =	sne.s32 s11, $0x780  }
.Ltmp7:
0x247: {  	_ = 	snop;
	(pc) =	sbr.rel @p1 .LBB2_13-.Ltmp7, $4  }
0x248: {  	_ = 	snop  }
0x249: {  	v3 =	vmul.f32 $3.200000000e+01, v3  }
0x24a: {  	s16 =	sadd.s32 $0x1, s16  }
0x24b: {  	s17 =	sadd.s32 $0x400, s17;
	s11 =	sadd.s32 $0x80, s11;
	s5 =	sadd.s32 $0x400, s5;
	[tilespmem:s3+$0xE000] =	vst v3  }
.Ltmp8:
0x24c: {  	(pc) =	sbr.rel @p0 .LBB2_18-.Ltmp8, $4  }
0x24d: {  	_ = 	snop  }
0x24e: {  	s3 =	sshll.u32 s15, $0xB  }
0x24f: {  	s3 =	sadd.s32 s3, s9  }
0x250: {  	[hbm4b:s3+s4] =	stream.linear.scatter [tilespmem:s19], [sflag:$0x9], $0x4000, $0x38;
	[tilespmem:$0x16000] =	vst v63  }
0x251: {  	_ =	swait.ge [sflag:s31], $0x4000;
	s3 =	smul.u32 $0xA00, s0  }
0x252: {  	[sflag:s31] =	ssyncset.done $0x0  }
0x253: {  	[sflag:s31] =	ssyncadd.s32 $0xFFFFC000;
	s3 =	sshra.s32 s3, $0x2  }
0x254: {  	v3 =	vld [tilespmem:s3+$0x300];
	_ =	sdelay $0x4  }
0x255: {  	v4 =	vshll.u32 v3, $0x3  }
0x256: {  	v3 =	vand.u32 $0x7, v3;
	v4 =	vand.u32 $0xFFFFFFC0, v4  }
0x257: {  	v3 =	vor.u32 v3, v4  }
0x258: {  	v4 =	vperm.xlane v3, v0;
	_ =	sdelay $0x1  }
0x259: {  	v4 =	vadd.s32 v1, v4;
	_ =	sdelay $0x3  }
0x25a: {  	s15 =	simm.s32 $0x0  }
0x25b: {  	[tilespmem:s21], [sflag:$0x2] =	stream.indirect_vreg.gather [hbm4b:s2+s15], $0x80, v4, vm0, $0xb8;
	[tilespmem:$0x16000] =	vst v63  }
0x25c: {  	s5 =	simm.s32 $0x6800;
	v3 =	vperm.xlane v3, v2  }
0x25d: {  	[tilespmem:s5], [sflag:$0x2] =	stream.indirect_vreg.gather [hbm4b:s6+s15], $0x80, v4, vm0, $0xb8;
	[tilespmem:$0x16000] =	vst v63  }
0x25e: {  	s11 =	simm.s32 $0x7000;
	v3 =	vadd.s32 v1, v3  }
0x25f: {  	[tilespmem:s11], [sflag:$0x2] =	stream.indirect_vreg.gather [hbm4b:s7+s15], $0x80, v4, vm0, $0xb8;
	[tilespmem:$0x16000] =	vst v63  }
0x260: {  	s12 =	simm.s32 $0x7800  }
0x261: {  	[tilespmem:s12], [sflag:$0x2] =	stream.indirect_vreg.gather [hbm4b:s8+s15], $0x80, v4, vm0, $0xb8;
	[tilespmem:$0x16000] =	vst v63  }
0x262: {  	s16 =	simm.s32 $0x8000  }
0x263: {  	[tilespmem:s16], [sflag:$0x2] =	stream.indirect_vreg.gather [hbm4b:s2+s15], $0x80, v3, vm0, $0xb8;
	[tilespmem:$0x16000] =	vst v63  }
0x264: {  	s17 =	simm.s32 $0x8800  }
0x265: {  	[tilespmem:s17], [sflag:$0x2] =	stream.indirect_vreg.gather [hbm4b:s6+s15], $0x80, v3, vm0, $0xb8;
	[tilespmem:$0x16000] =	vst v63  }
0x266: {  	s20 =	simm.s32 $0x9000  }
0x267: {  	[tilespmem:s20], [sflag:$0x2] =	stream.indirect_vreg.gather [hbm4b:s7+s15], $0x80, v3, vm0, $0xb8;
	[tilespmem:$0x16000] =	vst v63  }
0x268: {  	s22 =	simm.s32 $0x9800  }
0x269: {  	[tilespmem:s22], [sflag:$0x2] =	stream.indirect_vreg.gather [hbm4b:s8+s15], $0x80, v3, vm0, $0xb8;
	[tilespmem:$0x16000] =	vst v63  }
0x26a: {  	_ =	swait.ge [sflag:s1], $0x4000  }
0x26b: {  	s5 =	simm.s32 $0x0;
	[sflag:s1] =	ssyncset.done $0x0  }
0x26c: {  	s16 =	simm.s32 $0xFFFFC000;
	s17 =	simm.s32 $0x0;
	[sflag:s1] =	ssyncadd.s32 $0xFFFFC000  }
.LBB2_16:
0x26d: {  	s3 =	sadd.s32 $0x4000, s16  }
0x26e: {  	s11 =	sand.u32 $0x380, s5;
	s3 =	sand.u32 $0x2000, s3  }
0x26f: {  	s3 =	sor.u32 s11, s3  }
0x270: {  	v3 =	vld [tilespmem:s3+$0x12000];
	_ =	sdelay $0x4  }
0x271: {  	v3 =	vmul.f32 $3.200000000e+01, v3;
	_ =	sdelay $0x1  }
0x272: {  	s11 =	sadd.s32 $0x12000, s3;
	[tilespmem:s3+$0x12000] =	vst v3  }
0x273: {  	v3 =	vld [tilespmem:s11+$0x10]  }
0x274: {  	v6 =	vld [tilespmem:s11+$0x50]  }
0x275: {  	v5 =	vld [tilespmem:s11+$0x30]  }
0x276: {  	v8 =	vld [tilespmem:s11+$0x70]  }
0x277: {  	v7 =	vld [tilespmem:s11+$0x60]  }
0x278: {  	v45 =	vld [tilespmem:s11+$0x410];
	v3 =	vmul.f32 $3.200000000e+01, v3  }
0x279: {  	v9 =	vld [tilespmem:s11+$0x400];
	v46 =	vmul.f32 $3.200000000e+01, v6  }
0x27a: {  	v48 =	vld [tilespmem:s11+$0x430];
	[tilespmem:s11+$0x10] =	vst v3;
	v3 =	vmul.f32 $3.200000000e+01, v5  }
0x27b: {  	v47 =	vld [tilespmem:s11+$0x420];
	v49 =	vmul.f32 $3.200000000e+01, v8;
	[tilespmem:s11+$0x50] =	vst v46  }
0x27c: {  	v51 =	vld [tilespmem:s11+$0x460];
	[tilespmem:s11+$0x30] =	vst v3;
	v3 =	vmul.f32 $3.200000000e+01, v7  }
0x27d: {  	v50 =	vld [tilespmem:s11+$0x450];
	v52 =	vmul.f32 $3.200000000e+01, v45;
	[tilespmem:s11+$0x70] =	vst v49  }
0x27e: {  	v54 =	vld [tilespmem:s11+$0x800];
	[tilespmem:s11+$0x60] =	vst v3;
	v3 =	vmul.f32 $3.200000000e+01, v9  }
0x27f: {  	v53 =	vld [tilespmem:s11+$0x470];
	v55 =	vmul.f32 $3.200000000e+01, v48;
	[tilespmem:s11+$0x410] =	vst v52  }
0x280: {  	v57 =	vld [tilespmem:s11+$0x820];
	[tilespmem:s11+$0x400] =	vst v3;
	v3 =	vmul.f32 $3.200000000e+01, v47  }
0x281: {  	v56 =	vld [tilespmem:s11+$0x810];
	v58 =	vmul.f32 $3.200000000e+01, v51;
	[tilespmem:s11+$0x430] =	vst v55  }
0x282: {  	v60 =	vld [tilespmem:s11+$0x850];
	[tilespmem:s11+$0x420] =	vst v3;
	v3 =	vmul.f32 $3.200000000e+01, v50  }
0x283: {  	v59 =	vld [tilespmem:s11+$0x830];
	v61 =	vmul.f32 $3.200000000e+01, v54;
	[tilespmem:s11+$0x460] =	vst v58  }
0x284: {  	v63 =	vld [tilespmem:s11+$0x870];
	[tilespmem:s11+$0x450] =	vst v3;
	v3 =	vmul.f32 $3.200000000e+01, v53  }
0x285: {  	v62 =	vld [tilespmem:s11+$0x860];
	v12 =	vmul.f32 $3.200000000e+01, v57;
	[tilespmem:s11+$0x800] =	vst v61  }
0x286: {  	v14 =	vld [tilespmem:s11+$0xC10];
	[tilespmem:s11+$0x470] =	vst v3;
	v3 =	vmul.f32 $3.200000000e+01, v56  }
0x287: {  	v13 =	vld [tilespmem:s11+$0xC00];
	v15 =	vmul.f32 $3.200000000e+01, v60;
	[tilespmem:s11+$0x820] =	vst v12  }
0x288: {  	v17 =	vld [tilespmem:s11+$0xC30];
	[tilespmem:s11+$0x810] =	vst v3;
	v3 =	vmul.f32 $3.200000000e+01, v59  }
0x289: {  	v16 =	vld [tilespmem:s11+$0xC20];
	v18 =	vmul.f32 $3.200000000e+01, v63;
	[tilespmem:s11+$0x850] =	vst v15  }
0x28a: {  	v20 =	vld [tilespmem:s11+$0xC60];
	[tilespmem:s11+$0x830] =	vst v3;
	v3 =	vmul.f32 $3.200000000e+01, v62  }
0x28b: {  	v19 =	vld [tilespmem:s11+$0xC50];
	v21 =	vmul.f32 $3.200000000e+01, v14;
	[tilespmem:s11+$0x870] =	vst v18  }
0x28c: {  	v23 =	vld [tilespmem:s11+$0x1000];
	[tilespmem:s11+$0x860] =	vst v3;
	v3 =	vmul.f32 $3.200000000e+01, v13  }
0x28d: {  	v22 =	vld [tilespmem:s11+$0xC70];
	v24 =	vmul.f32 $3.200000000e+01, v17;
	[tilespmem:s11+$0xC10] =	vst v21  }
0x28e: {  	v26 =	vld [tilespmem:s11+$0x1020];
	[tilespmem:s11+$0xC00] =	vst v3;
	v3 =	vmul.f32 $3.200000000e+01, v16  }
0x28f: {  	v25 =	vld [tilespmem:s11+$0x1010];
	v27 =	vmul.f32 $3.200000000e+01, v20;
	[tilespmem:s11+$0xC30] =	vst v24  }
0x290: {  	v29 =	vld [tilespmem:s11+$0x1050];
	[tilespmem:s11+$0xC20] =	vst v3;
	v3 =	vmul.f32 $3.200000000e+01, v19  }
0x291: {  	v28 =	vld [tilespmem:s11+$0x1030];
	v30 =	vmul.f32 $3.200000000e+01, v23;
	[tilespmem:s11+$0xC60] =	vst v27  }
0x292: {  	v32 =	vld [tilespmem:s11+$0x1070];
	[tilespmem:s11+$0xC50] =	vst v3;
	v3 =	vmul.f32 $3.200000000e+01, v22  }
0x293: {  	v31 =	vld [tilespmem:s11+$0x1060];
	v33 =	vmul.f32 $3.200000000e+01, v26;
	[tilespmem:s11+$0x1000] =	vst v30  }
0x294: {  	v35 =	vld [tilespmem:s11+$0x1410];
	[tilespmem:s11+$0xC70] =	vst v3;
	v3 =	vmul.f32 $3.200000000e+01, v25  }
0x295: {  	v34 =	vld [tilespmem:s11+$0x1400];
	v36 =	vmul.f32 $3.200000000e+01, v29;
	[tilespmem:s11+$0x1020] =	vst v33  }
0x296: {  	v38 =	vld [tilespmem:s11+$0x1430];
	[tilespmem:s11+$0x1010] =	vst v3;
	v3 =	vmul.f32 $3.200000000e+01, v28  }
0x297: {  	v37 =	vld [tilespmem:s11+$0x1420];
	v39 =	vmul.f32 $3.200000000e+01, v32;
	[tilespmem:s11+$0x1050] =	vst v36  }
0x298: {  	v41 =	vld [tilespmem:s11+$0x1460];
	[tilespmem:s11+$0x1030] =	vst v3;
	v3 =	vmul.f32 $3.200000000e+01, v31  }
0x299: {  	v40 =	vld [tilespmem:s11+$0x1450];
	v42 =	vmul.f32 $3.200000000e+01, v35;
	[tilespmem:s11+$0x1070] =	vst v39  }
0x29a: {  	v44 =	vld [tilespmem:s11+$0x1800];
	[tilespmem:s11+$0x1060] =	vst v3;
	v3 =	vmul.f32 $3.200000000e+01, v34  }
0x29b: {  	v43 =	vld [tilespmem:s11+$0x1470];
	v45 =	vmul.f32 $3.200000000e+01, v38;
	[tilespmem:s11+$0x1410] =	vst v42  }
0x29c: {  	v4 =	vld [tilespmem:s11+$0x20];
	[tilespmem:s11+$0x1400] =	vst v3;
	v3 =	vmul.f32 $3.200000000e+01, v37  }
0x29d: {  	v48 =	vmul.f32 $3.200000000e+01, v41;
	v46 =	vld [tilespmem:s11+$0x1810];
	[tilespmem:s11+$0x1430] =	vst v45  }
0x29e: {  	v49 =	vld [tilespmem:s11+$0x1830];
	[tilespmem:s11+$0x1420] =	vst v3;
	v3 =	vmul.f32 $3.200000000e+01, v40  }
0x29f: {  	v51 =	vmul.f32 $3.200000000e+01, v44;
	[tilespmem:s11+$0x1460] =	vst v48;
	v52 =	vld [tilespmem:s11+$0x1860]  }
0x2a0: {  	v47 =	vld [tilespmem:s11+$0x1820];
	[tilespmem:s11+$0x1450] =	vst v3;
	v3 =	vmul.f32 $3.200000000e+01, v43  }
0x2a1: {  	[tilespmem:s11+$0x1800] =	vst v51;
	v4 =	vmul.f32 $3.200000000e+01, v4;
	v50 =	vld [tilespmem:s11+$0x1850]  }
0x2a2: {  	v53 =	vld [tilespmem:s11+$0x1870];
	[tilespmem:s11+$0x1470] =	vst v3;
	v3 =	vmul.f32 $3.200000000e+01, v46  }
0x2a3: {  	v55 =	vld [tilespmem:s11+$0x840];
	[tilespmem:s11+$0x20] =	vst v4;
	v7 =	vmul.f32 $3.200000000e+01, v49  }
0x2a4: {  	v9 =	vmul.f32 $3.200000000e+01, v52;
	[tilespmem:s11+$0x1810] =	vst v3;
	v3 =	vld [tilespmem:s11+$0x440]  }
0x2a5: {  	v54 =	vld [tilespmem:s11+$0x40];
	[tilespmem:s11+$0x1830] =	vst v7;
	v6 =	vmul.f32 $3.200000000e+01, v47  }
0x2a6: {  	s22 =	sand.u32 $0x7, s15;
	[tilespmem:s11+$0x1860] =	vst v9;
	v56 =	vld [tilespmem:s11+$0xC40];
	v8 =	vmul.f32 $3.200000000e+01, v50  }
0x2a7: {  	v57 =	vld [tilespmem:s11+$0x1040];
	s3 =	sshll.u32 s22, $0x7;
	[tilespmem:s11+$0x1820] =	vst v6;
	v5 =	vmul.f32 $3.200000000e+01, v53  }
0x2a8: {  	s3 =	sadd.s32 s3, s17;
	v58 =	vld [tilespmem:s11+$0x1440];
	v60 =	vmul.f32 $3.200000000e+01, v55;
	[tilespmem:s11+$0x1850] =	vst v8  }
0x2a9: {  	s12 =	sor.u32 $0x1C00, s3;
	v59 =	vld [tilespmem:s11+$0x1840];
	[tilespmem:s11+$0x1870] =	vst v5;
	v3 =	vmul.f32 $3.200000000e+01, v3  }
0x2aa: {  	v4 =	vmul.f32 $3.200000000e+01, v54;
	[tilespmem:s11+$0x840] =	vst v60;
	v61 =	vld [tilespmem:s12+$0x12000]  }
0x2ab: {  	[tilespmem:s11+$0x440] =	vst v3;
	v3 =	vmul.f32 $3.200000000e+01, v56  }
0x2ac: {  	[tilespmem:s11+$0x40] =	vst v4;
	v62 =	vmul.f32 $3.200000000e+01, v57  }
0x2ad: {  	[tilespmem:s11+$0xC40] =	vst v3;
	v3 =	vmul.f32 $3.200000000e+01, v58  }
0x2ae: {  	[tilespmem:s11+$0x1040] =	vst v62;
	v63 =	vmul.f32 $3.200000000e+01, v59  }
0x2af: {  	[tilespmem:s11+$0x1440] =	vst v3;
	v3 =	vmul.f32 $3.200000000e+01, v61  }
0x2b0: {  	[tilespmem:s11+$0x1840] =	vst v63  }
0x2b1: {  	[tilespmem:s12+$0x12000] =	vst v3;
	s12 =	sor.u32 $0x1C10, s3  }
0x2b2: {  	v3 =	vld [tilespmem:s12+$0x12000];
	_ =	sdelay $0x4  }
0x2b3: {  	v3 =	vmul.f32 $3.200000000e+01, v3;
	_ =	sdelay $0x1  }
0x2b4: {  	s20 =	sor.u32 $0x1C20, s3;
	[tilespmem:s12+$0x12000] =	vst v3  }
0x2b5: {  	v3 =	vld [tilespmem:s20+$0x12000];
	_ =	sdelay $0x4  }
0x2b6: {  	v3 =	vmul.f32 $3.200000000e+01, v3;
	_ =	sdelay $0x1  }
0x2b7: {  	s22 =	sor.u32 $0x1C30, s3;
	[tilespmem:s20+$0x12000] =	vst v3  }
0x2b8: {  	v3 =	vld [tilespmem:s22+$0x12000];
	_ =	sdelay $0x4  }
0x2b9: {  	v3 =	vmul.f32 $3.200000000e+01, v3;
	_ =	sdelay $0x1  }
0x2ba: {  	s12 =	sor.u32 $0x1C40, s3;
	[tilespmem:s22+$0x12000] =	vst v3  }
0x2bb: {  	v3 =	vld [tilespmem:s12+$0x12000];
	_ =	sdelay $0x4  }
0x2bc: {  	v3 =	vmul.f32 $3.200000000e+01, v3;
	_ =	sdelay $0x1  }
0x2bd: {  	s20 =	sor.u32 $0x1C50, s3;
	[tilespmem:s12+$0x12000] =	vst v3  }
0x2be: {  	v3 =	vld [tilespmem:s20+$0x12000];
	_ =	sdelay $0x4  }
0x2bf: {  	v3 =	vmul.f32 $3.200000000e+01, v3;
	_ =	sdelay $0x1  }
0x2c0: {  	s22 =	sor.u32 $0x1C60, s3;
	[tilespmem:s20+$0x12000] =	vst v3  }
0x2c1: {  	v3 =	vld [tilespmem:s22+$0x12000];
	_ =	sdelay $0x4  }
0x2c2: {  	v3 =	vmul.f32 $3.200000000e+01, v3;
	_ =	sdelay $0x1  }
0x2c3: {  	s3 =	sor.u32 $0x1C70, s3;
	[tilespmem:s22+$0x12000] =	vst v3  }
0x2c4: {  	v3 =	vld [tilespmem:s3+$0x12000];
	_ =	sdelay $0x1  }
0x2c5: {  	p0 =	sne.s32 s5, $0x780  }
.Ltmp9:
0x2c6: {  	_ = 	snop;
	(pc) =	sbr.rel @p0 .LBB2_16-.Ltmp9, $4  }
0x2c7: {  	_ = 	snop  }
0x2c8: {  	v3 =	vmul.f32 $3.200000000e+01, v3  }
0x2c9: {  	s15 =	sadd.s32 $0x1, s15  }
0x2ca: {  	s16 =	sadd.s32 $0x400, s16;
	s5 =	sadd.s32 $0x80, s5;
	s17 =	sadd.s32 $0x400, s17;
	[tilespmem:s3+$0x12000] =	vst v3  }
.Ltmp10:
0x2cb: {  	(pc) =	sbr.rel .LBB2_2-.Ltmp10, $4  }
0x2cc: {  	_ = 	snop  }
0x2cd: {  	s3 =	sshll.u32 s14, $0xB  }
0x2ce: {  	s0 =	sadd.s32 $0x1, s0;
	s3 =	sadd.s32 s3, s9  }
0x2cf: {  	[hbm4b:s3+s4] =	stream.linear.scatter [tilespmem:s25], [sflag:$0xA], $0x4000, $0x38;
	[tilespmem:$0x16000] =	vst v63  }
.LBB2_19:
0x2d0: {  	_ =	sfence.sel $0x180000  }
0x2d1: {  	[bflag:$0x0] =	sbarrier.arrive $0xFFFF  }
0x2d2: {  	_ =	strace $0x90000047  }
0x2d3: {  	s0 =	stileid.u32;
	[bflag:$0x2] =	sbarrier.arrive $0xFFFF  }
0x2d4: {  	p0 =	sne.s32 s0, $0x0;
	s0 =	rddreg [dreg:$0x3]  }
0x2d5: {  	s0 =	sadd.s32 @!p0 $0x100000, s0  }
0x2d6: {  	[sflag:s0] =	ssyncadd.tile.s32 @!p0 $0x1;
	_ =	shalt  }
.Lfunc_end2:
_tile_overlayer_lowered:
.L_overlay_start_2:
0x2d7: {  	(tag) =	ssettag $0x2  }
0x2d8: {  	s0 =	rddreg [dreg:$0x0];
	s2 =	stileid.u32  }
0x2d9: {  	s1 =	rddreg [dreg:$0x1];
	p0 =	sne.s32 s2, $0x0  }
0x2da: {  	s3 =	rddreg [dreg:$0x2];
	[bflag:$0x3] =	sbarrier.arrive $0xFFFF;
	s2 =	simm.s32 @!p0 $0x1C0B  }
0x2db: {  	[timem:s3], [sflag:s2] =	dma.local @!p0 [hbm:s0], s1  }
0x2dc: {  	s0 =	simm.s32 @!p0 $0xB  }
0x2dd: {  	_ =	swait.ge @!p0 [sflag:s0], s1  }
0x2de: {  	s1 =	ssub.s32 @!p0 $0x0, s1;
	[sflag:s0] =	ssyncset.done @!p0 $0x0  }
0x2df: {  	[sflag:s0] =	ssyncadd.s32 @!p0 s1  }
0x2e0: {  	[bflag:$0x3] =	sbarrier.arrive $0xFFFF  }
0x2e1: {  	_ =	shalt  }

</sc_bundles>
